<compile_context>
chip_gen: v7x
topology: tpu7x:2x2x1
jax: 0.10.2.dev20260603
libtpu: 0.0.44.dev20260713+nightly
codegen_flags: <defaults>
</compile_context>

<pallas_src>
import jax
import jax.numpy as jnp
from jax import lax
from jax.experimental import pallas as pl
from jax.experimental.pallas import tpu as pltpu
from jax.experimental.pallas import tpu_sc as plsc

_B = 16
_N = 512
_D = 16
_L = 16
_NW = 32
_SCB = 1
_TILES_PER_BATCH = _NW // _SCB
_ROWS_PER_TILE = _N // _TILES_PER_BATCH
_GROUPS = _ROWS_PER_TILE // _L
_RB = 2
_CHUNKS = _N // _L

_GATHER_DNUMS = lax.GatherDimensionNumbers(
    offset_dims=(), collapsed_slice_dims=(0,), start_index_map=(0,))


def _lane_shuffle(x, idx):
    return lax.gather(x, idx[:, None], dimension_numbers=_GATHER_DNUMS,
                      slice_sizes=(1,),
                      mode=lax.GatherScatterMode.PROMISE_IN_BOUNDS)


def _sc_min_d2_kernel(xt_hbm, out_hbm, xt_v, sq_v, out_v):
    cid = lax.axis_index("c")
    sid = lax.axis_index("s")
    wid = cid * 16 + sid
    b = wid // _TILES_PER_BATCH
    part = wid % _TILES_PER_BATCH

    pltpu.sync_copy(xt_hbm.at[b], xt_v)

    @plsc.parallel_loop(0, _CHUNKS, carry=jnp.int32(0))
    def _sq(c, z):
        base = c * _L
        acc = jnp.zeros((_L,), jnp.float32)
        for d in range(_D):
            v = xt_v[d, pl.ds(base, _L)]
            acc = acc + v * v
        sq_v[pl.ds(base, _L)] = acc
        return z

    inf_vec = jnp.full((_L,), jnp.inf, jnp.float32)
    lane_iota = lax.iota(jnp.int32, _L)

    def group_body(g, _):
        i0 = part * _ROWS_PER_TILE + g * _L
        xrow = [xt_v[d, pl.ds(i0, _L)] for d in range(_D)]
        xrow2 = [v + v for v in xrow]
        sqvec = sq_v[pl.ds(i0, _L)]

        res = jnp.zeros((_L,), jnp.float32)
        for u in range(_L // _RB):
            xi2 = [[xrow2[d][u * _RB + r] for d in range(_D)]
                   for r in range(_RB)]

            @plsc.parallel_loop(0, _CHUNKS, unroll=4,
                                carry=tuple(inf_vec for _ in range(_RB)))
            def mins(c, mins_c):
                base = c * _L
                accs = [jnp.zeros((_L,), jnp.float32) for _ in range(_RB)]
                for d in range(_D):
                    v = xt_v[d, pl.ds(base, _L)]
                    for r in range(_RB):
                        accs[r] = accs[r] + xi2[r][d] * v
                sqj = sq_v[pl.ds(base, _L)]
                jvec = lane_iota + base
                new_mins = []
                for r in range(_RB):
                    d2p = sqj - accs[r]
                    d2p = jnp.where(jvec == (i0 + u * _RB + r), inf_vec, d2p)
                    new_mins.append(jnp.minimum(mins_c[r], d2p))
                return tuple(new_mins)

            for r in range(_RB):
                m = mins[r]
                for k in range(4):
                    m = jnp.minimum(m, _lane_shuffle(m, lane_iota ^ (1 << k)))
                res = jnp.where(lane_iota == (u * _RB + r), m, res)

        out_v[pl.ds(g * _L, _L)] = res + sqvec
        return 0

    lax.fori_loop(0, _GROUPS, group_body, 0)

    pltpu.sync_copy(out_v, out_hbm.at[pl.ds(wid * _ROWS_PER_TILE,
                                            _ROWS_PER_TILE)])


def _tc_min_d2_kernel(x_ref, out_ref):
    n_b = _B - _SCB

    def body(i, _):
        x = x_ref[i]
        g = jnp.dot(x, x.T, preferred_element_type=jnp.float32)
        row = lax.broadcasted_iota(jnp.int32, (_N, _N), 0)
        col = lax.broadcasted_iota(jnp.int32, (_N, _N), 1)
        eye = row == col
        diag = jnp.where(eye, g, 0.0)
        sq_i = jnp.sum(diag, axis=1, keepdims=True)
        sq_j = jnp.sum(diag, axis=0, keepdims=True)
        d2 = sq_i + sq_j - 2.0 * g
        d2 = jnp.where(eye, jnp.inf, d2)
        out_ref[pl.ds(i, 1), :] = jnp.min(d2, axis=0, keepdims=True)
        return 0

    lax.fori_loop(0, n_b, body, 0, unroll=True)


def _stats_kernel(sc_ref, tc_ref, mean_ref, std_ref, cv_ref):
    nnd_sc = jnp.sqrt(jnp.maximum(sc_ref[...], 0.0))
    nnd_tc = jnp.sqrt(jnp.maximum(tc_ref[...], 0.0))
    m = _B * _N
    mean = (jnp.sum(nnd_sc) + jnp.sum(nnd_tc)) / m
    var = (jnp.sum((nnd_sc - mean) ** 2)
           + jnp.sum((nnd_tc - mean) ** 2)) / (m - 1)
    std = jnp.sqrt(var)
    cv = jnp.where(mean > 1e-08, std / jnp.maximum(mean, 1e-08), 0.0)
    mean_ref[0, 0] = mean
    std_ref[0, 0] = std
    cv_ref[0, 0] = cv


def kernel(pred_poses):
    B, N, D = pred_poses.shape
    xt = jnp.transpose(pred_poses[:_SCB], (0, 2, 1))

    sc_min_d2 = pl.kernel(
        _sc_min_d2_kernel,
        mesh=plsc.VectorSubcoreMesh(core_axis_name="c", subcore_axis_name="s"),
        out_type=jax.ShapeDtypeStruct((_SCB * N,), jnp.float32),
        scratch_types=[
            pltpu.VMEM((_D, _N), jnp.float32),
            pltpu.VMEM((_N,), jnp.float32),
            pltpu.VMEM((_ROWS_PER_TILE,), jnp.float32),
        ],
    )(xt)

    tc_min_d2 = pl.pallas_call(
        _tc_min_d2_kernel,
        out_shape=jax.ShapeDtypeStruct((B - _SCB, N), jnp.float32),
        in_specs=[pl.BlockSpec(memory_space=pltpu.VMEM)],
        out_specs=pl.BlockSpec(memory_space=pltpu.VMEM),
    )(pred_poses[_SCB:])

    scalar = jax.ShapeDtypeStruct((1, 1), jnp.float32)
    mean, std, cv = pl.pallas_call(
        _stats_kernel,
        out_shape=(scalar, scalar, scalar),
        in_specs=[
            pl.BlockSpec(memory_space=pltpu.VMEM),
            pl.BlockSpec(memory_space=pltpu.VMEM),
        ],
        out_specs=(
            pl.BlockSpec(memory_space=pltpu.SMEM),
            pl.BlockSpec(memory_space=pltpu.SMEM),
            pl.BlockSpec(memory_space=pltpu.SMEM),
        ),
    )(sc_min_d2.reshape(_SCB * N // 128, 128), tc_min_d2)
    return (mean[0, 0], std[0, 0], cv[0, 0])

# --- scband reference (transcript-rebuilt; emitter-appended) ---
"""Pipeline reference for scband-diversity-metric-7447473291846 (READ-ONLY COPY).

The authoritative reference and input builder live on the scoring server;
editing this copy changes nothing except your own understanding.
"""

import jax, jax.numpy as jnp
import numpy as np


def setup_inputs(seed: int = 0) -> dict:
    key = jax.random.key(seed)
    pred_poses = jax.random.normal(key, (16, 512, 16), dtype=jnp.float32)
    return {"pred_poses": pred_poses}


def reference(pred_poses):
    # pred_poses: [B, N, D]
    B, N, D = pred_poses.shape
    # pred_expanded1: [B, N, 1, D], pred_expanded2: [B, 1, N, D]
    diff = pred_poses[:, :, None, :] - pred_poses[:, None, :, :]
    pairwise_dist = jnp.linalg.norm(diff, axis=-1)  # [B, N, N]
    # mask diagonal with +inf (equivalent to fill_ on diagonal)
    eye = jnp.eye(N, dtype=bool)
    pairwise_dist_masked = jnp.where(eye[None, :, :], jnp.inf, pairwise_dist)
    nearest_neighbor_dist = jnp.min(pairwise_dist_masked, axis=-1)  # [B, N]
    mean_nnd = jnp.mean(nearest_neighbor_dist)
    # torch.std default is unbiased (ddof=1)
    std_nnd = jnp.std(nearest_neighbor_dist, ddof=1)
    cv_nnd = jnp.where(mean_nnd > 1e-08, std_nnd / jnp.maximum(mean_nnd, 1e-08), 0.0)
    return (mean_nnd, std_nnd, cv_nnd)

if __name__ == "__main__":
    import jax
    _d = setup_inputs()
    print(jax.jit(kernel)(*tuple(_d.values())))

</pallas_src>

<mosaic_0001>
#map = affine_map<(d0, d1) -> (0, 0, 0)>
#map1 = affine_map<(d0, d1) -> (0)>
module attributes {stable_mosaic.version = 14 : i64} {
  func.func @_sc_min_d2_kernel(%arg0: i32, %arg1: i32, %arg2: memref<1x16x512xf32, #tpu.memory_space<hbm>>, %arg3: memref<512xf32, #tpu.memory_space<hbm>>, %arg4: memref<16x512xf32, #tpu.memory_space<vmem>>, %arg5: memref<512xf32, #tpu.memory_space<vmem>>, %arg6: memref<16xf32, #tpu.memory_space<vmem>>) attributes {dimension_semantics = [#tpu.dimension_semantics<core_parallel>, #tpu.dimension_semantics<subcore_parallel>], iteration_bounds = array<i64: 2, 16>, scalar_prefetch = 0 : i64, scratch_operands = 3 : i64, tpu.core_type = #tpu.core_type<sc_vector_subcore>, window_params = [{transform_indices = #map}, {transform_indices = #map1}]} {
    %mul3A = arith.constant 16 : i32
    %mul3A_0 = arith.muli %arg0, %mul3A : i32
    %add3A = arith.addi %mul3A_0, %arg1 : i32
    %jit3A = arith.constant 32 : i32
    %div3A = arith.divsi %add3A, %jit3A : i32
    %sign3A = arith.constant 0 : i32
    %sign3A_1 = arith.cmpi sgt, %add3A, %sign3A : i32
    %sign3A_2 = arith.extui %sign3A_1 : i1 to i32
    %sign3A_3 = arith.constant 0 : i32
    %sign3A_4 = arith.cmpi slt, %add3A, %sign3A_3 : i32
    %sign3A_5 = arith.extui %sign3A_4 : i1 to i32
    %sign3A_6 = arith.subi %sign3A_2, %sign3A_5 : i32
    %sign3A_7 = arith.constant 0 : i32
    %sign3A_8 = arith.cmpi sgt, %jit3A, %sign3A_7 : i32
    %sign3A_9 = arith.extui %sign3A_8 : i1 to i32
    %sign3A_10 = arith.constant 0 : i32
    %sign3A_11 = arith.cmpi slt, %jit3A, %sign3A_10 : i32
    %sign3A_12 = arith.extui %sign3A_11 : i1 to i32
    %sign3A_13 = arith.subi %sign3A_9, %sign3A_12 : i32
    %ne3A = arith.cmpi ne, %sign3A_6, %sign3A_13 : i32
    %rem3A = arith.remsi %add3A, %jit3A : i32
    %ne3A_14 = arith.constant 0 : i32
    %ne3A_15 = arith.cmpi ne, %rem3A, %ne3A_14 : i32
    %and3A = arith.andi %ne3A, %ne3A_15 : i1
    %sub3A = arith.constant 1 : i32
    %sub3A_16 = arith.subi %div3A, %sub3A : i32
    %select_n3A = arith.select %and3A, %sub3A_16, %div3A : i32
    %jit3A_17 = arith.constant 32 : i32
    %eq3A = arith.constant 0 : i32
    %eq3A_18 = arith.cmpi eq, %jit3A_17, %eq3A : i32
    %jit3A_19 = arith.constant 1 : i32
    %select_n3A_20 = arith.select %eq3A_18, %jit3A_19, %jit3A_17 : i32
    %rem3A_21 = arith.remsi %add3A, %select_n3A_20 : i32
    %ne3A_22 = arith.constant 0 : i32
    %ne3A_23 = arith.cmpi ne, %rem3A_21, %ne3A_22 : i32
    %lt3A = arith.constant 0 : i32
    %lt3A_24 = arith.cmpi slt, %rem3A_21, %lt3A : i32
    %lt3A_25 = arith.constant 0 : i32
    %lt3A_26 = arith.cmpi slt, %select_n3A_20, %lt3A_25 : i32
    %ne3A_27 = arith.xori %lt3A_24, %lt3A_26 : i1
    %and3A_28 = arith.andi %ne3A_27, %ne3A_23 : i1
    %add3A_29 = arith.addi %rem3A_21, %select_n3A_20 : i32
    %select_n3A_30 = arith.select %and3A_28, %add3A_29, %rem3A_21 : i32
    "tpu.region"() ({
      %run_scoped3A = tpu.sem_alloc : memref<!tpu.dma_semaphore, #tpu.memory_space<semaphore_mem>>
      %dma_start3A = arith.constant 0 : i32
      %dma_start3A_1203 = arith.constant 0 : i32
      %dma_start3A_1204 = tpu.memref_slice %arg2[%select_n3A, %dma_start3A, %dma_start3A_1203] : memref<1x16x512xf32, #tpu.memory_space<hbm>> -> memref<1x16x512xf32, #tpu.memory_space<hbm>>
      %dma_start3A_1205 = tpu.memref_squeeze %dma_start3A_1204 : memref<1x16x512xf32, #tpu.memory_space<hbm>> -> memref<16x512xf32, #tpu.memory_space<hbm>>
      %dma_start3A_1206 = arith.constant 0 : i32
      %dma_start3A_1207 = arith.constant 0 : i32
      %dma_start3A_1208 = tpu.memref_slice %arg2[%select_n3A, %dma_start3A_1206, %dma_start3A_1207] : memref<1x16x512xf32, #tpu.memory_space<hbm>> -> memref<1x16x512xf32, #tpu.memory_space<hbm>>
      %dma_start3A_1209 = tpu.memref_squeeze %dma_start3A_1208 : memref<1x16x512xf32, #tpu.memory_space<hbm>> -> memref<16x512xf32, #tpu.memory_space<hbm>>
      tpu.enqueue_dma source(%dma_start3A_1209 : memref<16x512xf32, #tpu.memory_space<hbm>>) target(%arg4 : memref<16x512xf32, #tpu.memory_space<vmem>>) target_semaphore(%run_scoped3A : memref<!tpu.dma_semaphore, #tpu.memory_space<semaphore_mem>>)
      %dma_wait3A = arith.constant 0 : i32
      %dma_wait3A_1210 = arith.constant 0 : i32
      %dma_wait3A_1211 = tpu.memref_slice %arg2[%select_n3A, %dma_wait3A, %dma_wait3A_1210] : memref<1x16x512xf32, #tpu.memory_space<hbm>> -> memref<1x16x512xf32, #tpu.memory_space<hbm>>
      %dma_wait3A_1212 = tpu.memref_squeeze %dma_wait3A_1211 : memref<1x16x512xf32, #tpu.memory_space<hbm>> -> memref<16x512xf32, #tpu.memory_space<hbm>>
      %dma_wait3A_1213 = arith.constant 0 : i32
      %dma_wait3A_1214 = arith.constant 0 : i32
      %dma_wait3A_1215 = tpu.memref_slice %arg2[%select_n3A, %dma_wait3A_1213, %dma_wait3A_1214] : memref<1x16x512xf32, #tpu.memory_space<hbm>> -> memref<1x16x512xf32, #tpu.memory_space<hbm>>
      %dma_wait3A_1216 = tpu.memref_squeeze %dma_wait3A_1215 : memref<1x16x512xf32, #tpu.memory_space<hbm>> -> memref<16x512xf32, #tpu.memory_space<hbm>>
      tpu.wait_dma2 semaphore(%run_scoped3A : memref<!tpu.dma_semaphore, #tpu.memory_space<semaphore_mem>>) src(%dma_wait3A_1216 : memref<16x512xf32, #tpu.memory_space<hbm>>) dst(%arg4 : memref<16x512xf32, #tpu.memory_space<vmem>>)
      tpu.yield
    }) : () -> ()
    %parallel_loop3A = arith.constant 0 : i32
    %parallel_loop3A_31 = arith.constant 32 : i32
    %parallel_loop3A_32 = arith.constant 1 : i32
    %parallel_loop3A_33 = arith.constant 0 : i32
    %parallel_loop3A_34 = scf.for %parallel_loop3A_1203 = %parallel_loop3A to %parallel_loop3A_31 step %parallel_loop3A_32 iter_args(%parallel_loop3A_1204 = %parallel_loop3A_33) -> (i32)  : i32 {
      %parallel_loop3A_1205 = arith.constant 16 : i32
      %parallel_loop3A_1206 = arith.muli %parallel_loop3A_1203, %parallel_loop3A_1205 : i32
      %parallel_loop3A_1207 = arith.constant 0.000000e+00 : f32
      %parallel_loop3A_1208 = vector.broadcast %parallel_loop3A_1207 : f32 to vector<16xf32>
      %parallel_loop3A_1209 = arith.constant 0 : i32
      %parallel_loop3A_1210 = arith.index_cast %parallel_loop3A_1209 : i32 to index
      %parallel_loop3A_1211 = arith.index_cast %parallel_loop3A_1206 : i32 to index
      %parallel_loop3A_1212 = tpu.vector_load %arg4[%parallel_loop3A_1210, %parallel_loop3A_1211] {strides = array<i32>} : memref<16x512xf32, #tpu.memory_space<vmem>>, vector<1x16xf32>,
      %parallel_loop3A_1213 = vector.shape_cast %parallel_loop3A_1212 : vector<1x16xf32> to vector<16xf32>
      %parallel_loop3A_1214 = arith.mulf %parallel_loop3A_1213, %parallel_loop3A_1213 : vector<16xf32>
      %parallel_loop3A_1215 = arith.addf %parallel_loop3A_1208, %parallel_loop3A_1214 : vector<16xf32>
      %parallel_loop3A_1216 = arith.constant 1 : i32
      %parallel_loop3A_1217 = arith.index_cast %parallel_loop3A_1216 : i32 to index
      %parallel_loop3A_1218 = arith.index_cast %parallel_loop3A_1206 : i32 to index
      %parallel_loop3A_1219 = tpu.vector_load %arg4[%parallel_loop3A_1217, %parallel_loop3A_1218] {strides = array<i32>} : memref<16x512xf32, #tpu.memory_space<vmem>>, vector<1x16xf32>,
      %parallel_loop3A_1220 = vector.shape_cast %parallel_loop3A_1219 : vector<1x16xf32> to vector<16xf32>
      %parallel_loop3A_1221 = arith.mulf %parallel_loop3A_1220, %parallel_loop3A_1220 : vector<16xf32>
      %parallel_loop3A_1222 = arith.addf %parallel_loop3A_1215, %parallel_loop3A_1221 : vector<16xf32>
      %parallel_loop3A_1223 = arith.constant 2 : i32
      %parallel_loop3A_1224 = arith.index_cast %parallel_loop3A_1223 : i32 to index
      %parallel_loop3A_1225 = arith.index_cast %parallel_loop3A_1206 : i32 to index
      %parallel_loop3A_1226 = tpu.vector_load %arg4[%parallel_loop3A_1224, %parallel_loop3A_1225] {strides = array<i32>} : memref<16x512xf32, #tpu.memory_space<vmem>>, vector<1x16xf32>,
      %parallel_loop3A_1227 = vector.shape_cast %parallel_loop3A_1226 : vector<1x16xf32> to vector<16xf32>
      %parallel_loop3A_1228 = arith.mulf %parallel_loop3A_1227, %parallel_loop3A_1227 : vector<16xf32>
      %parallel_loop3A_1229 = arith.addf %parallel_loop3A_1222, %parallel_loop3A_1228 : vector<16xf32>
      %parallel_loop3A_1230 = arith.constant 3 : i32
      %parallel_loop3A_1231 = arith.index_cast %parallel_loop3A_1230 : i32 to index
      %parallel_loop3A_1232 = arith.index_cast %parallel_loop3A_1206 : i32 to index
      %parallel_loop3A_1233 = tpu.vector_load %arg4[%parallel_loop3A_1231, %parallel_loop3A_1232] {strides = array<i32>} : memref<16x512xf32, #tpu.memory_space<vmem>>, vector<1x16xf32>,
      %parallel_loop3A_1234 = vector.shape_cast %parallel_loop3A_1233 : vector<1x16xf32> to vector<16xf32>
      %parallel_loop3A_1235 = arith.mulf %parallel_loop3A_1234, %parallel_loop3A_1234 : vector<16xf32>
      %parallel_loop3A_1236 = arith.addf %parallel_loop3A_1229, %parallel_loop3A_1235 : vector<16xf32>
      %parallel_loop3A_1237 = arith.constant 4 : i32
      %parallel_loop3A_1238 = arith.index_cast %parallel_loop3A_1237 : i32 to index
      %parallel_loop3A_1239 = arith.index_cast %parallel_loop3A_1206 : i32 to index
      %parallel_loop3A_1240 = tpu.vector_load %arg4[%parallel_loop3A_1238, %parallel_loop3A_1239] {strides = array<i32>} : memref<16x512xf32, #tpu.memory_space<vmem>>, vector<1x16xf32>,
      %parallel_loop3A_1241 = vector.shape_cast %parallel_loop3A_1240 : vector<1x16xf32> to vector<16xf32>
      %parallel_loop3A_1242 = arith.mulf %parallel_loop3A_1241, %parallel_loop3A_1241 : vector<16xf32>
      %parallel_loop3A_1243 = arith.addf %parallel_loop3A_1236, %parallel_loop3A_1242 : vector<16xf32>
      %parallel_loop3A_1244 = arith.constant 5 : i32
      %parallel_loop3A_1245 = arith.index_cast %parallel_loop3A_1244 : i32 to index
      %parallel_loop3A_1246 = arith.index_cast %parallel_loop3A_1206 : i32 to index
      %parallel_loop3A_1247 = tpu.vector_load %arg4[%parallel_loop3A_1245, %parallel_loop3A_1246] {strides = array<i32>} : memref<16x512xf32, #tpu.memory_space<vmem>>, vector<1x16xf32>,
      %parallel_loop3A_1248 = vector.shape_cast %parallel_loop3A_1247 : vector<1x16xf32> to vector<16xf32>
      %parallel_loop3A_1249 = arith.mulf %parallel_loop3A_1248, %parallel_loop3A_1248 : vector<16xf32>
      %parallel_loop3A_1250 = arith.addf %parallel_loop3A_1243, %parallel_loop3A_1249 : vector<16xf32>
      %parallel_loop3A_1251 = arith.constant 6 : i32
      %parallel_loop3A_1252 = arith.index_cast %parallel_loop3A_1251 : i32 to index
      %parallel_loop3A_1253 = arith.index_cast %parallel_loop3A_1206 : i32 to index
      %parallel_loop3A_1254 = tpu.vector_load %arg4[%parallel_loop3A_1252, %parallel_loop3A_1253] {strides = array<i32>} : memref<16x512xf32, #tpu.memory_space<vmem>>, vector<1x16xf32>,
      %parallel_loop3A_1255 = vector.shape_cast %parallel_loop3A_1254 : vector<1x16xf32> to vector<16xf32>
      %parallel_loop3A_1256 = arith.mulf %parallel_loop3A_1255, %parallel_loop3A_1255 : vector<16xf32>
      %parallel_loop3A_1257 = arith.addf %parallel_loop3A_1250, %parallel_loop3A_1256 : vector<16xf32>
      %parallel_loop3A_1258 = arith.constant 7 : i32
      %parallel_loop3A_1259 = arith.index_cast %parallel_loop3A_1258 : i32 to index
      %parallel_loop3A_1260 = arith.index_cast %parallel_loop3A_1206 : i32 to index
      %parallel_loop3A_1261 = tpu.vector_load %arg4[%parallel_loop3A_1259, %parallel_loop3A_1260] {strides = array<i32>} : memref<16x512xf32, #tpu.memory_space<vmem>>, vector<1x16xf32>,
      %parallel_loop3A_1262 = vector.shape_cast %parallel_loop3A_1261 : vector<1x16xf32> to vector<16xf32>
      %parallel_loop3A_1263 = arith.mulf %parallel_loop3A_1262, %parallel_loop3A_1262 : vector<16xf32>
      %parallel_loop3A_1264 = arith.addf %parallel_loop3A_1257, %parallel_loop3A_1263 : vector<16xf32>
      %parallel_loop3A_1265 = arith.constant 8 : i32
      %parallel_loop3A_1266 = arith.index_cast %parallel_loop3A_1265 : i32 to index
      %parallel_loop3A_1267 = arith.index_cast %parallel_loop3A_1206 : i32 to index
      %parallel_loop3A_1268 = tpu.vector_load %arg4[%parallel_loop3A_1266, %parallel_loop3A_1267] {strides = array<i32>} : memref<16x512xf32, #tpu.memory_space<vmem>>, vector<1x16xf32>,
      %parallel_loop3A_1269 = vector.shape_cast %parallel_loop3A_1268 : vector<1x16xf32> to vector<16xf32>
      %parallel_loop3A_1270 = arith.mulf %parallel_loop3A_1269, %parallel_loop3A_1269 : vector<16xf32>
      %parallel_loop3A_1271 = arith.addf %parallel_loop3A_1264, %parallel_loop3A_1270 : vector<16xf32>
      %parallel_loop3A_1272 = arith.constant 9 : i32
      %parallel_loop3A_1273 = arith.index_cast %parallel_loop3A_1272 : i32 to index
      %parallel_loop3A_1274 = arith.index_cast %parallel_loop3A_1206 : i32 to index
      %parallel_loop3A_1275 = tpu.vector_load %arg4[%parallel_loop3A_1273, %parallel_loop3A_1274] {strides = array<i32>} : memref<16x512xf32, #tpu.memory_space<vmem>>, vector<1x16xf32>,
      %parallel_loop3A_1276 = vector.shape_cast %parallel_loop3A_1275 : vector<1x16xf32> to vector<16xf32>
      %parallel_loop3A_1277 = arith.mulf %parallel_loop3A_1276, %parallel_loop3A_1276 : vector<16xf32>
      %parallel_loop3A_1278 = arith.addf %parallel_loop3A_1271, %parallel_loop3A_1277 : vector<16xf32>
      %parallel_loop3A_1279 = arith.constant 10 : i32
      %parallel_loop3A_1280 = arith.index_cast %parallel_loop3A_1279 : i32 to index
      %parallel_loop3A_1281 = arith.index_cast %parallel_loop3A_1206 : i32 to index
      %parallel_loop3A_1282 = tpu.vector_load %arg4[%parallel_loop3A_1280, %parallel_loop3A_1281] {strides = array<i32>} : memref<16x512xf32, #tpu.memory_space<vmem>>, vector<1x16xf32>,
      %parallel_loop3A_1283 = vector.shape_cast %parallel_loop3A_1282 : vector<1x16xf32> to vector<16xf32>
      %parallel_loop3A_1284 = arith.mulf %parallel_loop3A_1283, %parallel_loop3A_1283 : vector<16xf32>
      %parallel_loop3A_1285 = arith.addf %parallel_loop3A_1278, %parallel_loop3A_1284 : vector<16xf32>
      %parallel_loop3A_1286 = arith.constant 11 : i32
      %parallel_loop3A_1287 = arith.index_cast %parallel_loop3A_1286 : i32 to index
      %parallel_loop3A_1288 = arith.index_cast %parallel_loop3A_1206 : i32 to index
      %parallel_loop3A_1289 = tpu.vector_load %arg4[%parallel_loop3A_1287, %parallel_loop3A_1288] {strides = array<i32>} : memref<16x512xf32, #tpu.memory_space<vmem>>, vector<1x16xf32>,
      %parallel_loop3A_1290 = vector.shape_cast %parallel_loop3A_1289 : vector<1x16xf32> to vector<16xf32>
      %parallel_loop3A_1291 = arith.mulf %parallel_loop3A_1290, %parallel_loop3A_1290 : vector<16xf32>
      %parallel_loop3A_1292 = arith.addf %parallel_loop3A_1285, %parallel_loop3A_1291 : vector<16xf32>
      %parallel_loop3A_1293 = arith.constant 12 : i32
      %parallel_loop3A_1294 = arith.index_cast %parallel_loop3A_1293 : i32 to index
      %parallel_loop3A_1295 = arith.index_cast %parallel_loop3A_1206 : i32 to index
      %parallel_loop3A_1296 = tpu.vector_load %arg4[%parallel_loop3A_1294, %parallel_loop3A_1295] {strides = array<i32>} : memref<16x512xf32, #tpu.memory_space<vmem>>, vector<1x16xf32>,
      %parallel_loop3A_1297 = vector.shape_cast %parallel_loop3A_1296 : vector<1x16xf32> to vector<16xf32>
      %parallel_loop3A_1298 = arith.mulf %parallel_loop3A_1297, %parallel_loop3A_1297 : vector<16xf32>
      %parallel_loop3A_1299 = arith.addf %parallel_loop3A_1292, %parallel_loop3A_1298 : vector<16xf32>
      %parallel_loop3A_1300 = arith.constant 13 : i32
      %parallel_loop3A_1301 = arith.index_cast %parallel_loop3A_1300 : i32 to index
      %parallel_loop3A_1302 = arith.index_cast %parallel_loop3A_1206 : i32 to index
      %parallel_loop3A_1303 = tpu.vector_load %arg4[%parallel_loop3A_1301, %parallel_loop3A_1302] {strides = array<i32>} : memref<16x512xf32, #tpu.memory_space<vmem>>, vector<1x16xf32>,
      %parallel_loop3A_1304 = vector.shape_cast %parallel_loop3A_1303 : vector<1x16xf32> to vector<16xf32>
      %parallel_loop3A_1305 = arith.mulf %parallel_loop3A_1304, %parallel_loop3A_1304 : vector<16xf32>
      %parallel_loop3A_1306 = arith.addf %parallel_loop3A_1299, %parallel_loop3A_1305 : vector<16xf32>
      %parallel_loop3A_1307 = arith.constant 14 : i32
      %parallel_loop3A_1308 = arith.index_cast %parallel_loop3A_1307 : i32 to index
      %parallel_loop3A_1309 = arith.index_cast %parallel_loop3A_1206 : i32 to index
      %parallel_loop3A_1310 = tpu.vector_load %arg4[%parallel_loop3A_1308, %parallel_loop3A_1309] {strides = array<i32>} : memref<16x512xf32, #tpu.memory_space<vmem>>, vector<1x16xf32>,
      %parallel_loop3A_1311 = vector.shape_cast %parallel_loop3A_1310 : vector<1x16xf32> to vector<16xf32>
      %parallel_loop3A_1312 = arith.mulf %parallel_loop3A_1311, %parallel_loop3A_1311 : vector<16xf32>
      %parallel_loop3A_1313 = arith.addf %parallel_loop3A_1306, %parallel_loop3A_1312 : vector<16xf32>
      %parallel_loop3A_1314 = arith.constant 15 : i32
      %parallel_loop3A_1315 = arith.index_cast %parallel_loop3A_1314 : i32 to index
      %parallel_loop3A_1316 = arith.index_cast %parallel_loop3A_1206 : i32 to index
      %parallel_loop3A_1317 = tpu.vector_load %arg4[%parallel_loop3A_1315, %parallel_loop3A_1316] {strides = array<i32>} : memref<16x512xf32, #tpu.memory_space<vmem>>, vector<1x16xf32>,
      %parallel_loop3A_1318 = vector.shape_cast %parallel_loop3A_1317 : vector<1x16xf32> to vector<16xf32>
      %parallel_loop3A_1319 = arith.mulf %parallel_loop3A_1318, %parallel_loop3A_1318 : vector<16xf32>
      %parallel_loop3A_1320 = arith.addf %parallel_loop3A_1313, %parallel_loop3A_1319 : vector<16xf32>
      %parallel_loop3A_1321 = arith.index_cast %parallel_loop3A_1206 : i32 to index
      %parallel_loop3A_1322 = tpu.vector_load %arg5[%parallel_loop3A_1321] {strides = array<i32>} : memref<512xf32, #tpu.memory_space<vmem>>, vector<16xf32>,
      %parallel_loop3A_1323 = vector.shape_cast %parallel_loop3A_1322 : vector<16xf32> to vector<16xf32>
      %parallel_loop3A_1324 = vector.shape_cast %parallel_loop3A_1320 : vector<16xf32> to vector<16xf32>
      tpu.vector_store %arg5[%parallel_loop3A_1321], %parallel_loop3A_1324 {strides = array<i32>} : memref<512xf32, #tpu.memory_space<vmem>>, vector<16xf32>,
      scf.yield %parallel_loop3A_1204 : i32
    } {sc.loop_unroll_factor = 1 : i64, sc.parallel_access}
    %broadcast_in_dim3A = arith.constant 0x7F800000 : f32
    %broadcast_in_dim3A_35 = vector.broadcast %broadcast_in_dim3A : f32 to vector<16xf32>
    %iota3A = tpu.iota {dimensions = array<i32: 0>} : vector<16xi32>
    %scan3A = arith.constant 0 : i32
    %scan3A_36 = arith.constant 0 : i32
    %mul3A_37 = arith.constant 16 : i32
    %mul3A_38 = arith.muli %select_n3A_30, %mul3A_37 : i32
    %mul3A_39 = arith.constant 16 : i32
    %mul3A_40 = arith.muli %scan3A_36, %mul3A_39 : i32
    %add3A_41 = arith.addi %mul3A_38, %mul3A_40 : i32
    %get3A = arith.constant 0 : i32
    %get3A_42 = arith.index_cast %get3A : i32 to index
    %get3A_43 = arith.index_cast %add3A_41 : i32 to index
    %get3A_44 = tpu.vector_load %arg4[%get3A_42, %get3A_43] {strides = array<i32>} : memref<16x512xf32, #tpu.memory_space<vmem>>, vector<1x16xf32>,
    %get3A_45 = vector.shape_cast %get3A_44 : vector<1x16xf32> to vector<16xf32>
    %get3A_46 = arith.constant 1 : i32
    %get3A_47 = arith.index_cast %get3A_46 : i32 to index
    %get3A_48 = arith.index_cast %add3A_41 : i32 to index
    %get3A_49 = tpu.vector_load %arg4[%get3A_47, %get3A_48] {strides = array<i32>} : memref<16x512xf32, #tpu.memory_space<vmem>>, vector<1x16xf32>,
    %get3A_50 = vector.shape_cast %get3A_49 : vector<1x16xf32> to vector<16xf32>
    %get3A_51 = arith.constant 2 : i32
    %get3A_52 = arith.index_cast %get3A_51 : i32 to index
    %get3A_53 = arith.index_cast %add3A_41 : i32 to index
    %get3A_54 = tpu.vector_load %arg4[%get3A_52, %get3A_53] {strides = array<i32>} : memref<16x512xf32, #tpu.memory_space<vmem>>, vector<1x16xf32>,
    %get3A_55 = vector.shape_cast %get3A_54 : vector<1x16xf32> to vector<16xf32>
    %get3A_56 = arith.constant 3 : i32
    %get3A_57 = arith.index_cast %get3A_56 : i32 to index
    %get3A_58 = arith.index_cast %add3A_41 : i32 to index
    %get3A_59 = tpu.vector_load %arg4[%get3A_57, %get3A_58] {strides = array<i32>} : memref<16x512xf32, #tpu.memory_space<vmem>>, vector<1x16xf32>,
    %get3A_60 = vector.shape_cast %get3A_59 : vector<1x16xf32> to vector<16xf32>
    %get3A_61 = arith.constant 4 : i32
    %get3A_62 = arith.index_cast %get3A_61 : i32 to index
    %get3A_63 = arith.index_cast %add3A_41 : i32 to index
    %get3A_64 = tpu.vector_load %arg4[%get3A_62, %get3A_63] {strides = array<i32>} : memref<16x512xf32, #tpu.memory_space<vmem>>, vector<1x16xf32>,
    %get3A_65 = vector.shape_cast %get3A_64 : vector<1x16xf32> to vector<16xf32>
    %get3A_66 = arith.constant 5 : i32
    %get3A_67 = arith.index_cast %get3A_66 : i32 to index
    %get3A_68 = arith.index_cast %add3A_41 : i32 to index
    %get3A_69 = tpu.vector_load %arg4[%get3A_67, %get3A_68] {strides = array<i32>} : memref<16x512xf32, #tpu.memory_space<vmem>>, vector<1x16xf32>,
    %get3A_70 = vector.shape_cast %get3A_69 : vector<1x16xf32> to vector<16xf32>
    %get3A_71 = arith.constant 6 : i32
    %get3A_72 = arith.index_cast %get3A_71 : i32 to index
    %get3A_73 = arith.index_cast %add3A_41 : i32 to index
    %get3A_74 = tpu.vector_load %arg4[%get3A_72, %get3A_73] {strides = array<i32>} : memref<16x512xf32, #tpu.memory_space<vmem>>, vector<1x16xf32>,
    %get3A_75 = vector.shape_cast %get3A_74 : vector<1x16xf32> to vector<16xf32>
    %get3A_76 = arith.constant 7 : i32
    %get3A_77 = arith.index_cast %get3A_76 : i32 to index
    %get3A_78 = arith.index_cast %add3A_41 : i32 to index
    %get3A_79 = tpu.vector_load %arg4[%get3A_77, %get3A_78] {strides = array<i32>} : memref<16x512xf32, #tpu.memory_space<vmem>>, vector<1x16xf32>,
    %get3A_80 = vector.shape_cast %get3A_79 : vector<1x16xf32> to vector<16xf32>
    %get3A_81 = arith.constant 8 : i32
    %get3A_82 = arith.index_cast %get3A_81 : i32 to index
    %get3A_83 = arith.index_cast %add3A_41 : i32 to index
    %get3A_84 = tpu.vector_load %arg4[%get3A_82, %get3A_83] {strides = array<i32>} : memref<16x512xf32, #tpu.memory_space<vmem>>, vector<1x16xf32>,
    %get3A_85 = vector.shape_cast %get3A_84 : vector<1x16xf32> to vector<16xf32>
    %get3A_86 = arith.constant 9 : i32
    %get3A_87 = arith.index_cast %get3A_86 : i32 to index
    %get3A_88 = arith.index_cast %add3A_41 : i32 to index
    %get3A_89 = tpu.vector_load %arg4[%get3A_87, %get3A_88] {strides = array<i32>} : memref<16x512xf32, #tpu.memory_space<vmem>>, vector<1x16xf32>,
    %get3A_90 = vector.shape_cast %get3A_89 : vector<1x16xf32> to vector<16xf32>
    %get3A_91 = arith.constant 10 : i32
    %get3A_92 = arith.index_cast %get3A_91 : i32 to index
    %get3A_93 = arith.index_cast %add3A_41 : i32 to index
    %get3A_94 = tpu.vector_load %arg4[%get3A_92, %get3A_93] {strides = array<i32>} : memref<16x512xf32, #tpu.memory_space<vmem>>, vector<1x16xf32>,
    %get3A_95 = vector.shape_cast %get3A_94 : vector<1x16xf32> to vector<16xf32>
    %get3A_96 = arith.constant 11 : i32
    %get3A_97 = arith.index_cast %get3A_96 : i32 to index
    %get3A_98 = arith.index_cast %add3A_41 : i32 to index
    %get3A_99 = tpu.vector_load %arg4[%get3A_97, %get3A_98] {strides = array<i32>} : memref<16x512xf32, #tpu.memory_space<vmem>>, vector<1x16xf32>,
    %get3A_100 = vector.shape_cast %get3A_99 : vector<1x16xf32> to vector<16xf32>
    %get3A_101 = arith.constant 12 : i32
    %get3A_102 = arith.index_cast %get3A_101 : i32 to index
    %get3A_103 = arith.index_cast %add3A_41 : i32 to index
    %get3A_104 = tpu.vector_load %arg4[%get3A_102, %get3A_103] {strides = array<i32>} : memref<16x512xf32, #tpu.memory_space<vmem>>, vector<1x16xf32>,
    %get3A_105 = vector.shape_cast %get3A_104 : vector<1x16xf32> to vector<16xf32>
    %get3A_106 = arith.constant 13 : i32
    %get3A_107 = arith.index_cast %get3A_106 : i32 to index
    %get3A_108 = arith.index_cast %add3A_41 : i32 to index
    %get3A_109 = tpu.vector_load %arg4[%get3A_107, %get3A_108] {strides = array<i32>} : memref<16x512xf32, #tpu.memory_space<vmem>>, vector<1x16xf32>,
    %get3A_110 = vector.shape_cast %get3A_109 : vector<1x16xf32> to vector<16xf32>
    %get3A_111 = arith.constant 14 : i32
    %get3A_112 = arith.index_cast %get3A_111 : i32 to index
    %get3A_113 = arith.index_cast %add3A_41 : i32 to index
    %get3A_114 = tpu.vector_load %arg4[%get3A_112, %get3A_113] {strides = array<i32>} : memref<16x512xf32, #tpu.memory_space<vmem>>, vector<1x16xf32>,
    %get3A_115 = vector.shape_cast %get3A_114 : vector<1x16xf32> to vector<16xf32>
    %get3A_116 = arith.constant 15 : i32
    %get3A_117 = arith.index_cast %get3A_116 : i32 to index
    %get3A_118 = arith.index_cast %add3A_41 : i32 to index
    %get3A_119 = tpu.vector_load %arg4[%get3A_117, %get3A_118] {strides = array<i32>} : memref<16x512xf32, #tpu.memory_space<vmem>>, vector<1x16xf32>,
    %get3A_120 = vector.shape_cast %get3A_119 : vector<1x16xf32> to vector<16xf32>
    %add3A_121 = arith.addf %get3A_45, %get3A_45 : vector<16xf32>
    %add3A_122 = arith.addf %get3A_50, %get3A_50 : vector<16xf32>
    %add3A_123 = arith.addf %get3A_55, %get3A_55 : vector<16xf32>
    %add3A_124 = arith.addf %get3A_60, %get3A_60 : vector<16xf32>
    %add3A_125 = arith.addf %get3A_65, %get3A_65 : vector<16xf32>
    %add3A_126 = arith.addf %get3A_70, %get3A_70 : vector<16xf32>
    %add3A_127 = arith.addf %get3A_75, %get3A_75 : vector<16xf32>
    %add3A_128 = arith.addf %get3A_80, %get3A_80 : vector<16xf32>
    %add3A_129 = arith.addf %get3A_85, %get3A_85 : vector<16xf32>
    %add3A_130 = arith.addf %get3A_90, %get3A_90 : vector<16xf32>
    %add3A_131 = arith.addf %get3A_95, %get3A_95 : vector<16xf32>
    %add3A_132 = arith.addf %get3A_100, %get3A_100 : vector<16xf32>
    %add3A_133 = arith.addf %get3A_105, %get3A_105 : vector<16xf32>
    %add3A_134 = arith.addf %get3A_110, %get3A_110 : vector<16xf32>
    %add3A_135 = arith.addf %get3A_115, %get3A_115 : vector<16xf32>
    %add3A_136 = arith.addf %get3A_120, %get3A_120 : vector<16xf32>
    %get3A_137 = arith.index_cast %add3A_41 : i32 to index
    %get3A_138 = tpu.vector_load %arg5[%get3A_137] {strides = array<i32>} : memref<512xf32, #tpu.memory_space<vmem>>, vector<16xf32>,
    %get3A_139 = vector.shape_cast %get3A_138 : vector<16xf32> to vector<16xf32>
    %broadcast_in_dim3A_140 = arith.constant 0.000000e+00 : f32
    %broadcast_in_dim3A_141 = vector.broadcast %broadcast_in_dim3A_140 : f32 to vector<16xf32>
    %slice3A = vector.extract_strided_slice %add3A_121 {offsets = [0], sizes = [1], strides = [1]} : vector<16xf32> to vector<1xf32>
    %squeeze3A = vector.extract %slice3A[0] : f32 from vector<1xf32>
    %slice3A_142 = vector.extract_strided_slice %add3A_122 {offsets = [0], sizes = [1], strides = [1]} : vector<16xf32> to vector<1xf32>
    %squeeze3A_143 = vector.extract %slice3A_142[0] : f32 from vector<1xf32>
    %slice3A_144 = vector.extract_strided_slice %add3A_123 {offsets = [0], sizes = [1], strides = [1]} : vector<16xf32> to vector<1xf32>
    %squeeze3A_145 = vector.extract %slice3A_144[0] : f32 from vector<1xf32>
    %slice3A_146 = vector.extract_strided_slice %add3A_124 {offsets = [0], sizes = [1], strides = [1]} : vector<16xf32> to vector<1xf32>
    %squeeze3A_147 = vector.extract %slice3A_146[0] : f32 from vector<1xf32>
    %slice3A_148 = vector.extract_strided_slice %add3A_125 {offsets = [0], sizes = [1], strides = [1]} : vector<16xf32> to vector<1xf32>
    %squeeze3A_149 = vector.extract %slice3A_148[0] : f32 from vector<1xf32>
    %slice3A_150 = vector.extract_strided_slice %add3A_126 {offsets = [0], sizes = [1], strides = [1]} : vector<16xf32> to vector<1xf32>
    %squeeze3A_151 = vector.extract %slice3A_150[0] : f32 from vector<1xf32>
    %slice3A_152 = vector.extract_strided_slice %add3A_127 {offsets = [0], sizes = [1], strides = [1]} : vector<16xf32> to vector<1xf32>
    %squeeze3A_153 = vector.extract %slice3A_152[0] : f32 from vector<1xf32>
    %slice3A_154 = vector.extract_strided_slice %add3A_128 {offsets = [0], sizes = [1], strides = [1]} : vector<16xf32> to vector<1xf32>
    %squeeze3A_155 = vector.extract %slice3A_154[0] : f32 from vector<1xf32>
    %slice3A_156 = vector.extract_strided_slice %add3A_129 {offsets = [0], sizes = [1], strides = [1]} : vector<16xf32> to vector<1xf32>
    %squeeze3A_157 = vector.extract %slice3A_156[0] : f32 from vector<1xf32>
    %slice3A_158 = vector.extract_strided_slice %add3A_130 {offsets = [0], sizes = [1], strides = [1]} : vector<16xf32> to vector<1xf32>
    %squeeze3A_159 = vector.extract %slice3A_158[0] : f32 from vector<1xf32>
    %slice3A_160 = vector.extract_strided_slice %add3A_131 {offsets = [0], sizes = [1], strides = [1]} : vector<16xf32> to vector<1xf32>
    %squeeze3A_161 = vector.extract %slice3A_160[0] : f32 from vector<1xf32>
    %slice3A_162 = vector.extract_strided_slice %add3A_132 {offsets = [0], sizes = [1], strides = [1]} : vector<16xf32> to vector<1xf32>
    %squeeze3A_163 = vector.extract %slice3A_162[0] : f32 from vector<1xf32>
    %slice3A_164 = vector.extract_strided_slice %add3A_133 {offsets = [0], sizes = [1], strides = [1]} : vector<16xf32> to vector<1xf32>
    %squeeze3A_165 = vector.extract %slice3A_164[0] : f32 from vector<1xf32>
    %slice3A_166 = vector.extract_strided_slice %add3A_134 {offsets = [0], sizes = [1], strides = [1]} : vector<16xf32> to vector<1xf32>
    %squeeze3A_167 = vector.extract %slice3A_166[0] : f32 from vector<1xf32>
    %slice3A_168 = vector.extract_strided_slice %add3A_135 {offsets = [0], sizes = [1], strides = [1]} : vector<16xf32> to vector<1xf32>
    %squeeze3A_169 = vector.extract %slice3A_168[0] : f32 from vector<1xf32>
    %slice3A_170 = vector.extract_strided_slice %add3A_136 {offsets = [0], sizes = [1], strides = [1]} : vector<16xf32> to vector<1xf32>
    %squeeze3A_171 = vector.extract %slice3A_170[0] : f32 from vector<1xf32>
    %slice3A_172 = vector.extract_strided_slice %add3A_121 {offsets = [1], sizes = [1], strides = [1]} : vector<16xf32> to vector<1xf32>
    %squeeze3A_173 = vector.extract %slice3A_172[0] : f32 from vector<1xf32>
    %slice3A_174 = vector.extract_strided_slice %add3A_122 {offsets = [1], sizes = [1], strides = [1]} : vector<16xf32> to vector<1xf32>
    %squeeze3A_175 = vector.extract %slice3A_174[0] : f32 from vector<1xf32>
    %slice3A_176 = vector.extract_strided_slice %add3A_123 {offsets = [1], sizes = [1], strides = [1]} : vector<16xf32> to vector<1xf32>
    %squeeze3A_177 = vector.extract %slice3A_176[0] : f32 from vector<1xf32>
    %slice3A_178 = vector.extract_strided_slice %add3A_124 {offsets = [1], sizes = [1], strides = [1]} : vector<16xf32> to vector<1xf32>
    %squeeze3A_179 = vector.extract %slice3A_178[0] : f32 from vector<1xf32>
    %slice3A_180 = vector.extract_strided_slice %add3A_125 {offsets = [1], sizes = [1], strides = [1]} : vector<16xf32> to vector<1xf32>
    %squeeze3A_181 = vector.extract %slice3A_180[0] : f32 from vector<1xf32>
    %slice3A_182 = vector.extract_strided_slice %add3A_126 {offsets = [1], sizes = [1], strides = [1]} : vector<16xf32> to vector<1xf32>
    %squeeze3A_183 = vector.extract %slice3A_182[0] : f32 from vector<1xf32>
    %slice3A_184 = vector.extract_strided_slice %add3A_127 {offsets = [1], sizes = [1], strides = [1]} : vector<16xf32> to vector<1xf32>
    %squeeze3A_185 = vector.extract %slice3A_184[0] : f32 from vector<1xf32>
    %slice3A_186 = vector.extract_strided_slice %add3A_128 {offsets = [1], sizes = [1], strides = [1]} : vector<16xf32> to vector<1xf32>
    %squeeze3A_187 = vector.extract %slice3A_186[0] : f32 from vector<1xf32>
    %slice3A_188 = vector.extract_strided_slice %add3A_129 {offsets = [1], sizes = [1], strides = [1]} : vector<16xf32> to vector<1xf32>
    %squeeze3A_189 = vector.extract %slice3A_188[0] : f32 from vector<1xf32>
    %slice3A_190 = vector.extract_strided_slice %add3A_130 {offsets = [1], sizes = [1], strides = [1]} : vector<16xf32> to vector<1xf32>
    %squeeze3A_191 = vector.extract %slice3A_190[0] : f32 from vector<1xf32>
    %slice3A_192 = vector.extract_strided_slice %add3A_131 {offsets = [1], sizes = [1], strides = [1]} : vector<16xf32> to vector<1xf32>
    %squeeze3A_193 = vector.extract %slice3A_192[0] : f32 from vector<1xf32>
    %slice3A_194 = vector.extract_strided_slice %add3A_132 {offsets = [1], sizes = [1], strides = [1]} : vector<16xf32> to vector<1xf32>
    %squeeze3A_195 = vector.extract %slice3A_194[0] : f32 from vector<1xf32>
    %slice3A_196 = vector.extract_strided_slice %add3A_133 {offsets = [1], sizes = [1], strides = [1]} : vector<16xf32> to vector<1xf32>
    %squeeze3A_197 = vector.extract %slice3A_196[0] : f32 from vector<1xf32>
    %slice3A_198 = vector.extract_strided_slice %add3A_134 {offsets = [1], sizes = [1], strides = [1]} : vector<16xf32> to vector<1xf32>
    %squeeze3A_199 = vector.extract %slice3A_198[0] : f32 from vector<1xf32>
    %slice3A_200 = vector.extract_strided_slice %add3A_135 {offsets = [1], sizes = [1], strides = [1]} : vector<16xf32> to vector<1xf32>
    %squeeze3A_201 = vector.extract %slice3A_200[0] : f32 from vector<1xf32>
    %slice3A_202 = vector.extract_strided_slice %add3A_136 {offsets = [1], sizes = [1], strides = [1]} : vector<16xf32> to vector<1xf32>
    %squeeze3A_203 = vector.extract %slice3A_202[0] : f32 from vector<1xf32>
    %parallel_loop3A_204 = arith.constant 0 : i32
    %parallel_loop3A_205 = arith.constant 32 : i32
    %parallel_loop3A_206 = arith.constant 1 : i32
    %parallel_loop3A_207:2 = scf.for %parallel_loop3A_1203 = %parallel_loop3A_204 to %parallel_loop3A_205 step %parallel_loop3A_206 iter_args(%parallel_loop3A_1204 = %broadcast_in_dim3A_35, %parallel_loop3A_1205 = %broadcast_in_dim3A_35) -> (vector<16xf32>, vector<16xf32>)  : i32 {
      %parallel_loop3A_1206 = arith.constant 16 : i32
      %parallel_loop3A_1207 = arith.muli %parallel_loop3A_1203, %parallel_loop3A_1206 : i32
      %parallel_loop3A_1208 = arith.constant 0.000000e+00 : f32
      %parallel_loop3A_1209 = vector.broadcast %parallel_loop3A_1208 : f32 to vector<16xf32>
      %parallel_loop3A_1210 = arith.constant 0.000000e+00 : f32
      %parallel_loop3A_1211 = vector.broadcast %parallel_loop3A_1210 : f32 to vector<16xf32>
      %parallel_loop3A_1212 = arith.constant 0 : i32
      %parallel_loop3A_1213 = arith.index_cast %parallel_loop3A_1212 : i32 to index
      %parallel_loop3A_1214 = arith.index_cast %parallel_loop3A_1207 : i32 to index
      %parallel_loop3A_1215 = tpu.vector_load %arg4[%parallel_loop3A_1213, %parallel_loop3A_1214] {strides = array<i32>} : memref<16x512xf32, #tpu.memory_space<vmem>>, vector<1x16xf32>,
      %parallel_loop3A_1216 = vector.shape_cast %parallel_loop3A_1215 : vector<1x16xf32> to vector<16xf32>
      %parallel_loop3A_1217 = vector.broadcast %squeeze3A : f32 to vector<16xf32>
      %parallel_loop3A_1218 = arith.mulf %parallel_loop3A_1217, %parallel_loop3A_1216 : vector<16xf32>
      %parallel_loop3A_1219 = arith.addf %parallel_loop3A_1209, %parallel_loop3A_1218 : vector<16xf32>
      %parallel_loop3A_1220 = vector.broadcast %squeeze3A_173 : f32 to vector<16xf32>
      %parallel_loop3A_1221 = arith.mulf %parallel_loop3A_1220, %parallel_loop3A_1216 : vector<16xf32>
      %parallel_loop3A_1222 = arith.addf %parallel_loop3A_1211, %parallel_loop3A_1221 : vector<16xf32>
      %parallel_loop3A_1223 = arith.constant 1 : i32
      %parallel_loop3A_1224 = arith.index_cast %parallel_loop3A_1223 : i32 to index
      %parallel_loop3A_1225 = arith.index_cast %parallel_loop3A_1207 : i32 to index
      %parallel_loop3A_1226 = tpu.vector_load %arg4[%parallel_loop3A_1224, %parallel_loop3A_1225] {strides = array<i32>} : memref<16x512xf32, #tpu.memory_space<vmem>>, vector<1x16xf32>,
      %parallel_loop3A_1227 = vector.shape_cast %parallel_loop3A_1226 : vector<1x16xf32> to vector<16xf32>
      %parallel_loop3A_1228 = vector.broadcast %squeeze3A_143 : f32 to vector<16xf32>
      %parallel_loop3A_1229 = arith.mulf %parallel_loop3A_1228, %parallel_loop3A_1227 : vector<16xf32>
      %parallel_loop3A_1230 = arith.addf %parallel_loop3A_1219, %parallel_loop3A_1229 : vector<16xf32>
      %parallel_loop3A_1231 = vector.broadcast %squeeze3A_175 : f32 to vector<16xf32>
      %parallel_loop3A_1232 = arith.mulf %parallel_loop3A_1231, %parallel_loop3A_1227 : vector<16xf32>
      %parallel_loop3A_1233 = arith.addf %parallel_loop3A_1222, %parallel_loop3A_1232 : vector<16xf32>
      %parallel_loop3A_1234 = arith.constant 2 : i32
      %parallel_loop3A_1235 = arith.index_cast %parallel_loop3A_1234 : i32 to index
      %parallel_loop3A_1236 = arith.index_cast %parallel_loop3A_1207 : i32 to index
      %parallel_loop3A_1237 = tpu.vector_load %arg4[%parallel_loop3A_1235, %parallel_loop3A_1236] {strides = array<i32>} : memref<16x512xf32, #tpu.memory_space<vmem>>, vector<1x16xf32>,
      %parallel_loop3A_1238 = vector.shape_cast %parallel_loop3A_1237 : vector<1x16xf32> to vector<16xf32>
      %parallel_loop3A_1239 = vector.broadcast %squeeze3A_145 : f32 to vector<16xf32>
      %parallel_loop3A_1240 = arith.mulf %parallel_loop3A_1239, %parallel_loop3A_1238 : vector<16xf32>
      %parallel_loop3A_1241 = arith.addf %parallel_loop3A_1230, %parallel_loop3A_1240 : vector<16xf32>
      %parallel_loop3A_1242 = vector.broadcast %squeeze3A_177 : f32 to vector<16xf32>
      %parallel_loop3A_1243 = arith.mulf %parallel_loop3A_1242, %parallel_loop3A_1238 : vector<16xf32>
      %parallel_loop3A_1244 = arith.addf %parallel_loop3A_1233, %parallel_loop3A_1243 : vector<16xf32>
      %parallel_loop3A_1245 = arith.constant 3 : i32
      %parallel_loop3A_1246 = arith.index_cast %parallel_loop3A_1245 : i32 to index
      %parallel_loop3A_1247 = arith.index_cast %parallel_loop3A_1207 : i32 to index
      %parallel_loop3A_1248 = tpu.vector_load %arg4[%parallel_loop3A_1246, %parallel_loop3A_1247] {strides = array<i32>} : memref<16x512xf32, #tpu.memory_space<vmem>>, vector<1x16xf32>,
      %parallel_loop3A_1249 = vector.shape_cast %parallel_loop3A_1248 : vector<1x16xf32> to vector<16xf32>
      %parallel_loop3A_1250 = vector.broadcast %squeeze3A_147 : f32 to vector<16xf32>
      %parallel_loop3A_1251 = arith.mulf %parallel_loop3A_1250, %parallel_loop3A_1249 : vector<16xf32>
      %parallel_loop3A_1252 = arith.addf %parallel_loop3A_1241, %parallel_loop3A_1251 : vector<16xf32>
      %parallel_loop3A_1253 = vector.broadcast %squeeze3A_179 : f32 to vector<16xf32>
      %parallel_loop3A_1254 = arith.mulf %parallel_loop3A_1253, %parallel_loop3A_1249 : vector<16xf32>
      %parallel_loop3A_1255 = arith.addf %parallel_loop3A_1244, %parallel_loop3A_1254 : vector<16xf32>
      %parallel_loop3A_1256 = arith.constant 4 : i32
      %parallel_loop3A_1257 = arith.index_cast %parallel_loop3A_1256 : i32 to index
      %parallel_loop3A_1258 = arith.index_cast %parallel_loop3A_1207 : i32 to index
      %parallel_loop3A_1259 = tpu.vector_load %arg4[%parallel_loop3A_1257, %parallel_loop3A_1258] {strides = array<i32>} : memref<16x512xf32, #tpu.memory_space<vmem>>, vector<1x16xf32>,
      %parallel_loop3A_1260 = vector.shape_cast %parallel_loop3A_1259 : vector<1x16xf32> to vector<16xf32>
      %parallel_loop3A_1261 = vector.broadcast %squeeze3A_149 : f32 to vector<16xf32>
      %parallel_loop3A_1262 = arith.mulf %parallel_loop3A_1261, %parallel_loop3A_1260 : vector<16xf32>
      %parallel_loop3A_1263 = arith.addf %parallel_loop3A_1252, %parallel_loop3A_1262 : vector<16xf32>
      %parallel_loop3A_1264 = vector.broadcast %squeeze3A_181 : f32 to vector<16xf32>
      %parallel_loop3A_1265 = arith.mulf %parallel_loop3A_1264, %parallel_loop3A_1260 : vector<16xf32>
      %parallel_loop3A_1266 = arith.addf %parallel_loop3A_1255, %parallel_loop3A_1265 : vector<16xf32>
      %parallel_loop3A_1267 = arith.constant 5 : i32
      %parallel_loop3A_1268 = arith.index_cast %parallel_loop3A_1267 : i32 to index
      %parallel_loop3A_1269 = arith.index_cast %parallel_loop3A_1207 : i32 to index
      %parallel_loop3A_1270 = tpu.vector_load %arg4[%parallel_loop3A_1268, %parallel_loop3A_1269] {strides = array<i32>} : memref<16x512xf32, #tpu.memory_space<vmem>>, vector<1x16xf32>,
      %parallel_loop3A_1271 = vector.shape_cast %parallel_loop3A_1270 : vector<1x16xf32> to vector<16xf32>
      %parallel_loop3A_1272 = vector.broadcast %squeeze3A_151 : f32 to vector<16xf32>
      %parallel_loop3A_1273 = arith.mulf %parallel_loop3A_1272, %parallel_loop3A_1271 : vector<16xf32>
      %parallel_loop3A_1274 = arith.addf %parallel_loop3A_1263, %parallel_loop3A_1273 : vector<16xf32>
      %parallel_loop3A_1275 = vector.broadcast %squeeze3A_183 : f32 to vector<16xf32>
      %parallel_loop3A_1276 = arith.mulf %parallel_loop3A_1275, %parallel_loop3A_1271 : vector<16xf32>
      %parallel_loop3A_1277 = arith.addf %parallel_loop3A_1266, %parallel_loop3A_1276 : vector<16xf32>
      %parallel_loop3A_1278 = arith.constant 6 : i32
      %parallel_loop3A_1279 = arith.index_cast %parallel_loop3A_1278 : i32 to index
      %parallel_loop3A_1280 = arith.index_cast %parallel_loop3A_1207 : i32 to index
      %parallel_loop3A_1281 = tpu.vector_load %arg4[%parallel_loop3A_1279, %parallel_loop3A_1280] {strides = array<i32>} : memref<16x512xf32, #tpu.memory_space<vmem>>, vector<1x16xf32>,
      %parallel_loop3A_1282 = vector.shape_cast %parallel_loop3A_1281 : vector<1x16xf32> to vector<16xf32>
      %parallel_loop3A_1283 = vector.broadcast %squeeze3A_153 : f32 to vector<16xf32>
      %parallel_loop3A_1284 = arith.mulf %parallel_loop3A_1283, %parallel_loop3A_1282 : vector<16xf32>
      %parallel_loop3A_1285 = arith.addf %parallel_loop3A_1274, %parallel_loop3A_1284 : vector<16xf32>
      %parallel_loop3A_1286 = vector.broadcast %squeeze3A_185 : f32 to vector<16xf32>
      %parallel_loop3A_1287 = arith.mulf %parallel_loop3A_1286, %parallel_loop3A_1282 : vector<16xf32>
      %parallel_loop3A_1288 = arith.addf %parallel_loop3A_1277, %parallel_loop3A_1287 : vector<16xf32>
      %parallel_loop3A_1289 = arith.constant 7 : i32
      %parallel_loop3A_1290 = arith.index_cast %parallel_loop3A_1289 : i32 to index
      %parallel_loop3A_1291 = arith.index_cast %parallel_loop3A_1207 : i32 to index
      %parallel_loop3A_1292 = tpu.vector_load %arg4[%parallel_loop3A_1290, %parallel_loop3A_1291] {strides = array<i32>} : memref<16x512xf32, #tpu.memory_space<vmem>>, vector<1x16xf32>,
      %parallel_loop3A_1293 = vector.shape_cast %parallel_loop3A_1292 : vector<1x16xf32> to vector<16xf32>
      %parallel_loop3A_1294 = vector.broadcast %squeeze3A_155 : f32 to vector<16xf32>
      %parallel_loop3A_1295 = arith.mulf %parallel_loop3A_1294, %parallel_loop3A_1293 : vector<16xf32>
      %parallel_loop3A_1296 = arith.addf %parallel_loop3A_1285, %parallel_loop3A_1295 : vector<16xf32>
      %parallel_loop3A_1297 = vector.broadcast %squeeze3A_187 : f32 to vector<16xf32>
      %parallel_loop3A_1298 = arith.mulf %parallel_loop3A_1297, %parallel_loop3A_1293 : vector<16xf32>
      %parallel_loop3A_1299 = arith.addf %parallel_loop3A_1288, %parallel_loop3A_1298 : vector<16xf32>
      %parallel_loop3A_1300 = arith.constant 8 : i32
      %parallel_loop3A_1301 = arith.index_cast %parallel_loop3A_1300 : i32 to index
      %parallel_loop3A_1302 = arith.index_cast %parallel_loop3A_1207 : i32 to index
      %parallel_loop3A_1303 = tpu.vector_load %arg4[%parallel_loop3A_1301, %parallel_loop3A_1302] {strides = array<i32>} : memref<16x512xf32, #tpu.memory_space<vmem>>, vector<1x16xf32>,
      %parallel_loop3A_1304 = vector.shape_cast %parallel_loop3A_1303 : vector<1x16xf32> to vector<16xf32>
      %parallel_loop3A_1305 = vector.broadcast %squeeze3A_157 : f32 to vector<16xf32>
      %parallel_loop3A_1306 = arith.mulf %parallel_loop3A_1305, %parallel_loop3A_1304 : vector<16xf32>
      %parallel_loop3A_1307 = arith.addf %parallel_loop3A_1296, %parallel_loop3A_1306 : vector<16xf32>
      %parallel_loop3A_1308 = vector.broadcast %squeeze3A_189 : f32 to vector<16xf32>
      %parallel_loop3A_1309 = arith.mulf %parallel_loop3A_1308, %parallel_loop3A_1304 : vector<16xf32>
      %parallel_loop3A_1310 = arith.addf %parallel_loop3A_1299, %parallel_loop3A_1309 : vector<16xf32>
      %parallel_loop3A_1311 = arith.constant 9 : i32
      %parallel_loop3A_1312 = arith.index_cast %parallel_loop3A_1311 : i32 to index
      %parallel_loop3A_1313 = arith.index_cast %parallel_loop3A_1207 : i32 to index
      %parallel_loop3A_1314 = tpu.vector_load %arg4[%parallel_loop3A_1312, %parallel_loop3A_1313] {strides = array<i32>} : memref<16x512xf32, #tpu.memory_space<vmem>>, vector<1x16xf32>,
      %parallel_loop3A_1315 = vector.shape_cast %parallel_loop3A_1314 : vector<1x16xf32> to vector<16xf32>
      %parallel_loop3A_1316 = vector.broadcast %squeeze3A_159 : f32 to vector<16xf32>
      %parallel_loop3A_1317 = arith.mulf %parallel_loop3A_1316, %parallel_loop3A_1315 : vector<16xf32>
      %parallel_loop3A_1318 = arith.addf %parallel_loop3A_1307, %parallel_loop3A_1317 : vector<16xf32>
      %parallel_loop3A_1319 = vector.broadcast %squeeze3A_191 : f32 to vector<16xf32>
      %parallel_loop3A_1320 = arith.mulf %parallel_loop3A_1319, %parallel_loop3A_1315 : vector<16xf32>
      %parallel_loop3A_1321 = arith.addf %parallel_loop3A_1310, %parallel_loop3A_1320 : vector<16xf32>
      %parallel_loop3A_1322 = arith.constant 10 : i32
      %parallel_loop3A_1323 = arith.index_cast %parallel_loop3A_1322 : i32 to index
      %parallel_loop3A_1324 = arith.index_cast %parallel_loop3A_1207 : i32 to index
      %parallel_loop3A_1325 = tpu.vector_load %arg4[%parallel_loop3A_1323, %parallel_loop3A_1324] {strides = array<i32>} : memref<16x512xf32, #tpu.memory_space<vmem>>, vector<1x16xf32>,
      %parallel_loop3A_1326 = vector.shape_cast %parallel_loop3A_1325 : vector<1x16xf32> to vector<16xf32>
      %parallel_loop3A_1327 = vector.broadcast %squeeze3A_161 : f32 to vector<16xf32>
      %parallel_loop3A_1328 = arith.mulf %parallel_loop3A_1327, %parallel_loop3A_1326 : vector<16xf32>
      %parallel_loop3A_1329 = arith.addf %parallel_loop3A_1318, %parallel_loop3A_1328 : vector<16xf32>
      %parallel_loop3A_1330 = vector.broadcast %squeeze3A_193 : f32 to vector<16xf32>
      %parallel_loop3A_1331 = arith.mulf %parallel_loop3A_1330, %parallel_loop3A_1326 : vector<16xf32>
      %parallel_loop3A_1332 = arith.addf %parallel_loop3A_1321, %parallel_loop3A_1331 : vector<16xf32>
      %parallel_loop3A_1333 = arith.constant 11 : i32
      %parallel_loop3A_1334 = arith.index_cast %parallel_loop3A_1333 : i32 to index
      %parallel_loop3A_1335 = arith.index_cast %parallel_loop3A_1207 : i32 to index
      %parallel_loop3A_1336 = tpu.vector_load %arg4[%parallel_loop3A_1334, %parallel_loop3A_1335] {strides = array<i32>} : memref<16x512xf32, #tpu.memory_space<vmem>>, vector<1x16xf32>,
      %parallel_loop3A_1337 = vector.shape_cast %parallel_loop3A_1336 : vector<1x16xf32> to vector<16xf32>
      %parallel_loop3A_1338 = vector.broadcast %squeeze3A_163 : f32 to vector<16xf32>
      %parallel_loop3A_1339 = arith.mulf %parallel_loop3A_1338, %parallel_loop3A_1337 : vector<16xf32>
      %parallel_loop3A_1340 = arith.addf %parallel_loop3A_1329, %parallel_loop3A_1339 : vector<16xf32>
      %parallel_loop3A_1341 = vector.broadcast %squeeze3A_195 : f32 to vector<16xf32>
      %parallel_loop3A_1342 = arith.mulf %parallel_loop3A_1341, %parallel_loop3A_1337 : vector<16xf32>
      %parallel_loop3A_1343 = arith.addf %parallel_loop3A_1332, %parallel_loop3A_1342 : vector<16xf32>
      %parallel_loop3A_1344 = arith.constant 12 : i32
      %parallel_loop3A_1345 = arith.index_cast %parallel_loop3A_1344 : i32 to index
      %parallel_loop3A_1346 = arith.index_cast %parallel_loop3A_1207 : i32 to index
      %parallel_loop3A_1347 = tpu.vector_load %arg4[%parallel_loop3A_1345, %parallel_loop3A_1346] {strides = array<i32>} : memref<16x512xf32, #tpu.memory_space<vmem>>, vector<1x16xf32>,
      %parallel_loop3A_1348 = vector.shape_cast %parallel_loop3A_1347 : vector<1x16xf32> to vector<16xf32>
      %parallel_loop3A_1349 = vector.broadcast %squeeze3A_165 : f32 to vector<16xf32>
      %parallel_loop3A_1350 = arith.mulf %parallel_loop3A_1349, %parallel_loop3A_1348 : vector<16xf32>
      %parallel_loop3A_1351 = arith.addf %parallel_loop3A_1340, %parallel_loop3A_1350 : vector<16xf32>
      %parallel_loop3A_1352 = vector.broadcast %squeeze3A_197 : f32 to vector<16xf32>
      %parallel_loop3A_1353 = arith.mulf %parallel_loop3A_1352, %parallel_loop3A_1348 : vector<16xf32>
      %parallel_loop3A_1354 = arith.addf %parallel_loop3A_1343, %parallel_loop3A_1353 : vector<16xf32>
      %parallel_loop3A_1355 = arith.constant 13 : i32
      %parallel_loop3A_1356 = arith.index_cast %parallel_loop3A_1355 : i32 to index
      %parallel_loop3A_1357 = arith.index_cast %parallel_loop3A_1207 : i32 to index
      %parallel_loop3A_1358 = tpu.vector_load %arg4[%parallel_loop3A_1356, %parallel_loop3A_1357] {strides = array<i32>} : memref<16x512xf32, #tpu.memory_space<vmem>>, vector<1x16xf32>,
      %parallel_loop3A_1359 = vector.shape_cast %parallel_loop3A_1358 : vector<1x16xf32> to vector<16xf32>
      %parallel_loop3A_1360 = vector.broadcast %squeeze3A_167 : f32 to vector<16xf32>
      %parallel_loop3A_1361 = arith.mulf %parallel_loop3A_1360, %parallel_loop3A_1359 : vector<16xf32>
      %parallel_loop3A_1362 = arith.addf %parallel_loop3A_1351, %parallel_loop3A_1361 : vector<16xf32>
      %parallel_loop3A_1363 = vector.broadcast %squeeze3A_199 : f32 to vector<16xf32>
      %parallel_loop3A_1364 = arith.mulf %parallel_loop3A_1363, %parallel_loop3A_1359 : vector<16xf32>
      %parallel_loop3A_1365 = arith.addf %parallel_loop3A_1354, %parallel_loop3A_1364 : vector<16xf32>
      %parallel_loop3A_1366 = arith.constant 14 : i32
      %parallel_loop3A_1367 = arith.index_cast %parallel_loop3A_1366 : i32 to index
      %parallel_loop3A_1368 = arith.index_cast %parallel_loop3A_1207 : i32 to index
      %parallel_loop3A_1369 = tpu.vector_load %arg4[%parallel_loop3A_1367, %parallel_loop3A_1368] {strides = array<i32>} : memref<16x512xf32, #tpu.memory_space<vmem>>, vector<1x16xf32>,
      %parallel_loop3A_1370 = vector.shape_cast %parallel_loop3A_1369 : vector<1x16xf32> to vector<16xf32>
      %parallel_loop3A_1371 = vector.broadcast %squeeze3A_169 : f32 to vector<16xf32>
      %parallel_loop3A_1372 = arith.mulf %parallel_loop3A_1371, %parallel_loop3A_1370 : vector<16xf32>
      %parallel_loop3A_1373 = arith.addf %parallel_loop3A_1362, %parallel_loop3A_1372 : vector<16xf32>
      %parallel_loop3A_1374 = vector.broadcast %squeeze3A_201 : f32 to vector<16xf32>
      %parallel_loop3A_1375 = arith.mulf %parallel_loop3A_1374, %parallel_loop3A_1370 : vector<16xf32>
      %parallel_loop3A_1376 = arith.addf %parallel_loop3A_1365, %parallel_loop3A_1375 : vector<16xf32>
      %parallel_loop3A_1377 = arith.constant 15 : i32
      %parallel_loop3A_1378 = arith.index_cast %parallel_loop3A_1377 : i32 to index
      %parallel_loop3A_1379 = arith.index_cast %parallel_loop3A_1207 : i32 to index
      %parallel_loop3A_1380 = tpu.vector_load %arg4[%parallel_loop3A_1378, %parallel_loop3A_1379] {strides = array<i32>} : memref<16x512xf32, #tpu.memory_space<vmem>>, vector<1x16xf32>,
      %parallel_loop3A_1381 = vector.shape_cast %parallel_loop3A_1380 : vector<1x16xf32> to vector<16xf32>
      %parallel_loop3A_1382 = vector.broadcast %squeeze3A_171 : f32 to vector<16xf32>
      %parallel_loop3A_1383 = arith.mulf %parallel_loop3A_1382, %parallel_loop3A_1381 : vector<16xf32>
      %parallel_loop3A_1384 = arith.addf %parallel_loop3A_1373, %parallel_loop3A_1383 : vector<16xf32>
      %parallel_loop3A_1385 = vector.broadcast %squeeze3A_203 : f32 to vector<16xf32>
      %parallel_loop3A_1386 = arith.mulf %parallel_loop3A_1385, %parallel_loop3A_1381 : vector<16xf32>
      %parallel_loop3A_1387 = arith.addf %parallel_loop3A_1376, %parallel_loop3A_1386 : vector<16xf32>
      %parallel_loop3A_1388 = arith.index_cast %parallel_loop3A_1207 : i32 to index
      %parallel_loop3A_1389 = tpu.vector_load %arg5[%parallel_loop3A_1388] {strides = array<i32>} : memref<512xf32, #tpu.memory_space<vmem>>, vector<16xf32>,
      %parallel_loop3A_1390 = vector.shape_cast %parallel_loop3A_1389 : vector<16xf32> to vector<16xf32>
      %parallel_loop3A_1391 = vector.broadcast %parallel_loop3A_1207 : i32 to vector<16xi32>
      %parallel_loop3A_1392 = arith.addi %iota3A, %parallel_loop3A_1391 : vector<16xi32>
      %parallel_loop3A_1393 = arith.subf %parallel_loop3A_1390, %parallel_loop3A_1384 : vector<16xf32>
      %parallel_loop3A_1394 = arith.constant 0 : i32
      %parallel_loop3A_1395 = arith.addi %add3A_41, %parallel_loop3A_1394 : i32
      %parallel_loop3A_1396 = arith.constant 0 : i32
      %parallel_loop3A_1397 = arith.addi %parallel_loop3A_1395, %parallel_loop3A_1396 : i32
      %parallel_loop3A_1398 = vector.broadcast %parallel_loop3A_1397 : i32 to vector<16xi32>
      %parallel_loop3A_1399 = arith.cmpi eq, %parallel_loop3A_1392, %parallel_loop3A_1398 : vector<16xi32>
      %parallel_loop3A_1400 = arith.select %parallel_loop3A_1399, %broadcast_in_dim3A_35, %parallel_loop3A_1393 : vector<16xi1>, vector<16xf32>
      %parallel_loop3A_1401 = arith.minimumf %parallel_loop3A_1204, %parallel_loop3A_1400 : vector<16xf32>
      %parallel_loop3A_1402 = arith.subf %parallel_loop3A_1390, %parallel_loop3A_1387 : vector<16xf32>
      %parallel_loop3A_1403 = arith.constant 0 : i32
      %parallel_loop3A_1404 = arith.addi %add3A_41, %parallel_loop3A_1403 : i32
      %parallel_loop3A_1405 = arith.constant 1 : i32
      %parallel_loop3A_1406 = arith.addi %parallel_loop3A_1404, %parallel_loop3A_1405 : i32
      %parallel_loop3A_1407 = vector.broadcast %parallel_loop3A_1406 : i32 to vector<16xi32>
      %parallel_loop3A_1408 = arith.cmpi eq, %parallel_loop3A_1392, %parallel_loop3A_1407 : vector<16xi32>
      %parallel_loop3A_1409 = arith.select %parallel_loop3A_1408, %broadcast_in_dim3A_35, %parallel_loop3A_1402 : vector<16xi1>, vector<16xf32>
      %parallel_loop3A_1410 = arith.minimumf %parallel_loop3A_1205, %parallel_loop3A_1409 : vector<16xf32>
      scf.yield %parallel_loop3A_1401, %parallel_loop3A_1410 : vector<16xf32>, vector<16xf32>
    } {sc.loop_unroll_factor = 4 : i64, sc.parallel_access}
    %xor3A = arith.constant 1 : i32
    %xor3A_208 = vector.broadcast %xor3A : i32 to vector<16xi32>
    %xor3A_209 = arith.xori %iota3A, %xor3A_208 : vector<16xi32>
    %broadcast_in_dim3A_210 = vector.shape_cast %xor3A_209 : vector<16xi32> to vector<16x1xi32>
    %gather3A = vector.shape_cast %broadcast_in_dim3A_210 : vector<16x1xi32> to vector<16xi32>
    %gather3A_211 = tpu.dynamic_gather %parallel_loop3A_207#0[%gather3A] in [0] : vector<16xf32>, vector<16xi32> -> vector<16xf32>
    %min3A = arith.minimumf %parallel_loop3A_207#0, %gather3A_211 : vector<16xf32>
    %xor3A_212 = arith.constant 2 : i32
    %xor3A_213 = vector.broadcast %xor3A_212 : i32 to vector<16xi32>
    %xor3A_214 = arith.xori %iota3A, %xor3A_213 : vector<16xi32>
    %broadcast_in_dim3A_215 = vector.shape_cast %xor3A_214 : vector<16xi32> to vector<16x1xi32>
    %gather3A_216 = vector.shape_cast %broadcast_in_dim3A_215 : vector<16x1xi32> to vector<16xi32>
    %gather3A_217 = tpu.dynamic_gather %min3A[%gather3A_216] in [0] : vector<16xf32>, vector<16xi32> -> vector<16xf32>
    %min3A_218 = arith.minimumf %min3A, %gather3A_217 : vector<16xf32>
    %xor3A_219 = arith.constant 4 : i32
    %xor3A_220 = vector.broadcast %xor3A_219 : i32 to vector<16xi32>
    %xor3A_221 = arith.xori %iota3A, %xor3A_220 : vector<16xi32>
    %broadcast_in_dim3A_222 = vector.shape_cast %xor3A_221 : vector<16xi32> to vector<16x1xi32>
    %gather3A_223 = vector.shape_cast %broadcast_in_dim3A_222 : vector<16x1xi32> to vector<16xi32>
    %gather3A_224 = tpu.dynamic_gather %min3A_218[%gather3A_223] in [0] : vector<16xf32>, vector<16xi32> -> vector<16xf32>
    %min3A_225 = arith.minimumf %min3A_218, %gather3A_224 : vector<16xf32>
    %xor3A_226 = arith.constant 8 : i32
    %xor3A_227 = vector.broadcast %xor3A_226 : i32 to vector<16xi32>
    %xor3A_228 = arith.xori %iota3A, %xor3A_227 : vector<16xi32>
    %broadcast_in_dim3A_229 = vector.shape_cast %xor3A_228 : vector<16xi32> to vector<16x1xi32>
    %gather3A_230 = vector.shape_cast %broadcast_in_dim3A_229 : vector<16x1xi32> to vector<16xi32>
    %gather3A_231 = tpu.dynamic_gather %min3A_225[%gather3A_230] in [0] : vector<16xf32>, vector<16xi32> -> vector<16xf32>
    %min3A_232 = arith.minimumf %min3A_225, %gather3A_231 : vector<16xf32>
    %eq3A_233 = arith.constant 0 : i32
    %eq3A_234 = vector.broadcast %eq3A_233 : i32 to vector<16xi32>
    %eq3A_235 = arith.cmpi eq, %iota3A, %eq3A_234 : vector<16xi32>
    %select_n3A_236 = arith.select %eq3A_235, %min3A_232, %broadcast_in_dim3A_141 : vector<16xi1>, vector<16xf32>
    %xor3A_237 = arith.constant 1 : i32
    %xor3A_238 = vector.broadcast %xor3A_237 : i32 to vector<16xi32>
    %xor3A_239 = arith.xori %iota3A, %xor3A_238 : vector<16xi32>
    %broadcast_in_dim3A_240 = vector.shape_cast %xor3A_239 : vector<16xi32> to vector<16x1xi32>
    %gather3A_241 = vector.shape_cast %broadcast_in_dim3A_240 : vector<16x1xi32> to vector<16xi32>
    %gather3A_242 = tpu.dynamic_gather %parallel_loop3A_207#1[%gather3A_241] in [0] : vector<16xf32>, vector<16xi32> -> vector<16xf32>
    %min3A_243 = arith.minimumf %parallel_loop3A_207#1, %gather3A_242 : vector<16xf32>
    %xor3A_244 = arith.constant 2 : i32
    %xor3A_245 = vector.broadcast %xor3A_244 : i32 to vector<16xi32>
    %xor3A_246 = arith.xori %iota3A, %xor3A_245 : vector<16xi32>
    %broadcast_in_dim3A_247 = vector.shape_cast %xor3A_246 : vector<16xi32> to vector<16x1xi32>
    %gather3A_248 = vector.shape_cast %broadcast_in_dim3A_247 : vector<16x1xi32> to vector<16xi32>
    %gather3A_249 = tpu.dynamic_gather %min3A_243[%gather3A_248] in [0] : vector<16xf32>, vector<16xi32> -> vector<16xf32>
    %min3A_250 = arith.minimumf %min3A_243, %gather3A_249 : vector<16xf32>
    %xor3A_251 = arith.constant 4 : i32
    %xor3A_252 = vector.broadcast %xor3A_251 : i32 to vector<16xi32>
    %xor3A_253 = arith.xori %iota3A, %xor3A_252 : vector<16xi32>
    %broadcast_in_dim3A_254 = vector.shape_cast %xor3A_253 : vector<16xi32> to vector<16x1xi32>
    %gather3A_255 = vector.shape_cast %broadcast_in_dim3A_254 : vector<16x1xi32> to vector<16xi32>
    %gather3A_256 = tpu.dynamic_gather %min3A_250[%gather3A_255] in [0] : vector<16xf32>, vector<16xi32> -> vector<16xf32>
    %min3A_257 = arith.minimumf %min3A_250, %gather3A_256 : vector<16xf32>
    %xor3A_258 = arith.constant 8 : i32
    %xor3A_259 = vector.broadcast %xor3A_258 : i32 to vector<16xi32>
    %xor3A_260 = arith.xori %iota3A, %xor3A_259 : vector<16xi32>
    %broadcast_in_dim3A_261 = vector.shape_cast %xor3A_260 : vector<16xi32> to vector<16x1xi32>
    %gather3A_262 = vector.shape_cast %broadcast_in_dim3A_261 : vector<16x1xi32> to vector<16xi32>
    %gather3A_263 = tpu.dynamic_gather %min3A_257[%gather3A_262] in [0] : vector<16xf32>, vector<16xi32> -> vector<16xf32>
    %min3A_264 = arith.minimumf %min3A_257, %gather3A_263 : vector<16xf32>
    %eq3A_265 = arith.constant 1 : i32
    %eq3A_266 = vector.broadcast %eq3A_265 : i32 to vector<16xi32>
    %eq3A_267 = arith.cmpi eq, %iota3A, %eq3A_266 : vector<16xi32>
    %select_n3A_268 = arith.select %eq3A_267, %min3A_264, %select_n3A_236 : vector<16xi1>, vector<16xf32>
    %slice3A_269 = vector.extract_strided_slice %add3A_121 {offsets = [2], sizes = [1], strides = [1]} : vector<16xf32> to vector<1xf32>
    %squeeze3A_270 = vector.extract %slice3A_269[0] : f32 from vector<1xf32>
    %slice3A_271 = vector.extract_strided_slice %add3A_122 {offsets = [2], sizes = [1], strides = [1]} : vector<16xf32> to vector<1xf32>
    %squeeze3A_272 = vector.extract %slice3A_271[0] : f32 from vector<1xf32>
    %slice3A_273 = vector.extract_strided_slice %add3A_123 {offsets = [2], sizes = [1], strides = [1]} : vector<16xf32> to vector<1xf32>
    %squeeze3A_274 = vector.extract %slice3A_273[0] : f32 from vector<1xf32>
    %slice3A_275 = vector.extract_strided_slice %add3A_124 {offsets = [2], sizes = [1], strides = [1]} : vector<16xf32> to vector<1xf32>
    %squeeze3A_276 = vector.extract %slice3A_275[0] : f32 from vector<1xf32>
    %slice3A_277 = vector.extract_strided_slice %add3A_125 {offsets = [2], sizes = [1], strides = [1]} : vector<16xf32> to vector<1xf32>
    %squeeze3A_278 = vector.extract %slice3A_277[0] : f32 from vector<1xf32>
    %slice3A_279 = vector.extract_strided_slice %add3A_126 {offsets = [2], sizes = [1], strides = [1]} : vector<16xf32> to vector<1xf32>
    %squeeze3A_280 = vector.extract %slice3A_279[0] : f32 from vector<1xf32>
    %slice3A_281 = vector.extract_strided_slice %add3A_127 {offsets = [2], sizes = [1], strides = [1]} : vector<16xf32> to vector<1xf32>
    %squeeze3A_282 = vector.extract %slice3A_281[0] : f32 from vector<1xf32>
    %slice3A_283 = vector.extract_strided_slice %add3A_128 {offsets = [2], sizes = [1], strides = [1]} : vector<16xf32> to vector<1xf32>
    %squeeze3A_284 = vector.extract %slice3A_283[0] : f32 from vector<1xf32>
    %slice3A_285 = vector.extract_strided_slice %add3A_129 {offsets = [2], sizes = [1], strides = [1]} : vector<16xf32> to vector<1xf32>
    %squeeze3A_286 = vector.extract %slice3A_285[0] : f32 from vector<1xf32>
    %slice3A_287 = vector.extract_strided_slice %add3A_130 {offsets = [2], sizes = [1], strides = [1]} : vector<16xf32> to vector<1xf32>
    %squeeze3A_288 = vector.extract %slice3A_287[0] : f32 from vector<1xf32>
    %slice3A_289 = vector.extract_strided_slice %add3A_131 {offsets = [2], sizes = [1], strides = [1]} : vector<16xf32> to vector<1xf32>
    %squeeze3A_290 = vector.extract %slice3A_289[0] : f32 from vector<1xf32>
    %slice3A_291 = vector.extract_strided_slice %add3A_132 {offsets = [2], sizes = [1], strides = [1]} : vector<16xf32> to vector<1xf32>
    %squeeze3A_292 = vector.extract %slice3A_291[0] : f32 from vector<1xf32>
    %slice3A_293 = vector.extract_strided_slice %add3A_133 {offsets = [2], sizes = [1], strides = [1]} : vector<16xf32> to vector<1xf32>
    %squeeze3A_294 = vector.extract %slice3A_293[0] : f32 from vector<1xf32>
    %slice3A_295 = vector.extract_strided_slice %add3A_134 {offsets = [2], sizes = [1], strides = [1]} : vector<16xf32> to vector<1xf32>
    %squeeze3A_296 = vector.extract %slice3A_295[0] : f32 from vector<1xf32>
    %slice3A_297 = vector.extract_strided_slice %add3A_135 {offsets = [2], sizes = [1], strides = [1]} : vector<16xf32> to vector<1xf32>
    %squeeze3A_298 = vector.extract %slice3A_297[0] : f32 from vector<1xf32>
    %slice3A_299 = vector.extract_strided_slice %add3A_136 {offsets = [2], sizes = [1], strides = [1]} : vector<16xf32> to vector<1xf32>
    %squeeze3A_300 = vector.extract %slice3A_299[0] : f32 from vector<1xf32>
    %slice3A_301 = vector.extract_strided_slice %add3A_121 {offsets = [3], sizes = [1], strides = [1]} : vector<16xf32> to vector<1xf32>
    %squeeze3A_302 = vector.extract %slice3A_301[0] : f32 from vector<1xf32>
    %slice3A_303 = vector.extract_strided_slice %add3A_122 {offsets = [3], sizes = [1], strides = [1]} : vector<16xf32> to vector<1xf32>
    %squeeze3A_304 = vector.extract %slice3A_303[0] : f32 from vector<1xf32>
    %slice3A_305 = vector.extract_strided_slice %add3A_123 {offsets = [3], sizes = [1], strides = [1]} : vector<16xf32> to vector<1xf32>
    %squeeze3A_306 = vector.extract %slice3A_305[0] : f32 from vector<1xf32>
    %slice3A_307 = vector.extract_strided_slice %add3A_124 {offsets = [3], sizes = [1], strides = [1]} : vector<16xf32> to vector<1xf32>
    %squeeze3A_308 = vector.extract %slice3A_307[0] : f32 from vector<1xf32>
    %slice3A_309 = vector.extract_strided_slice %add3A_125 {offsets = [3], sizes = [1], strides = [1]} : vector<16xf32> to vector<1xf32>
    %squeeze3A_310 = vector.extract %slice3A_309[0] : f32 from vector<1xf32>
    %slice3A_311 = vector.extract_strided_slice %add3A_126 {offsets = [3], sizes = [1], strides = [1]} : vector<16xf32> to vector<1xf32>
    %squeeze3A_312 = vector.extract %slice3A_311[0] : f32 from vector<1xf32>
    %slice3A_313 = vector.extract_strided_slice %add3A_127 {offsets = [3], sizes = [1], strides = [1]} : vector<16xf32> to vector<1xf32>
    %squeeze3A_314 = vector.extract %slice3A_313[0] : f32 from vector<1xf32>
    %slice3A_315 = vector.extract_strided_slice %add3A_128 {offsets = [3], sizes = [1], strides = [1]} : vector<16xf32> to vector<1xf32>
    %squeeze3A_316 = vector.extract %slice3A_315[0] : f32 from vector<1xf32>
    %slice3A_317 = vector.extract_strided_slice %add3A_129 {offsets = [3], sizes = [1], strides = [1]} : vector<16xf32> to vector<1xf32>
    %squeeze3A_318 = vector.extract %slice3A_317[0] : f32 from vector<1xf32>
    %slice3A_319 = vector.extract_strided_slice %add3A_130 {offsets = [3], sizes = [1], strides = [1]} : vector<16xf32> to vector<1xf32>
    %squeeze3A_320 = vector.extract %slice3A_319[0] : f32 from vector<1xf32>
    %slice3A_321 = vector.extract_strided_slice %add3A_131 {offsets = [3], sizes = [1], strides = [1]} : vector<16xf32> to vector<1xf32>
    %squeeze3A_322 = vector.extract %slice3A_321[0] : f32 from vector<1xf32>
    %slice3A_323 = vector.extract_strided_slice %add3A_132 {offsets = [3], sizes = [1], strides = [1]} : vector<16xf32> to vector<1xf32>
    %squeeze3A_324 = vector.extract %slice3A_323[0] : f32 from vector<1xf32>
    %slice3A_325 = vector.extract_strided_slice %add3A_133 {offsets = [3], sizes = [1], strides = [1]} : vector<16xf32> to vector<1xf32>
    %squeeze3A_326 = vector.extract %slice3A_325[0] : f32 from vector<1xf32>
    %slice3A_327 = vector.extract_strided_slice %add3A_134 {offsets = [3], sizes = [1], strides = [1]} : vector<16xf32> to vector<1xf32>
    %squeeze3A_328 = vector.extract %slice3A_327[0] : f32 from vector<1xf32>
    %slice3A_329 = vector.extract_strided_slice %add3A_135 {offsets = [3], sizes = [1], strides = [1]} : vector<16xf32> to vector<1xf32>
    %squeeze3A_330 = vector.extract %slice3A_329[0] : f32 from vector<1xf32>
    %slice3A_331 = vector.extract_strided_slice %add3A_136 {offsets = [3], sizes = [1], strides = [1]} : vector<16xf32> to vector<1xf32>
    %squeeze3A_332 = vector.extract %slice3A_331[0] : f32 from vector<1xf32>
    %parallel_loop3A_333 = arith.constant 0 : i32
    %parallel_loop3A_334 = arith.constant 32 : i32
    %parallel_loop3A_335 = arith.constant 1 : i32
    %parallel_loop3A_336:2 = scf.for %parallel_loop3A_1203 = %parallel_loop3A_333 to %parallel_loop3A_334 step %parallel_loop3A_335 iter_args(%parallel_loop3A_1204 = %broadcast_in_dim3A_35, %parallel_loop3A_1205 = %broadcast_in_dim3A_35) -> (vector<16xf32>, vector<16xf32>)  : i32 {
      %parallel_loop3A_1206 = arith.constant 16 : i32
      %parallel_loop3A_1207 = arith.muli %parallel_loop3A_1203, %parallel_loop3A_1206 : i32
      %parallel_loop3A_1208 = arith.constant 0.000000e+00 : f32
      %parallel_loop3A_1209 = vector.broadcast %parallel_loop3A_1208 : f32 to vector<16xf32>
      %parallel_loop3A_1210 = arith.constant 0.000000e+00 : f32
      %parallel_loop3A_1211 = vector.broadcast %parallel_loop3A_1210 : f32 to vector<16xf32>
      %parallel_loop3A_1212 = arith.constant 0 : i32
      %parallel_loop3A_1213 = arith.index_cast %parallel_loop3A_1212 : i32 to index
      %parallel_loop3A_1214 = arith.index_cast %parallel_loop3A_1207 : i32 to index
      %parallel_loop3A_1215 = tpu.vector_load %arg4[%parallel_loop3A_1213, %parallel_loop3A_1214] {strides = array<i32>} : memref<16x512xf32, #tpu.memory_space<vmem>>, vector<1x16xf32>,
      %parallel_loop3A_1216 = vector.shape_cast %parallel_loop3A_1215 : vector<1x16xf32> to vector<16xf32>
      %parallel_loop3A_1217 = vector.broadcast %squeeze3A_270 : f32 to vector<16xf32>
      %parallel_loop3A_1218 = arith.mulf %parallel_loop3A_1217, %parallel_loop3A_1216 : vector<16xf32>
      %parallel_loop3A_1219 = arith.addf %parallel_loop3A_1209, %parallel_loop3A_1218 : vector<16xf32>
      %parallel_loop3A_1220 = vector.broadcast %squeeze3A_302 : f32 to vector<16xf32>
      %parallel_loop3A_1221 = arith.mulf %parallel_loop3A_1220, %parallel_loop3A_1216 : vector<16xf32>
      %parallel_loop3A_1222 = arith.addf %parallel_loop3A_1211, %parallel_loop3A_1221 : vector<16xf32>
      %parallel_loop3A_1223 = arith.constant 1 : i32
      %parallel_loop3A_1224 = arith.index_cast %parallel_loop3A_1223 : i32 to index
      %parallel_loop3A_1225 = arith.index_cast %parallel_loop3A_1207 : i32 to index
      %parallel_loop3A_1226 = tpu.vector_load %arg4[%parallel_loop3A_1224, %parallel_loop3A_1225] {strides = array<i32>} : memref<16x512xf32, #tpu.memory_space<vmem>>, vector<1x16xf32>,
      %parallel_loop3A_1227 = vector.shape_cast %parallel_loop3A_1226 : vector<1x16xf32> to vector<16xf32>
      %parallel_loop3A_1228 = vector.broadcast %squeeze3A_272 : f32 to vector<16xf32>
      %parallel_loop3A_1229 = arith.mulf %parallel_loop3A_1228, %parallel_loop3A_1227 : vector<16xf32>
      %parallel_loop3A_1230 = arith.addf %parallel_loop3A_1219, %parallel_loop3A_1229 : vector<16xf32>
      %parallel_loop3A_1231 = vector.broadcast %squeeze3A_304 : f32 to vector<16xf32>
      %parallel_loop3A_1232 = arith.mulf %parallel_loop3A_1231, %parallel_loop3A_1227 : vector<16xf32>
      %parallel_loop3A_1233 = arith.addf %parallel_loop3A_1222, %parallel_loop3A_1232 : vector<16xf32>
      %parallel_loop3A_1234 = arith.constant 2 : i32
      %parallel_loop3A_1235 = arith.index_cast %parallel_loop3A_1234 : i32 to index
      %parallel_loop3A_1236 = arith.index_cast %parallel_loop3A_1207 : i32 to index
      %parallel_loop3A_1237 = tpu.vector_load %arg4[%parallel_loop3A_1235, %parallel_loop3A_1236] {strides = array<i32>} : memref<16x512xf32, #tpu.memory_space<vmem>>, vector<1x16xf32>,
      %parallel_loop3A_1238 = vector.shape_cast %parallel_loop3A_1237 : vector<1x16xf32> to vector<16xf32>
      %parallel_loop3A_1239 = vector.broadcast %squeeze3A_274 : f32 to vector<16xf32>
      %parallel_loop3A_1240 = arith.mulf %parallel_loop3A_1239, %parallel_loop3A_1238 : vector<16xf32>
      %parallel_loop3A_1241 = arith.addf %parallel_loop3A_1230, %parallel_loop3A_1240 : vector<16xf32>
      %parallel_loop3A_1242 = vector.broadcast %squeeze3A_306 : f32 to vector<16xf32>
      %parallel_loop3A_1243 = arith.mulf %parallel_loop3A_1242, %parallel_loop3A_1238 : vector<16xf32>
      %parallel_loop3A_1244 = arith.addf %parallel_loop3A_1233, %parallel_loop3A_1243 : vector<16xf32>
      %parallel_loop3A_1245 = arith.constant 3 : i32
      %parallel_loop3A_1246 = arith.index_cast %parallel_loop3A_1245 : i32 to index
      %parallel_loop3A_1247 = arith.index_cast %parallel_loop3A_1207 : i32 to index
      %parallel_loop3A_1248 = tpu.vector_load %arg4[%parallel_loop3A_1246, %parallel_loop3A_1247] {strides = array<i32>} : memref<16x512xf32, #tpu.memory_space<vmem>>, vector<1x16xf32>,
      %parallel_loop3A_1249 = vector.shape_cast %parallel_loop3A_1248 : vector<1x16xf32> to vector<16xf32>
      %parallel_loop3A_1250 = vector.broadcast %squeeze3A_276 : f32 to vector<16xf32>
      %parallel_loop3A_1251 = arith.mulf %parallel_loop3A_1250, %parallel_loop3A_1249 : vector<16xf32>
      %parallel_loop3A_1252 = arith.addf %parallel_loop3A_1241, %parallel_loop3A_1251 : vector<16xf32>
      %parallel_loop3A_1253 = vector.broadcast %squeeze3A_308 : f32 to vector<16xf32>
      %parallel_loop3A_1254 = arith.mulf %parallel_loop3A_1253, %parallel_loop3A_1249 : vector<16xf32>
      %parallel_loop3A_1255 = arith.addf %parallel_loop3A_1244, %parallel_loop3A_1254 : vector<16xf32>
      %parallel_loop3A_1256 = arith.constant 4 : i32
      %parallel_loop3A_1257 = arith.index_cast %parallel_loop3A_1256 : i32 to index
      %parallel_loop3A_1258 = arith.index_cast %parallel_loop3A_1207 : i32 to index
      %parallel_loop3A_1259 = tpu.vector_load %arg4[%parallel_loop3A_1257, %parallel_loop3A_1258] {strides = array<i32>} : memref<16x512xf32, #tpu.memory_space<vmem>>, vector<1x16xf32>,
      %parallel_loop3A_1260 = vector.shape_cast %parallel_loop3A_1259 : vector<1x16xf32> to vector<16xf32>
      %parallel_loop3A_1261 = vector.broadcast %squeeze3A_278 : f32 to vector<16xf32>
      %parallel_loop3A_1262 = arith.mulf %parallel_loop3A_1261, %parallel_loop3A_1260 : vector<16xf32>
      %parallel_loop3A_1263 = arith.addf %parallel_loop3A_1252, %parallel_loop3A_1262 : vector<16xf32>
      %parallel_loop3A_1264 = vector.broadcast %squeeze3A_310 : f32 to vector<16xf32>
      %parallel_loop3A_1265 = arith.mulf %parallel_loop3A_1264, %parallel_loop3A_1260 : vector<16xf32>
      %parallel_loop3A_1266 = arith.addf %parallel_loop3A_1255, %parallel_loop3A_1265 : vector<16xf32>
      %parallel_loop3A_1267 = arith.constant 5 : i32
      %parallel_loop3A_1268 = arith.index_cast %parallel_loop3A_1267 : i32 to index
      %parallel_loop3A_1269 = arith.index_cast %parallel_loop3A_1207 : i32 to index
      %parallel_loop3A_1270 = tpu.vector_load %arg4[%parallel_loop3A_1268, %parallel_loop3A_1269] {strides = array<i32>} : memref<16x512xf32, #tpu.memory_space<vmem>>, vector<1x16xf32>,
      %parallel_loop3A_1271 = vector.shape_cast %parallel_loop3A_1270 : vector<1x16xf32> to vector<16xf32>
      %parallel_loop3A_1272 = vector.broadcast %squeeze3A_280 : f32 to vector<16xf32>
      %parallel_loop3A_1273 = arith.mulf %parallel_loop3A_1272, %parallel_loop3A_1271 : vector<16xf32>
      %parallel_loop3A_1274 = arith.addf %parallel_loop3A_1263, %parallel_loop3A_1273 : vector<16xf32>
      %parallel_loop3A_1275 = vector.broadcast %squeeze3A_312 : f32 to vector<16xf32>
      %parallel_loop3A_1276 = arith.mulf %parallel_loop3A_1275, %parallel_loop3A_1271 : vector<16xf32>
      %parallel_loop3A_1277 = arith.addf %parallel_loop3A_1266, %parallel_loop3A_1276 : vector<16xf32>
      %parallel_loop3A_1278 = arith.constant 6 : i32
      %parallel_loop3A_1279 = arith.index_cast %parallel_loop3A_1278 : i32 to index
      %parallel_loop3A_1280 = arith.index_cast %parallel_loop3A_1207 : i32 to index
      %parallel_loop3A_1281 = tpu.vector_load %arg4[%parallel_loop3A_1279, %parallel_loop3A_1280] {strides = array<i32>} : memref<16x512xf32, #tpu.memory_space<vmem>>, vector<1x16xf32>,
      %parallel_loop3A_1282 = vector.shape_cast %parallel_loop3A_1281 : vector<1x16xf32> to vector<16xf32>
      %parallel_loop3A_1283 = vector.broadcast %squeeze3A_282 : f32 to vector<16xf32>
      %parallel_loop3A_1284 = arith.mulf %parallel_loop3A_1283, %parallel_loop3A_1282 : vector<16xf32>
      %parallel_loop3A_1285 = arith.addf %parallel_loop3A_1274, %parallel_loop3A_1284 : vector<16xf32>
      %parallel_loop3A_1286 = vector.broadcast %squeeze3A_314 : f32 to vector<16xf32>
      %parallel_loop3A_1287 = arith.mulf %parallel_loop3A_1286, %parallel_loop3A_1282 : vector<16xf32>
      %parallel_loop3A_1288 = arith.addf %parallel_loop3A_1277, %parallel_loop3A_1287 : vector<16xf32>
      %parallel_loop3A_1289 = arith.constant 7 : i32
      %parallel_loop3A_1290 = arith.index_cast %parallel_loop3A_1289 : i32 to index
      %parallel_loop3A_1291 = arith.index_cast %parallel_loop3A_1207 : i32 to index
      %parallel_loop3A_1292 = tpu.vector_load %arg4[%parallel_loop3A_1290, %parallel_loop3A_1291] {strides = array<i32>} : memref<16x512xf32, #tpu.memory_space<vmem>>, vector<1x16xf32>,
      %parallel_loop3A_1293 = vector.shape_cast %parallel_loop3A_1292 : vector<1x16xf32> to vector<16xf32>
      %parallel_loop3A_1294 = vector.broadcast %squeeze3A_284 : f32 to vector<16xf32>
      %parallel_loop3A_1295 = arith.mulf %parallel_loop3A_1294, %parallel_loop3A_1293 : vector<16xf32>
      %parallel_loop3A_1296 = arith.addf %parallel_loop3A_1285, %parallel_loop3A_1295 : vector<16xf32>
      %parallel_loop3A_1297 = vector.broadcast %squeeze3A_316 : f32 to vector<16xf32>
      %parallel_loop3A_1298 = arith.mulf %parallel_loop3A_1297, %parallel_loop3A_1293 : vector<16xf32>
      %parallel_loop3A_1299 = arith.addf %parallel_loop3A_1288, %parallel_loop3A_1298 : vector<16xf32>
      %parallel_loop3A_1300 = arith.constant 8 : i32
      %parallel_loop3A_1301 = arith.index_cast %parallel_loop3A_1300 : i32 to index
      %parallel_loop3A_1302 = arith.index_cast %parallel_loop3A_1207 : i32 to index
      %parallel_loop3A_1303 = tpu.vector_load %arg4[%parallel_loop3A_1301, %parallel_loop3A_1302] {strides = array<i32>} : memref<16x512xf32, #tpu.memory_space<vmem>>, vector<1x16xf32>,
      %parallel_loop3A_1304 = vector.shape_cast %parallel_loop3A_1303 : vector<1x16xf32> to vector<16xf32>
      %parallel_loop3A_1305 = vector.broadcast %squeeze3A_286 : f32 to vector<16xf32>
      %parallel_loop3A_1306 = arith.mulf %parallel_loop3A_1305, %parallel_loop3A_1304 : vector<16xf32>
      %parallel_loop3A_1307 = arith.addf %parallel_loop3A_1296, %parallel_loop3A_1306 : vector<16xf32>
      %parallel_loop3A_1308 = vector.broadcast %squeeze3A_318 : f32 to vector<16xf32>
      %parallel_loop3A_1309 = arith.mulf %parallel_loop3A_1308, %parallel_loop3A_1304 : vector<16xf32>
      %parallel_loop3A_1310 = arith.addf %parallel_loop3A_1299, %parallel_loop3A_1309 : vector<16xf32>
      %parallel_loop3A_1311 = arith.constant 9 : i32
      %parallel_loop3A_1312 = arith.index_cast %parallel_loop3A_1311 : i32 to index
      %parallel_loop3A_1313 = arith.index_cast %parallel_loop3A_1207 : i32 to index
      %parallel_loop3A_1314 = tpu.vector_load %arg4[%parallel_loop3A_1312, %parallel_loop3A_1313] {strides = array<i32>} : memref<16x512xf32, #tpu.memory_space<vmem>>, vector<1x16xf32>,
      %parallel_loop3A_1315 = vector.shape_cast %parallel_loop3A_1314 : vector<1x16xf32> to vector<16xf32>
      %parallel_loop3A_1316 = vector.broadcast %squeeze3A_288 : f32 to vector<16xf32>
      %parallel_loop3A_1317 = arith.mulf %parallel_loop3A_1316, %parallel_loop3A_1315 : vector<16xf32>
      %parallel_loop3A_1318 = arith.addf %parallel_loop3A_1307, %parallel_loop3A_1317 : vector<16xf32>
      %parallel_loop3A_1319 = vector.broadcast %squeeze3A_320 : f32 to vector<16xf32>
      %parallel_loop3A_1320 = arith.mulf %parallel_loop3A_1319, %parallel_loop3A_1315 : vector<16xf32>
      %parallel_loop3A_1321 = arith.addf %parallel_loop3A_1310, %parallel_loop3A_1320 : vector<16xf32>
      %parallel_loop3A_1322 = arith.constant 10 : i32
      %parallel_loop3A_1323 = arith.index_cast %parallel_loop3A_1322 : i32 to index
      %parallel_loop3A_1324 = arith.index_cast %parallel_loop3A_1207 : i32 to index
      %parallel_loop3A_1325 = tpu.vector_load %arg4[%parallel_loop3A_1323, %parallel_loop3A_1324] {strides = array<i32>} : memref<16x512xf32, #tpu.memory_space<vmem>>, vector<1x16xf32>,
      %parallel_loop3A_1326 = vector.shape_cast %parallel_loop3A_1325 : vector<1x16xf32> to vector<16xf32>
      %parallel_loop3A_1327 = vector.broadcast %squeeze3A_290 : f32 to vector<16xf32>
      %parallel_loop3A_1328 = arith.mulf %parallel_loop3A_1327, %parallel_loop3A_1326 : vector<16xf32>
      %parallel_loop3A_1329 = arith.addf %parallel_loop3A_1318, %parallel_loop3A_1328 : vector<16xf32>
      %parallel_loop3A_1330 = vector.broadcast %squeeze3A_322 : f32 to vector<16xf32>
      %parallel_loop3A_1331 = arith.mulf %parallel_loop3A_1330, %parallel_loop3A_1326 : vector<16xf32>
      %parallel_loop3A_1332 = arith.addf %parallel_loop3A_1321, %parallel_loop3A_1331 : vector<16xf32>
      %parallel_loop3A_1333 = arith.constant 11 : i32
      %parallel_loop3A_1334 = arith.index_cast %parallel_loop3A_1333 : i32 to index
      %parallel_loop3A_1335 = arith.index_cast %parallel_loop3A_1207 : i32 to index
      %parallel_loop3A_1336 = tpu.vector_load %arg4[%parallel_loop3A_1334, %parallel_loop3A_1335] {strides = array<i32>} : memref<16x512xf32, #tpu.memory_space<vmem>>, vector<1x16xf32>,
      %parallel_loop3A_1337 = vector.shape_cast %parallel_loop3A_1336 : vector<1x16xf32> to vector<16xf32>
      %parallel_loop3A_1338 = vector.broadcast %squeeze3A_292 : f32 to vector<16xf32>
      %parallel_loop3A_1339 = arith.mulf %parallel_loop3A_1338, %parallel_loop3A_1337 : vector<16xf32>
      %parallel_loop3A_1340 = arith.addf %parallel_loop3A_1329, %parallel_loop3A_1339 : vector<16xf32>
      %parallel_loop3A_1341 = vector.broadcast %squeeze3A_324 : f32 to vector<16xf32>
      %parallel_loop3A_1342 = arith.mulf %parallel_loop3A_1341, %parallel_loop3A_1337 : vector<16xf32>
      %parallel_loop3A_1343 = arith.addf %parallel_loop3A_1332, %parallel_loop3A_1342 : vector<16xf32>
      %parallel_loop3A_1344 = arith.constant 12 : i32
      %parallel_loop3A_1345 = arith.index_cast %parallel_loop3A_1344 : i32 to index
      %parallel_loop3A_1346 = arith.index_cast %parallel_loop3A_1207 : i32 to index
      %parallel_loop3A_1347 = tpu.vector_load %arg4[%parallel_loop3A_1345, %parallel_loop3A_1346] {strides = array<i32>} : memref<16x512xf32, #tpu.memory_space<vmem>>, vector<1x16xf32>,
      %parallel_loop3A_1348 = vector.shape_cast %parallel_loop3A_1347 : vector<1x16xf32> to vector<16xf32>
      %parallel_loop3A_1349 = vector.broadcast %squeeze3A_294 : f32 to vector<16xf32>
      %parallel_loop3A_1350 = arith.mulf %parallel_loop3A_1349, %parallel_loop3A_1348 : vector<16xf32>
      %parallel_loop3A_1351 = arith.addf %parallel_loop3A_1340, %parallel_loop3A_1350 : vector<16xf32>
      %parallel_loop3A_1352 = vector.broadcast %squeeze3A_326 : f32 to vector<16xf32>
      %parallel_loop3A_1353 = arith.mulf %parallel_loop3A_1352, %parallel_loop3A_1348 : vector<16xf32>
      %parallel_loop3A_1354 = arith.addf %parallel_loop3A_1343, %parallel_loop3A_1353 : vector<16xf32>
      %parallel_loop3A_1355 = arith.constant 13 : i32
      %parallel_loop3A_1356 = arith.index_cast %parallel_loop3A_1355 : i32 to index
      %parallel_loop3A_1357 = arith.index_cast %parallel_loop3A_1207 : i32 to index
      %parallel_loop3A_1358 = tpu.vector_load %arg4[%parallel_loop3A_1356, %parallel_loop3A_1357] {strides = array<i32>} : memref<16x512xf32, #tpu.memory_space<vmem>>, vector<1x16xf32>,
      %parallel_loop3A_1359 = vector.shape_cast %parallel_loop3A_1358 : vector<1x16xf32> to vector<16xf32>
      %parallel_loop3A_1360 = vector.broadcast %squeeze3A_296 : f32 to vector<16xf32>
      %parallel_loop3A_1361 = arith.mulf %parallel_loop3A_1360, %parallel_loop3A_1359 : vector<16xf32>
      %parallel_loop3A_1362 = arith.addf %parallel_loop3A_1351, %parallel_loop3A_1361 : vector<16xf32>
      %parallel_loop3A_1363 = vector.broadcast %squeeze3A_328 : f32 to vector<16xf32>
      %parallel_loop3A_1364 = arith.mulf %parallel_loop3A_1363, %parallel_loop3A_1359 : vector<16xf32>
      %parallel_loop3A_1365 = arith.addf %parallel_loop3A_1354, %parallel_loop3A_1364 : vector<16xf32>
      %parallel_loop3A_1366 = arith.constant 14 : i32
      %parallel_loop3A_1367 = arith.index_cast %parallel_loop3A_1366 : i32 to index
      %parallel_loop3A_1368 = arith.index_cast %parallel_loop3A_1207 : i32 to index
      %parallel_loop3A_1369 = tpu.vector_load %arg4[%parallel_loop3A_1367, %parallel_loop3A_1368] {strides = array<i32>} : memref<16x512xf32, #tpu.memory_space<vmem>>, vector<1x16xf32>,
      %parallel_loop3A_1370 = vector.shape_cast %parallel_loop3A_1369 : vector<1x16xf32> to vector<16xf32>
      %parallel_loop3A_1371 = vector.broadcast %squeeze3A_298 : f32 to vector<16xf32>
      %parallel_loop3A_1372 = arith.mulf %parallel_loop3A_1371, %parallel_loop3A_1370 : vector<16xf32>
      %parallel_loop3A_1373 = arith.addf %parallel_loop3A_1362, %parallel_loop3A_1372 : vector<16xf32>
      %parallel_loop3A_1374 = vector.broadcast %squeeze3A_330 : f32 to vector<16xf32>
      %parallel_loop3A_1375 = arith.mulf %parallel_loop3A_1374, %parallel_loop3A_1370 : vector<16xf32>
      %parallel_loop3A_1376 = arith.addf %parallel_loop3A_1365, %parallel_loop3A_1375 : vector<16xf32>
      %parallel_loop3A_1377 = arith.constant 15 : i32
      %parallel_loop3A_1378 = arith.index_cast %parallel_loop3A_1377 : i32 to index
      %parallel_loop3A_1379 = arith.index_cast %parallel_loop3A_1207 : i32 to index
      %parallel_loop3A_1380 = tpu.vector_load %arg4[%parallel_loop3A_1378, %parallel_loop3A_1379] {strides = array<i32>} : memref<16x512xf32, #tpu.memory_space<vmem>>, vector<1x16xf32>,
      %parallel_loop3A_1381 = vector.shape_cast %parallel_loop3A_1380 : vector<1x16xf32> to vector<16xf32>
      %parallel_loop3A_1382 = vector.broadcast %squeeze3A_300 : f32 to vector<16xf32>
      %parallel_loop3A_1383 = arith.mulf %parallel_loop3A_1382, %parallel_loop3A_1381 : vector<16xf32>
      %parallel_loop3A_1384 = arith.addf %parallel_loop3A_1373, %parallel_loop3A_1383 : vector<16xf32>
      %parallel_loop3A_1385 = vector.broadcast %squeeze3A_332 : f32 to vector<16xf32>
      %parallel_loop3A_1386 = arith.mulf %parallel_loop3A_1385, %parallel_loop3A_1381 : vector<16xf32>
      %parallel_loop3A_1387 = arith.addf %parallel_loop3A_1376, %parallel_loop3A_1386 : vector<16xf32>
      %parallel_loop3A_1388 = arith.index_cast %parallel_loop3A_1207 : i32 to index
      %parallel_loop3A_1389 = tpu.vector_load %arg5[%parallel_loop3A_1388] {strides = array<i32>} : memref<512xf32, #tpu.memory_space<vmem>>, vector<16xf32>,
      %parallel_loop3A_1390 = vector.shape_cast %parallel_loop3A_1389 : vector<16xf32> to vector<16xf32>
      %parallel_loop3A_1391 = vector.broadcast %parallel_loop3A_1207 : i32 to vector<16xi32>
      %parallel_loop3A_1392 = arith.addi %iota3A, %parallel_loop3A_1391 : vector<16xi32>
      %parallel_loop3A_1393 = arith.subf %parallel_loop3A_1390, %parallel_loop3A_1384 : vector<16xf32>
      %parallel_loop3A_1394 = arith.constant 2 : i32
      %parallel_loop3A_1395 = arith.addi %add3A_41, %parallel_loop3A_1394 : i32
      %parallel_loop3A_1396 = arith.constant 0 : i32
      %parallel_loop3A_1397 = arith.addi %parallel_loop3A_1395, %parallel_loop3A_1396 : i32
      %parallel_loop3A_1398 = vector.broadcast %parallel_loop3A_1397 : i32 to vector<16xi32>
      %parallel_loop3A_1399 = arith.cmpi eq, %parallel_loop3A_1392, %parallel_loop3A_1398 : vector<16xi32>
      %parallel_loop3A_1400 = arith.select %parallel_loop3A_1399, %broadcast_in_dim3A_35, %parallel_loop3A_1393 : vector<16xi1>, vector<16xf32>
      %parallel_loop3A_1401 = arith.minimumf %parallel_loop3A_1204, %parallel_loop3A_1400 : vector<16xf32>
      %parallel_loop3A_1402 = arith.subf %parallel_loop3A_1390, %parallel_loop3A_1387 : vector<16xf32>
      %parallel_loop3A_1403 = arith.constant 2 : i32
      %parallel_loop3A_1404 = arith.addi %add3A_41, %parallel_loop3A_1403 : i32
      %parallel_loop3A_1405 = arith.constant 1 : i32
      %parallel_loop3A_1406 = arith.addi %parallel_loop3A_1404, %parallel_loop3A_1405 : i32
      %parallel_loop3A_1407 = vector.broadcast %parallel_loop3A_1406 : i32 to vector<16xi32>
      %parallel_loop3A_1408 = arith.cmpi eq, %parallel_loop3A_1392, %parallel_loop3A_1407 : vector<16xi32>
      %parallel_loop3A_1409 = arith.select %parallel_loop3A_1408, %broadcast_in_dim3A_35, %parallel_loop3A_1402 : vector<16xi1>, vector<16xf32>
      %parallel_loop3A_1410 = arith.minimumf %parallel_loop3A_1205, %parallel_loop3A_1409 : vector<16xf32>
      scf.yield %parallel_loop3A_1401, %parallel_loop3A_1410 : vector<16xf32>, vector<16xf32>
    } {sc.loop_unroll_factor = 4 : i64, sc.parallel_access}
    %xor3A_337 = arith.constant 1 : i32
    %xor3A_338 = vector.broadcast %xor3A_337 : i32 to vector<16xi32>
    %xor3A_339 = arith.xori %iota3A, %xor3A_338 : vector<16xi32>
    %broadcast_in_dim3A_340 = vector.shape_cast %xor3A_339 : vector<16xi32> to vector<16x1xi32>
    %gather3A_341 = vector.shape_cast %broadcast_in_dim3A_340 : vector<16x1xi32> to vector<16xi32>
    %gather3A_342 = tpu.dynamic_gather %parallel_loop3A_336#0[%gather3A_341] in [0] : vector<16xf32>, vector<16xi32> -> vector<16xf32>
    %min3A_343 = arith.minimumf %parallel_loop3A_336#0, %gather3A_342 : vector<16xf32>
    %xor3A_344 = arith.constant 2 : i32
    %xor3A_345 = vector.broadcast %xor3A_344 : i32 to vector<16xi32>
    %xor3A_346 = arith.xori %iota3A, %xor3A_345 : vector<16xi32>
    %broadcast_in_dim3A_347 = vector.shape_cast %xor3A_346 : vector<16xi32> to vector<16x1xi32>
    %gather3A_348 = vector.shape_cast %broadcast_in_dim3A_347 : vector<16x1xi32> to vector<16xi32>
    %gather3A_349 = tpu.dynamic_gather %min3A_343[%gather3A_348] in [0] : vector<16xf32>, vector<16xi32> -> vector<16xf32>
    %min3A_350 = arith.minimumf %min3A_343, %gather3A_349 : vector<16xf32>
    %xor3A_351 = arith.constant 4 : i32
    %xor3A_352 = vector.broadcast %xor3A_351 : i32 to vector<16xi32>
    %xor3A_353 = arith.xori %iota3A, %xor3A_352 : vector<16xi32>
    %broadcast_in_dim3A_354 = vector.shape_cast %xor3A_353 : vector<16xi32> to vector<16x1xi32>
    %gather3A_355 = vector.shape_cast %broadcast_in_dim3A_354 : vector<16x1xi32> to vector<16xi32>
    %gather3A_356 = tpu.dynamic_gather %min3A_350[%gather3A_355] in [0] : vector<16xf32>, vector<16xi32> -> vector<16xf32>
    %min3A_357 = arith.minimumf %min3A_350, %gather3A_356 : vector<16xf32>
    %xor3A_358 = arith.constant 8 : i32
    %xor3A_359 = vector.broadcast %xor3A_358 : i32 to vector<16xi32>
    %xor3A_360 = arith.xori %iota3A, %xor3A_359 : vector<16xi32>
    %broadcast_in_dim3A_361 = vector.shape_cast %xor3A_360 : vector<16xi32> to vector<16x1xi32>
    %gather3A_362 = vector.shape_cast %broadcast_in_dim3A_361 : vector<16x1xi32> to vector<16xi32>
    %gather3A_363 = tpu.dynamic_gather %min3A_357[%gather3A_362] in [0] : vector<16xf32>, vector<16xi32> -> vector<16xf32>
    %min3A_364 = arith.minimumf %min3A_357, %gather3A_363 : vector<16xf32>
    %eq3A_365 = arith.constant 2 : i32
    %eq3A_366 = vector.broadcast %eq3A_365 : i32 to vector<16xi32>
    %eq3A_367 = arith.cmpi eq, %iota3A, %eq3A_366 : vector<16xi32>
    %select_n3A_368 = arith.select %eq3A_367, %min3A_364, %select_n3A_268 : vector<16xi1>, vector<16xf32>
    %xor3A_369 = arith.constant 1 : i32
    %xor3A_370 = vector.broadcast %xor3A_369 : i32 to vector<16xi32>
    %xor3A_371 = arith.xori %iota3A, %xor3A_370 : vector<16xi32>
    %broadcast_in_dim3A_372 = vector.shape_cast %xor3A_371 : vector<16xi32> to vector<16x1xi32>
    %gather3A_373 = vector.shape_cast %broadcast_in_dim3A_372 : vector<16x1xi32> to vector<16xi32>
    %gather3A_374 = tpu.dynamic_gather %parallel_loop3A_336#1[%gather3A_373] in [0] : vector<16xf32>, vector<16xi32> -> vector<16xf32>
    %min3A_375 = arith.minimumf %parallel_loop3A_336#1, %gather3A_374 : vector<16xf32>
    %xor3A_376 = arith.constant 2 : i32
    %xor3A_377 = vector.broadcast %xor3A_376 : i32 to vector<16xi32>
    %xor3A_378 = arith.xori %iota3A, %xor3A_377 : vector<16xi32>
    %broadcast_in_dim3A_379 = vector.shape_cast %xor3A_378 : vector<16xi32> to vector<16x1xi32>
    %gather3A_380 = vector.shape_cast %broadcast_in_dim3A_379 : vector<16x1xi32> to vector<16xi32>
    %gather3A_381 = tpu.dynamic_gather %min3A_375[%gather3A_380] in [0] : vector<16xf32>, vector<16xi32> -> vector<16xf32>
    %min3A_382 = arith.minimumf %min3A_375, %gather3A_381 : vector<16xf32>
    %xor3A_383 = arith.constant 4 : i32
    %xor3A_384 = vector.broadcast %xor3A_383 : i32 to vector<16xi32>
    %xor3A_385 = arith.xori %iota3A, %xor3A_384 : vector<16xi32>
    %broadcast_in_dim3A_386 = vector.shape_cast %xor3A_385 : vector<16xi32> to vector<16x1xi32>
    %gather3A_387 = vector.shape_cast %broadcast_in_dim3A_386 : vector<16x1xi32> to vector<16xi32>
    %gather3A_388 = tpu.dynamic_gather %min3A_382[%gather3A_387] in [0] : vector<16xf32>, vector<16xi32> -> vector<16xf32>
    %min3A_389 = arith.minimumf %min3A_382, %gather3A_388 : vector<16xf32>
    %xor3A_390 = arith.constant 8 : i32
    %xor3A_391 = vector.broadcast %xor3A_390 : i32 to vector<16xi32>
    %xor3A_392 = arith.xori %iota3A, %xor3A_391 : vector<16xi32>
    %broadcast_in_dim3A_393 = vector.shape_cast %xor3A_392 : vector<16xi32> to vector<16x1xi32>
    %gather3A_394 = vector.shape_cast %broadcast_in_dim3A_393 : vector<16x1xi32> to vector<16xi32>
    %gather3A_395 = tpu.dynamic_gather %min3A_389[%gather3A_394] in [0] : vector<16xf32>, vector<16xi32> -> vector<16xf32>
    %min3A_396 = arith.minimumf %min3A_389, %gather3A_395 : vector<16xf32>
    %eq3A_397 = arith.constant 3 : i32
    %eq3A_398 = vector.broadcast %eq3A_397 : i32 to vector<16xi32>
    %eq3A_399 = arith.cmpi eq, %iota3A, %eq3A_398 : vector<16xi32>
    %select_n3A_400 = arith.select %eq3A_399, %min3A_396, %select_n3A_368 : vector<16xi1>, vector<16xf32>
    %slice3A_401 = vector.extract_strided_slice %add3A_121 {offsets = [4], sizes = [1], strides = [1]} : vector<16xf32> to vector<1xf32>
    %squeeze3A_402 = vector.extract %slice3A_401[0] : f32 from vector<1xf32>
    %slice3A_403 = vector.extract_strided_slice %add3A_122 {offsets = [4], sizes = [1], strides = [1]} : vector<16xf32> to vector<1xf32>
    %squeeze3A_404 = vector.extract %slice3A_403[0] : f32 from vector<1xf32>
    %slice3A_405 = vector.extract_strided_slice %add3A_123 {offsets = [4], sizes = [1], strides = [1]} : vector<16xf32> to vector<1xf32>
    %squeeze3A_406 = vector.extract %slice3A_405[0] : f32 from vector<1xf32>
    %slice3A_407 = vector.extract_strided_slice %add3A_124 {offsets = [4], sizes = [1], strides = [1]} : vector<16xf32> to vector<1xf32>
    %squeeze3A_408 = vector.extract %slice3A_407[0] : f32 from vector<1xf32>
    %slice3A_409 = vector.extract_strided_slice %add3A_125 {offsets = [4], sizes = [1], strides = [1]} : vector<16xf32> to vector<1xf32>
    %squeeze3A_410 = vector.extract %slice3A_409[0] : f32 from vector<1xf32>
    %slice3A_411 = vector.extract_strided_slice %add3A_126 {offsets = [4], sizes = [1], strides = [1]} : vector<16xf32> to vector<1xf32>
    %squeeze3A_412 = vector.extract %slice3A_411[0] : f32 from vector<1xf32>
    %slice3A_413 = vector.extract_strided_slice %add3A_127 {offsets = [4], sizes = [1], strides = [1]} : vector<16xf32> to vector<1xf32>
    %squeeze3A_414 = vector.extract %slice3A_413[0] : f32 from vector<1xf32>
    %slice3A_415 = vector.extract_strided_slice %add3A_128 {offsets = [4], sizes = [1], strides = [1]} : vector<16xf32> to vector<1xf32>
    %squeeze3A_416 = vector.extract %slice3A_415[0] : f32 from vector<1xf32>
    %slice3A_417 = vector.extract_strided_slice %add3A_129 {offsets = [4], sizes = [1], strides = [1]} : vector<16xf32> to vector<1xf32>
    %squeeze3A_418 = vector.extract %slice3A_417[0] : f32 from vector<1xf32>
    %slice3A_419 = vector.extract_strided_slice %add3A_130 {offsets = [4], sizes = [1], strides = [1]} : vector<16xf32> to vector<1xf32>
    %squeeze3A_420 = vector.extract %slice3A_419[0] : f32 from vector<1xf32>
    %slice3A_421 = vector.extract_strided_slice %add3A_131 {offsets = [4], sizes = [1], strides = [1]} : vector<16xf32> to vector<1xf32>
    %squeeze3A_422 = vector.extract %slice3A_421[0] : f32 from vector<1xf32>
    %slice3A_423 = vector.extract_strided_slice %add3A_132 {offsets = [4], sizes = [1], strides = [1]} : vector<16xf32> to vector<1xf32>
    %squeeze3A_424 = vector.extract %slice3A_423[0] : f32 from vector<1xf32>
    %slice3A_425 = vector.extract_strided_slice %add3A_133 {offsets = [4], sizes = [1], strides = [1]} : vector<16xf32> to vector<1xf32>
    %squeeze3A_426 = vector.extract %slice3A_425[0] : f32 from vector<1xf32>
    %slice3A_427 = vector.extract_strided_slice %add3A_134 {offsets = [4], sizes = [1], strides = [1]} : vector<16xf32> to vector<1xf32>
    %squeeze3A_428 = vector.extract %slice3A_427[0] : f32 from vector<1xf32>
    %slice3A_429 = vector.extract_strided_slice %add3A_135 {offsets = [4], sizes = [1], strides = [1]} : vector<16xf32> to vector<1xf32>
    %squeeze3A_430 = vector.extract %slice3A_429[0] : f32 from vector<1xf32>
    %slice3A_431 = vector.extract_strided_slice %add3A_136 {offsets = [4], sizes = [1], strides = [1]} : vector<16xf32> to vector<1xf32>
    %squeeze3A_432 = vector.extract %slice3A_431[0] : f32 from vector<1xf32>
    %slice3A_433 = vector.extract_strided_slice %add3A_121 {offsets = [5], sizes = [1], strides = [1]} : vector<16xf32> to vector<1xf32>
    %squeeze3A_434 = vector.extract %slice3A_433[0] : f32 from vector<1xf32>
    %slice3A_435 = vector.extract_strided_slice %add3A_122 {offsets = [5], sizes = [1], strides = [1]} : vector<16xf32> to vector<1xf32>
    %squeeze3A_436 = vector.extract %slice3A_435[0] : f32 from vector<1xf32>
    %slice3A_437 = vector.extract_strided_slice %add3A_123 {offsets = [5], sizes = [1], strides = [1]} : vector<16xf32> to vector<1xf32>
    %squeeze3A_438 = vector.extract %slice3A_437[0] : f32 from vector<1xf32>
    %slice3A_439 = vector.extract_strided_slice %add3A_124 {offsets = [5], sizes = [1], strides = [1]} : vector<16xf32> to vector<1xf32>
    %squeeze3A_440 = vector.extract %slice3A_439[0] : f32 from vector<1xf32>
    %slice3A_441 = vector.extract_strided_slice %add3A_125 {offsets = [5], sizes = [1], strides = [1]} : vector<16xf32> to vector<1xf32>
    %squeeze3A_442 = vector.extract %slice3A_441[0] : f32 from vector<1xf32>
    %slice3A_443 = vector.extract_strided_slice %add3A_126 {offsets = [5], sizes = [1], strides = [1]} : vector<16xf32> to vector<1xf32>
    %squeeze3A_444 = vector.extract %slice3A_443[0] : f32 from vector<1xf32>
    %slice3A_445 = vector.extract_strided_slice %add3A_127 {offsets = [5], sizes = [1], strides = [1]} : vector<16xf32> to vector<1xf32>
    %squeeze3A_446 = vector.extract %slice3A_445[0] : f32 from vector<1xf32>
    %slice3A_447 = vector.extract_strided_slice %add3A_128 {offsets = [5], sizes = [1], strides = [1]} : vector<16xf32> to vector<1xf32>
    %squeeze3A_448 = vector.extract %slice3A_447[0] : f32 from vector<1xf32>
    %slice3A_449 = vector.extract_strided_slice %add3A_129 {offsets = [5], sizes = [1], strides = [1]} : vector<16xf32> to vector<1xf32>
    %squeeze3A_450 = vector.extract %slice3A_449[0] : f32 from vector<1xf32>
    %slice3A_451 = vector.extract_strided_slice %add3A_130 {offsets = [5], sizes = [1], strides = [1]} : vector<16xf32> to vector<1xf32>
    %squeeze3A_452 = vector.extract %slice3A_451[0] : f32 from vector<1xf32>
    %slice3A_453 = vector.extract_strided_slice %add3A_131 {offsets = [5], sizes = [1], strides = [1]} : vector<16xf32> to vector<1xf32>
    %squeeze3A_454 = vector.extract %slice3A_453[0] : f32 from vector<1xf32>
    %slice3A_455 = vector.extract_strided_slice %add3A_132 {offsets = [5], sizes = [1], strides = [1]} : vector<16xf32> to vector<1xf32>
    %squeeze3A_456 = vector.extract %slice3A_455[0] : f32 from vector<1xf32>
    %slice3A_457 = vector.extract_strided_slice %add3A_133 {offsets = [5], sizes = [1], strides = [1]} : vector<16xf32> to vector<1xf32>
    %squeeze3A_458 = vector.extract %slice3A_457[0] : f32 from vector<1xf32>
    %slice3A_459 = vector.extract_strided_slice %add3A_134 {offsets = [5], sizes = [1], strides = [1]} : vector<16xf32> to vector<1xf32>
    %squeeze3A_460 = vector.extract %slice3A_459[0] : f32 from vector<1xf32>
    %slice3A_461 = vector.extract_strided_slice %add3A_135 {offsets = [5], sizes = [1], strides = [1]} : vector<16xf32> to vector<1xf32>
    %squeeze3A_462 = vector.extract %slice3A_461[0] : f32 from vector<1xf32>
    %slice3A_463 = vector.extract_strided_slice %add3A_136 {offsets = [5], sizes = [1], strides = [1]} : vector<16xf32> to vector<1xf32>
    %squeeze3A_464 = vector.extract %slice3A_463[0] : f32 from vector<1xf32>
    %parallel_loop3A_465 = arith.constant 0 : i32
    %parallel_loop3A_466 = arith.constant 32 : i32
    %parallel_loop3A_467 = arith.constant 1 : i32
    %parallel_loop3A_468:2 = scf.for %parallel_loop3A_1203 = %parallel_loop3A_465 to %parallel_loop3A_466 step %parallel_loop3A_467 iter_args(%parallel_loop3A_1204 = %broadcast_in_dim3A_35, %parallel_loop3A_1205 = %broadcast_in_dim3A_35) -> (vector<16xf32>, vector<16xf32>)  : i32 {
      %parallel_loop3A_1206 = arith.constant 16 : i32
      %parallel_loop3A_1207 = arith.muli %parallel_loop3A_1203, %parallel_loop3A_1206 : i32
      %parallel_loop3A_1208 = arith.constant 0.000000e+00 : f32
      %parallel_loop3A_1209 = vector.broadcast %parallel_loop3A_1208 : f32 to vector<16xf32>
      %parallel_loop3A_1210 = arith.constant 0.000000e+00 : f32
      %parallel_loop3A_1211 = vector.broadcast %parallel_loop3A_1210 : f32 to vector<16xf32>
      %parallel_loop3A_1212 = arith.constant 0 : i32
      %parallel_loop3A_1213 = arith.index_cast %parallel_loop3A_1212 : i32 to index
      %parallel_loop3A_1214 = arith.index_cast %parallel_loop3A_1207 : i32 to index
      %parallel_loop3A_1215 = tpu.vector_load %arg4[%parallel_loop3A_1213, %parallel_loop3A_1214] {strides = array<i32>} : memref<16x512xf32, #tpu.memory_space<vmem>>, vector<1x16xf32>,
      %parallel_loop3A_1216 = vector.shape_cast %parallel_loop3A_1215 : vector<1x16xf32> to vector<16xf32>
      %parallel_loop3A_1217 = vector.broadcast %squeeze3A_402 : f32 to vector<16xf32>
      %parallel_loop3A_1218 = arith.mulf %parallel_loop3A_1217, %parallel_loop3A_1216 : vector<16xf32>
      %parallel_loop3A_1219 = arith.addf %parallel_loop3A_1209, %parallel_loop3A_1218 : vector<16xf32>
      %parallel_loop3A_1220 = vector.broadcast %squeeze3A_434 : f32 to vector<16xf32>
      %parallel_loop3A_1221 = arith.mulf %parallel_loop3A_1220, %parallel_loop3A_1216 : vector<16xf32>
      %parallel_loop3A_1222 = arith.addf %parallel_loop3A_1211, %parallel_loop3A_1221 : vector<16xf32>
      %parallel_loop3A_1223 = arith.constant 1 : i32
      %parallel_loop3A_1224 = arith.index_cast %parallel_loop3A_1223 : i32 to index
      %parallel_loop3A_1225 = arith.index_cast %parallel_loop3A_1207 : i32 to index
      %parallel_loop3A_1226 = tpu.vector_load %arg4[%parallel_loop3A_1224, %parallel_loop3A_1225] {strides = array<i32>} : memref<16x512xf32, #tpu.memory_space<vmem>>, vector<1x16xf32>,
      %parallel_loop3A_1227 = vector.shape_cast %parallel_loop3A_1226 : vector<1x16xf32> to vector<16xf32>
      %parallel_loop3A_1228 = vector.broadcast %squeeze3A_404 : f32 to vector<16xf32>
      %parallel_loop3A_1229 = arith.mulf %parallel_loop3A_1228, %parallel_loop3A_1227 : vector<16xf32>
      %parallel_loop3A_1230 = arith.addf %parallel_loop3A_1219, %parallel_loop3A_1229 : vector<16xf32>
      %parallel_loop3A_1231 = vector.broadcast %squeeze3A_436 : f32 to vector<16xf32>
      %parallel_loop3A_1232 = arith.mulf %parallel_loop3A_1231, %parallel_loop3A_1227 : vector<16xf32>
      %parallel_loop3A_1233 = arith.addf %parallel_loop3A_1222, %parallel_loop3A_1232 : vector<16xf32>
      %parallel_loop3A_1234 = arith.constant 2 : i32
      %parallel_loop3A_1235 = arith.index_cast %parallel_loop3A_1234 : i32 to index
      %parallel_loop3A_1236 = arith.index_cast %parallel_loop3A_1207 : i32 to index
      %parallel_loop3A_1237 = tpu.vector_load %arg4[%parallel_loop3A_1235, %parallel_loop3A_1236] {strides = array<i32>} : memref<16x512xf32, #tpu.memory_space<vmem>>, vector<1x16xf32>,
      %parallel_loop3A_1238 = vector.shape_cast %parallel_loop3A_1237 : vector<1x16xf32> to vector<16xf32>
      %parallel_loop3A_1239 = vector.broadcast %squeeze3A_406 : f32 to vector<16xf32>
      %parallel_loop3A_1240 = arith.mulf %parallel_loop3A_1239, %parallel_loop3A_1238 : vector<16xf32>
      %parallel_loop3A_1241 = arith.addf %parallel_loop3A_1230, %parallel_loop3A_1240 : vector<16xf32>
      %parallel_loop3A_1242 = vector.broadcast %squeeze3A_438 : f32 to vector<16xf32>
      %parallel_loop3A_1243 = arith.mulf %parallel_loop3A_1242, %parallel_loop3A_1238 : vector<16xf32>
      %parallel_loop3A_1244 = arith.addf %parallel_loop3A_1233, %parallel_loop3A_1243 : vector<16xf32>
      %parallel_loop3A_1245 = arith.constant 3 : i32
      %parallel_loop3A_1246 = arith.index_cast %parallel_loop3A_1245 : i32 to index
      %parallel_loop3A_1247 = arith.index_cast %parallel_loop3A_1207 : i32 to index
      %parallel_loop3A_1248 = tpu.vector_load %arg4[%parallel_loop3A_1246, %parallel_loop3A_1247] {strides = array<i32>} : memref<16x512xf32, #tpu.memory_space<vmem>>, vector<1x16xf32>,
      %parallel_loop3A_1249 = vector.shape_cast %parallel_loop3A_1248 : vector<1x16xf32> to vector<16xf32>
      %parallel_loop3A_1250 = vector.broadcast %squeeze3A_408 : f32 to vector<16xf32>
      %parallel_loop3A_1251 = arith.mulf %parallel_loop3A_1250, %parallel_loop3A_1249 : vector<16xf32>
      %parallel_loop3A_1252 = arith.addf %parallel_loop3A_1241, %parallel_loop3A_1251 : vector<16xf32>
      %parallel_loop3A_1253 = vector.broadcast %squeeze3A_440 : f32 to vector<16xf32>
      %parallel_loop3A_1254 = arith.mulf %parallel_loop3A_1253, %parallel_loop3A_1249 : vector<16xf32>
      %parallel_loop3A_1255 = arith.addf %parallel_loop3A_1244, %parallel_loop3A_1254 : vector<16xf32>
      %parallel_loop3A_1256 = arith.constant 4 : i32
      %parallel_loop3A_1257 = arith.index_cast %parallel_loop3A_1256 : i32 to index
      %parallel_loop3A_1258 = arith.index_cast %parallel_loop3A_1207 : i32 to index
      %parallel_loop3A_1259 = tpu.vector_load %arg4[%parallel_loop3A_1257, %parallel_loop3A_1258] {strides = array<i32>} : memref<16x512xf32, #tpu.memory_space<vmem>>, vector<1x16xf32>,
      %parallel_loop3A_1260 = vector.shape_cast %parallel_loop3A_1259 : vector<1x16xf32> to vector<16xf32>
      %parallel_loop3A_1261 = vector.broadcast %squeeze3A_410 : f32 to vector<16xf32>
      %parallel_loop3A_1262 = arith.mulf %parallel_loop3A_1261, %parallel_loop3A_1260 : vector<16xf32>
      %parallel_loop3A_1263 = arith.addf %parallel_loop3A_1252, %parallel_loop3A_1262 : vector<16xf32>
      %parallel_loop3A_1264 = vector.broadcast %squeeze3A_442 : f32 to vector<16xf32>
      %parallel_loop3A_1265 = arith.mulf %parallel_loop3A_1264, %parallel_loop3A_1260 : vector<16xf32>
      %parallel_loop3A_1266 = arith.addf %parallel_loop3A_1255, %parallel_loop3A_1265 : vector<16xf32>
      %parallel_loop3A_1267 = arith.constant 5 : i32
      %parallel_loop3A_1268 = arith.index_cast %parallel_loop3A_1267 : i32 to index
      %parallel_loop3A_1269 = arith.index_cast %parallel_loop3A_1207 : i32 to index
      %parallel_loop3A_1270 = tpu.vector_load %arg4[%parallel_loop3A_1268, %parallel_loop3A_1269] {strides = array<i32>} : memref<16x512xf32, #tpu.memory_space<vmem>>, vector<1x16xf32>,
      %parallel_loop3A_1271 = vector.shape_cast %parallel_loop3A_1270 : vector<1x16xf32> to vector<16xf32>
      %parallel_loop3A_1272 = vector.broadcast %squeeze3A_412 : f32 to vector<16xf32>
      %parallel_loop3A_1273 = arith.mulf %parallel_loop3A_1272, %parallel_loop3A_1271 : vector<16xf32>
      %parallel_loop3A_1274 = arith.addf %parallel_loop3A_1263, %parallel_loop3A_1273 : vector<16xf32>
      %parallel_loop3A_1275 = vector.broadcast %squeeze3A_444 : f32 to vector<16xf32>
      %parallel_loop3A_1276 = arith.mulf %parallel_loop3A_1275, %parallel_loop3A_1271 : vector<16xf32>
      %parallel_loop3A_1277 = arith.addf %parallel_loop3A_1266, %parallel_loop3A_1276 : vector<16xf32>
      %parallel_loop3A_1278 = arith.constant 6 : i32
      %parallel_loop3A_1279 = arith.index_cast %parallel_loop3A_1278 : i32 to index
      %parallel_loop3A_1280 = arith.index_cast %parallel_loop3A_1207 : i32 to index
      %parallel_loop3A_1281 = tpu.vector_load %arg4[%parallel_loop3A_1279, %parallel_loop3A_1280] {strides = array<i32>} : memref<16x512xf32, #tpu.memory_space<vmem>>, vector<1x16xf32>,
      %parallel_loop3A_1282 = vector.shape_cast %parallel_loop3A_1281 : vector<1x16xf32> to vector<16xf32>
      %parallel_loop3A_1283 = vector.broadcast %squeeze3A_414 : f32 to vector<16xf32>
      %parallel_loop3A_1284 = arith.mulf %parallel_loop3A_1283, %parallel_loop3A_1282 : vector<16xf32>
      %parallel_loop3A_1285 = arith.addf %parallel_loop3A_1274, %parallel_loop3A_1284 : vector<16xf32>
      %parallel_loop3A_1286 = vector.broadcast %squeeze3A_446 : f32 to vector<16xf32>
      %parallel_loop3A_1287 = arith.mulf %parallel_loop3A_1286, %parallel_loop3A_1282 : vector<16xf32>
      %parallel_loop3A_1288 = arith.addf %parallel_loop3A_1277, %parallel_loop3A_1287 : vector<16xf32>
      %parallel_loop3A_1289 = arith.constant 7 : i32
      %parallel_loop3A_1290 = arith.index_cast %parallel_loop3A_1289 : i32 to index
      %parallel_loop3A_1291 = arith.index_cast %parallel_loop3A_1207 : i32 to index
      %parallel_loop3A_1292 = tpu.vector_load %arg4[%parallel_loop3A_1290, %parallel_loop3A_1291] {strides = array<i32>} : memref<16x512xf32, #tpu.memory_space<vmem>>, vector<1x16xf32>,
      %parallel_loop3A_1293 = vector.shape_cast %parallel_loop3A_1292 : vector<1x16xf32> to vector<16xf32>
      %parallel_loop3A_1294 = vector.broadcast %squeeze3A_416 : f32 to vector<16xf32>
      %parallel_loop3A_1295 = arith.mulf %parallel_loop3A_1294, %parallel_loop3A_1293 : vector<16xf32>
      %parallel_loop3A_1296 = arith.addf %parallel_loop3A_1285, %parallel_loop3A_1295 : vector<16xf32>
      %parallel_loop3A_1297 = vector.broadcast %squeeze3A_448 : f32 to vector<16xf32>
      %parallel_loop3A_1298 = arith.mulf %parallel_loop3A_1297, %parallel_loop3A_1293 : vector<16xf32>
      %parallel_loop3A_1299 = arith.addf %parallel_loop3A_1288, %parallel_loop3A_1298 : vector<16xf32>
      %parallel_loop3A_1300 = arith.constant 8 : i32
      %parallel_loop3A_1301 = arith.index_cast %parallel_loop3A_1300 : i32 to index
      %parallel_loop3A_1302 = arith.index_cast %parallel_loop3A_1207 : i32 to index
      %parallel_loop3A_1303 = tpu.vector_load %arg4[%parallel_loop3A_1301, %parallel_loop3A_1302] {strides = array<i32>} : memref<16x512xf32, #tpu.memory_space<vmem>>, vector<1x16xf32>,
      %parallel_loop3A_1304 = vector.shape_cast %parallel_loop3A_1303 : vector<1x16xf32> to vector<16xf32>
      %parallel_loop3A_1305 = vector.broadcast %squeeze3A_418 : f32 to vector<16xf32>
      %parallel_loop3A_1306 = arith.mulf %parallel_loop3A_1305, %parallel_loop3A_1304 : vector<16xf32>
      %parallel_loop3A_1307 = arith.addf %parallel_loop3A_1296, %parallel_loop3A_1306 : vector<16xf32>
      %parallel_loop3A_1308 = vector.broadcast %squeeze3A_450 : f32 to vector<16xf32>
      %parallel_loop3A_1309 = arith.mulf %parallel_loop3A_1308, %parallel_loop3A_1304 : vector<16xf32>
      %parallel_loop3A_1310 = arith.addf %parallel_loop3A_1299, %parallel_loop3A_1309 : vector<16xf32>
      %parallel_loop3A_1311 = arith.constant 9 : i32
      %parallel_loop3A_1312 = arith.index_cast %parallel_loop3A_1311 : i32 to index
      %parallel_loop3A_1313 = arith.index_cast %parallel_loop3A_1207 : i32 to index
      %parallel_loop3A_1314 = tpu.vector_load %arg4[%parallel_loop3A_1312, %parallel_loop3A_1313] {strides = array<i32>} : memref<16x512xf32, #tpu.memory_space<vmem>>, vector<1x16xf32>,
      %parallel_loop3A_1315 = vector.shape_cast %parallel_loop3A_1314 : vector<1x16xf32> to vector<16xf32>
      %parallel_loop3A_1316 = vector.broadcast %squeeze3A_420 : f32 to vector<16xf32>
      %parallel_loop3A_1317 = arith.mulf %parallel_loop3A_1316, %parallel_loop3A_1315 : vector<16xf32>
      %parallel_loop3A_1318 = arith.addf %parallel_loop3A_1307, %parallel_loop3A_1317 : vector<16xf32>
      %parallel_loop3A_1319 = vector.broadcast %squeeze3A_452 : f32 to vector<16xf32>
      %parallel_loop3A_1320 = arith.mulf %parallel_loop3A_1319, %parallel_loop3A_1315 : vector<16xf32>
      %parallel_loop3A_1321 = arith.addf %parallel_loop3A_1310, %parallel_loop3A_1320 : vector<16xf32>
      %parallel_loop3A_1322 = arith.constant 10 : i32
      %parallel_loop3A_1323 = arith.index_cast %parallel_loop3A_1322 : i32 to index
      %parallel_loop3A_1324 = arith.index_cast %parallel_loop3A_1207 : i32 to index
      %parallel_loop3A_1325 = tpu.vector_load %arg4[%parallel_loop3A_1323, %parallel_loop3A_1324] {strides = array<i32>} : memref<16x512xf32, #tpu.memory_space<vmem>>, vector<1x16xf32>,
      %parallel_loop3A_1326 = vector.shape_cast %parallel_loop3A_1325 : vector<1x16xf32> to vector<16xf32>
      %parallel_loop3A_1327 = vector.broadcast %squeeze3A_422 : f32 to vector<16xf32>
      %parallel_loop3A_1328 = arith.mulf %parallel_loop3A_1327, %parallel_loop3A_1326 : vector<16xf32>
      %parallel_loop3A_1329 = arith.addf %parallel_loop3A_1318, %parallel_loop3A_1328 : vector<16xf32>
      %parallel_loop3A_1330 = vector.broadcast %squeeze3A_454 : f32 to vector<16xf32>
      %parallel_loop3A_1331 = arith.mulf %parallel_loop3A_1330, %parallel_loop3A_1326 : vector<16xf32>
      %parallel_loop3A_1332 = arith.addf %parallel_loop3A_1321, %parallel_loop3A_1331 : vector<16xf32>
      %parallel_loop3A_1333 = arith.constant 11 : i32
      %parallel_loop3A_1334 = arith.index_cast %parallel_loop3A_1333 : i32 to index
      %parallel_loop3A_1335 = arith.index_cast %parallel_loop3A_1207 : i32 to index
      %parallel_loop3A_1336 = tpu.vector_load %arg4[%parallel_loop3A_1334, %parallel_loop3A_1335] {strides = array<i32>} : memref<16x512xf32, #tpu.memory_space<vmem>>, vector<1x16xf32>,
      %parallel_loop3A_1337 = vector.shape_cast %parallel_loop3A_1336 : vector<1x16xf32> to vector<16xf32>
      %parallel_loop3A_1338 = vector.broadcast %squeeze3A_424 : f32 to vector<16xf32>
      %parallel_loop3A_1339 = arith.mulf %parallel_loop3A_1338, %parallel_loop3A_1337 : vector<16xf32>
      %parallel_loop3A_1340 = arith.addf %parallel_loop3A_1329, %parallel_loop3A_1339 : vector<16xf32>
      %parallel_loop3A_1341 = vector.broadcast %squeeze3A_456 : f32 to vector<16xf32>
      %parallel_loop3A_1342 = arith.mulf %parallel_loop3A_1341, %parallel_loop3A_1337 : vector<16xf32>
      %parallel_loop3A_1343 = arith.addf %parallel_loop3A_1332, %parallel_loop3A_1342 : vector<16xf32>
      %parallel_loop3A_1344 = arith.constant 12 : i32
      %parallel_loop3A_1345 = arith.index_cast %parallel_loop3A_1344 : i32 to index
      %parallel_loop3A_1346 = arith.index_cast %parallel_loop3A_1207 : i32 to index
      %parallel_loop3A_1347 = tpu.vector_load %arg4[%parallel_loop3A_1345, %parallel_loop3A_1346] {strides = array<i32>} : memref<16x512xf32, #tpu.memory_space<vmem>>, vector<1x16xf32>,
      %parallel_loop3A_1348 = vector.shape_cast %parallel_loop3A_1347 : vector<1x16xf32> to vector<16xf32>
      %parallel_loop3A_1349 = vector.broadcast %squeeze3A_426 : f32 to vector<16xf32>
      %parallel_loop3A_1350 = arith.mulf %parallel_loop3A_1349, %parallel_loop3A_1348 : vector<16xf32>
      %parallel_loop3A_1351 = arith.addf %parallel_loop3A_1340, %parallel_loop3A_1350 : vector<16xf32>
      %parallel_loop3A_1352 = vector.broadcast %squeeze3A_458 : f32 to vector<16xf32>
      %parallel_loop3A_1353 = arith.mulf %parallel_loop3A_1352, %parallel_loop3A_1348 : vector<16xf32>
      %parallel_loop3A_1354 = arith.addf %parallel_loop3A_1343, %parallel_loop3A_1353 : vector<16xf32>
      %parallel_loop3A_1355 = arith.constant 13 : i32
      %parallel_loop3A_1356 = arith.index_cast %parallel_loop3A_1355 : i32 to index
      %parallel_loop3A_1357 = arith.index_cast %parallel_loop3A_1207 : i32 to index
      %parallel_loop3A_1358 = tpu.vector_load %arg4[%parallel_loop3A_1356, %parallel_loop3A_1357] {strides = array<i32>} : memref<16x512xf32, #tpu.memory_space<vmem>>, vector<1x16xf32>,
      %parallel_loop3A_1359 = vector.shape_cast %parallel_loop3A_1358 : vector<1x16xf32> to vector<16xf32>
      %parallel_loop3A_1360 = vector.broadcast %squeeze3A_428 : f32 to vector<16xf32>
      %parallel_loop3A_1361 = arith.mulf %parallel_loop3A_1360, %parallel_loop3A_1359 : vector<16xf32>
      %parallel_loop3A_1362 = arith.addf %parallel_loop3A_1351, %parallel_loop3A_1361 : vector<16xf32>
      %parallel_loop3A_1363 = vector.broadcast %squeeze3A_460 : f32 to vector<16xf32>
      %parallel_loop3A_1364 = arith.mulf %parallel_loop3A_1363, %parallel_loop3A_1359 : vector<16xf32>
      %parallel_loop3A_1365 = arith.addf %parallel_loop3A_1354, %parallel_loop3A_1364 : vector<16xf32>
      %parallel_loop3A_1366 = arith.constant 14 : i32
      %parallel_loop3A_1367 = arith.index_cast %parallel_loop3A_1366 : i32 to index
      %parallel_loop3A_1368 = arith.index_cast %parallel_loop3A_1207 : i32 to index
      %parallel_loop3A_1369 = tpu.vector_load %arg4[%parallel_loop3A_1367, %parallel_loop3A_1368] {strides = array<i32>} : memref<16x512xf32, #tpu.memory_space<vmem>>, vector<1x16xf32>,
      %parallel_loop3A_1370 = vector.shape_cast %parallel_loop3A_1369 : vector<1x16xf32> to vector<16xf32>
      %parallel_loop3A_1371 = vector.broadcast %squeeze3A_430 : f32 to vector<16xf32>
      %parallel_loop3A_1372 = arith.mulf %parallel_loop3A_1371, %parallel_loop3A_1370 : vector<16xf32>
      %parallel_loop3A_1373 = arith.addf %parallel_loop3A_1362, %parallel_loop3A_1372 : vector<16xf32>
      %parallel_loop3A_1374 = vector.broadcast %squeeze3A_462 : f32 to vector<16xf32>
      %parallel_loop3A_1375 = arith.mulf %parallel_loop3A_1374, %parallel_loop3A_1370 : vector<16xf32>
      %parallel_loop3A_1376 = arith.addf %parallel_loop3A_1365, %parallel_loop3A_1375 : vector<16xf32>
      %parallel_loop3A_1377 = arith.constant 15 : i32
      %parallel_loop3A_1378 = arith.index_cast %parallel_loop3A_1377 : i32 to index
      %parallel_loop3A_1379 = arith.index_cast %parallel_loop3A_1207 : i32 to index
      %parallel_loop3A_1380 = tpu.vector_load %arg4[%parallel_loop3A_1378, %parallel_loop3A_1379] {strides = array<i32>} : memref<16x512xf32, #tpu.memory_space<vmem>>, vector<1x16xf32>,
      %parallel_loop3A_1381 = vector.shape_cast %parallel_loop3A_1380 : vector<1x16xf32> to vector<16xf32>
      %parallel_loop3A_1382 = vector.broadcast %squeeze3A_432 : f32 to vector<16xf32>
      %parallel_loop3A_1383 = arith.mulf %parallel_loop3A_1382, %parallel_loop3A_1381 : vector<16xf32>
      %parallel_loop3A_1384 = arith.addf %parallel_loop3A_1373, %parallel_loop3A_1383 : vector<16xf32>
      %parallel_loop3A_1385 = vector.broadcast %squeeze3A_464 : f32 to vector<16xf32>
      %parallel_loop3A_1386 = arith.mulf %parallel_loop3A_1385, %parallel_loop3A_1381 : vector<16xf32>
      %parallel_loop3A_1387 = arith.addf %parallel_loop3A_1376, %parallel_loop3A_1386 : vector<16xf32>
      %parallel_loop3A_1388 = arith.index_cast %parallel_loop3A_1207 : i32 to index
      %parallel_loop3A_1389 = tpu.vector_load %arg5[%parallel_loop3A_1388] {strides = array<i32>} : memref<512xf32, #tpu.memory_space<vmem>>, vector<16xf32>,
      %parallel_loop3A_1390 = vector.shape_cast %parallel_loop3A_1389 : vector<16xf32> to vector<16xf32>
      %parallel_loop3A_1391 = vector.broadcast %parallel_loop3A_1207 : i32 to vector<16xi32>
      %parallel_loop3A_1392 = arith.addi %iota3A, %parallel_loop3A_1391 : vector<16xi32>
      %parallel_loop3A_1393 = arith.subf %parallel_loop3A_1390, %parallel_loop3A_1384 : vector<16xf32>
      %parallel_loop3A_1394 = arith.constant 4 : i32
      %parallel_loop3A_1395 = arith.addi %add3A_41, %parallel_loop3A_1394 : i32
      %parallel_loop3A_1396 = arith.constant 0 : i32
      %parallel_loop3A_1397 = arith.addi %parallel_loop3A_1395, %parallel_loop3A_1396 : i32
      %parallel_loop3A_1398 = vector.broadcast %parallel_loop3A_1397 : i32 to vector<16xi32>
      %parallel_loop3A_1399 = arith.cmpi eq, %parallel_loop3A_1392, %parallel_loop3A_1398 : vector<16xi32>
      %parallel_loop3A_1400 = arith.select %parallel_loop3A_1399, %broadcast_in_dim3A_35, %parallel_loop3A_1393 : vector<16xi1>, vector<16xf32>
      %parallel_loop3A_1401 = arith.minimumf %parallel_loop3A_1204, %parallel_loop3A_1400 : vector<16xf32>
      %parallel_loop3A_1402 = arith.subf %parallel_loop3A_1390, %parallel_loop3A_1387 : vector<16xf32>
      %parallel_loop3A_1403 = arith.constant 4 : i32
      %parallel_loop3A_1404 = arith.addi %add3A_41, %parallel_loop3A_1403 : i32
      %parallel_loop3A_1405 = arith.constant 1 : i32
      %parallel_loop3A_1406 = arith.addi %parallel_loop3A_1404, %parallel_loop3A_1405 : i32
      %parallel_loop3A_1407 = vector.broadcast %parallel_loop3A_1406 : i32 to vector<16xi32>
      %parallel_loop3A_1408 = arith.cmpi eq, %parallel_loop3A_1392, %parallel_loop3A_1407 : vector<16xi32>
      %parallel_loop3A_1409 = arith.select %parallel_loop3A_1408, %broadcast_in_dim3A_35, %parallel_loop3A_1402 : vector<16xi1>, vector<16xf32>
      %parallel_loop3A_1410 = arith.minimumf %parallel_loop3A_1205, %parallel_loop3A_1409 : vector<16xf32>
      scf.yield %parallel_loop3A_1401, %parallel_loop3A_1410 : vector<16xf32>, vector<16xf32>
    } {sc.loop_unroll_factor = 4 : i64, sc.parallel_access}
    %xor3A_469 = arith.constant 1 : i32
    %xor3A_470 = vector.broadcast %xor3A_469 : i32 to vector<16xi32>
    %xor3A_471 = arith.xori %iota3A, %xor3A_470 : vector<16xi32>
    %broadcast_in_dim3A_472 = vector.shape_cast %xor3A_471 : vector<16xi32> to vector<16x1xi32>
    %gather3A_473 = vector.shape_cast %broadcast_in_dim3A_472 : vector<16x1xi32> to vector<16xi32>
    %gather3A_474 = tpu.dynamic_gather %parallel_loop3A_468#0[%gather3A_473] in [0] : vector<16xf32>, vector<16xi32> -> vector<16xf32>
    %min3A_475 = arith.minimumf %parallel_loop3A_468#0, %gather3A_474 : vector<16xf32>
    %xor3A_476 = arith.constant 2 : i32
    %xor3A_477 = vector.broadcast %xor3A_476 : i32 to vector<16xi32>
    %xor3A_478 = arith.xori %iota3A, %xor3A_477 : vector<16xi32>
    %broadcast_in_dim3A_479 = vector.shape_cast %xor3A_478 : vector<16xi32> to vector<16x1xi32>
    %gather3A_480 = vector.shape_cast %broadcast_in_dim3A_479 : vector<16x1xi32> to vector<16xi32>
    %gather3A_481 = tpu.dynamic_gather %min3A_475[%gather3A_480] in [0] : vector<16xf32>, vector<16xi32> -> vector<16xf32>
    %min3A_482 = arith.minimumf %min3A_475, %gather3A_481 : vector<16xf32>
    %xor3A_483 = arith.constant 4 : i32
    %xor3A_484 = vector.broadcast %xor3A_483 : i32 to vector<16xi32>
    %xor3A_485 = arith.xori %iota3A, %xor3A_484 : vector<16xi32>
    %broadcast_in_dim3A_486 = vector.shape_cast %xor3A_485 : vector<16xi32> to vector<16x1xi32>
    %gather3A_487 = vector.shape_cast %broadcast_in_dim3A_486 : vector<16x1xi32> to vector<16xi32>
    %gather3A_488 = tpu.dynamic_gather %min3A_482[%gather3A_487] in [0] : vector<16xf32>, vector<16xi32> -> vector<16xf32>
    %min3A_489 = arith.minimumf %min3A_482, %gather3A_488 : vector<16xf32>
    %xor3A_490 = arith.constant 8 : i32
    %xor3A_491 = vector.broadcast %xor3A_490 : i32 to vector<16xi32>
    %xor3A_492 = arith.xori %iota3A, %xor3A_491 : vector<16xi32>
    %broadcast_in_dim3A_493 = vector.shape_cast %xor3A_492 : vector<16xi32> to vector<16x1xi32>
    %gather3A_494 = vector.shape_cast %broadcast_in_dim3A_493 : vector<16x1xi32> to vector<16xi32>
    %gather3A_495 = tpu.dynamic_gather %min3A_489[%gather3A_494] in [0] : vector<16xf32>, vector<16xi32> -> vector<16xf32>
    %min3A_496 = arith.minimumf %min3A_489, %gather3A_495 : vector<16xf32>
    %eq3A_497 = arith.constant 4 : i32
    %eq3A_498 = vector.broadcast %eq3A_497 : i32 to vector<16xi32>
    %eq3A_499 = arith.cmpi eq, %iota3A, %eq3A_498 : vector<16xi32>
    %select_n3A_500 = arith.select %eq3A_499, %min3A_496, %select_n3A_400 : vector<16xi1>, vector<16xf32>
    %xor3A_501 = arith.constant 1 : i32
    %xor3A_502 = vector.broadcast %xor3A_501 : i32 to vector<16xi32>
    %xor3A_503 = arith.xori %iota3A, %xor3A_502 : vector<16xi32>
    %broadcast_in_dim3A_504 = vector.shape_cast %xor3A_503 : vector<16xi32> to vector<16x1xi32>
    %gather3A_505 = vector.shape_cast %broadcast_in_dim3A_504 : vector<16x1xi32> to vector<16xi32>
    %gather3A_506 = tpu.dynamic_gather %parallel_loop3A_468#1[%gather3A_505] in [0] : vector<16xf32>, vector<16xi32> -> vector<16xf32>
    %min3A_507 = arith.minimumf %parallel_loop3A_468#1, %gather3A_506 : vector<16xf32>
    %xor3A_508 = arith.constant 2 : i32
    %xor3A_509 = vector.broadcast %xor3A_508 : i32 to vector<16xi32>
    %xor3A_510 = arith.xori %iota3A, %xor3A_509 : vector<16xi32>
    %broadcast_in_dim3A_511 = vector.shape_cast %xor3A_510 : vector<16xi32> to vector<16x1xi32>
    %gather3A_512 = vector.shape_cast %broadcast_in_dim3A_511 : vector<16x1xi32> to vector<16xi32>
    %gather3A_513 = tpu.dynamic_gather %min3A_507[%gather3A_512] in [0] : vector<16xf32>, vector<16xi32> -> vector<16xf32>
    %min3A_514 = arith.minimumf %min3A_507, %gather3A_513 : vector<16xf32>
    %xor3A_515 = arith.constant 4 : i32
    %xor3A_516 = vector.broadcast %xor3A_515 : i32 to vector<16xi32>
    %xor3A_517 = arith.xori %iota3A, %xor3A_516 : vector<16xi32>
    %broadcast_in_dim3A_518 = vector.shape_cast %xor3A_517 : vector<16xi32> to vector<16x1xi32>
    %gather3A_519 = vector.shape_cast %broadcast_in_dim3A_518 : vector<16x1xi32> to vector<16xi32>
    %gather3A_520 = tpu.dynamic_gather %min3A_514[%gather3A_519] in [0] : vector<16xf32>, vector<16xi32> -> vector<16xf32>
    %min3A_521 = arith.minimumf %min3A_514, %gather3A_520 : vector<16xf32>
    %xor3A_522 = arith.constant 8 : i32
    %xor3A_523 = vector.broadcast %xor3A_522 : i32 to vector<16xi32>
    %xor3A_524 = arith.xori %iota3A, %xor3A_523 : vector<16xi32>
    %broadcast_in_dim3A_525 = vector.shape_cast %xor3A_524 : vector<16xi32> to vector<16x1xi32>
    %gather3A_526 = vector.shape_cast %broadcast_in_dim3A_525 : vector<16x1xi32> to vector<16xi32>
    %gather3A_527 = tpu.dynamic_gather %min3A_521[%gather3A_526] in [0] : vector<16xf32>, vector<16xi32> -> vector<16xf32>
    %min3A_528 = arith.minimumf %min3A_521, %gather3A_527 : vector<16xf32>
    %eq3A_529 = arith.constant 5 : i32
    %eq3A_530 = vector.broadcast %eq3A_529 : i32 to vector<16xi32>
    %eq3A_531 = arith.cmpi eq, %iota3A, %eq3A_530 : vector<16xi32>
    %select_n3A_532 = arith.select %eq3A_531, %min3A_528, %select_n3A_500 : vector<16xi1>, vector<16xf32>
    %slice3A_533 = vector.extract_strided_slice %add3A_121 {offsets = [6], sizes = [1], strides = [1]} : vector<16xf32> to vector<1xf32>
    %squeeze3A_534 = vector.extract %slice3A_533[0] : f32 from vector<1xf32>
    %slice3A_535 = vector.extract_strided_slice %add3A_122 {offsets = [6], sizes = [1], strides = [1]} : vector<16xf32> to vector<1xf32>
    %squeeze3A_536 = vector.extract %slice3A_535[0] : f32 from vector<1xf32>
    %slice3A_537 = vector.extract_strided_slice %add3A_123 {offsets = [6], sizes = [1], strides = [1]} : vector<16xf32> to vector<1xf32>
    %squeeze3A_538 = vector.extract %slice3A_537[0] : f32 from vector<1xf32>
    %slice3A_539 = vector.extract_strided_slice %add3A_124 {offsets = [6], sizes = [1], strides = [1]} : vector<16xf32> to vector<1xf32>
    %squeeze3A_540 = vector.extract %slice3A_539[0] : f32 from vector<1xf32>
    %slice3A_541 = vector.extract_strided_slice %add3A_125 {offsets = [6], sizes = [1], strides = [1]} : vector<16xf32> to vector<1xf32>
    %squeeze3A_542 = vector.extract %slice3A_541[0] : f32 from vector<1xf32>
    %slice3A_543 = vector.extract_strided_slice %add3A_126 {offsets = [6], sizes = [1], strides = [1]} : vector<16xf32> to vector<1xf32>
    %squeeze3A_544 = vector.extract %slice3A_543[0] : f32 from vector<1xf32>
    %slice3A_545 = vector.extract_strided_slice %add3A_127 {offsets = [6], sizes = [1], strides = [1]} : vector<16xf32> to vector<1xf32>
    %squeeze3A_546 = vector.extract %slice3A_545[0] : f32 from vector<1xf32>
    %slice3A_547 = vector.extract_strided_slice %add3A_128 {offsets = [6], sizes = [1], strides = [1]} : vector<16xf32> to vector<1xf32>
    %squeeze3A_548 = vector.extract %slice3A_547[0] : f32 from vector<1xf32>
    %slice3A_549 = vector.extract_strided_slice %add3A_129 {offsets = [6], sizes = [1], strides = [1]} : vector<16xf32> to vector<1xf32>
    %squeeze3A_550 = vector.extract %slice3A_549[0] : f32 from vector<1xf32>
    %slice3A_551 = vector.extract_strided_slice %add3A_130 {offsets = [6], sizes = [1], strides = [1]} : vector<16xf32> to vector<1xf32>
    %squeeze3A_552 = vector.extract %slice3A_551[0] : f32 from vector<1xf32>
    %slice3A_553 = vector.extract_strided_slice %add3A_131 {offsets = [6], sizes = [1], strides = [1]} : vector<16xf32> to vector<1xf32>
    %squeeze3A_554 = vector.extract %slice3A_553[0] : f32 from vector<1xf32>
    %slice3A_555 = vector.extract_strided_slice %add3A_132 {offsets = [6], sizes = [1], strides = [1]} : vector<16xf32> to vector<1xf32>
    %squeeze3A_556 = vector.extract %slice3A_555[0] : f32 from vector<1xf32>
    %slice3A_557 = vector.extract_strided_slice %add3A_133 {offsets = [6], sizes = [1], strides = [1]} : vector<16xf32> to vector<1xf32>
    %squeeze3A_558 = vector.extract %slice3A_557[0] : f32 from vector<1xf32>
    %slice3A_559 = vector.extract_strided_slice %add3A_134 {offsets = [6], sizes = [1], strides = [1]} : vector<16xf32> to vector<1xf32>
    %squeeze3A_560 = vector.extract %slice3A_559[0] : f32 from vector<1xf32>
    %slice3A_561 = vector.extract_strided_slice %add3A_135 {offsets = [6], sizes = [1], strides = [1]} : vector<16xf32> to vector<1xf32>
    %squeeze3A_562 = vector.extract %slice3A_561[0] : f32 from vector<1xf32>
    %slice3A_563 = vector.extract_strided_slice %add3A_136 {offsets = [6], sizes = [1], strides = [1]} : vector<16xf32> to vector<1xf32>
    %squeeze3A_564 = vector.extract %slice3A_563[0] : f32 from vector<1xf32>
    %slice3A_565 = vector.extract_strided_slice %add3A_121 {offsets = [7], sizes = [1], strides = [1]} : vector<16xf32> to vector<1xf32>
    %squeeze3A_566 = vector.extract %slice3A_565[0] : f32 from vector<1xf32>
    %slice3A_567 = vector.extract_strided_slice %add3A_122 {offsets = [7], sizes = [1], strides = [1]} : vector<16xf32> to vector<1xf32>
    %squeeze3A_568 = vector.extract %slice3A_567[0] : f32 from vector<1xf32>
    %slice3A_569 = vector.extract_strided_slice %add3A_123 {offsets = [7], sizes = [1], strides = [1]} : vector<16xf32> to vector<1xf32>
    %squeeze3A_570 = vector.extract %slice3A_569[0] : f32 from vector<1xf32>
    %slice3A_571 = vector.extract_strided_slice %add3A_124 {offsets = [7], sizes = [1], strides = [1]} : vector<16xf32> to vector<1xf32>
    %squeeze3A_572 = vector.extract %slice3A_571[0] : f32 from vector<1xf32>
    %slice3A_573 = vector.extract_strided_slice %add3A_125 {offsets = [7], sizes = [1], strides = [1]} : vector<16xf32> to vector<1xf32>
    %squeeze3A_574 = vector.extract %slice3A_573[0] : f32 from vector<1xf32>
    %slice3A_575 = vector.extract_strided_slice %add3A_126 {offsets = [7], sizes = [1], strides = [1]} : vector<16xf32> to vector<1xf32>
    %squeeze3A_576 = vector.extract %slice3A_575[0] : f32 from vector<1xf32>
    %slice3A_577 = vector.extract_strided_slice %add3A_127 {offsets = [7], sizes = [1], strides = [1]} : vector<16xf32> to vector<1xf32>
    %squeeze3A_578 = vector.extract %slice3A_577[0] : f32 from vector<1xf32>
    %slice3A_579 = vector.extract_strided_slice %add3A_128 {offsets = [7], sizes = [1], strides = [1]} : vector<16xf32> to vector<1xf32>
    %squeeze3A_580 = vector.extract %slice3A_579[0] : f32 from vector<1xf32>
    %slice3A_581 = vector.extract_strided_slice %add3A_129 {offsets = [7], sizes = [1], strides = [1]} : vector<16xf32> to vector<1xf32>
    %squeeze3A_582 = vector.extract %slice3A_581[0] : f32 from vector<1xf32>
    %slice3A_583 = vector.extract_strided_slice %add3A_130 {offsets = [7], sizes = [1], strides = [1]} : vector<16xf32> to vector<1xf32>
    %squeeze3A_584 = vector.extract %slice3A_583[0] : f32 from vector<1xf32>
    %slice3A_585 = vector.extract_strided_slice %add3A_131 {offsets = [7], sizes = [1], strides = [1]} : vector<16xf32> to vector<1xf32>
    %squeeze3A_586 = vector.extract %slice3A_585[0] : f32 from vector<1xf32>
    %slice3A_587 = vector.extract_strided_slice %add3A_132 {offsets = [7], sizes = [1], strides = [1]} : vector<16xf32> to vector<1xf32>
    %squeeze3A_588 = vector.extract %slice3A_587[0] : f32 from vector<1xf32>
    %slice3A_589 = vector.extract_strided_slice %add3A_133 {offsets = [7], sizes = [1], strides = [1]} : vector<16xf32> to vector<1xf32>
    %squeeze3A_590 = vector.extract %slice3A_589[0] : f32 from vector<1xf32>
    %slice3A_591 = vector.extract_strided_slice %add3A_134 {offsets = [7], sizes = [1], strides = [1]} : vector<16xf32> to vector<1xf32>
    %squeeze3A_592 = vector.extract %slice3A_591[0] : f32 from vector<1xf32>
    %slice3A_593 = vector.extract_strided_slice %add3A_135 {offsets = [7], sizes = [1], strides = [1]} : vector<16xf32> to vector<1xf32>
    %squeeze3A_594 = vector.extract %slice3A_593[0] : f32 from vector<1xf32>
    %slice3A_595 = vector.extract_strided_slice %add3A_136 {offsets = [7], sizes = [1], strides = [1]} : vector<16xf32> to vector<1xf32>
    %squeeze3A_596 = vector.extract %slice3A_595[0] : f32 from vector<1xf32>
    %parallel_loop3A_597 = arith.constant 0 : i32
    %parallel_loop3A_598 = arith.constant 32 : i32
    %parallel_loop3A_599 = arith.constant 1 : i32
    %parallel_loop3A_600:2 = scf.for %parallel_loop3A_1203 = %parallel_loop3A_597 to %parallel_loop3A_598 step %parallel_loop3A_599 iter_args(%parallel_loop3A_1204 = %broadcast_in_dim3A_35, %parallel_loop3A_1205 = %broadcast_in_dim3A_35) -> (vector<16xf32>, vector<16xf32>)  : i32 {
      %parallel_loop3A_1206 = arith.constant 16 : i32
      %parallel_loop3A_1207 = arith.muli %parallel_loop3A_1203, %parallel_loop3A_1206 : i32
      %parallel_loop3A_1208 = arith.constant 0.000000e+00 : f32
      %parallel_loop3A_1209 = vector.broadcast %parallel_loop3A_1208 : f32 to vector<16xf32>
      %parallel_loop3A_1210 = arith.constant 0.000000e+00 : f32
      %parallel_loop3A_1211 = vector.broadcast %parallel_loop3A_1210 : f32 to vector<16xf32>
      %parallel_loop3A_1212 = arith.constant 0 : i32
      %parallel_loop3A_1213 = arith.index_cast %parallel_loop3A_1212 : i32 to index
      %parallel_loop3A_1214 = arith.index_cast %parallel_loop3A_1207 : i32 to index
      %parallel_loop3A_1215 = tpu.vector_load %arg4[%parallel_loop3A_1213, %parallel_loop3A_1214] {strides = array<i32>} : memref<16x512xf32, #tpu.memory_space<vmem>>, vector<1x16xf32>,
      %parallel_loop3A_1216 = vector.shape_cast %parallel_loop3A_1215 : vector<1x16xf32> to vector<16xf32>
      %parallel_loop3A_1217 = vector.broadcast %squeeze3A_534 : f32 to vector<16xf32>
      %parallel_loop3A_1218 = arith.mulf %parallel_loop3A_1217, %parallel_loop3A_1216 : vector<16xf32>
      %parallel_loop3A_1219 = arith.addf %parallel_loop3A_1209, %parallel_loop3A_1218 : vector<16xf32>
      %parallel_loop3A_1220 = vector.broadcast %squeeze3A_566 : f32 to vector<16xf32>
      %parallel_loop3A_1221 = arith.mulf %parallel_loop3A_1220, %parallel_loop3A_1216 : vector<16xf32>
      %parallel_loop3A_1222 = arith.addf %parallel_loop3A_1211, %parallel_loop3A_1221 : vector<16xf32>
      %parallel_loop3A_1223 = arith.constant 1 : i32
      %parallel_loop3A_1224 = arith.index_cast %parallel_loop3A_1223 : i32 to index
      %parallel_loop3A_1225 = arith.index_cast %parallel_loop3A_1207 : i32 to index
      %parallel_loop3A_1226 = tpu.vector_load %arg4[%parallel_loop3A_1224, %parallel_loop3A_1225] {strides = array<i32>} : memref<16x512xf32, #tpu.memory_space<vmem>>, vector<1x16xf32>,
      %parallel_loop3A_1227 = vector.shape_cast %parallel_loop3A_1226 : vector<1x16xf32> to vector<16xf32>
      %parallel_loop3A_1228 = vector.broadcast %squeeze3A_536 : f32 to vector<16xf32>
      %parallel_loop3A_1229 = arith.mulf %parallel_loop3A_1228, %parallel_loop3A_1227 : vector<16xf32>
      %parallel_loop3A_1230 = arith.addf %parallel_loop3A_1219, %parallel_loop3A_1229 : vector<16xf32>
      %parallel_loop3A_1231 = vector.broadcast %squeeze3A_568 : f32 to vector<16xf32>
      %parallel_loop3A_1232 = arith.mulf %parallel_loop3A_1231, %parallel_loop3A_1227 : vector<16xf32>
      %parallel_loop3A_1233 = arith.addf %parallel_loop3A_1222, %parallel_loop3A_1232 : vector<16xf32>
      %parallel_loop3A_1234 = arith.constant 2 : i32
      %parallel_loop3A_1235 = arith.index_cast %parallel_loop3A_1234 : i32 to index
      %parallel_loop3A_1236 = arith.index_cast %parallel_loop3A_1207 : i32 to index
      %parallel_loop3A_1237 = tpu.vector_load %arg4[%parallel_loop3A_1235, %parallel_loop3A_1236] {strides = array<i32>} : memref<16x512xf32, #tpu.memory_space<vmem>>, vector<1x16xf32>,
      %parallel_loop3A_1238 = vector.shape_cast %parallel_loop3A_1237 : vector<1x16xf32> to vector<16xf32>
      %parallel_loop3A_1239 = vector.broadcast %squeeze3A_538 : f32 to vector<16xf32>
      %parallel_loop3A_1240 = arith.mulf %parallel_loop3A_1239, %parallel_loop3A_1238 : vector<16xf32>
      %parallel_loop3A_1241 = arith.addf %parallel_loop3A_1230, %parallel_loop3A_1240 : vector<16xf32>
      %parallel_loop3A_1242 = vector.broadcast %squeeze3A_570 : f32 to vector<16xf32>
      %parallel_loop3A_1243 = arith.mulf %parallel_loop3A_1242, %parallel_loop3A_1238 : vector<16xf32>
      %parallel_loop3A_1244 = arith.addf %parallel_loop3A_1233, %parallel_loop3A_1243 : vector<16xf32>
      %parallel_loop3A_1245 = arith.constant 3 : i32
      %parallel_loop3A_1246 = arith.index_cast %parallel_loop3A_1245 : i32 to index
      %parallel_loop3A_1247 = arith.index_cast %parallel_loop3A_1207 : i32 to index
      %parallel_loop3A_1248 = tpu.vector_load %arg4[%parallel_loop3A_1246, %parallel_loop3A_1247] {strides = array<i32>} : memref<16x512xf32, #tpu.memory_space<vmem>>, vector<1x16xf32>,
      %parallel_loop3A_1249 = vector.shape_cast %parallel_loop3A_1248 : vector<1x16xf32> to vector<16xf32>
      %parallel_loop3A_1250 = vector.broadcast %squeeze3A_540 : f32 to vector<16xf32>
      %parallel_loop3A_1251 = arith.mulf %parallel_loop3A_1250, %parallel_loop3A_1249 : vector<16xf32>
      %parallel_loop3A_1252 = arith.addf %parallel_loop3A_1241, %parallel_loop3A_1251 : vector<16xf32>
      %parallel_loop3A_1253 = vector.broadcast %squeeze3A_572 : f32 to vector<16xf32>
      %parallel_loop3A_1254 = arith.mulf %parallel_loop3A_1253, %parallel_loop3A_1249 : vector<16xf32>
      %parallel_loop3A_1255 = arith.addf %parallel_loop3A_1244, %parallel_loop3A_1254 : vector<16xf32>
      %parallel_loop3A_1256 = arith.constant 4 : i32
      %parallel_loop3A_1257 = arith.index_cast %parallel_loop3A_1256 : i32 to index
      %parallel_loop3A_1258 = arith.index_cast %parallel_loop3A_1207 : i32 to index
      %parallel_loop3A_1259 = tpu.vector_load %arg4[%parallel_loop3A_1257, %parallel_loop3A_1258] {strides = array<i32>} : memref<16x512xf32, #tpu.memory_space<vmem>>, vector<1x16xf32>,
      %parallel_loop3A_1260 = vector.shape_cast %parallel_loop3A_1259 : vector<1x16xf32> to vector<16xf32>
      %parallel_loop3A_1261 = vector.broadcast %squeeze3A_542 : f32 to vector<16xf32>
      %parallel_loop3A_1262 = arith.mulf %parallel_loop3A_1261, %parallel_loop3A_1260 : vector<16xf32>
      %parallel_loop3A_1263 = arith.addf %parallel_loop3A_1252, %parallel_loop3A_1262 : vector<16xf32>
      %parallel_loop3A_1264 = vector.broadcast %squeeze3A_574 : f32 to vector<16xf32>
      %parallel_loop3A_1265 = arith.mulf %parallel_loop3A_1264, %parallel_loop3A_1260 : vector<16xf32>
      %parallel_loop3A_1266 = arith.addf %parallel_loop3A_1255, %parallel_loop3A_1265 : vector<16xf32>
      %parallel_loop3A_1267 = arith.constant 5 : i32
      %parallel_loop3A_1268 = arith.index_cast %parallel_loop3A_1267 : i32 to index
      %parallel_loop3A_1269 = arith.index_cast %parallel_loop3A_1207 : i32 to index
      %parallel_loop3A_1270 = tpu.vector_load %arg4[%parallel_loop3A_1268, %parallel_loop3A_1269] {strides = array<i32>} : memref<16x512xf32, #tpu.memory_space<vmem>>, vector<1x16xf32>,
      %parallel_loop3A_1271 = vector.shape_cast %parallel_loop3A_1270 : vector<1x16xf32> to vector<16xf32>
      %parallel_loop3A_1272 = vector.broadcast %squeeze3A_544 : f32 to vector<16xf32>
      %parallel_loop3A_1273 = arith.mulf %parallel_loop3A_1272, %parallel_loop3A_1271 : vector<16xf32>
      %parallel_loop3A_1274 = arith.addf %parallel_loop3A_1263, %parallel_loop3A_1273 : vector<16xf32>
      %parallel_loop3A_1275 = vector.broadcast %squeeze3A_576 : f32 to vector<16xf32>
      %parallel_loop3A_1276 = arith.mulf %parallel_loop3A_1275, %parallel_loop3A_1271 : vector<16xf32>
      %parallel_loop3A_1277 = arith.addf %parallel_loop3A_1266, %parallel_loop3A_1276 : vector<16xf32>
      %parallel_loop3A_1278 = arith.constant 6 : i32
      %parallel_loop3A_1279 = arith.index_cast %parallel_loop3A_1278 : i32 to index
      %parallel_loop3A_1280 = arith.index_cast %parallel_loop3A_1207 : i32 to index
      %parallel_loop3A_1281 = tpu.vector_load %arg4[%parallel_loop3A_1279, %parallel_loop3A_1280] {strides = array<i32>} : memref<16x512xf32, #tpu.memory_space<vmem>>, vector<1x16xf32>,
      %parallel_loop3A_1282 = vector.shape_cast %parallel_loop3A_1281 : vector<1x16xf32> to vector<16xf32>
      %parallel_loop3A_1283 = vector.broadcast %squeeze3A_546 : f32 to vector<16xf32>
      %parallel_loop3A_1284 = arith.mulf %parallel_loop3A_1283, %parallel_loop3A_1282 : vector<16xf32>
      %parallel_loop3A_1285 = arith.addf %parallel_loop3A_1274, %parallel_loop3A_1284 : vector<16xf32>
      %parallel_loop3A_1286 = vector.broadcast %squeeze3A_578 : f32 to vector<16xf32>
      %parallel_loop3A_1287 = arith.mulf %parallel_loop3A_1286, %parallel_loop3A_1282 : vector<16xf32>
      %parallel_loop3A_1288 = arith.addf %parallel_loop3A_1277, %parallel_loop3A_1287 : vector<16xf32>
      %parallel_loop3A_1289 = arith.constant 7 : i32
      %parallel_loop3A_1290 = arith.index_cast %parallel_loop3A_1289 : i32 to index
      %parallel_loop3A_1291 = arith.index_cast %parallel_loop3A_1207 : i32 to index
      %parallel_loop3A_1292 = tpu.vector_load %arg4[%parallel_loop3A_1290, %parallel_loop3A_1291] {strides = array<i32>} : memref<16x512xf32, #tpu.memory_space<vmem>>, vector<1x16xf32>,
      %parallel_loop3A_1293 = vector.shape_cast %parallel_loop3A_1292 : vector<1x16xf32> to vector<16xf32>
      %parallel_loop3A_1294 = vector.broadcast %squeeze3A_548 : f32 to vector<16xf32>
      %parallel_loop3A_1295 = arith.mulf %parallel_loop3A_1294, %parallel_loop3A_1293 : vector<16xf32>
      %parallel_loop3A_1296 = arith.addf %parallel_loop3A_1285, %parallel_loop3A_1295 : vector<16xf32>
      %parallel_loop3A_1297 = vector.broadcast %squeeze3A_580 : f32 to vector<16xf32>
      %parallel_loop3A_1298 = arith.mulf %parallel_loop3A_1297, %parallel_loop3A_1293 : vector<16xf32>
      %parallel_loop3A_1299 = arith.addf %parallel_loop3A_1288, %parallel_loop3A_1298 : vector<16xf32>
      %parallel_loop3A_1300 = arith.constant 8 : i32
      %parallel_loop3A_1301 = arith.index_cast %parallel_loop3A_1300 : i32 to index
      %parallel_loop3A_1302 = arith.index_cast %parallel_loop3A_1207 : i32 to index
      %parallel_loop3A_1303 = tpu.vector_load %arg4[%parallel_loop3A_1301, %parallel_loop3A_1302] {strides = array<i32>} : memref<16x512xf32, #tpu.memory_space<vmem>>, vector<1x16xf32>,
      %parallel_loop3A_1304 = vector.shape_cast %parallel_loop3A_1303 : vector<1x16xf32> to vector<16xf32>
      %parallel_loop3A_1305 = vector.broadcast %squeeze3A_550 : f32 to vector<16xf32>
      %parallel_loop3A_1306 = arith.mulf %parallel_loop3A_1305, %parallel_loop3A_1304 : vector<16xf32>
      %parallel_loop3A_1307 = arith.addf %parallel_loop3A_1296, %parallel_loop3A_1306 : vector<16xf32>
      %parallel_loop3A_1308 = vector.broadcast %squeeze3A_582 : f32 to vector<16xf32>
      %parallel_loop3A_1309 = arith.mulf %parallel_loop3A_1308, %parallel_loop3A_1304 : vector<16xf32>
      %parallel_loop3A_1310 = arith.addf %parallel_loop3A_1299, %parallel_loop3A_1309 : vector<16xf32>
      %parallel_loop3A_1311 = arith.constant 9 : i32
      %parallel_loop3A_1312 = arith.index_cast %parallel_loop3A_1311 : i32 to index
      %parallel_loop3A_1313 = arith.index_cast %parallel_loop3A_1207 : i32 to index
      %parallel_loop3A_1314 = tpu.vector_load %arg4[%parallel_loop3A_1312, %parallel_loop3A_1313] {strides = array<i32>} : memref<16x512xf32, #tpu.memory_space<vmem>>, vector<1x16xf32>,
      %parallel_loop3A_1315 = vector.shape_cast %parallel_loop3A_1314 : vector<1x16xf32> to vector<16xf32>
      %parallel_loop3A_1316 = vector.broadcast %squeeze3A_552 : f32 to vector<16xf32>
      %parallel_loop3A_1317 = arith.mulf %parallel_loop3A_1316, %parallel_loop3A_1315 : vector<16xf32>
      %parallel_loop3A_1318 = arith.addf %parallel_loop3A_1307, %parallel_loop3A_1317 : vector<16xf32>
      %parallel_loop3A_1319 = vector.broadcast %squeeze3A_584 : f32 to vector<16xf32>
      %parallel_loop3A_1320 = arith.mulf %parallel_loop3A_1319, %parallel_loop3A_1315 : vector<16xf32>
      %parallel_loop3A_1321 = arith.addf %parallel_loop3A_1310, %parallel_loop3A_1320 : vector<16xf32>
      %parallel_loop3A_1322 = arith.constant 10 : i32
      %parallel_loop3A_1323 = arith.index_cast %parallel_loop3A_1322 : i32 to index
      %parallel_loop3A_1324 = arith.index_cast %parallel_loop3A_1207 : i32 to index
      %parallel_loop3A_1325 = tpu.vector_load %arg4[%parallel_loop3A_1323, %parallel_loop3A_1324] {strides = array<i32>} : memref<16x512xf32, #tpu.memory_space<vmem>>, vector<1x16xf32>,
      %parallel_loop3A_1326 = vector.shape_cast %parallel_loop3A_1325 : vector<1x16xf32> to vector<16xf32>
      %parallel_loop3A_1327 = vector.broadcast %squeeze3A_554 : f32 to vector<16xf32>
      %parallel_loop3A_1328 = arith.mulf %parallel_loop3A_1327, %parallel_loop3A_1326 : vector<16xf32>
      %parallel_loop3A_1329 = arith.addf %parallel_loop3A_1318, %parallel_loop3A_1328 : vector<16xf32>
      %parallel_loop3A_1330 = vector.broadcast %squeeze3A_586 : f32 to vector<16xf32>
      %parallel_loop3A_1331 = arith.mulf %parallel_loop3A_1330, %parallel_loop3A_1326 : vector<16xf32>
      %parallel_loop3A_1332 = arith.addf %parallel_loop3A_1321, %parallel_loop3A_1331 : vector<16xf32>
      %parallel_loop3A_1333 = arith.constant 11 : i32
      %parallel_loop3A_1334 = arith.index_cast %parallel_loop3A_1333 : i32 to index
      %parallel_loop3A_1335 = arith.index_cast %parallel_loop3A_1207 : i32 to index
      %parallel_loop3A_1336 = tpu.vector_load %arg4[%parallel_loop3A_1334, %parallel_loop3A_1335] {strides = array<i32>} : memref<16x512xf32, #tpu.memory_space<vmem>>, vector<1x16xf32>,
      %parallel_loop3A_1337 = vector.shape_cast %parallel_loop3A_1336 : vector<1x16xf32> to vector<16xf32>
      %parallel_loop3A_1338 = vector.broadcast %squeeze3A_556 : f32 to vector<16xf32>
      %parallel_loop3A_1339 = arith.mulf %parallel_loop3A_1338, %parallel_loop3A_1337 : vector<16xf32>
      %parallel_loop3A_1340 = arith.addf %parallel_loop3A_1329, %parallel_loop3A_1339 : vector<16xf32>
      %parallel_loop3A_1341 = vector.broadcast %squeeze3A_588 : f32 to vector<16xf32>
      %parallel_loop3A_1342 = arith.mulf %parallel_loop3A_1341, %parallel_loop3A_1337 : vector<16xf32>
      %parallel_loop3A_1343 = arith.addf %parallel_loop3A_1332, %parallel_loop3A_1342 : vector<16xf32>
      %parallel_loop3A_1344 = arith.constant 12 : i32
      %parallel_loop3A_1345 = arith.index_cast %parallel_loop3A_1344 : i32 to index
      %parallel_loop3A_1346 = arith.index_cast %parallel_loop3A_1207 : i32 to index
      %parallel_loop3A_1347 = tpu.vector_load %arg4[%parallel_loop3A_1345, %parallel_loop3A_1346] {strides = array<i32>} : memref<16x512xf32, #tpu.memory_space<vmem>>, vector<1x16xf32>,
      %parallel_loop3A_1348 = vector.shape_cast %parallel_loop3A_1347 : vector<1x16xf32> to vector<16xf32>
      %parallel_loop3A_1349 = vector.broadcast %squeeze3A_558 : f32 to vector<16xf32>
      %parallel_loop3A_1350 = arith.mulf %parallel_loop3A_1349, %parallel_loop3A_1348 : vector<16xf32>
      %parallel_loop3A_1351 = arith.addf %parallel_loop3A_1340, %parallel_loop3A_1350 : vector<16xf32>
      %parallel_loop3A_1352 = vector.broadcast %squeeze3A_590 : f32 to vector<16xf32>
      %parallel_loop3A_1353 = arith.mulf %parallel_loop3A_1352, %parallel_loop3A_1348 : vector<16xf32>
      %parallel_loop3A_1354 = arith.addf %parallel_loop3A_1343, %parallel_loop3A_1353 : vector<16xf32>
      %parallel_loop3A_1355 = arith.constant 13 : i32
      %parallel_loop3A_1356 = arith.index_cast %parallel_loop3A_1355 : i32 to index
      %parallel_loop3A_1357 = arith.index_cast %parallel_loop3A_1207 : i32 to index
      %parallel_loop3A_1358 = tpu.vector_load %arg4[%parallel_loop3A_1356, %parallel_loop3A_1357] {strides = array<i32>} : memref<16x512xf32, #tpu.memory_space<vmem>>, vector<1x16xf32>,
      %parallel_loop3A_1359 = vector.shape_cast %parallel_loop3A_1358 : vector<1x16xf32> to vector<16xf32>
      %parallel_loop3A_1360 = vector.broadcast %squeeze3A_560 : f32 to vector<16xf32>
      %parallel_loop3A_1361 = arith.mulf %parallel_loop3A_1360, %parallel_loop3A_1359 : vector<16xf32>
      %parallel_loop3A_1362 = arith.addf %parallel_loop3A_1351, %parallel_loop3A_1361 : vector<16xf32>
      %parallel_loop3A_1363 = vector.broadcast %squeeze3A_592 : f32 to vector<16xf32>
      %parallel_loop3A_1364 = arith.mulf %parallel_loop3A_1363, %parallel_loop3A_1359 : vector<16xf32>
      %parallel_loop3A_1365 = arith.addf %parallel_loop3A_1354, %parallel_loop3A_1364 : vector<16xf32>
      %parallel_loop3A_1366 = arith.constant 14 : i32
      %parallel_loop3A_1367 = arith.index_cast %parallel_loop3A_1366 : i32 to index
      %parallel_loop3A_1368 = arith.index_cast %parallel_loop3A_1207 : i32 to index
      %parallel_loop3A_1369 = tpu.vector_load %arg4[%parallel_loop3A_1367, %parallel_loop3A_1368] {strides = array<i32>} : memref<16x512xf32, #tpu.memory_space<vmem>>, vector<1x16xf32>,
      %parallel_loop3A_1370 = vector.shape_cast %parallel_loop3A_1369 : vector<1x16xf32> to vector<16xf32>
      %parallel_loop3A_1371 = vector.broadcast %squeeze3A_562 : f32 to vector<16xf32>
      %parallel_loop3A_1372 = arith.mulf %parallel_loop3A_1371, %parallel_loop3A_1370 : vector<16xf32>
      %parallel_loop3A_1373 = arith.addf %parallel_loop3A_1362, %parallel_loop3A_1372 : vector<16xf32>
      %parallel_loop3A_1374 = vector.broadcast %squeeze3A_594 : f32 to vector<16xf32>
      %parallel_loop3A_1375 = arith.mulf %parallel_loop3A_1374, %parallel_loop3A_1370 : vector<16xf32>
      %parallel_loop3A_1376 = arith.addf %parallel_loop3A_1365, %parallel_loop3A_1375 : vector<16xf32>
      %parallel_loop3A_1377 = arith.constant 15 : i32
      %parallel_loop3A_1378 = arith.index_cast %parallel_loop3A_1377 : i32 to index
      %parallel_loop3A_1379 = arith.index_cast %parallel_loop3A_1207 : i32 to index
      %parallel_loop3A_1380 = tpu.vector_load %arg4[%parallel_loop3A_1378, %parallel_loop3A_1379] {strides = array<i32>} : memref<16x512xf32, #tpu.memory_space<vmem>>, vector<1x16xf32>,
      %parallel_loop3A_1381 = vector.shape_cast %parallel_loop3A_1380 : vector<1x16xf32> to vector<16xf32>
      %parallel_loop3A_1382 = vector.broadcast %squeeze3A_564 : f32 to vector<16xf32>
      %parallel_loop3A_1383 = arith.mulf %parallel_loop3A_1382, %parallel_loop3A_1381 : vector<16xf32>
      %parallel_loop3A_1384 = arith.addf %parallel_loop3A_1373, %parallel_loop3A_1383 : vector<16xf32>
      %parallel_loop3A_1385 = vector.broadcast %squeeze3A_596 : f32 to vector<16xf32>
      %parallel_loop3A_1386 = arith.mulf %parallel_loop3A_1385, %parallel_loop3A_1381 : vector<16xf32>
      %parallel_loop3A_1387 = arith.addf %parallel_loop3A_1376, %parallel_loop3A_1386 : vector<16xf32>
      %parallel_loop3A_1388 = arith.index_cast %parallel_loop3A_1207 : i32 to index
      %parallel_loop3A_1389 = tpu.vector_load %arg5[%parallel_loop3A_1388] {strides = array<i32>} : memref<512xf32, #tpu.memory_space<vmem>>, vector<16xf32>,
      %parallel_loop3A_1390 = vector.shape_cast %parallel_loop3A_1389 : vector<16xf32> to vector<16xf32>
      %parallel_loop3A_1391 = vector.broadcast %parallel_loop3A_1207 : i32 to vector<16xi32>
      %parallel_loop3A_1392 = arith.addi %iota3A, %parallel_loop3A_1391 : vector<16xi32>
      %parallel_loop3A_1393 = arith.subf %parallel_loop3A_1390, %parallel_loop3A_1384 : vector<16xf32>
      %parallel_loop3A_1394 = arith.constant 6 : i32
      %parallel_loop3A_1395 = arith.addi %add3A_41, %parallel_loop3A_1394 : i32
      %parallel_loop3A_1396 = arith.constant 0 : i32
      %parallel_loop3A_1397 = arith.addi %parallel_loop3A_1395, %parallel_loop3A_1396 : i32
      %parallel_loop3A_1398 = vector.broadcast %parallel_loop3A_1397 : i32 to vector<16xi32>
      %parallel_loop3A_1399 = arith.cmpi eq, %parallel_loop3A_1392, %parallel_loop3A_1398 : vector<16xi32>
      %parallel_loop3A_1400 = arith.select %parallel_loop3A_1399, %broadcast_in_dim3A_35, %parallel_loop3A_1393 : vector<16xi1>, vector<16xf32>
      %parallel_loop3A_1401 = arith.minimumf %parallel_loop3A_1204, %parallel_loop3A_1400 : vector<16xf32>
      %parallel_loop3A_1402 = arith.subf %parallel_loop3A_1390, %parallel_loop3A_1387 : vector<16xf32>
      %parallel_loop3A_1403 = arith.constant 6 : i32
      %parallel_loop3A_1404 = arith.addi %add3A_41, %parallel_loop3A_1403 : i32
      %parallel_loop3A_1405 = arith.constant 1 : i32
      %parallel_loop3A_1406 = arith.addi %parallel_loop3A_1404, %parallel_loop3A_1405 : i32
      %parallel_loop3A_1407 = vector.broadcast %parallel_loop3A_1406 : i32 to vector<16xi32>
      %parallel_loop3A_1408 = arith.cmpi eq, %parallel_loop3A_1392, %parallel_loop3A_1407 : vector<16xi32>
      %parallel_loop3A_1409 = arith.select %parallel_loop3A_1408, %broadcast_in_dim3A_35, %parallel_loop3A_1402 : vector<16xi1>, vector<16xf32>
      %parallel_loop3A_1410 = arith.minimumf %parallel_loop3A_1205, %parallel_loop3A_1409 : vector<16xf32>
      scf.yield %parallel_loop3A_1401, %parallel_loop3A_1410 : vector<16xf32>, vector<16xf32>
    } {sc.loop_unroll_factor = 4 : i64, sc.parallel_access}
    %xor3A_601 = arith.constant 1 : i32
    %xor3A_602 = vector.broadcast %xor3A_601 : i32 to vector<16xi32>
    %xor3A_603 = arith.xori %iota3A, %xor3A_602 : vector<16xi32>
    %broadcast_in_dim3A_604 = vector.shape_cast %xor3A_603 : vector<16xi32> to vector<16x1xi32>
    %gather3A_605 = vector.shape_cast %broadcast_in_dim3A_604 : vector<16x1xi32> to vector<16xi32>
    %gather3A_606 = tpu.dynamic_gather %parallel_loop3A_600#0[%gather3A_605] in [0] : vector<16xf32>, vector<16xi32> -> vector<16xf32>
    %min3A_607 = arith.minimumf %parallel_loop3A_600#0, %gather3A_606 : vector<16xf32>
    %xor3A_608 = arith.constant 2 : i32
    %xor3A_609 = vector.broadcast %xor3A_608 : i32 to vector<16xi32>
    %xor3A_610 = arith.xori %iota3A, %xor3A_609 : vector<16xi32>
    %broadcast_in_dim3A_611 = vector.shape_cast %xor3A_610 : vector<16xi32> to vector<16x1xi32>
    %gather3A_612 = vector.shape_cast %broadcast_in_dim3A_611 : vector<16x1xi32> to vector<16xi32>
    %gather3A_613 = tpu.dynamic_gather %min3A_607[%gather3A_612] in [0] : vector<16xf32>, vector<16xi32> -> vector<16xf32>
    %min3A_614 = arith.minimumf %min3A_607, %gather3A_613 : vector<16xf32>
    %xor3A_615 = arith.constant 4 : i32
    %xor3A_616 = vector.broadcast %xor3A_615 : i32 to vector<16xi32>
    %xor3A_617 = arith.xori %iota3A, %xor3A_616 : vector<16xi32>
    %broadcast_in_dim3A_618 = vector.shape_cast %xor3A_617 : vector<16xi32> to vector<16x1xi32>
    %gather3A_619 = vector.shape_cast %broadcast_in_dim3A_618 : vector<16x1xi32> to vector<16xi32>
    %gather3A_620 = tpu.dynamic_gather %min3A_614[%gather3A_619] in [0] : vector<16xf32>, vector<16xi32> -> vector<16xf32>
    %min3A_621 = arith.minimumf %min3A_614, %gather3A_620 : vector<16xf32>
    %xor3A_622 = arith.constant 8 : i32
    %xor3A_623 = vector.broadcast %xor3A_622 : i32 to vector<16xi32>
    %xor3A_624 = arith.xori %iota3A, %xor3A_623 : vector<16xi32>
    %broadcast_in_dim3A_625 = vector.shape_cast %xor3A_624 : vector<16xi32> to vector<16x1xi32>
    %gather3A_626 = vector.shape_cast %broadcast_in_dim3A_625 : vector<16x1xi32> to vector<16xi32>
    %gather3A_627 = tpu.dynamic_gather %min3A_621[%gather3A_626] in [0] : vector<16xf32>, vector<16xi32> -> vector<16xf32>
    %min3A_628 = arith.minimumf %min3A_621, %gather3A_627 : vector<16xf32>
    %eq3A_629 = arith.constant 6 : i32
    %eq3A_630 = vector.broadcast %eq3A_629 : i32 to vector<16xi32>
    %eq3A_631 = arith.cmpi eq, %iota3A, %eq3A_630 : vector<16xi32>
    %select_n3A_632 = arith.select %eq3A_631, %min3A_628, %select_n3A_532 : vector<16xi1>, vector<16xf32>
    %xor3A_633 = arith.constant 1 : i32
    %xor3A_634 = vector.broadcast %xor3A_633 : i32 to vector<16xi32>
    %xor3A_635 = arith.xori %iota3A, %xor3A_634 : vector<16xi32>
    %broadcast_in_dim3A_636 = vector.shape_cast %xor3A_635 : vector<16xi32> to vector<16x1xi32>
    %gather3A_637 = vector.shape_cast %broadcast_in_dim3A_636 : vector<16x1xi32> to vector<16xi32>
    %gather3A_638 = tpu.dynamic_gather %parallel_loop3A_600#1[%gather3A_637] in [0] : vector<16xf32>, vector<16xi32> -> vector<16xf32>
    %min3A_639 = arith.minimumf %parallel_loop3A_600#1, %gather3A_638 : vector<16xf32>
    %xor3A_640 = arith.constant 2 : i32
    %xor3A_641 = vector.broadcast %xor3A_640 : i32 to vector<16xi32>
    %xor3A_642 = arith.xori %iota3A, %xor3A_641 : vector<16xi32>
    %broadcast_in_dim3A_643 = vector.shape_cast %xor3A_642 : vector<16xi32> to vector<16x1xi32>
    %gather3A_644 = vector.shape_cast %broadcast_in_dim3A_643 : vector<16x1xi32> to vector<16xi32>
    %gather3A_645 = tpu.dynamic_gather %min3A_639[%gather3A_644] in [0] : vector<16xf32>, vector<16xi32> -> vector<16xf32>
    %min3A_646 = arith.minimumf %min3A_639, %gather3A_645 : vector<16xf32>
    %xor3A_647 = arith.constant 4 : i32
    %xor3A_648 = vector.broadcast %xor3A_647 : i32 to vector<16xi32>
    %xor3A_649 = arith.xori %iota3A, %xor3A_648 : vector<16xi32>
    %broadcast_in_dim3A_650 = vector.shape_cast %xor3A_649 : vector<16xi32> to vector<16x1xi32>
    %gather3A_651 = vector.shape_cast %broadcast_in_dim3A_650 : vector<16x1xi32> to vector<16xi32>
    %gather3A_652 = tpu.dynamic_gather %min3A_646[%gather3A_651] in [0] : vector<16xf32>, vector<16xi32> -> vector<16xf32>
    %min3A_653 = arith.minimumf %min3A_646, %gather3A_652 : vector<16xf32>
    %xor3A_654 = arith.constant 8 : i32
    %xor3A_655 = vector.broadcast %xor3A_654 : i32 to vector<16xi32>
    %xor3A_656 = arith.xori %iota3A, %xor3A_655 : vector<16xi32>
    %broadcast_in_dim3A_657 = vector.shape_cast %xor3A_656 : vector<16xi32> to vector<16x1xi32>
    %gather3A_658 = vector.shape_cast %broadcast_in_dim3A_657 : vector<16x1xi32> to vector<16xi32>
    %gather3A_659 = tpu.dynamic_gather %min3A_653[%gather3A_658] in [0] : vector<16xf32>, vector<16xi32> -> vector<16xf32>
    %min3A_660 = arith.minimumf %min3A_653, %gather3A_659 : vector<16xf32>
    %eq3A_661 = arith.constant 7 : i32
    %eq3A_662 = vector.broadcast %eq3A_661 : i32 to vector<16xi32>
    %eq3A_663 = arith.cmpi eq, %iota3A, %eq3A_662 : vector<16xi32>
    %select_n3A_664 = arith.select %eq3A_663, %min3A_660, %select_n3A_632 : vector<16xi1>, vector<16xf32>
    %slice3A_665 = vector.extract_strided_slice %add3A_121 {offsets = [8], sizes = [1], strides = [1]} : vector<16xf32> to vector<1xf32>
    %squeeze3A_666 = vector.extract %slice3A_665[0] : f32 from vector<1xf32>
    %slice3A_667 = vector.extract_strided_slice %add3A_122 {offsets = [8], sizes = [1], strides = [1]} : vector<16xf32> to vector<1xf32>
    %squeeze3A_668 = vector.extract %slice3A_667[0] : f32 from vector<1xf32>
    %slice3A_669 = vector.extract_strided_slice %add3A_123 {offsets = [8], sizes = [1], strides = [1]} : vector<16xf32> to vector<1xf32>
    %squeeze3A_670 = vector.extract %slice3A_669[0] : f32 from vector<1xf32>
    %slice3A_671 = vector.extract_strided_slice %add3A_124 {offsets = [8], sizes = [1], strides = [1]} : vector<16xf32> to vector<1xf32>
    %squeeze3A_672 = vector.extract %slice3A_671[0] : f32 from vector<1xf32>
    %slice3A_673 = vector.extract_strided_slice %add3A_125 {offsets = [8], sizes = [1], strides = [1]} : vector<16xf32> to vector<1xf32>
    %squeeze3A_674 = vector.extract %slice3A_673[0] : f32 from vector<1xf32>
    %slice3A_675 = vector.extract_strided_slice %add3A_126 {offsets = [8], sizes = [1], strides = [1]} : vector<16xf32> to vector<1xf32>
    %squeeze3A_676 = vector.extract %slice3A_675[0] : f32 from vector<1xf32>
    %slice3A_677 = vector.extract_strided_slice %add3A_127 {offsets = [8], sizes = [1], strides = [1]} : vector<16xf32> to vector<1xf32>
    %squeeze3A_678 = vector.extract %slice3A_677[0] : f32 from vector<1xf32>
    %slice3A_679 = vector.extract_strided_slice %add3A_128 {offsets = [8], sizes = [1], strides = [1]} : vector<16xf32> to vector<1xf32>
    %squeeze3A_680 = vector.extract %slice3A_679[0] : f32 from vector<1xf32>
    %slice3A_681 = vector.extract_strided_slice %add3A_129 {offsets = [8], sizes = [1], strides = [1]} : vector<16xf32> to vector<1xf32>
    %squeeze3A_682 = vector.extract %slice3A_681[0] : f32 from vector<1xf32>
    %slice3A_683 = vector.extract_strided_slice %add3A_130 {offsets = [8], sizes = [1], strides = [1]} : vector<16xf32> to vector<1xf32>
    %squeeze3A_684 = vector.extract %slice3A_683[0] : f32 from vector<1xf32>
    %slice3A_685 = vector.extract_strided_slice %add3A_131 {offsets = [8], sizes = [1], strides = [1]} : vector<16xf32> to vector<1xf32>
    %squeeze3A_686 = vector.extract %slice3A_685[0] : f32 from vector<1xf32>
    %slice3A_687 = vector.extract_strided_slice %add3A_132 {offsets = [8], sizes = [1], strides = [1]} : vector<16xf32> to vector<1xf32>
    %squeeze3A_688 = vector.extract %slice3A_687[0] : f32 from vector<1xf32>
    %slice3A_689 = vector.extract_strided_slice %add3A_133 {offsets = [8], sizes = [1], strides = [1]} : vector<16xf32> to vector<1xf32>
    %squeeze3A_690 = vector.extract %slice3A_689[0] : f32 from vector<1xf32>
    %slice3A_691 = vector.extract_strided_slice %add3A_134 {offsets = [8], sizes = [1], strides = [1]} : vector<16xf32> to vector<1xf32>
    %squeeze3A_692 = vector.extract %slice3A_691[0] : f32 from vector<1xf32>
    %slice3A_693 = vector.extract_strided_slice %add3A_135 {offsets = [8], sizes = [1], strides = [1]} : vector<16xf32> to vector<1xf32>
    %squeeze3A_694 = vector.extract %slice3A_693[0] : f32 from vector<1xf32>
    %slice3A_695 = vector.extract_strided_slice %add3A_136 {offsets = [8], sizes = [1], strides = [1]} : vector<16xf32> to vector<1xf32>
    %squeeze3A_696 = vector.extract %slice3A_695[0] : f32 from vector<1xf32>
    %slice3A_697 = vector.extract_strided_slice %add3A_121 {offsets = [9], sizes = [1], strides = [1]} : vector<16xf32> to vector<1xf32>
    %squeeze3A_698 = vector.extract %slice3A_697[0] : f32 from vector<1xf32>
    %slice3A_699 = vector.extract_strided_slice %add3A_122 {offsets = [9], sizes = [1], strides = [1]} : vector<16xf32> to vector<1xf32>
    %squeeze3A_700 = vector.extract %slice3A_699[0] : f32 from vector<1xf32>
    %slice3A_701 = vector.extract_strided_slice %add3A_123 {offsets = [9], sizes = [1], strides = [1]} : vector<16xf32> to vector<1xf32>
    %squeeze3A_702 = vector.extract %slice3A_701[0] : f32 from vector<1xf32>
    %slice3A_703 = vector.extract_strided_slice %add3A_124 {offsets = [9], sizes = [1], strides = [1]} : vector<16xf32> to vector<1xf32>
    %squeeze3A_704 = vector.extract %slice3A_703[0] : f32 from vector<1xf32>
    %slice3A_705 = vector.extract_strided_slice %add3A_125 {offsets = [9], sizes = [1], strides = [1]} : vector<16xf32> to vector<1xf32>
    %squeeze3A_706 = vector.extract %slice3A_705[0] : f32 from vector<1xf32>
    %slice3A_707 = vector.extract_strided_slice %add3A_126 {offsets = [9], sizes = [1], strides = [1]} : vector<16xf32> to vector<1xf32>
    %squeeze3A_708 = vector.extract %slice3A_707[0] : f32 from vector<1xf32>
    %slice3A_709 = vector.extract_strided_slice %add3A_127 {offsets = [9], sizes = [1], strides = [1]} : vector<16xf32> to vector<1xf32>
    %squeeze3A_710 = vector.extract %slice3A_709[0] : f32 from vector<1xf32>
    %slice3A_711 = vector.extract_strided_slice %add3A_128 {offsets = [9], sizes = [1], strides = [1]} : vector<16xf32> to vector<1xf32>
    %squeeze3A_712 = vector.extract %slice3A_711[0] : f32 from vector<1xf32>
    %slice3A_713 = vector.extract_strided_slice %add3A_129 {offsets = [9], sizes = [1], strides = [1]} : vector<16xf32> to vector<1xf32>
    %squeeze3A_714 = vector.extract %slice3A_713[0] : f32 from vector<1xf32>
    %slice3A_715 = vector.extract_strided_slice %add3A_130 {offsets = [9], sizes = [1], strides = [1]} : vector<16xf32> to vector<1xf32>
    %squeeze3A_716 = vector.extract %slice3A_715[0] : f32 from vector<1xf32>
    %slice3A_717 = vector.extract_strided_slice %add3A_131 {offsets = [9], sizes = [1], strides = [1]} : vector<16xf32> to vector<1xf32>
    %squeeze3A_718 = vector.extract %slice3A_717[0] : f32 from vector<1xf32>
    %slice3A_719 = vector.extract_strided_slice %add3A_132 {offsets = [9], sizes = [1], strides = [1]} : vector<16xf32> to vector<1xf32>
    %squeeze3A_720 = vector.extract %slice3A_719[0] : f32 from vector<1xf32>
    %slice3A_721 = vector.extract_strided_slice %add3A_133 {offsets = [9], sizes = [1], strides = [1]} : vector<16xf32> to vector<1xf32>
    %squeeze3A_722 = vector.extract %slice3A_721[0] : f32 from vector<1xf32>
    %slice3A_723 = vector.extract_strided_slice %add3A_134 {offsets = [9], sizes = [1], strides = [1]} : vector<16xf32> to vector<1xf32>
    %squeeze3A_724 = vector.extract %slice3A_723[0] : f32 from vector<1xf32>
    %slice3A_725 = vector.extract_strided_slice %add3A_135 {offsets = [9], sizes = [1], strides = [1]} : vector<16xf32> to vector<1xf32>
    %squeeze3A_726 = vector.extract %slice3A_725[0] : f32 from vector<1xf32>
    %slice3A_727 = vector.extract_strided_slice %add3A_136 {offsets = [9], sizes = [1], strides = [1]} : vector<16xf32> to vector<1xf32>
    %squeeze3A_728 = vector.extract %slice3A_727[0] : f32 from vector<1xf32>
    %parallel_loop3A_729 = arith.constant 0 : i32
    %parallel_loop3A_730 = arith.constant 32 : i32
    %parallel_loop3A_731 = arith.constant 1 : i32
    %parallel_loop3A_732:2 = scf.for %parallel_loop3A_1203 = %parallel_loop3A_729 to %parallel_loop3A_730 step %parallel_loop3A_731 iter_args(%parallel_loop3A_1204 = %broadcast_in_dim3A_35, %parallel_loop3A_1205 = %broadcast_in_dim3A_35) -> (vector<16xf32>, vector<16xf32>)  : i32 {
      %parallel_loop3A_1206 = arith.constant 16 : i32
      %parallel_loop3A_1207 = arith.muli %parallel_loop3A_1203, %parallel_loop3A_1206 : i32
      %parallel_loop3A_1208 = arith.constant 0.000000e+00 : f32
      %parallel_loop3A_1209 = vector.broadcast %parallel_loop3A_1208 : f32 to vector<16xf32>
      %parallel_loop3A_1210 = arith.constant 0.000000e+00 : f32
      %parallel_loop3A_1211 = vector.broadcast %parallel_loop3A_1210 : f32 to vector<16xf32>
      %parallel_loop3A_1212 = arith.constant 0 : i32
      %parallel_loop3A_1213 = arith.index_cast %parallel_loop3A_1212 : i32 to index
      %parallel_loop3A_1214 = arith.index_cast %parallel_loop3A_1207 : i32 to index
      %parallel_loop3A_1215 = tpu.vector_load %arg4[%parallel_loop3A_1213, %parallel_loop3A_1214] {strides = array<i32>} : memref<16x512xf32, #tpu.memory_space<vmem>>, vector<1x16xf32>,
      %parallel_loop3A_1216 = vector.shape_cast %parallel_loop3A_1215 : vector<1x16xf32> to vector<16xf32>
      %parallel_loop3A_1217 = vector.broadcast %squeeze3A_666 : f32 to vector<16xf32>
      %parallel_loop3A_1218 = arith.mulf %parallel_loop3A_1217, %parallel_loop3A_1216 : vector<16xf32>
      %parallel_loop3A_1219 = arith.addf %parallel_loop3A_1209, %parallel_loop3A_1218 : vector<16xf32>
      %parallel_loop3A_1220 = vector.broadcast %squeeze3A_698 : f32 to vector<16xf32>
      %parallel_loop3A_1221 = arith.mulf %parallel_loop3A_1220, %parallel_loop3A_1216 : vector<16xf32>
      %parallel_loop3A_1222 = arith.addf %parallel_loop3A_1211, %parallel_loop3A_1221 : vector<16xf32>
      %parallel_loop3A_1223 = arith.constant 1 : i32
      %parallel_loop3A_1224 = arith.index_cast %parallel_loop3A_1223 : i32 to index
      %parallel_loop3A_1225 = arith.index_cast %parallel_loop3A_1207 : i32 to index
      %parallel_loop3A_1226 = tpu.vector_load %arg4[%parallel_loop3A_1224, %parallel_loop3A_1225] {strides = array<i32>} : memref<16x512xf32, #tpu.memory_space<vmem>>, vector<1x16xf32>,
      %parallel_loop3A_1227 = vector.shape_cast %parallel_loop3A_1226 : vector<1x16xf32> to vector<16xf32>
      %parallel_loop3A_1228 = vector.broadcast %squeeze3A_668 : f32 to vector<16xf32>
      %parallel_loop3A_1229 = arith.mulf %parallel_loop3A_1228, %parallel_loop3A_1227 : vector<16xf32>
      %parallel_loop3A_1230 = arith.addf %parallel_loop3A_1219, %parallel_loop3A_1229 : vector<16xf32>
      %parallel_loop3A_1231 = vector.broadcast %squeeze3A_700 : f32 to vector<16xf32>
      %parallel_loop3A_1232 = arith.mulf %parallel_loop3A_1231, %parallel_loop3A_1227 : vector<16xf32>
      %parallel_loop3A_1233 = arith.addf %parallel_loop3A_1222, %parallel_loop3A_1232 : vector<16xf32>
      %parallel_loop3A_1234 = arith.constant 2 : i32
      %parallel_loop3A_1235 = arith.index_cast %parallel_loop3A_1234 : i32 to index
      %parallel_loop3A_1236 = arith.index_cast %parallel_loop3A_1207 : i32 to index
      %parallel_loop3A_1237 = tpu.vector_load %arg4[%parallel_loop3A_1235, %parallel_loop3A_1236] {strides = array<i32>} : memref<16x512xf32, #tpu.memory_space<vmem>>, vector<1x16xf32>,
      %parallel_loop3A_1238 = vector.shape_cast %parallel_loop3A_1237 : vector<1x16xf32> to vector<16xf32>
      %parallel_loop3A_1239 = vector.broadcast %squeeze3A_670 : f32 to vector<16xf32>
      %parallel_loop3A_1240 = arith.mulf %parallel_loop3A_1239, %parallel_loop3A_1238 : vector<16xf32>
      %parallel_loop3A_1241 = arith.addf %parallel_loop3A_1230, %parallel_loop3A_1240 : vector<16xf32>
      %parallel_loop3A_1242 = vector.broadcast %squeeze3A_702 : f32 to vector<16xf32>
      %parallel_loop3A_1243 = arith.mulf %parallel_loop3A_1242, %parallel_loop3A_1238 : vector<16xf32>
      %parallel_loop3A_1244 = arith.addf %parallel_loop3A_1233, %parallel_loop3A_1243 : vector<16xf32>
      %parallel_loop3A_1245 = arith.constant 3 : i32
      %parallel_loop3A_1246 = arith.index_cast %parallel_loop3A_1245 : i32 to index
      %parallel_loop3A_1247 = arith.index_cast %parallel_loop3A_1207 : i32 to index
      %parallel_loop3A_1248 = tpu.vector_load %arg4[%parallel_loop3A_1246, %parallel_loop3A_1247] {strides = array<i32>} : memref<16x512xf32, #tpu.memory_space<vmem>>, vector<1x16xf32>,
      %parallel_loop3A_1249 = vector.shape_cast %parallel_loop3A_1248 : vector<1x16xf32> to vector<16xf32>
      %parallel_loop3A_1250 = vector.broadcast %squeeze3A_672 : f32 to vector<16xf32>
      %parallel_loop3A_1251 = arith.mulf %parallel_loop3A_1250, %parallel_loop3A_1249 : vector<16xf32>
      %parallel_loop3A_1252 = arith.addf %parallel_loop3A_1241, %parallel_loop3A_1251 : vector<16xf32>
      %parallel_loop3A_1253 = vector.broadcast %squeeze3A_704 : f32 to vector<16xf32>
      %parallel_loop3A_1254 = arith.mulf %parallel_loop3A_1253, %parallel_loop3A_1249 : vector<16xf32>
      %parallel_loop3A_1255 = arith.addf %parallel_loop3A_1244, %parallel_loop3A_1254 : vector<16xf32>
      %parallel_loop3A_1256 = arith.constant 4 : i32
      %parallel_loop3A_1257 = arith.index_cast %parallel_loop3A_1256 : i32 to index
      %parallel_loop3A_1258 = arith.index_cast %parallel_loop3A_1207 : i32 to index
      %parallel_loop3A_1259 = tpu.vector_load %arg4[%parallel_loop3A_1257, %parallel_loop3A_1258] {strides = array<i32>} : memref<16x512xf32, #tpu.memory_space<vmem>>, vector<1x16xf32>,
      %parallel_loop3A_1260 = vector.shape_cast %parallel_loop3A_1259 : vector<1x16xf32> to vector<16xf32>
      %parallel_loop3A_1261 = vector.broadcast %squeeze3A_674 : f32 to vector<16xf32>
      %parallel_loop3A_1262 = arith.mulf %parallel_loop3A_1261, %parallel_loop3A_1260 : vector<16xf32>
      %parallel_loop3A_1263 = arith.addf %parallel_loop3A_1252, %parallel_loop3A_1262 : vector<16xf32>
      %parallel_loop3A_1264 = vector.broadcast %squeeze3A_706 : f32 to vector<16xf32>
      %parallel_loop3A_1265 = arith.mulf %parallel_loop3A_1264, %parallel_loop3A_1260 : vector<16xf32>
      %parallel_loop3A_1266 = arith.addf %parallel_loop3A_1255, %parallel_loop3A_1265 : vector<16xf32>
      %parallel_loop3A_1267 = arith.constant 5 : i32
      %parallel_loop3A_1268 = arith.index_cast %parallel_loop3A_1267 : i32 to index
      %parallel_loop3A_1269 = arith.index_cast %parallel_loop3A_1207 : i32 to index
      %parallel_loop3A_1270 = tpu.vector_load %arg4[%parallel_loop3A_1268, %parallel_loop3A_1269] {strides = array<i32>} : memref<16x512xf32, #tpu.memory_space<vmem>>, vector<1x16xf32>,
      %parallel_loop3A_1271 = vector.shape_cast %parallel_loop3A_1270 : vector<1x16xf32> to vector<16xf32>
      %parallel_loop3A_1272 = vector.broadcast %squeeze3A_676 : f32 to vector<16xf32>
      %parallel_loop3A_1273 = arith.mulf %parallel_loop3A_1272, %parallel_loop3A_1271 : vector<16xf32>
      %parallel_loop3A_1274 = arith.addf %parallel_loop3A_1263, %parallel_loop3A_1273 : vector<16xf32>
      %parallel_loop3A_1275 = vector.broadcast %squeeze3A_708 : f32 to vector<16xf32>
      %parallel_loop3A_1276 = arith.mulf %parallel_loop3A_1275, %parallel_loop3A_1271 : vector<16xf32>
      %parallel_loop3A_1277 = arith.addf %parallel_loop3A_1266, %parallel_loop3A_1276 : vector<16xf32>
      %parallel_loop3A_1278 = arith.constant 6 : i32
      %parallel_loop3A_1279 = arith.index_cast %parallel_loop3A_1278 : i32 to index
      %parallel_loop3A_1280 = arith.index_cast %parallel_loop3A_1207 : i32 to index
      %parallel_loop3A_1281 = tpu.vector_load %arg4[%parallel_loop3A_1279, %parallel_loop3A_1280] {strides = array<i32>} : memref<16x512xf32, #tpu.memory_space<vmem>>, vector<1x16xf32>,
      %parallel_loop3A_1282 = vector.shape_cast %parallel_loop3A_1281 : vector<1x16xf32> to vector<16xf32>
      %parallel_loop3A_1283 = vector.broadcast %squeeze3A_678 : f32 to vector<16xf32>
      %parallel_loop3A_1284 = arith.mulf %parallel_loop3A_1283, %parallel_loop3A_1282 : vector<16xf32>
      %parallel_loop3A_1285 = arith.addf %parallel_loop3A_1274, %parallel_loop3A_1284 : vector<16xf32>
      %parallel_loop3A_1286 = vector.broadcast %squeeze3A_710 : f32 to vector<16xf32>
      %parallel_loop3A_1287 = arith.mulf %parallel_loop3A_1286, %parallel_loop3A_1282 : vector<16xf32>
      %parallel_loop3A_1288 = arith.addf %parallel_loop3A_1277, %parallel_loop3A_1287 : vector<16xf32>
      %parallel_loop3A_1289 = arith.constant 7 : i32
      %parallel_loop3A_1290 = arith.index_cast %parallel_loop3A_1289 : i32 to index
      %parallel_loop3A_1291 = arith.index_cast %parallel_loop3A_1207 : i32 to index
      %parallel_loop3A_1292 = tpu.vector_load %arg4[%parallel_loop3A_1290, %parallel_loop3A_1291] {strides = array<i32>} : memref<16x512xf32, #tpu.memory_space<vmem>>, vector<1x16xf32>,
      %parallel_loop3A_1293 = vector.shape_cast %parallel_loop3A_1292 : vector<1x16xf32> to vector<16xf32>
      %parallel_loop3A_1294 = vector.broadcast %squeeze3A_680 : f32 to vector<16xf32>
      %parallel_loop3A_1295 = arith.mulf %parallel_loop3A_1294, %parallel_loop3A_1293 : vector<16xf32>
      %parallel_loop3A_1296 = arith.addf %parallel_loop3A_1285, %parallel_loop3A_1295 : vector<16xf32>
      %parallel_loop3A_1297 = vector.broadcast %squeeze3A_712 : f32 to vector<16xf32>
      %parallel_loop3A_1298 = arith.mulf %parallel_loop3A_1297, %parallel_loop3A_1293 : vector<16xf32>
      %parallel_loop3A_1299 = arith.addf %parallel_loop3A_1288, %parallel_loop3A_1298 : vector<16xf32>
      %parallel_loop3A_1300 = arith.constant 8 : i32
      %parallel_loop3A_1301 = arith.index_cast %parallel_loop3A_1300 : i32 to index
      %parallel_loop3A_1302 = arith.index_cast %parallel_loop3A_1207 : i32 to index
      %parallel_loop3A_1303 = tpu.vector_load %arg4[%parallel_loop3A_1301, %parallel_loop3A_1302] {strides = array<i32>} : memref<16x512xf32, #tpu.memory_space<vmem>>, vector<1x16xf32>,
      %parallel_loop3A_1304 = vector.shape_cast %parallel_loop3A_1303 : vector<1x16xf32> to vector<16xf32>
      %parallel_loop3A_1305 = vector.broadcast %squeeze3A_682 : f32 to vector<16xf32>
      %parallel_loop3A_1306 = arith.mulf %parallel_loop3A_1305, %parallel_loop3A_1304 : vector<16xf32>
      %parallel_loop3A_1307 = arith.addf %parallel_loop3A_1296, %parallel_loop3A_1306 : vector<16xf32>
      %parallel_loop3A_1308 = vector.broadcast %squeeze3A_714 : f32 to vector<16xf32>
      %parallel_loop3A_1309 = arith.mulf %parallel_loop3A_1308, %parallel_loop3A_1304 : vector<16xf32>
      %parallel_loop3A_1310 = arith.addf %parallel_loop3A_1299, %parallel_loop3A_1309 : vector<16xf32>
      %parallel_loop3A_1311 = arith.constant 9 : i32
      %parallel_loop3A_1312 = arith.index_cast %parallel_loop3A_1311 : i32 to index
      %parallel_loop3A_1313 = arith.index_cast %parallel_loop3A_1207 : i32 to index
      %parallel_loop3A_1314 = tpu.vector_load %arg4[%parallel_loop3A_1312, %parallel_loop3A_1313] {strides = array<i32>} : memref<16x512xf32, #tpu.memory_space<vmem>>, vector<1x16xf32>,
      %parallel_loop3A_1315 = vector.shape_cast %parallel_loop3A_1314 : vector<1x16xf32> to vector<16xf32>
      %parallel_loop3A_1316 = vector.broadcast %squeeze3A_684 : f32 to vector<16xf32>
      %parallel_loop3A_1317 = arith.mulf %parallel_loop3A_1316, %parallel_loop3A_1315 : vector<16xf32>
      %parallel_loop3A_1318 = arith.addf %parallel_loop3A_1307, %parallel_loop3A_1317 : vector<16xf32>
      %parallel_loop3A_1319 = vector.broadcast %squeeze3A_716 : f32 to vector<16xf32>
      %parallel_loop3A_1320 = arith.mulf %parallel_loop3A_1319, %parallel_loop3A_1315 : vector<16xf32>
      %parallel_loop3A_1321 = arith.addf %parallel_loop3A_1310, %parallel_loop3A_1320 : vector<16xf32>
      %parallel_loop3A_1322 = arith.constant 10 : i32
      %parallel_loop3A_1323 = arith.index_cast %parallel_loop3A_1322 : i32 to index
      %parallel_loop3A_1324 = arith.index_cast %parallel_loop3A_1207 : i32 to index
      %parallel_loop3A_1325 = tpu.vector_load %arg4[%parallel_loop3A_1323, %parallel_loop3A_1324] {strides = array<i32>} : memref<16x512xf32, #tpu.memory_space<vmem>>, vector<1x16xf32>,
      %parallel_loop3A_1326 = vector.shape_cast %parallel_loop3A_1325 : vector<1x16xf32> to vector<16xf32>
      %parallel_loop3A_1327 = vector.broadcast %squeeze3A_686 : f32 to vector<16xf32>
      %parallel_loop3A_1328 = arith.mulf %parallel_loop3A_1327, %parallel_loop3A_1326 : vector<16xf32>
      %parallel_loop3A_1329 = arith.addf %parallel_loop3A_1318, %parallel_loop3A_1328 : vector<16xf32>
      %parallel_loop3A_1330 = vector.broadcast %squeeze3A_718 : f32 to vector<16xf32>
      %parallel_loop3A_1331 = arith.mulf %parallel_loop3A_1330, %parallel_loop3A_1326 : vector<16xf32>
      %parallel_loop3A_1332 = arith.addf %parallel_loop3A_1321, %parallel_loop3A_1331 : vector<16xf32>
      %parallel_loop3A_1333 = arith.constant 11 : i32
      %parallel_loop3A_1334 = arith.index_cast %parallel_loop3A_1333 : i32 to index
      %parallel_loop3A_1335 = arith.index_cast %parallel_loop3A_1207 : i32 to index
      %parallel_loop3A_1336 = tpu.vector_load %arg4[%parallel_loop3A_1334, %parallel_loop3A_1335] {strides = array<i32>} : memref<16x512xf32, #tpu.memory_space<vmem>>, vector<1x16xf32>,
      %parallel_loop3A_1337 = vector.shape_cast %parallel_loop3A_1336 : vector<1x16xf32> to vector<16xf32>
      %parallel_loop3A_1338 = vector.broadcast %squeeze3A_688 : f32 to vector<16xf32>
      %parallel_loop3A_1339 = arith.mulf %parallel_loop3A_1338, %parallel_loop3A_1337 : vector<16xf32>
      %parallel_loop3A_1340 = arith.addf %parallel_loop3A_1329, %parallel_loop3A_1339 : vector<16xf32>
      %parallel_loop3A_1341 = vector.broadcast %squeeze3A_720 : f32 to vector<16xf32>
      %parallel_loop3A_1342 = arith.mulf %parallel_loop3A_1341, %parallel_loop3A_1337 : vector<16xf32>
      %parallel_loop3A_1343 = arith.addf %parallel_loop3A_1332, %parallel_loop3A_1342 : vector<16xf32>
      %parallel_loop3A_1344 = arith.constant 12 : i32
      %parallel_loop3A_1345 = arith.index_cast %parallel_loop3A_1344 : i32 to index
      %parallel_loop3A_1346 = arith.index_cast %parallel_loop3A_1207 : i32 to index
      %parallel_loop3A_1347 = tpu.vector_load %arg4[%parallel_loop3A_1345, %parallel_loop3A_1346] {strides = array<i32>} : memref<16x512xf32, #tpu.memory_space<vmem>>, vector<1x16xf32>,
      %parallel_loop3A_1348 = vector.shape_cast %parallel_loop3A_1347 : vector<1x16xf32> to vector<16xf32>
      %parallel_loop3A_1349 = vector.broadcast %squeeze3A_690 : f32 to vector<16xf32>
      %parallel_loop3A_1350 = arith.mulf %parallel_loop3A_1349, %parallel_loop3A_1348 : vector<16xf32>
      %parallel_loop3A_1351 = arith.addf %parallel_loop3A_1340, %parallel_loop3A_1350 : vector<16xf32>
      %parallel_loop3A_1352 = vector.broadcast %squeeze3A_722 : f32 to vector<16xf32>
      %parallel_loop3A_1353 = arith.mulf %parallel_loop3A_1352, %parallel_loop3A_1348 : vector<16xf32>
      %parallel_loop3A_1354 = arith.addf %parallel_loop3A_1343, %parallel_loop3A_1353 : vector<16xf32>
      %parallel_loop3A_1355 = arith.constant 13 : i32
      %parallel_loop3A_1356 = arith.index_cast %parallel_loop3A_1355 : i32 to index
      %parallel_loop3A_1357 = arith.index_cast %parallel_loop3A_1207 : i32 to index
      %parallel_loop3A_1358 = tpu.vector_load %arg4[%parallel_loop3A_1356, %parallel_loop3A_1357] {strides = array<i32>} : memref<16x512xf32, #tpu.memory_space<vmem>>, vector<1x16xf32>,
      %parallel_loop3A_1359 = vector.shape_cast %parallel_loop3A_1358 : vector<1x16xf32> to vector<16xf32>
      %parallel_loop3A_1360 = vector.broadcast %squeeze3A_692 : f32 to vector<16xf32>
      %parallel_loop3A_1361 = arith.mulf %parallel_loop3A_1360, %parallel_loop3A_1359 : vector<16xf32>
      %parallel_loop3A_1362 = arith.addf %parallel_loop3A_1351, %parallel_loop3A_1361 : vector<16xf32>
      %parallel_loop3A_1363 = vector.broadcast %squeeze3A_724 : f32 to vector<16xf32>
      %parallel_loop3A_1364 = arith.mulf %parallel_loop3A_1363, %parallel_loop3A_1359 : vector<16xf32>
      %parallel_loop3A_1365 = arith.addf %parallel_loop3A_1354, %parallel_loop3A_1364 : vector<16xf32>
      %parallel_loop3A_1366 = arith.constant 14 : i32
      %parallel_loop3A_1367 = arith.index_cast %parallel_loop3A_1366 : i32 to index
      %parallel_loop3A_1368 = arith.index_cast %parallel_loop3A_1207 : i32 to index
      %parallel_loop3A_1369 = tpu.vector_load %arg4[%parallel_loop3A_1367, %parallel_loop3A_1368] {strides = array<i32>} : memref<16x512xf32, #tpu.memory_space<vmem>>, vector<1x16xf32>,
      %parallel_loop3A_1370 = vector.shape_cast %parallel_loop3A_1369 : vector<1x16xf32> to vector<16xf32>
      %parallel_loop3A_1371 = vector.broadcast %squeeze3A_694 : f32 to vector<16xf32>
      %parallel_loop3A_1372 = arith.mulf %parallel_loop3A_1371, %parallel_loop3A_1370 : vector<16xf32>
      %parallel_loop3A_1373 = arith.addf %parallel_loop3A_1362, %parallel_loop3A_1372 : vector<16xf32>
      %parallel_loop3A_1374 = vector.broadcast %squeeze3A_726 : f32 to vector<16xf32>
      %parallel_loop3A_1375 = arith.mulf %parallel_loop3A_1374, %parallel_loop3A_1370 : vector<16xf32>
      %parallel_loop3A_1376 = arith.addf %parallel_loop3A_1365, %parallel_loop3A_1375 : vector<16xf32>
      %parallel_loop3A_1377 = arith.constant 15 : i32
      %parallel_loop3A_1378 = arith.index_cast %parallel_loop3A_1377 : i32 to index
      %parallel_loop3A_1379 = arith.index_cast %parallel_loop3A_1207 : i32 to index
      %parallel_loop3A_1380 = tpu.vector_load %arg4[%parallel_loop3A_1378, %parallel_loop3A_1379] {strides = array<i32>} : memref<16x512xf32, #tpu.memory_space<vmem>>, vector<1x16xf32>,
      %parallel_loop3A_1381 = vector.shape_cast %parallel_loop3A_1380 : vector<1x16xf32> to vector<16xf32>
      %parallel_loop3A_1382 = vector.broadcast %squeeze3A_696 : f32 to vector<16xf32>
      %parallel_loop3A_1383 = arith.mulf %parallel_loop3A_1382, %parallel_loop3A_1381 : vector<16xf32>
      %parallel_loop3A_1384 = arith.addf %parallel_loop3A_1373, %parallel_loop3A_1383 : vector<16xf32>
      %parallel_loop3A_1385 = vector.broadcast %squeeze3A_728 : f32 to vector<16xf32>
      %parallel_loop3A_1386 = arith.mulf %parallel_loop3A_1385, %parallel_loop3A_1381 : vector<16xf32>
      %parallel_loop3A_1387 = arith.addf %parallel_loop3A_1376, %parallel_loop3A_1386 : vector<16xf32>
      %parallel_loop3A_1388 = arith.index_cast %parallel_loop3A_1207 : i32 to index
      %parallel_loop3A_1389 = tpu.vector_load %arg5[%parallel_loop3A_1388] {strides = array<i32>} : memref<512xf32, #tpu.memory_space<vmem>>, vector<16xf32>,
      %parallel_loop3A_1390 = vector.shape_cast %parallel_loop3A_1389 : vector<16xf32> to vector<16xf32>
      %parallel_loop3A_1391 = vector.broadcast %parallel_loop3A_1207 : i32 to vector<16xi32>
      %parallel_loop3A_1392 = arith.addi %iota3A, %parallel_loop3A_1391 : vector<16xi32>
      %parallel_loop3A_1393 = arith.subf %parallel_loop3A_1390, %parallel_loop3A_1384 : vector<16xf32>
      %parallel_loop3A_1394 = arith.constant 8 : i32
      %parallel_loop3A_1395 = arith.addi %add3A_41, %parallel_loop3A_1394 : i32
      %parallel_loop3A_1396 = arith.constant 0 : i32
      %parallel_loop3A_1397 = arith.addi %parallel_loop3A_1395, %parallel_loop3A_1396 : i32
      %parallel_loop3A_1398 = vector.broadcast %parallel_loop3A_1397 : i32 to vector<16xi32>
      %parallel_loop3A_1399 = arith.cmpi eq, %parallel_loop3A_1392, %parallel_loop3A_1398 : vector<16xi32>
      %parallel_loop3A_1400 = arith.select %parallel_loop3A_1399, %broadcast_in_dim3A_35, %parallel_loop3A_1393 : vector<16xi1>, vector<16xf32>
      %parallel_loop3A_1401 = arith.minimumf %parallel_loop3A_1204, %parallel_loop3A_1400 : vector<16xf32>
      %parallel_loop3A_1402 = arith.subf %parallel_loop3A_1390, %parallel_loop3A_1387 : vector<16xf32>
      %parallel_loop3A_1403 = arith.constant 8 : i32
      %parallel_loop3A_1404 = arith.addi %add3A_41, %parallel_loop3A_1403 : i32
      %parallel_loop3A_1405 = arith.constant 1 : i32
      %parallel_loop3A_1406 = arith.addi %parallel_loop3A_1404, %parallel_loop3A_1405 : i32
      %parallel_loop3A_1407 = vector.broadcast %parallel_loop3A_1406 : i32 to vector<16xi32>
      %parallel_loop3A_1408 = arith.cmpi eq, %parallel_loop3A_1392, %parallel_loop3A_1407 : vector<16xi32>
      %parallel_loop3A_1409 = arith.select %parallel_loop3A_1408, %broadcast_in_dim3A_35, %parallel_loop3A_1402 : vector<16xi1>, vector<16xf32>
      %parallel_loop3A_1410 = arith.minimumf %parallel_loop3A_1205, %parallel_loop3A_1409 : vector<16xf32>
      scf.yield %parallel_loop3A_1401, %parallel_loop3A_1410 : vector<16xf32>, vector<16xf32>
    } {sc.loop_unroll_factor = 4 : i64, sc.parallel_access}
    %xor3A_733 = arith.constant 1 : i32
    %xor3A_734 = vector.broadcast %xor3A_733 : i32 to vector<16xi32>
    %xor3A_735 = arith.xori %iota3A, %xor3A_734 : vector<16xi32>
    %broadcast_in_dim3A_736 = vector.shape_cast %xor3A_735 : vector<16xi32> to vector<16x1xi32>
    %gather3A_737 = vector.shape_cast %broadcast_in_dim3A_736 : vector<16x1xi32> to vector<16xi32>
    %gather3A_738 = tpu.dynamic_gather %parallel_loop3A_732#0[%gather3A_737] in [0] : vector<16xf32>, vector<16xi32> -> vector<16xf32>
    %min3A_739 = arith.minimumf %parallel_loop3A_732#0, %gather3A_738 : vector<16xf32>
    %xor3A_740 = arith.constant 2 : i32
    %xor3A_741 = vector.broadcast %xor3A_740 : i32 to vector<16xi32>
    %xor3A_742 = arith.xori %iota3A, %xor3A_741 : vector<16xi32>
    %broadcast_in_dim3A_743 = vector.shape_cast %xor3A_742 : vector<16xi32> to vector<16x1xi32>
    %gather3A_744 = vector.shape_cast %broadcast_in_dim3A_743 : vector<16x1xi32> to vector<16xi32>
    %gather3A_745 = tpu.dynamic_gather %min3A_739[%gather3A_744] in [0] : vector<16xf32>, vector<16xi32> -> vector<16xf32>
    %min3A_746 = arith.minimumf %min3A_739, %gather3A_745 : vector<16xf32>
    %xor3A_747 = arith.constant 4 : i32
    %xor3A_748 = vector.broadcast %xor3A_747 : i32 to vector<16xi32>
    %xor3A_749 = arith.xori %iota3A, %xor3A_748 : vector<16xi32>
    %broadcast_in_dim3A_750 = vector.shape_cast %xor3A_749 : vector<16xi32> to vector<16x1xi32>
    %gather3A_751 = vector.shape_cast %broadcast_in_dim3A_750 : vector<16x1xi32> to vector<16xi32>
    %gather3A_752 = tpu.dynamic_gather %min3A_746[%gather3A_751] in [0] : vector<16xf32>, vector<16xi32> -> vector<16xf32>
    %min3A_753 = arith.minimumf %min3A_746, %gather3A_752 : vector<16xf32>
    %xor3A_754 = arith.constant 8 : i32
    %xor3A_755 = vector.broadcast %xor3A_754 : i32 to vector<16xi32>
    %xor3A_756 = arith.xori %iota3A, %xor3A_755 : vector<16xi32>
    %broadcast_in_dim3A_757 = vector.shape_cast %xor3A_756 : vector<16xi32> to vector<16x1xi32>
    %gather3A_758 = vector.shape_cast %broadcast_in_dim3A_757 : vector<16x1xi32> to vector<16xi32>
    %gather3A_759 = tpu.dynamic_gather %min3A_753[%gather3A_758] in [0] : vector<16xf32>, vector<16xi32> -> vector<16xf32>
    %min3A_760 = arith.minimumf %min3A_753, %gather3A_759 : vector<16xf32>
    %eq3A_761 = arith.constant 8 : i32
    %eq3A_762 = vector.broadcast %eq3A_761 : i32 to vector<16xi32>
    %eq3A_763 = arith.cmpi eq, %iota3A, %eq3A_762 : vector<16xi32>
    %select_n3A_764 = arith.select %eq3A_763, %min3A_760, %select_n3A_664 : vector<16xi1>, vector<16xf32>
    %xor3A_765 = arith.constant 1 : i32
    %xor3A_766 = vector.broadcast %xor3A_765 : i32 to vector<16xi32>
    %xor3A_767 = arith.xori %iota3A, %xor3A_766 : vector<16xi32>
    %broadcast_in_dim3A_768 = vector.shape_cast %xor3A_767 : vector<16xi32> to vector<16x1xi32>
    %gather3A_769 = vector.shape_cast %broadcast_in_dim3A_768 : vector<16x1xi32> to vector<16xi32>
    %gather3A_770 = tpu.dynamic_gather %parallel_loop3A_732#1[%gather3A_769] in [0] : vector<16xf32>, vector<16xi32> -> vector<16xf32>
    %min3A_771 = arith.minimumf %parallel_loop3A_732#1, %gather3A_770 : vector<16xf32>
    %xor3A_772 = arith.constant 2 : i32
    %xor3A_773 = vector.broadcast %xor3A_772 : i32 to vector<16xi32>
    %xor3A_774 = arith.xori %iota3A, %xor3A_773 : vector<16xi32>
    %broadcast_in_dim3A_775 = vector.shape_cast %xor3A_774 : vector<16xi32> to vector<16x1xi32>
    %gather3A_776 = vector.shape_cast %broadcast_in_dim3A_775 : vector<16x1xi32> to vector<16xi32>
    %gather3A_777 = tpu.dynamic_gather %min3A_771[%gather3A_776] in [0] : vector<16xf32>, vector<16xi32> -> vector<16xf32>
    %min3A_778 = arith.minimumf %min3A_771, %gather3A_777 : vector<16xf32>
    %xor3A_779 = arith.constant 4 : i32
    %xor3A_780 = vector.broadcast %xor3A_779 : i32 to vector<16xi32>
    %xor3A_781 = arith.xori %iota3A, %xor3A_780 : vector<16xi32>
    %broadcast_in_dim3A_782 = vector.shape_cast %xor3A_781 : vector<16xi32> to vector<16x1xi32>
    %gather3A_783 = vector.shape_cast %broadcast_in_dim3A_782 : vector<16x1xi32> to vector<16xi32>
    %gather3A_784 = tpu.dynamic_gather %min3A_778[%gather3A_783] in [0] : vector<16xf32>, vector<16xi32> -> vector<16xf32>
    %min3A_785 = arith.minimumf %min3A_778, %gather3A_784 : vector<16xf32>
    %xor3A_786 = arith.constant 8 : i32
    %xor3A_787 = vector.broadcast %xor3A_786 : i32 to vector<16xi32>
    %xor3A_788 = arith.xori %iota3A, %xor3A_787 : vector<16xi32>
    %broadcast_in_dim3A_789 = vector.shape_cast %xor3A_788 : vector<16xi32> to vector<16x1xi32>
    %gather3A_790 = vector.shape_cast %broadcast_in_dim3A_789 : vector<16x1xi32> to vector<16xi32>
    %gather3A_791 = tpu.dynamic_gather %min3A_785[%gather3A_790] in [0] : vector<16xf32>, vector<16xi32> -> vector<16xf32>
    %min3A_792 = arith.minimumf %min3A_785, %gather3A_791 : vector<16xf32>
    %eq3A_793 = arith.constant 9 : i32
    %eq3A_794 = vector.broadcast %eq3A_793 : i32 to vector<16xi32>
    %eq3A_795 = arith.cmpi eq, %iota3A, %eq3A_794 : vector<16xi32>
    %select_n3A_796 = arith.select %eq3A_795, %min3A_792, %select_n3A_764 : vector<16xi1>, vector<16xf32>
    %slice3A_797 = vector.extract_strided_slice %add3A_121 {offsets = [10], sizes = [1], strides = [1]} : vector<16xf32> to vector<1xf32>
    %squeeze3A_798 = vector.extract %slice3A_797[0] : f32 from vector<1xf32>
    %slice3A_799 = vector.extract_strided_slice %add3A_122 {offsets = [10], sizes = [1], strides = [1]} : vector<16xf32> to vector<1xf32>
    %squeeze3A_800 = vector.extract %slice3A_799[0] : f32 from vector<1xf32>
    %slice3A_801 = vector.extract_strided_slice %add3A_123 {offsets = [10], sizes = [1], strides = [1]} : vector<16xf32> to vector<1xf32>
    %squeeze3A_802 = vector.extract %slice3A_801[0] : f32 from vector<1xf32>
    %slice3A_803 = vector.extract_strided_slice %add3A_124 {offsets = [10], sizes = [1], strides = [1]} : vector<16xf32> to vector<1xf32>
    %squeeze3A_804 = vector.extract %slice3A_803[0] : f32 from vector<1xf32>
    %slice3A_805 = vector.extract_strided_slice %add3A_125 {offsets = [10], sizes = [1], strides = [1]} : vector<16xf32> to vector<1xf32>
    %squeeze3A_806 = vector.extract %slice3A_805[0] : f32 from vector<1xf32>
    %slice3A_807 = vector.extract_strided_slice %add3A_126 {offsets = [10], sizes = [1], strides = [1]} : vector<16xf32> to vector<1xf32>
    %squeeze3A_808 = vector.extract %slice3A_807[0] : f32 from vector<1xf32>
    %slice3A_809 = vector.extract_strided_slice %add3A_127 {offsets = [10], sizes = [1], strides = [1]} : vector<16xf32> to vector<1xf32>
    %squeeze3A_810 = vector.extract %slice3A_809[0] : f32 from vector<1xf32>
    %slice3A_811 = vector.extract_strided_slice %add3A_128 {offsets = [10], sizes = [1], strides = [1]} : vector<16xf32> to vector<1xf32>
    %squeeze3A_812 = vector.extract %slice3A_811[0] : f32 from vector<1xf32>
    %slice3A_813 = vector.extract_strided_slice %add3A_129 {offsets = [10], sizes = [1], strides = [1]} : vector<16xf32> to vector<1xf32>
    %squeeze3A_814 = vector.extract %slice3A_813[0] : f32 from vector<1xf32>
    %slice3A_815 = vector.extract_strided_slice %add3A_130 {offsets = [10], sizes = [1], strides = [1]} : vector<16xf32> to vector<1xf32>
    %squeeze3A_816 = vector.extract %slice3A_815[0] : f32 from vector<1xf32>
    %slice3A_817 = vector.extract_strided_slice %add3A_131 {offsets = [10], sizes = [1], strides = [1]} : vector<16xf32> to vector<1xf32>
    %squeeze3A_818 = vector.extract %slice3A_817[0] : f32 from vector<1xf32>
    %slice3A_819 = vector.extract_strided_slice %add3A_132 {offsets = [10], sizes = [1], strides = [1]} : vector<16xf32> to vector<1xf32>
    %squeeze3A_820 = vector.extract %slice3A_819[0] : f32 from vector<1xf32>
    %slice3A_821 = vector.extract_strided_slice %add3A_133 {offsets = [10], sizes = [1], strides = [1]} : vector<16xf32> to vector<1xf32>
    %squeeze3A_822 = vector.extract %slice3A_821[0] : f32 from vector<1xf32>
    %slice3A_823 = vector.extract_strided_slice %add3A_134 {offsets = [10], sizes = [1], strides = [1]} : vector<16xf32> to vector<1xf32>
    %squeeze3A_824 = vector.extract %slice3A_823[0] : f32 from vector<1xf32>
    %slice3A_825 = vector.extract_strided_slice %add3A_135 {offsets = [10], sizes = [1], strides = [1]} : vector<16xf32> to vector<1xf32>
    %squeeze3A_826 = vector.extract %slice3A_825[0] : f32 from vector<1xf32>
    %slice3A_827 = vector.extract_strided_slice %add3A_136 {offsets = [10], sizes = [1], strides = [1]} : vector<16xf32> to vector<1xf32>
    %squeeze3A_828 = vector.extract %slice3A_827[0] : f32 from vector<1xf32>
    %slice3A_829 = vector.extract_strided_slice %add3A_121 {offsets = [11], sizes = [1], strides = [1]} : vector<16xf32> to vector<1xf32>
    %squeeze3A_830 = vector.extract %slice3A_829[0] : f32 from vector<1xf32>
    %slice3A_831 = vector.extract_strided_slice %add3A_122 {offsets = [11], sizes = [1], strides = [1]} : vector<16xf32> to vector<1xf32>
    %squeeze3A_832 = vector.extract %slice3A_831[0] : f32 from vector<1xf32>
    %slice3A_833 = vector.extract_strided_slice %add3A_123 {offsets = [11], sizes = [1], strides = [1]} : vector<16xf32> to vector<1xf32>
    %squeeze3A_834 = vector.extract %slice3A_833[0] : f32 from vector<1xf32>
    %slice3A_835 = vector.extract_strided_slice %add3A_124 {offsets = [11], sizes = [1], strides = [1]} : vector<16xf32> to vector<1xf32>
    %squeeze3A_836 = vector.extract %slice3A_835[0] : f32 from vector<1xf32>
    %slice3A_837 = vector.extract_strided_slice %add3A_125 {offsets = [11], sizes = [1], strides = [1]} : vector<16xf32> to vector<1xf32>
    %squeeze3A_838 = vector.extract %slice3A_837[0] : f32 from vector<1xf32>
    %slice3A_839 = vector.extract_strided_slice %add3A_126 {offsets = [11], sizes = [1], strides = [1]} : vector<16xf32> to vector<1xf32>
    %squeeze3A_840 = vector.extract %slice3A_839[0] : f32 from vector<1xf32>
    %slice3A_841 = vector.extract_strided_slice %add3A_127 {offsets = [11], sizes = [1], strides = [1]} : vector<16xf32> to vector<1xf32>
    %squeeze3A_842 = vector.extract %slice3A_841[0] : f32 from vector<1xf32>
    %slice3A_843 = vector.extract_strided_slice %add3A_128 {offsets = [11], sizes = [1], strides = [1]} : vector<16xf32> to vector<1xf32>
    %squeeze3A_844 = vector.extract %slice3A_843[0] : f32 from vector<1xf32>
    %slice3A_845 = vector.extract_strided_slice %add3A_129 {offsets = [11], sizes = [1], strides = [1]} : vector<16xf32> to vector<1xf32>
    %squeeze3A_846 = vector.extract %slice3A_845[0] : f32 from vector<1xf32>
    %slice3A_847 = vector.extract_strided_slice %add3A_130 {offsets = [11], sizes = [1], strides = [1]} : vector<16xf32> to vector<1xf32>
    %squeeze3A_848 = vector.extract %slice3A_847[0] : f32 from vector<1xf32>
    %slice3A_849 = vector.extract_strided_slice %add3A_131 {offsets = [11], sizes = [1], strides = [1]} : vector<16xf32> to vector<1xf32>
    %squeeze3A_850 = vector.extract %slice3A_849[0] : f32 from vector<1xf32>
    %slice3A_851 = vector.extract_strided_slice %add3A_132 {offsets = [11], sizes = [1], strides = [1]} : vector<16xf32> to vector<1xf32>
    %squeeze3A_852 = vector.extract %slice3A_851[0] : f32 from vector<1xf32>
    %slice3A_853 = vector.extract_strided_slice %add3A_133 {offsets = [11], sizes = [1], strides = [1]} : vector<16xf32> to vector<1xf32>
    %squeeze3A_854 = vector.extract %slice3A_853[0] : f32 from vector<1xf32>
    %slice3A_855 = vector.extract_strided_slice %add3A_134 {offsets = [11], sizes = [1], strides = [1]} : vector<16xf32> to vector<1xf32>
    %squeeze3A_856 = vector.extract %slice3A_855[0] : f32 from vector<1xf32>
    %slice3A_857 = vector.extract_strided_slice %add3A_135 {offsets = [11], sizes = [1], strides = [1]} : vector<16xf32> to vector<1xf32>
    %squeeze3A_858 = vector.extract %slice3A_857[0] : f32 from vector<1xf32>
    %slice3A_859 = vector.extract_strided_slice %add3A_136 {offsets = [11], sizes = [1], strides = [1]} : vector<16xf32> to vector<1xf32>
    %squeeze3A_860 = vector.extract %slice3A_859[0] : f32 from vector<1xf32>
    %parallel_loop3A_861 = arith.constant 0 : i32
    %parallel_loop3A_862 = arith.constant 32 : i32
    %parallel_loop3A_863 = arith.constant 1 : i32
    %parallel_loop3A_864:2 = scf.for %parallel_loop3A_1203 = %parallel_loop3A_861 to %parallel_loop3A_862 step %parallel_loop3A_863 iter_args(%parallel_loop3A_1204 = %broadcast_in_dim3A_35, %parallel_loop3A_1205 = %broadcast_in_dim3A_35) -> (vector<16xf32>, vector<16xf32>)  : i32 {
      %parallel_loop3A_1206 = arith.constant 16 : i32
      %parallel_loop3A_1207 = arith.muli %parallel_loop3A_1203, %parallel_loop3A_1206 : i32
      %parallel_loop3A_1208 = arith.constant 0.000000e+00 : f32
      %parallel_loop3A_1209 = vector.broadcast %parallel_loop3A_1208 : f32 to vector<16xf32>
      %parallel_loop3A_1210 = arith.constant 0.000000e+00 : f32
      %parallel_loop3A_1211 = vector.broadcast %parallel_loop3A_1210 : f32 to vector<16xf32>
      %parallel_loop3A_1212 = arith.constant 0 : i32
      %parallel_loop3A_1213 = arith.index_cast %parallel_loop3A_1212 : i32 to index
      %parallel_loop3A_1214 = arith.index_cast %parallel_loop3A_1207 : i32 to index
      %parallel_loop3A_1215 = tpu.vector_load %arg4[%parallel_loop3A_1213, %parallel_loop3A_1214] {strides = array<i32>} : memref<16x512xf32, #tpu.memory_space<vmem>>, vector<1x16xf32>,
      %parallel_loop3A_1216 = vector.shape_cast %parallel_loop3A_1215 : vector<1x16xf32> to vector<16xf32>
      %parallel_loop3A_1217 = vector.broadcast %squeeze3A_798 : f32 to vector<16xf32>
      %parallel_loop3A_1218 = arith.mulf %parallel_loop3A_1217, %parallel_loop3A_1216 : vector<16xf32>
      %parallel_loop3A_1219 = arith.addf %parallel_loop3A_1209, %parallel_loop3A_1218 : vector<16xf32>
      %parallel_loop3A_1220 = vector.broadcast %squeeze3A_830 : f32 to vector<16xf32>
      %parallel_loop3A_1221 = arith.mulf %parallel_loop3A_1220, %parallel_loop3A_1216 : vector<16xf32>
      %parallel_loop3A_1222 = arith.addf %parallel_loop3A_1211, %parallel_loop3A_1221 : vector<16xf32>
      %parallel_loop3A_1223 = arith.constant 1 : i32
      %parallel_loop3A_1224 = arith.index_cast %parallel_loop3A_1223 : i32 to index
      %parallel_loop3A_1225 = arith.index_cast %parallel_loop3A_1207 : i32 to index
      %parallel_loop3A_1226 = tpu.vector_load %arg4[%parallel_loop3A_1224, %parallel_loop3A_1225] {strides = array<i32>} : memref<16x512xf32, #tpu.memory_space<vmem>>, vector<1x16xf32>,
      %parallel_loop3A_1227 = vector.shape_cast %parallel_loop3A_1226 : vector<1x16xf32> to vector<16xf32>
      %parallel_loop3A_1228 = vector.broadcast %squeeze3A_800 : f32 to vector<16xf32>
      %parallel_loop3A_1229 = arith.mulf %parallel_loop3A_1228, %parallel_loop3A_1227 : vector<16xf32>
      %parallel_loop3A_1230 = arith.addf %parallel_loop3A_1219, %parallel_loop3A_1229 : vector<16xf32>
      %parallel_loop3A_1231 = vector.broadcast %squeeze3A_832 : f32 to vector<16xf32>
      %parallel_loop3A_1232 = arith.mulf %parallel_loop3A_1231, %parallel_loop3A_1227 : vector<16xf32>
      %parallel_loop3A_1233 = arith.addf %parallel_loop3A_1222, %parallel_loop3A_1232 : vector<16xf32>
      %parallel_loop3A_1234 = arith.constant 2 : i32
      %parallel_loop3A_1235 = arith.index_cast %parallel_loop3A_1234 : i32 to index
      %parallel_loop3A_1236 = arith.index_cast %parallel_loop3A_1207 : i32 to index
      %parallel_loop3A_1237 = tpu.vector_load %arg4[%parallel_loop3A_1235, %parallel_loop3A_1236] {strides = array<i32>} : memref<16x512xf32, #tpu.memory_space<vmem>>, vector<1x16xf32>,
      %parallel_loop3A_1238 = vector.shape_cast %parallel_loop3A_1237 : vector<1x16xf32> to vector<16xf32>
      %parallel_loop3A_1239 = vector.broadcast %squeeze3A_802 : f32 to vector<16xf32>
      %parallel_loop3A_1240 = arith.mulf %parallel_loop3A_1239, %parallel_loop3A_1238 : vector<16xf32>
      %parallel_loop3A_1241 = arith.addf %parallel_loop3A_1230, %parallel_loop3A_1240 : vector<16xf32>
      %parallel_loop3A_1242 = vector.broadcast %squeeze3A_834 : f32 to vector<16xf32>
      %parallel_loop3A_1243 = arith.mulf %parallel_loop3A_1242, %parallel_loop3A_1238 : vector<16xf32>
      %parallel_loop3A_1244 = arith.addf %parallel_loop3A_1233, %parallel_loop3A_1243 : vector<16xf32>
      %parallel_loop3A_1245 = arith.constant 3 : i32
      %parallel_loop3A_1246 = arith.index_cast %parallel_loop3A_1245 : i32 to index
      %parallel_loop3A_1247 = arith.index_cast %parallel_loop3A_1207 : i32 to index
      %parallel_loop3A_1248 = tpu.vector_load %arg4[%parallel_loop3A_1246, %parallel_loop3A_1247] {strides = array<i32>} : memref<16x512xf32, #tpu.memory_space<vmem>>, vector<1x16xf32>,
      %parallel_loop3A_1249 = vector.shape_cast %parallel_loop3A_1248 : vector<1x16xf32> to vector<16xf32>
      %parallel_loop3A_1250 = vector.broadcast %squeeze3A_804 : f32 to vector<16xf32>
      %parallel_loop3A_1251 = arith.mulf %parallel_loop3A_1250, %parallel_loop3A_1249 : vector<16xf32>
      %parallel_loop3A_1252 = arith.addf %parallel_loop3A_1241, %parallel_loop3A_1251 : vector<16xf32>
      %parallel_loop3A_1253 = vector.broadcast %squeeze3A_836 : f32 to vector<16xf32>
      %parallel_loop3A_1254 = arith.mulf %parallel_loop3A_1253, %parallel_loop3A_1249 : vector<16xf32>
      %parallel_loop3A_1255 = arith.addf %parallel_loop3A_1244, %parallel_loop3A_1254 : vector<16xf32>
      %parallel_loop3A_1256 = arith.constant 4 : i32
      %parallel_loop3A_1257 = arith.index_cast %parallel_loop3A_1256 : i32 to index
      %parallel_loop3A_1258 = arith.index_cast %parallel_loop3A_1207 : i32 to index
      %parallel_loop3A_1259 = tpu.vector_load %arg4[%parallel_loop3A_1257, %parallel_loop3A_1258] {strides = array<i32>} : memref<16x512xf32, #tpu.memory_space<vmem>>, vector<1x16xf32>,
      %parallel_loop3A_1260 = vector.shape_cast %parallel_loop3A_1259 : vector<1x16xf32> to vector<16xf32>
      %parallel_loop3A_1261 = vector.broadcast %squeeze3A_806 : f32 to vector<16xf32>
      %parallel_loop3A_1262 = arith.mulf %parallel_loop3A_1261, %parallel_loop3A_1260 : vector<16xf32>
      %parallel_loop3A_1263 = arith.addf %parallel_loop3A_1252, %parallel_loop3A_1262 : vector<16xf32>
      %parallel_loop3A_1264 = vector.broadcast %squeeze3A_838 : f32 to vector<16xf32>
      %parallel_loop3A_1265 = arith.mulf %parallel_loop3A_1264, %parallel_loop3A_1260 : vector<16xf32>
      %parallel_loop3A_1266 = arith.addf %parallel_loop3A_1255, %parallel_loop3A_1265 : vector<16xf32>
      %parallel_loop3A_1267 = arith.constant 5 : i32
      %parallel_loop3A_1268 = arith.index_cast %parallel_loop3A_1267 : i32 to index
      %parallel_loop3A_1269 = arith.index_cast %parallel_loop3A_1207 : i32 to index
      %parallel_loop3A_1270 = tpu.vector_load %arg4[%parallel_loop3A_1268, %parallel_loop3A_1269] {strides = array<i32>} : memref<16x512xf32, #tpu.memory_space<vmem>>, vector<1x16xf32>,
      %parallel_loop3A_1271 = vector.shape_cast %parallel_loop3A_1270 : vector<1x16xf32> to vector<16xf32>
      %parallel_loop3A_1272 = vector.broadcast %squeeze3A_808 : f32 to vector<16xf32>
      %parallel_loop3A_1273 = arith.mulf %parallel_loop3A_1272, %parallel_loop3A_1271 : vector<16xf32>
      %parallel_loop3A_1274 = arith.addf %parallel_loop3A_1263, %parallel_loop3A_1273 : vector<16xf32>
      %parallel_loop3A_1275 = vector.broadcast %squeeze3A_840 : f32 to vector<16xf32>
      %parallel_loop3A_1276 = arith.mulf %parallel_loop3A_1275, %parallel_loop3A_1271 : vector<16xf32>
      %parallel_loop3A_1277 = arith.addf %parallel_loop3A_1266, %parallel_loop3A_1276 : vector<16xf32>
      %parallel_loop3A_1278 = arith.constant 6 : i32
      %parallel_loop3A_1279 = arith.index_cast %parallel_loop3A_1278 : i32 to index
      %parallel_loop3A_1280 = arith.index_cast %parallel_loop3A_1207 : i32 to index
      %parallel_loop3A_1281 = tpu.vector_load %arg4[%parallel_loop3A_1279, %parallel_loop3A_1280] {strides = array<i32>} : memref<16x512xf32, #tpu.memory_space<vmem>>, vector<1x16xf32>,
      %parallel_loop3A_1282 = vector.shape_cast %parallel_loop3A_1281 : vector<1x16xf32> to vector<16xf32>
      %parallel_loop3A_1283 = vector.broadcast %squeeze3A_810 : f32 to vector<16xf32>
      %parallel_loop3A_1284 = arith.mulf %parallel_loop3A_1283, %parallel_loop3A_1282 : vector<16xf32>
      %parallel_loop3A_1285 = arith.addf %parallel_loop3A_1274, %parallel_loop3A_1284 : vector<16xf32>
      %parallel_loop3A_1286 = vector.broadcast %squeeze3A_842 : f32 to vector<16xf32>
      %parallel_loop3A_1287 = arith.mulf %parallel_loop3A_1286, %parallel_loop3A_1282 : vector<16xf32>
      %parallel_loop3A_1288 = arith.addf %parallel_loop3A_1277, %parallel_loop3A_1287 : vector<16xf32>
      %parallel_loop3A_1289 = arith.constant 7 : i32
      %parallel_loop3A_1290 = arith.index_cast %parallel_loop3A_1289 : i32 to index
      %parallel_loop3A_1291 = arith.index_cast %parallel_loop3A_1207 : i32 to index
      %parallel_loop3A_1292 = tpu.vector_load %arg4[%parallel_loop3A_1290, %parallel_loop3A_1291] {strides = array<i32>} : memref<16x512xf32, #tpu.memory_space<vmem>>, vector<1x16xf32>,
      %parallel_loop3A_1293 = vector.shape_cast %parallel_loop3A_1292 : vector<1x16xf32> to vector<16xf32>
      %parallel_loop3A_1294 = vector.broadcast %squeeze3A_812 : f32 to vector<16xf32>
      %parallel_loop3A_1295 = arith.mulf %parallel_loop3A_1294, %parallel_loop3A_1293 : vector<16xf32>
      %parallel_loop3A_1296 = arith.addf %parallel_loop3A_1285, %parallel_loop3A_1295 : vector<16xf32>
      %parallel_loop3A_1297 = vector.broadcast %squeeze3A_844 : f32 to vector<16xf32>
      %parallel_loop3A_1298 = arith.mulf %parallel_loop3A_1297, %parallel_loop3A_1293 : vector<16xf32>
      %parallel_loop3A_1299 = arith.addf %parallel_loop3A_1288, %parallel_loop3A_1298 : vector<16xf32>
      %parallel_loop3A_1300 = arith.constant 8 : i32
      %parallel_loop3A_1301 = arith.index_cast %parallel_loop3A_1300 : i32 to index
      %parallel_loop3A_1302 = arith.index_cast %parallel_loop3A_1207 : i32 to index
      %parallel_loop3A_1303 = tpu.vector_load %arg4[%parallel_loop3A_1301, %parallel_loop3A_1302] {strides = array<i32>} : memref<16x512xf32, #tpu.memory_space<vmem>>, vector<1x16xf32>,
      %parallel_loop3A_1304 = vector.shape_cast %parallel_loop3A_1303 : vector<1x16xf32> to vector<16xf32>
      %parallel_loop3A_1305 = vector.broadcast %squeeze3A_814 : f32 to vector<16xf32>
      %parallel_loop3A_1306 = arith.mulf %parallel_loop3A_1305, %parallel_loop3A_1304 : vector<16xf32>
      %parallel_loop3A_1307 = arith.addf %parallel_loop3A_1296, %parallel_loop3A_1306 : vector<16xf32>
      %parallel_loop3A_1308 = vector.broadcast %squeeze3A_846 : f32 to vector<16xf32>
      %parallel_loop3A_1309 = arith.mulf %parallel_loop3A_1308, %parallel_loop3A_1304 : vector<16xf32>
      %parallel_loop3A_1310 = arith.addf %parallel_loop3A_1299, %parallel_loop3A_1309 : vector<16xf32>
      %parallel_loop3A_1311 = arith.constant 9 : i32
      %parallel_loop3A_1312 = arith.index_cast %parallel_loop3A_1311 : i32 to index
      %parallel_loop3A_1313 = arith.index_cast %parallel_loop3A_1207 : i32 to index
      %parallel_loop3A_1314 = tpu.vector_load %arg4[%parallel_loop3A_1312, %parallel_loop3A_1313] {strides = array<i32>} : memref<16x512xf32, #tpu.memory_space<vmem>>, vector<1x16xf32>,
      %parallel_loop3A_1315 = vector.shape_cast %parallel_loop3A_1314 : vector<1x16xf32> to vector<16xf32>
      %parallel_loop3A_1316 = vector.broadcast %squeeze3A_816 : f32 to vector<16xf32>
      %parallel_loop3A_1317 = arith.mulf %parallel_loop3A_1316, %parallel_loop3A_1315 : vector<16xf32>
      %parallel_loop3A_1318 = arith.addf %parallel_loop3A_1307, %parallel_loop3A_1317 : vector<16xf32>
      %parallel_loop3A_1319 = vector.broadcast %squeeze3A_848 : f32 to vector<16xf32>
      %parallel_loop3A_1320 = arith.mulf %parallel_loop3A_1319, %parallel_loop3A_1315 : vector<16xf32>
      %parallel_loop3A_1321 = arith.addf %parallel_loop3A_1310, %parallel_loop3A_1320 : vector<16xf32>
      %parallel_loop3A_1322 = arith.constant 10 : i32
      %parallel_loop3A_1323 = arith.index_cast %parallel_loop3A_1322 : i32 to index
      %parallel_loop3A_1324 = arith.index_cast %parallel_loop3A_1207 : i32 to index
      %parallel_loop3A_1325 = tpu.vector_load %arg4[%parallel_loop3A_1323, %parallel_loop3A_1324] {strides = array<i32>} : memref<16x512xf32, #tpu.memory_space<vmem>>, vector<1x16xf32>,
      %parallel_loop3A_1326 = vector.shape_cast %parallel_loop3A_1325 : vector<1x16xf32> to vector<16xf32>
      %parallel_loop3A_1327 = vector.broadcast %squeeze3A_818 : f32 to vector<16xf32>
      %parallel_loop3A_1328 = arith.mulf %parallel_loop3A_1327, %parallel_loop3A_1326 : vector<16xf32>
      %parallel_loop3A_1329 = arith.addf %parallel_loop3A_1318, %parallel_loop3A_1328 : vector<16xf32>
      %parallel_loop3A_1330 = vector.broadcast %squeeze3A_850 : f32 to vector<16xf32>
      %parallel_loop3A_1331 = arith.mulf %parallel_loop3A_1330, %parallel_loop3A_1326 : vector<16xf32>
      %parallel_loop3A_1332 = arith.addf %parallel_loop3A_1321, %parallel_loop3A_1331 : vector<16xf32>
      %parallel_loop3A_1333 = arith.constant 11 : i32
      %parallel_loop3A_1334 = arith.index_cast %parallel_loop3A_1333 : i32 to index
      %parallel_loop3A_1335 = arith.index_cast %parallel_loop3A_1207 : i32 to index
      %parallel_loop3A_1336 = tpu.vector_load %arg4[%parallel_loop3A_1334, %parallel_loop3A_1335] {strides = array<i32>} : memref<16x512xf32, #tpu.memory_space<vmem>>, vector<1x16xf32>,
      %parallel_loop3A_1337 = vector.shape_cast %parallel_loop3A_1336 : vector<1x16xf32> to vector<16xf32>
      %parallel_loop3A_1338 = vector.broadcast %squeeze3A_820 : f32 to vector<16xf32>
      %parallel_loop3A_1339 = arith.mulf %parallel_loop3A_1338, %parallel_loop3A_1337 : vector<16xf32>
      %parallel_loop3A_1340 = arith.addf %parallel_loop3A_1329, %parallel_loop3A_1339 : vector<16xf32>
      %parallel_loop3A_1341 = vector.broadcast %squeeze3A_852 : f32 to vector<16xf32>
      %parallel_loop3A_1342 = arith.mulf %parallel_loop3A_1341, %parallel_loop3A_1337 : vector<16xf32>
      %parallel_loop3A_1343 = arith.addf %parallel_loop3A_1332, %parallel_loop3A_1342 : vector<16xf32>
      %parallel_loop3A_1344 = arith.constant 12 : i32
      %parallel_loop3A_1345 = arith.index_cast %parallel_loop3A_1344 : i32 to index
      %parallel_loop3A_1346 = arith.index_cast %parallel_loop3A_1207 : i32 to index
      %parallel_loop3A_1347 = tpu.vector_load %arg4[%parallel_loop3A_1345, %parallel_loop3A_1346] {strides = array<i32>} : memref<16x512xf32, #tpu.memory_space<vmem>>, vector<1x16xf32>,
      %parallel_loop3A_1348 = vector.shape_cast %parallel_loop3A_1347 : vector<1x16xf32> to vector<16xf32>
      %parallel_loop3A_1349 = vector.broadcast %squeeze3A_822 : f32 to vector<16xf32>
      %parallel_loop3A_1350 = arith.mulf %parallel_loop3A_1349, %parallel_loop3A_1348 : vector<16xf32>
      %parallel_loop3A_1351 = arith.addf %parallel_loop3A_1340, %parallel_loop3A_1350 : vector<16xf32>
      %parallel_loop3A_1352 = vector.broadcast %squeeze3A_854 : f32 to vector<16xf32>
      %parallel_loop3A_1353 = arith.mulf %parallel_loop3A_1352, %parallel_loop3A_1348 : vector<16xf32>
      %parallel_loop3A_1354 = arith.addf %parallel_loop3A_1343, %parallel_loop3A_1353 : vector<16xf32>
      %parallel_loop3A_1355 = arith.constant 13 : i32
      %parallel_loop3A_1356 = arith.index_cast %parallel_loop3A_1355 : i32 to index
      %parallel_loop3A_1357 = arith.index_cast %parallel_loop3A_1207 : i32 to index
      %parallel_loop3A_1358 = tpu.vector_load %arg4[%parallel_loop3A_1356, %parallel_loop3A_1357] {strides = array<i32>} : memref<16x512xf32, #tpu.memory_space<vmem>>, vector<1x16xf32>,
      %parallel_loop3A_1359 = vector.shape_cast %parallel_loop3A_1358 : vector<1x16xf32> to vector<16xf32>
      %parallel_loop3A_1360 = vector.broadcast %squeeze3A_824 : f32 to vector<16xf32>
      %parallel_loop3A_1361 = arith.mulf %parallel_loop3A_1360, %parallel_loop3A_1359 : vector<16xf32>
      %parallel_loop3A_1362 = arith.addf %parallel_loop3A_1351, %parallel_loop3A_1361 : vector<16xf32>
      %parallel_loop3A_1363 = vector.broadcast %squeeze3A_856 : f32 to vector<16xf32>
      %parallel_loop3A_1364 = arith.mulf %parallel_loop3A_1363, %parallel_loop3A_1359 : vector<16xf32>
      %parallel_loop3A_1365 = arith.addf %parallel_loop3A_1354, %parallel_loop3A_1364 : vector<16xf32>
      %parallel_loop3A_1366 = arith.constant 14 : i32
      %parallel_loop3A_1367 = arith.index_cast %parallel_loop3A_1366 : i32 to index
      %parallel_loop3A_1368 = arith.index_cast %parallel_loop3A_1207 : i32 to index
      %parallel_loop3A_1369 = tpu.vector_load %arg4[%parallel_loop3A_1367, %parallel_loop3A_1368] {strides = array<i32>} : memref<16x512xf32, #tpu.memory_space<vmem>>, vector<1x16xf32>,
      %parallel_loop3A_1370 = vector.shape_cast %parallel_loop3A_1369 : vector<1x16xf32> to vector<16xf32>
      %parallel_loop3A_1371 = vector.broadcast %squeeze3A_826 : f32 to vector<16xf32>
      %parallel_loop3A_1372 = arith.mulf %parallel_loop3A_1371, %parallel_loop3A_1370 : vector<16xf32>
      %parallel_loop3A_1373 = arith.addf %parallel_loop3A_1362, %parallel_loop3A_1372 : vector<16xf32>
      %parallel_loop3A_1374 = vector.broadcast %squeeze3A_858 : f32 to vector<16xf32>
      %parallel_loop3A_1375 = arith.mulf %parallel_loop3A_1374, %parallel_loop3A_1370 : vector<16xf32>
      %parallel_loop3A_1376 = arith.addf %parallel_loop3A_1365, %parallel_loop3A_1375 : vector<16xf32>
      %parallel_loop3A_1377 = arith.constant 15 : i32
      %parallel_loop3A_1378 = arith.index_cast %parallel_loop3A_1377 : i32 to index
      %parallel_loop3A_1379 = arith.index_cast %parallel_loop3A_1207 : i32 to index
      %parallel_loop3A_1380 = tpu.vector_load %arg4[%parallel_loop3A_1378, %parallel_loop3A_1379] {strides = array<i32>} : memref<16x512xf32, #tpu.memory_space<vmem>>, vector<1x16xf32>,
      %parallel_loop3A_1381 = vector.shape_cast %parallel_loop3A_1380 : vector<1x16xf32> to vector<16xf32>
      %parallel_loop3A_1382 = vector.broadcast %squeeze3A_828 : f32 to vector<16xf32>
      %parallel_loop3A_1383 = arith.mulf %parallel_loop3A_1382, %parallel_loop3A_1381 : vector<16xf32>
      %parallel_loop3A_1384 = arith.addf %parallel_loop3A_1373, %parallel_loop3A_1383 : vector<16xf32>
      %parallel_loop3A_1385 = vector.broadcast %squeeze3A_860 : f32 to vector<16xf32>
      %parallel_loop3A_1386 = arith.mulf %parallel_loop3A_1385, %parallel_loop3A_1381 : vector<16xf32>
      %parallel_loop3A_1387 = arith.addf %parallel_loop3A_1376, %parallel_loop3A_1386 : vector<16xf32>
      %parallel_loop3A_1388 = arith.index_cast %parallel_loop3A_1207 : i32 to index
      %parallel_loop3A_1389 = tpu.vector_load %arg5[%parallel_loop3A_1388] {strides = array<i32>} : memref<512xf32, #tpu.memory_space<vmem>>, vector<16xf32>,
      %parallel_loop3A_1390 = vector.shape_cast %parallel_loop3A_1389 : vector<16xf32> to vector<16xf32>
      %parallel_loop3A_1391 = vector.broadcast %parallel_loop3A_1207 : i32 to vector<16xi32>
      %parallel_loop3A_1392 = arith.addi %iota3A, %parallel_loop3A_1391 : vector<16xi32>
      %parallel_loop3A_1393 = arith.subf %parallel_loop3A_1390, %parallel_loop3A_1384 : vector<16xf32>
      %parallel_loop3A_1394 = arith.constant 10 : i32
      %parallel_loop3A_1395 = arith.addi %add3A_41, %parallel_loop3A_1394 : i32
      %parallel_loop3A_1396 = arith.constant 0 : i32
      %parallel_loop3A_1397 = arith.addi %parallel_loop3A_1395, %parallel_loop3A_1396 : i32
      %parallel_loop3A_1398 = vector.broadcast %parallel_loop3A_1397 : i32 to vector<16xi32>
      %parallel_loop3A_1399 = arith.cmpi eq, %parallel_loop3A_1392, %parallel_loop3A_1398 : vector<16xi32>
      %parallel_loop3A_1400 = arith.select %parallel_loop3A_1399, %broadcast_in_dim3A_35, %parallel_loop3A_1393 : vector<16xi1>, vector<16xf32>
      %parallel_loop3A_1401 = arith.minimumf %parallel_loop3A_1204, %parallel_loop3A_1400 : vector<16xf32>
      %parallel_loop3A_1402 = arith.subf %parallel_loop3A_1390, %parallel_loop3A_1387 : vector<16xf32>
      %parallel_loop3A_1403 = arith.constant 10 : i32
      %parallel_loop3A_1404 = arith.addi %add3A_41, %parallel_loop3A_1403 : i32
      %parallel_loop3A_1405 = arith.constant 1 : i32
      %parallel_loop3A_1406 = arith.addi %parallel_loop3A_1404, %parallel_loop3A_1405 : i32
      %parallel_loop3A_1407 = vector.broadcast %parallel_loop3A_1406 : i32 to vector<16xi32>
      %parallel_loop3A_1408 = arith.cmpi eq, %parallel_loop3A_1392, %parallel_loop3A_1407 : vector<16xi32>
      %parallel_loop3A_1409 = arith.select %parallel_loop3A_1408, %broadcast_in_dim3A_35, %parallel_loop3A_1402 : vector<16xi1>, vector<16xf32>
      %parallel_loop3A_1410 = arith.minimumf %parallel_loop3A_1205, %parallel_loop3A_1409 : vector<16xf32>
      scf.yield %parallel_loop3A_1401, %parallel_loop3A_1410 : vector<16xf32>, vector<16xf32>
    } {sc.loop_unroll_factor = 4 : i64, sc.parallel_access}
    %xor3A_865 = arith.constant 1 : i32
    %xor3A_866 = vector.broadcast %xor3A_865 : i32 to vector<16xi32>
    %xor3A_867 = arith.xori %iota3A, %xor3A_866 : vector<16xi32>
    %broadcast_in_dim3A_868 = vector.shape_cast %xor3A_867 : vector<16xi32> to vector<16x1xi32>
    %gather3A_869 = vector.shape_cast %broadcast_in_dim3A_868 : vector<16x1xi32> to vector<16xi32>
    %gather3A_870 = tpu.dynamic_gather %parallel_loop3A_864#0[%gather3A_869] in [0] : vector<16xf32>, vector<16xi32> -> vector<16xf32>
    %min3A_871 = arith.minimumf %parallel_loop3A_864#0, %gather3A_870 : vector<16xf32>
    %xor3A_872 = arith.constant 2 : i32
    %xor3A_873 = vector.broadcast %xor3A_872 : i32 to vector<16xi32>
    %xor3A_874 = arith.xori %iota3A, %xor3A_873 : vector<16xi32>
    %broadcast_in_dim3A_875 = vector.shape_cast %xor3A_874 : vector<16xi32> to vector<16x1xi32>
    %gather3A_876 = vector.shape_cast %broadcast_in_dim3A_875 : vector<16x1xi32> to vector<16xi32>
    %gather3A_877 = tpu.dynamic_gather %min3A_871[%gather3A_876] in [0] : vector<16xf32>, vector<16xi32> -> vector<16xf32>
    %min3A_878 = arith.minimumf %min3A_871, %gather3A_877 : vector<16xf32>
    %xor3A_879 = arith.constant 4 : i32
    %xor3A_880 = vector.broadcast %xor3A_879 : i32 to vector<16xi32>
    %xor3A_881 = arith.xori %iota3A, %xor3A_880 : vector<16xi32>
    %broadcast_in_dim3A_882 = vector.shape_cast %xor3A_881 : vector<16xi32> to vector<16x1xi32>
    %gather3A_883 = vector.shape_cast %broadcast_in_dim3A_882 : vector<16x1xi32> to vector<16xi32>
    %gather3A_884 = tpu.dynamic_gather %min3A_878[%gather3A_883] in [0] : vector<16xf32>, vector<16xi32> -> vector<16xf32>
    %min3A_885 = arith.minimumf %min3A_878, %gather3A_884 : vector<16xf32>
    %xor3A_886 = arith.constant 8 : i32
    %xor3A_887 = vector.broadcast %xor3A_886 : i32 to vector<16xi32>
    %xor3A_888 = arith.xori %iota3A, %xor3A_887 : vector<16xi32>
    %broadcast_in_dim3A_889 = vector.shape_cast %xor3A_888 : vector<16xi32> to vector<16x1xi32>
    %gather3A_890 = vector.shape_cast %broadcast_in_dim3A_889 : vector<16x1xi32> to vector<16xi32>
    %gather3A_891 = tpu.dynamic_gather %min3A_885[%gather3A_890] in [0] : vector<16xf32>, vector<16xi32> -> vector<16xf32>
    %min3A_892 = arith.minimumf %min3A_885, %gather3A_891 : vector<16xf32>
    %eq3A_893 = arith.constant 10 : i32
    %eq3A_894 = vector.broadcast %eq3A_893 : i32 to vector<16xi32>
    %eq3A_895 = arith.cmpi eq, %iota3A, %eq3A_894 : vector<16xi32>
    %select_n3A_896 = arith.select %eq3A_895, %min3A_892, %select_n3A_796 : vector<16xi1>, vector<16xf32>
    %xor3A_897 = arith.constant 1 : i32
    %xor3A_898 = vector.broadcast %xor3A_897 : i32 to vector<16xi32>
    %xor3A_899 = arith.xori %iota3A, %xor3A_898 : vector<16xi32>
    %broadcast_in_dim3A_900 = vector.shape_cast %xor3A_899 : vector<16xi32> to vector<16x1xi32>
    %gather3A_901 = vector.shape_cast %broadcast_in_dim3A_900 : vector<16x1xi32> to vector<16xi32>
    %gather3A_902 = tpu.dynamic_gather %parallel_loop3A_864#1[%gather3A_901] in [0] : vector<16xf32>, vector<16xi32> -> vector<16xf32>
    %min3A_903 = arith.minimumf %parallel_loop3A_864#1, %gather3A_902 : vector<16xf32>
    %xor3A_904 = arith.constant 2 : i32
    %xor3A_905 = vector.broadcast %xor3A_904 : i32 to vector<16xi32>
    %xor3A_906 = arith.xori %iota3A, %xor3A_905 : vector<16xi32>
    %broadcast_in_dim3A_907 = vector.shape_cast %xor3A_906 : vector<16xi32> to vector<16x1xi32>
    %gather3A_908 = vector.shape_cast %broadcast_in_dim3A_907 : vector<16x1xi32> to vector<16xi32>
    %gather3A_909 = tpu.dynamic_gather %min3A_903[%gather3A_908] in [0] : vector<16xf32>, vector<16xi32> -> vector<16xf32>
    %min3A_910 = arith.minimumf %min3A_903, %gather3A_909 : vector<16xf32>
    %xor3A_911 = arith.constant 4 : i32
    %xor3A_912 = vector.broadcast %xor3A_911 : i32 to vector<16xi32>
    %xor3A_913 = arith.xori %iota3A, %xor3A_912 : vector<16xi32>
    %broadcast_in_dim3A_914 = vector.shape_cast %xor3A_913 : vector<16xi32> to vector<16x1xi32>
    %gather3A_915 = vector.shape_cast %broadcast_in_dim3A_914 : vector<16x1xi32> to vector<16xi32>
    %gather3A_916 = tpu.dynamic_gather %min3A_910[%gather3A_915] in [0] : vector<16xf32>, vector<16xi32> -> vector<16xf32>
    %min3A_917 = arith.minimumf %min3A_910, %gather3A_916 : vector<16xf32>
    %xor3A_918 = arith.constant 8 : i32
    %xor3A_919 = vector.broadcast %xor3A_918 : i32 to vector<16xi32>
    %xor3A_920 = arith.xori %iota3A, %xor3A_919 : vector<16xi32>
    %broadcast_in_dim3A_921 = vector.shape_cast %xor3A_920 : vector<16xi32> to vector<16x1xi32>
    %gather3A_922 = vector.shape_cast %broadcast_in_dim3A_921 : vector<16x1xi32> to vector<16xi32>
    %gather3A_923 = tpu.dynamic_gather %min3A_917[%gather3A_922] in [0] : vector<16xf32>, vector<16xi32> -> vector<16xf32>
    %min3A_924 = arith.minimumf %min3A_917, %gather3A_923 : vector<16xf32>
    %eq3A_925 = arith.constant 11 : i32
    %eq3A_926 = vector.broadcast %eq3A_925 : i32 to vector<16xi32>
    %eq3A_927 = arith.cmpi eq, %iota3A, %eq3A_926 : vector<16xi32>
    %select_n3A_928 = arith.select %eq3A_927, %min3A_924, %select_n3A_896 : vector<16xi1>, vector<16xf32>
    %slice3A_929 = vector.extract_strided_slice %add3A_121 {offsets = [12], sizes = [1], strides = [1]} : vector<16xf32> to vector<1xf32>
    %squeeze3A_930 = vector.extract %slice3A_929[0] : f32 from vector<1xf32>
    %slice3A_931 = vector.extract_strided_slice %add3A_122 {offsets = [12], sizes = [1], strides = [1]} : vector<16xf32> to vector<1xf32>
    %squeeze3A_932 = vector.extract %slice3A_931[0] : f32 from vector<1xf32>
    %slice3A_933 = vector.extract_strided_slice %add3A_123 {offsets = [12], sizes = [1], strides = [1]} : vector<16xf32> to vector<1xf32>
    %squeeze3A_934 = vector.extract %slice3A_933[0] : f32 from vector<1xf32>
    %slice3A_935 = vector.extract_strided_slice %add3A_124 {offsets = [12], sizes = [1], strides = [1]} : vector<16xf32> to vector<1xf32>
    %squeeze3A_936 = vector.extract %slice3A_935[0] : f32 from vector<1xf32>
    %slice3A_937 = vector.extract_strided_slice %add3A_125 {offsets = [12], sizes = [1], strides = [1]} : vector<16xf32> to vector<1xf32>
    %squeeze3A_938 = vector.extract %slice3A_937[0] : f32 from vector<1xf32>
    %slice3A_939 = vector.extract_strided_slice %add3A_126 {offsets = [12], sizes = [1], strides = [1]} : vector<16xf32> to vector<1xf32>
    %squeeze3A_940 = vector.extract %slice3A_939[0] : f32 from vector<1xf32>
    %slice3A_941 = vector.extract_strided_slice %add3A_127 {offsets = [12], sizes = [1], strides = [1]} : vector<16xf32> to vector<1xf32>
    %squeeze3A_942 = vector.extract %slice3A_941[0] : f32 from vector<1xf32>
    %slice3A_943 = vector.extract_strided_slice %add3A_128 {offsets = [12], sizes = [1], strides = [1]} : vector<16xf32> to vector<1xf32>
    %squeeze3A_944 = vector.extract %slice3A_943[0] : f32 from vector<1xf32>
    %slice3A_945 = vector.extract_strided_slice %add3A_129 {offsets = [12], sizes = [1], strides = [1]} : vector<16xf32> to vector<1xf32>
    %squeeze3A_946 = vector.extract %slice3A_945[0] : f32 from vector<1xf32>
    %slice3A_947 = vector.extract_strided_slice %add3A_130 {offsets = [12], sizes = [1], strides = [1]} : vector<16xf32> to vector<1xf32>
    %squeeze3A_948 = vector.extract %slice3A_947[0] : f32 from vector<1xf32>
    %slice3A_949 = vector.extract_strided_slice %add3A_131 {offsets = [12], sizes = [1], strides = [1]} : vector<16xf32> to vector<1xf32>
    %squeeze3A_950 = vector.extract %slice3A_949[0] : f32 from vector<1xf32>
    %slice3A_951 = vector.extract_strided_slice %add3A_132 {offsets = [12], sizes = [1], strides = [1]} : vector<16xf32> to vector<1xf32>
    %squeeze3A_952 = vector.extract %slice3A_951[0] : f32 from vector<1xf32>
    %slice3A_953 = vector.extract_strided_slice %add3A_133 {offsets = [12], sizes = [1], strides = [1]} : vector<16xf32> to vector<1xf32>
    %squeeze3A_954 = vector.extract %slice3A_953[0] : f32 from vector<1xf32>
    %slice3A_955 = vector.extract_strided_slice %add3A_134 {offsets = [12], sizes = [1], strides = [1]} : vector<16xf32> to vector<1xf32>
    %squeeze3A_956 = vector.extract %slice3A_955[0] : f32 from vector<1xf32>
    %slice3A_957 = vector.extract_strided_slice %add3A_135 {offsets = [12], sizes = [1], strides = [1]} : vector<16xf32> to vector<1xf32>
    %squeeze3A_958 = vector.extract %slice3A_957[0] : f32 from vector<1xf32>
    %slice3A_959 = vector.extract_strided_slice %add3A_136 {offsets = [12], sizes = [1], strides = [1]} : vector<16xf32> to vector<1xf32>
    %squeeze3A_960 = vector.extract %slice3A_959[0] : f32 from vector<1xf32>
    %slice3A_961 = vector.extract_strided_slice %add3A_121 {offsets = [13], sizes = [1], strides = [1]} : vector<16xf32> to vector<1xf32>
    %squeeze3A_962 = vector.extract %slice3A_961[0] : f32 from vector<1xf32>
    %slice3A_963 = vector.extract_strided_slice %add3A_122 {offsets = [13], sizes = [1], strides = [1]} : vector<16xf32> to vector<1xf32>
    %squeeze3A_964 = vector.extract %slice3A_963[0] : f32 from vector<1xf32>
    %slice3A_965 = vector.extract_strided_slice %add3A_123 {offsets = [13], sizes = [1], strides = [1]} : vector<16xf32> to vector<1xf32>
    %squeeze3A_966 = vector.extract %slice3A_965[0] : f32 from vector<1xf32>
    %slice3A_967 = vector.extract_strided_slice %add3A_124 {offsets = [13], sizes = [1], strides = [1]} : vector<16xf32> to vector<1xf32>
    %squeeze3A_968 = vector.extract %slice3A_967[0] : f32 from vector<1xf32>
    %slice3A_969 = vector.extract_strided_slice %add3A_125 {offsets = [13], sizes = [1], strides = [1]} : vector<16xf32> to vector<1xf32>
    %squeeze3A_970 = vector.extract %slice3A_969[0] : f32 from vector<1xf32>
    %slice3A_971 = vector.extract_strided_slice %add3A_126 {offsets = [13], sizes = [1], strides = [1]} : vector<16xf32> to vector<1xf32>
    %squeeze3A_972 = vector.extract %slice3A_971[0] : f32 from vector<1xf32>
    %slice3A_973 = vector.extract_strided_slice %add3A_127 {offsets = [13], sizes = [1], strides = [1]} : vector<16xf32> to vector<1xf32>
    %squeeze3A_974 = vector.extract %slice3A_973[0] : f32 from vector<1xf32>
    %slice3A_975 = vector.extract_strided_slice %add3A_128 {offsets = [13], sizes = [1], strides = [1]} : vector<16xf32> to vector<1xf32>
    %squeeze3A_976 = vector.extract %slice3A_975[0] : f32 from vector<1xf32>
    %slice3A_977 = vector.extract_strided_slice %add3A_129 {offsets = [13], sizes = [1], strides = [1]} : vector<16xf32> to vector<1xf32>
    %squeeze3A_978 = vector.extract %slice3A_977[0] : f32 from vector<1xf32>
    %slice3A_979 = vector.extract_strided_slice %add3A_130 {offsets = [13], sizes = [1], strides = [1]} : vector<16xf32> to vector<1xf32>
    %squeeze3A_980 = vector.extract %slice3A_979[0] : f32 from vector<1xf32>
    %slice3A_981 = vector.extract_strided_slice %add3A_131 {offsets = [13], sizes = [1], strides = [1]} : vector<16xf32> to vector<1xf32>
    %squeeze3A_982 = vector.extract %slice3A_981[0] : f32 from vector<1xf32>
    %slice3A_983 = vector.extract_strided_slice %add3A_132 {offsets = [13], sizes = [1], strides = [1]} : vector<16xf32> to vector<1xf32>
    %squeeze3A_984 = vector.extract %slice3A_983[0] : f32 from vector<1xf32>
    %slice3A_985 = vector.extract_strided_slice %add3A_133 {offsets = [13], sizes = [1], strides = [1]} : vector<16xf32> to vector<1xf32>
    %squeeze3A_986 = vector.extract %slice3A_985[0] : f32 from vector<1xf32>
    %slice3A_987 = vector.extract_strided_slice %add3A_134 {offsets = [13], sizes = [1], strides = [1]} : vector<16xf32> to vector<1xf32>
    %squeeze3A_988 = vector.extract %slice3A_987[0] : f32 from vector<1xf32>
    %slice3A_989 = vector.extract_strided_slice %add3A_135 {offsets = [13], sizes = [1], strides = [1]} : vector<16xf32> to vector<1xf32>
    %squeeze3A_990 = vector.extract %slice3A_989[0] : f32 from vector<1xf32>
    %slice3A_991 = vector.extract_strided_slice %add3A_136 {offsets = [13], sizes = [1], strides = [1]} : vector<16xf32> to vector<1xf32>
    %squeeze3A_992 = vector.extract %slice3A_991[0] : f32 from vector<1xf32>
    %parallel_loop3A_993 = arith.constant 0 : i32
    %parallel_loop3A_994 = arith.constant 32 : i32
    %parallel_loop3A_995 = arith.constant 1 : i32
    %parallel_loop3A_996:2 = scf.for %parallel_loop3A_1203 = %parallel_loop3A_993 to %parallel_loop3A_994 step %parallel_loop3A_995 iter_args(%parallel_loop3A_1204 = %broadcast_in_dim3A_35, %parallel_loop3A_1205 = %broadcast_in_dim3A_35) -> (vector<16xf32>, vector<16xf32>)  : i32 {
      %parallel_loop3A_1206 = arith.constant 16 : i32
      %parallel_loop3A_1207 = arith.muli %parallel_loop3A_1203, %parallel_loop3A_1206 : i32
      %parallel_loop3A_1208 = arith.constant 0.000000e+00 : f32
      %parallel_loop3A_1209 = vector.broadcast %parallel_loop3A_1208 : f32 to vector<16xf32>
      %parallel_loop3A_1210 = arith.constant 0.000000e+00 : f32
      %parallel_loop3A_1211 = vector.broadcast %parallel_loop3A_1210 : f32 to vector<16xf32>
      %parallel_loop3A_1212 = arith.constant 0 : i32
      %parallel_loop3A_1213 = arith.index_cast %parallel_loop3A_1212 : i32 to index
      %parallel_loop3A_1214 = arith.index_cast %parallel_loop3A_1207 : i32 to index
      %parallel_loop3A_1215 = tpu.vector_load %arg4[%parallel_loop3A_1213, %parallel_loop3A_1214] {strides = array<i32>} : memref<16x512xf32, #tpu.memory_space<vmem>>, vector<1x16xf32>,
      %parallel_loop3A_1216 = vector.shape_cast %parallel_loop3A_1215 : vector<1x16xf32> to vector<16xf32>
      %parallel_loop3A_1217 = vector.broadcast %squeeze3A_930 : f32 to vector<16xf32>
      %parallel_loop3A_1218 = arith.mulf %parallel_loop3A_1217, %parallel_loop3A_1216 : vector<16xf32>
      %parallel_loop3A_1219 = arith.addf %parallel_loop3A_1209, %parallel_loop3A_1218 : vector<16xf32>
      %parallel_loop3A_1220 = vector.broadcast %squeeze3A_962 : f32 to vector<16xf32>
      %parallel_loop3A_1221 = arith.mulf %parallel_loop3A_1220, %parallel_loop3A_1216 : vector<16xf32>
      %parallel_loop3A_1222 = arith.addf %parallel_loop3A_1211, %parallel_loop3A_1221 : vector<16xf32>
      %parallel_loop3A_1223 = arith.constant 1 : i32
      %parallel_loop3A_1224 = arith.index_cast %parallel_loop3A_1223 : i32 to index
      %parallel_loop3A_1225 = arith.index_cast %parallel_loop3A_1207 : i32 to index
      %parallel_loop3A_1226 = tpu.vector_load %arg4[%parallel_loop3A_1224, %parallel_loop3A_1225] {strides = array<i32>} : memref<16x512xf32, #tpu.memory_space<vmem>>, vector<1x16xf32>,
      %parallel_loop3A_1227 = vector.shape_cast %parallel_loop3A_1226 : vector<1x16xf32> to vector<16xf32>
      %parallel_loop3A_1228 = vector.broadcast %squeeze3A_932 : f32 to vector<16xf32>
      %parallel_loop3A_1229 = arith.mulf %parallel_loop3A_1228, %parallel_loop3A_1227 : vector<16xf32>
      %parallel_loop3A_1230 = arith.addf %parallel_loop3A_1219, %parallel_loop3A_1229 : vector<16xf32>
      %parallel_loop3A_1231 = vector.broadcast %squeeze3A_964 : f32 to vector<16xf32>
      %parallel_loop3A_1232 = arith.mulf %parallel_loop3A_1231, %parallel_loop3A_1227 : vector<16xf32>
      %parallel_loop3A_1233 = arith.addf %parallel_loop3A_1222, %parallel_loop3A_1232 : vector<16xf32>
      %parallel_loop3A_1234 = arith.constant 2 : i32
      %parallel_loop3A_1235 = arith.index_cast %parallel_loop3A_1234 : i32 to index
      %parallel_loop3A_1236 = arith.index_cast %parallel_loop3A_1207 : i32 to index
      %parallel_loop3A_1237 = tpu.vector_load %arg4[%parallel_loop3A_1235, %parallel_loop3A_1236] {strides = array<i32>} : memref<16x512xf32, #tpu.memory_space<vmem>>, vector<1x16xf32>,
      %parallel_loop3A_1238 = vector.shape_cast %parallel_loop3A_1237 : vector<1x16xf32> to vector<16xf32>
      %parallel_loop3A_1239 = vector.broadcast %squeeze3A_934 : f32 to vector<16xf32>
      %parallel_loop3A_1240 = arith.mulf %parallel_loop3A_1239, %parallel_loop3A_1238 : vector<16xf32>
      %parallel_loop3A_1241 = arith.addf %parallel_loop3A_1230, %parallel_loop3A_1240 : vector<16xf32>
      %parallel_loop3A_1242 = vector.broadcast %squeeze3A_966 : f32 to vector<16xf32>
      %parallel_loop3A_1243 = arith.mulf %parallel_loop3A_1242, %parallel_loop3A_1238 : vector<16xf32>
      %parallel_loop3A_1244 = arith.addf %parallel_loop3A_1233, %parallel_loop3A_1243 : vector<16xf32>
      %parallel_loop3A_1245 = arith.constant 3 : i32
      %parallel_loop3A_1246 = arith.index_cast %parallel_loop3A_1245 : i32 to index
      %parallel_loop3A_1247 = arith.index_cast %parallel_loop3A_1207 : i32 to index
      %parallel_loop3A_1248 = tpu.vector_load %arg4[%parallel_loop3A_1246, %parallel_loop3A_1247] {strides = array<i32>} : memref<16x512xf32, #tpu.memory_space<vmem>>, vector<1x16xf32>,
      %parallel_loop3A_1249 = vector.shape_cast %parallel_loop3A_1248 : vector<1x16xf32> to vector<16xf32>
      %parallel_loop3A_1250 = vector.broadcast %squeeze3A_936 : f32 to vector<16xf32>
      %parallel_loop3A_1251 = arith.mulf %parallel_loop3A_1250, %parallel_loop3A_1249 : vector<16xf32>
      %parallel_loop3A_1252 = arith.addf %parallel_loop3A_1241, %parallel_loop3A_1251 : vector<16xf32>
      %parallel_loop3A_1253 = vector.broadcast %squeeze3A_968 : f32 to vector<16xf32>
      %parallel_loop3A_1254 = arith.mulf %parallel_loop3A_1253, %parallel_loop3A_1249 : vector<16xf32>
      %parallel_loop3A_1255 = arith.addf %parallel_loop3A_1244, %parallel_loop3A_1254 : vector<16xf32>
      %parallel_loop3A_1256 = arith.constant 4 : i32
      %parallel_loop3A_1257 = arith.index_cast %parallel_loop3A_1256 : i32 to index
      %parallel_loop3A_1258 = arith.index_cast %parallel_loop3A_1207 : i32 to index
      %parallel_loop3A_1259 = tpu.vector_load %arg4[%parallel_loop3A_1257, %parallel_loop3A_1258] {strides = array<i32>} : memref<16x512xf32, #tpu.memory_space<vmem>>, vector<1x16xf32>,
      %parallel_loop3A_1260 = vector.shape_cast %parallel_loop3A_1259 : vector<1x16xf32> to vector<16xf32>
      %parallel_loop3A_1261 = vector.broadcast %squeeze3A_938 : f32 to vector<16xf32>
      %parallel_loop3A_1262 = arith.mulf %parallel_loop3A_1261, %parallel_loop3A_1260 : vector<16xf32>
      %parallel_loop3A_1263 = arith.addf %parallel_loop3A_1252, %parallel_loop3A_1262 : vector<16xf32>
      %parallel_loop3A_1264 = vector.broadcast %squeeze3A_970 : f32 to vector<16xf32>
      %parallel_loop3A_1265 = arith.mulf %parallel_loop3A_1264, %parallel_loop3A_1260 : vector<16xf32>
      %parallel_loop3A_1266 = arith.addf %parallel_loop3A_1255, %parallel_loop3A_1265 : vector<16xf32>
      %parallel_loop3A_1267 = arith.constant 5 : i32
      %parallel_loop3A_1268 = arith.index_cast %parallel_loop3A_1267 : i32 to index
      %parallel_loop3A_1269 = arith.index_cast %parallel_loop3A_1207 : i32 to index
      %parallel_loop3A_1270 = tpu.vector_load %arg4[%parallel_loop3A_1268, %parallel_loop3A_1269] {strides = array<i32>} : memref<16x512xf32, #tpu.memory_space<vmem>>, vector<1x16xf32>,
      %parallel_loop3A_1271 = vector.shape_cast %parallel_loop3A_1270 : vector<1x16xf32> to vector<16xf32>
      %parallel_loop3A_1272 = vector.broadcast %squeeze3A_940 : f32 to vector<16xf32>
      %parallel_loop3A_1273 = arith.mulf %parallel_loop3A_1272, %parallel_loop3A_1271 : vector<16xf32>
      %parallel_loop3A_1274 = arith.addf %parallel_loop3A_1263, %parallel_loop3A_1273 : vector<16xf32>
      %parallel_loop3A_1275 = vector.broadcast %squeeze3A_972 : f32 to vector<16xf32>
      %parallel_loop3A_1276 = arith.mulf %parallel_loop3A_1275, %parallel_loop3A_1271 : vector<16xf32>
      %parallel_loop3A_1277 = arith.addf %parallel_loop3A_1266, %parallel_loop3A_1276 : vector<16xf32>
      %parallel_loop3A_1278 = arith.constant 6 : i32
      %parallel_loop3A_1279 = arith.index_cast %parallel_loop3A_1278 : i32 to index
      %parallel_loop3A_1280 = arith.index_cast %parallel_loop3A_1207 : i32 to index
      %parallel_loop3A_1281 = tpu.vector_load %arg4[%parallel_loop3A_1279, %parallel_loop3A_1280] {strides = array<i32>} : memref<16x512xf32, #tpu.memory_space<vmem>>, vector<1x16xf32>,
      %parallel_loop3A_1282 = vector.shape_cast %parallel_loop3A_1281 : vector<1x16xf32> to vector<16xf32>
      %parallel_loop3A_1283 = vector.broadcast %squeeze3A_942 : f32 to vector<16xf32>
      %parallel_loop3A_1284 = arith.mulf %parallel_loop3A_1283, %parallel_loop3A_1282 : vector<16xf32>
      %parallel_loop3A_1285 = arith.addf %parallel_loop3A_1274, %parallel_loop3A_1284 : vector<16xf32>
      %parallel_loop3A_1286 = vector.broadcast %squeeze3A_974 : f32 to vector<16xf32>
      %parallel_loop3A_1287 = arith.mulf %parallel_loop3A_1286, %parallel_loop3A_1282 : vector<16xf32>
      %parallel_loop3A_1288 = arith.addf %parallel_loop3A_1277, %parallel_loop3A_1287 : vector<16xf32>
      %parallel_loop3A_1289 = arith.constant 7 : i32
      %parallel_loop3A_1290 = arith.index_cast %parallel_loop3A_1289 : i32 to index
      %parallel_loop3A_1291 = arith.index_cast %parallel_loop3A_1207 : i32 to index
      %parallel_loop3A_1292 = tpu.vector_load %arg4[%parallel_loop3A_1290, %parallel_loop3A_1291] {strides = array<i32>} : memref<16x512xf32, #tpu.memory_space<vmem>>, vector<1x16xf32>,
      %parallel_loop3A_1293 = vector.shape_cast %parallel_loop3A_1292 : vector<1x16xf32> to vector<16xf32>
      %parallel_loop3A_1294 = vector.broadcast %squeeze3A_944 : f32 to vector<16xf32>
      %parallel_loop3A_1295 = arith.mulf %parallel_loop3A_1294, %parallel_loop3A_1293 : vector<16xf32>
      %parallel_loop3A_1296 = arith.addf %parallel_loop3A_1285, %parallel_loop3A_1295 : vector<16xf32>
      %parallel_loop3A_1297 = vector.broadcast %squeeze3A_976 : f32 to vector<16xf32>
      %parallel_loop3A_1298 = arith.mulf %parallel_loop3A_1297, %parallel_loop3A_1293 : vector<16xf32>
      %parallel_loop3A_1299 = arith.addf %parallel_loop3A_1288, %parallel_loop3A_1298 : vector<16xf32>
      %parallel_loop3A_1300 = arith.constant 8 : i32
      %parallel_loop3A_1301 = arith.index_cast %parallel_loop3A_1300 : i32 to index
      %parallel_loop3A_1302 = arith.index_cast %parallel_loop3A_1207 : i32 to index
      %parallel_loop3A_1303 = tpu.vector_load %arg4[%parallel_loop3A_1301, %parallel_loop3A_1302] {strides = array<i32>} : memref<16x512xf32, #tpu.memory_space<vmem>>, vector<1x16xf32>,
      %parallel_loop3A_1304 = vector.shape_cast %parallel_loop3A_1303 : vector<1x16xf32> to vector<16xf32>
      %parallel_loop3A_1305 = vector.broadcast %squeeze3A_946 : f32 to vector<16xf32>
      %parallel_loop3A_1306 = arith.mulf %parallel_loop3A_1305, %parallel_loop3A_1304 : vector<16xf32>
      %parallel_loop3A_1307 = arith.addf %parallel_loop3A_1296, %parallel_loop3A_1306 : vector<16xf32>
      %parallel_loop3A_1308 = vector.broadcast %squeeze3A_978 : f32 to vector<16xf32>
      %parallel_loop3A_1309 = arith.mulf %parallel_loop3A_1308, %parallel_loop3A_1304 : vector<16xf32>
      %parallel_loop3A_1310 = arith.addf %parallel_loop3A_1299, %parallel_loop3A_1309 : vector<16xf32>
      %parallel_loop3A_1311 = arith.constant 9 : i32
      %parallel_loop3A_1312 = arith.index_cast %parallel_loop3A_1311 : i32 to index
      %parallel_loop3A_1313 = arith.index_cast %parallel_loop3A_1207 : i32 to index
      %parallel_loop3A_1314 = tpu.vector_load %arg4[%parallel_loop3A_1312, %parallel_loop3A_1313] {strides = array<i32>} : memref<16x512xf32, #tpu.memory_space<vmem>>, vector<1x16xf32>,
      %parallel_loop3A_1315 = vector.shape_cast %parallel_loop3A_1314 : vector<1x16xf32> to vector<16xf32>
      %parallel_loop3A_1316 = vector.broadcast %squeeze3A_948 : f32 to vector<16xf32>
      %parallel_loop3A_1317 = arith.mulf %parallel_loop3A_1316, %parallel_loop3A_1315 : vector<16xf32>
      %parallel_loop3A_1318 = arith.addf %parallel_loop3A_1307, %parallel_loop3A_1317 : vector<16xf32>
      %parallel_loop3A_1319 = vector.broadcast %squeeze3A_980 : f32 to vector<16xf32>
      %parallel_loop3A_1320 = arith.mulf %parallel_loop3A_1319, %parallel_loop3A_1315 : vector<16xf32>
      %parallel_loop3A_1321 = arith.addf %parallel_loop3A_1310, %parallel_loop3A_1320 : vector<16xf32>
      %parallel_loop3A_1322 = arith.constant 10 : i32
      %parallel_loop3A_1323 = arith.index_cast %parallel_loop3A_1322 : i32 to index
      %parallel_loop3A_1324 = arith.index_cast %parallel_loop3A_1207 : i32 to index
      %parallel_loop3A_1325 = tpu.vector_load %arg4[%parallel_loop3A_1323, %parallel_loop3A_1324] {strides = array<i32>} : memref<16x512xf32, #tpu.memory_space<vmem>>, vector<1x16xf32>,
      %parallel_loop3A_1326 = vector.shape_cast %parallel_loop3A_1325 : vector<1x16xf32> to vector<16xf32>
      %parallel_loop3A_1327 = vector.broadcast %squeeze3A_950 : f32 to vector<16xf32>
      %parallel_loop3A_1328 = arith.mulf %parallel_loop3A_1327, %parallel_loop3A_1326 : vector<16xf32>
      %parallel_loop3A_1329 = arith.addf %parallel_loop3A_1318, %parallel_loop3A_1328 : vector<16xf32>
      %parallel_loop3A_1330 = vector.broadcast %squeeze3A_982 : f32 to vector<16xf32>
      %parallel_loop3A_1331 = arith.mulf %parallel_loop3A_1330, %parallel_loop3A_1326 : vector<16xf32>
      %parallel_loop3A_1332 = arith.addf %parallel_loop3A_1321, %parallel_loop3A_1331 : vector<16xf32>
      %parallel_loop3A_1333 = arith.constant 11 : i32
      %parallel_loop3A_1334 = arith.index_cast %parallel_loop3A_1333 : i32 to index
      %parallel_loop3A_1335 = arith.index_cast %parallel_loop3A_1207 : i32 to index
      %parallel_loop3A_1336 = tpu.vector_load %arg4[%parallel_loop3A_1334, %parallel_loop3A_1335] {strides = array<i32>} : memref<16x512xf32, #tpu.memory_space<vmem>>, vector<1x16xf32>,
      %parallel_loop3A_1337 = vector.shape_cast %parallel_loop3A_1336 : vector<1x16xf32> to vector<16xf32>
      %parallel_loop3A_1338 = vector.broadcast %squeeze3A_952 : f32 to vector<16xf32>
      %parallel_loop3A_1339 = arith.mulf %parallel_loop3A_1338, %parallel_loop3A_1337 : vector<16xf32>
      %parallel_loop3A_1340 = arith.addf %parallel_loop3A_1329, %parallel_loop3A_1339 : vector<16xf32>
      %parallel_loop3A_1341 = vector.broadcast %squeeze3A_984 : f32 to vector<16xf32>
      %parallel_loop3A_1342 = arith.mulf %parallel_loop3A_1341, %parallel_loop3A_1337 : vector<16xf32>
      %parallel_loop3A_1343 = arith.addf %parallel_loop3A_1332, %parallel_loop3A_1342 : vector<16xf32>
      %parallel_loop3A_1344 = arith.constant 12 : i32
      %parallel_loop3A_1345 = arith.index_cast %parallel_loop3A_1344 : i32 to index
      %parallel_loop3A_1346 = arith.index_cast %parallel_loop3A_1207 : i32 to index
      %parallel_loop3A_1347 = tpu.vector_load %arg4[%parallel_loop3A_1345, %parallel_loop3A_1346] {strides = array<i32>} : memref<16x512xf32, #tpu.memory_space<vmem>>, vector<1x16xf32>,
      %parallel_loop3A_1348 = vector.shape_cast %parallel_loop3A_1347 : vector<1x16xf32> to vector<16xf32>
      %parallel_loop3A_1349 = vector.broadcast %squeeze3A_954 : f32 to vector<16xf32>
      %parallel_loop3A_1350 = arith.mulf %parallel_loop3A_1349, %parallel_loop3A_1348 : vector<16xf32>
      %parallel_loop3A_1351 = arith.addf %parallel_loop3A_1340, %parallel_loop3A_1350 : vector<16xf32>
      %parallel_loop3A_1352 = vector.broadcast %squeeze3A_986 : f32 to vector<16xf32>
      %parallel_loop3A_1353 = arith.mulf %parallel_loop3A_1352, %parallel_loop3A_1348 : vector<16xf32>
      %parallel_loop3A_1354 = arith.addf %parallel_loop3A_1343, %parallel_loop3A_1353 : vector<16xf32>
      %parallel_loop3A_1355 = arith.constant 13 : i32
      %parallel_loop3A_1356 = arith.index_cast %parallel_loop3A_1355 : i32 to index
      %parallel_loop3A_1357 = arith.index_cast %parallel_loop3A_1207 : i32 to index
      %parallel_loop3A_1358 = tpu.vector_load %arg4[%parallel_loop3A_1356, %parallel_loop3A_1357] {strides = array<i32>} : memref<16x512xf32, #tpu.memory_space<vmem>>, vector<1x16xf32>,
      %parallel_loop3A_1359 = vector.shape_cast %parallel_loop3A_1358 : vector<1x16xf32> to vector<16xf32>
      %parallel_loop3A_1360 = vector.broadcast %squeeze3A_956 : f32 to vector<16xf32>
      %parallel_loop3A_1361 = arith.mulf %parallel_loop3A_1360, %parallel_loop3A_1359 : vector<16xf32>
      %parallel_loop3A_1362 = arith.addf %parallel_loop3A_1351, %parallel_loop3A_1361 : vector<16xf32>
      %parallel_loop3A_1363 = vector.broadcast %squeeze3A_988 : f32 to vector<16xf32>
      %parallel_loop3A_1364 = arith.mulf %parallel_loop3A_1363, %parallel_loop3A_1359 : vector<16xf32>
      %parallel_loop3A_1365 = arith.addf %parallel_loop3A_1354, %parallel_loop3A_1364 : vector<16xf32>
      %parallel_loop3A_1366 = arith.constant 14 : i32
      %parallel_loop3A_1367 = arith.index_cast %parallel_loop3A_1366 : i32 to index
      %parallel_loop3A_1368 = arith.index_cast %parallel_loop3A_1207 : i32 to index
      %parallel_loop3A_1369 = tpu.vector_load %arg4[%parallel_loop3A_1367, %parallel_loop3A_1368] {strides = array<i32>} : memref<16x512xf32, #tpu.memory_space<vmem>>, vector<1x16xf32>,
      %parallel_loop3A_1370 = vector.shape_cast %parallel_loop3A_1369 : vector<1x16xf32> to vector<16xf32>
      %parallel_loop3A_1371 = vector.broadcast %squeeze3A_958 : f32 to vector<16xf32>
      %parallel_loop3A_1372 = arith.mulf %parallel_loop3A_1371, %parallel_loop3A_1370 : vector<16xf32>
      %parallel_loop3A_1373 = arith.addf %parallel_loop3A_1362, %parallel_loop3A_1372 : vector<16xf32>
      %parallel_loop3A_1374 = vector.broadcast %squeeze3A_990 : f32 to vector<16xf32>
      %parallel_loop3A_1375 = arith.mulf %parallel_loop3A_1374, %parallel_loop3A_1370 : vector<16xf32>
      %parallel_loop3A_1376 = arith.addf %parallel_loop3A_1365, %parallel_loop3A_1375 : vector<16xf32>
      %parallel_loop3A_1377 = arith.constant 15 : i32
      %parallel_loop3A_1378 = arith.index_cast %parallel_loop3A_1377 : i32 to index
      %parallel_loop3A_1379 = arith.index_cast %parallel_loop3A_1207 : i32 to index
      %parallel_loop3A_1380 = tpu.vector_load %arg4[%parallel_loop3A_1378, %parallel_loop3A_1379] {strides = array<i32>} : memref<16x512xf32, #tpu.memory_space<vmem>>, vector<1x16xf32>,
      %parallel_loop3A_1381 = vector.shape_cast %parallel_loop3A_1380 : vector<1x16xf32> to vector<16xf32>
      %parallel_loop3A_1382 = vector.broadcast %squeeze3A_960 : f32 to vector<16xf32>
      %parallel_loop3A_1383 = arith.mulf %parallel_loop3A_1382, %parallel_loop3A_1381 : vector<16xf32>
      %parallel_loop3A_1384 = arith.addf %parallel_loop3A_1373, %parallel_loop3A_1383 : vector<16xf32>
      %parallel_loop3A_1385 = vector.broadcast %squeeze3A_992 : f32 to vector<16xf32>
      %parallel_loop3A_1386 = arith.mulf %parallel_loop3A_1385, %parallel_loop3A_1381 : vector<16xf32>
      %parallel_loop3A_1387 = arith.addf %parallel_loop3A_1376, %parallel_loop3A_1386 : vector<16xf32>
      %parallel_loop3A_1388 = arith.index_cast %parallel_loop3A_1207 : i32 to index
      %parallel_loop3A_1389 = tpu.vector_load %arg5[%parallel_loop3A_1388] {strides = array<i32>} : memref<512xf32, #tpu.memory_space<vmem>>, vector<16xf32>,
      %parallel_loop3A_1390 = vector.shape_cast %parallel_loop3A_1389 : vector<16xf32> to vector<16xf32>
      %parallel_loop3A_1391 = vector.broadcast %parallel_loop3A_1207 : i32 to vector<16xi32>
      %parallel_loop3A_1392 = arith.addi %iota3A, %parallel_loop3A_1391 : vector<16xi32>
      %parallel_loop3A_1393 = arith.subf %parallel_loop3A_1390, %parallel_loop3A_1384 : vector<16xf32>
      %parallel_loop3A_1394 = arith.constant 12 : i32
      %parallel_loop3A_1395 = arith.addi %add3A_41, %parallel_loop3A_1394 : i32
      %parallel_loop3A_1396 = arith.constant 0 : i32
      %parallel_loop3A_1397 = arith.addi %parallel_loop3A_1395, %parallel_loop3A_1396 : i32
      %parallel_loop3A_1398 = vector.broadcast %parallel_loop3A_1397 : i32 to vector<16xi32>
      %parallel_loop3A_1399 = arith.cmpi eq, %parallel_loop3A_1392, %parallel_loop3A_1398 : vector<16xi32>
      %parallel_loop3A_1400 = arith.select %parallel_loop3A_1399, %broadcast_in_dim3A_35, %parallel_loop3A_1393 : vector<16xi1>, vector<16xf32>
      %parallel_loop3A_1401 = arith.minimumf %parallel_loop3A_1204, %parallel_loop3A_1400 : vector<16xf32>
      %parallel_loop3A_1402 = arith.subf %parallel_loop3A_1390, %parallel_loop3A_1387 : vector<16xf32>
      %parallel_loop3A_1403 = arith.constant 12 : i32
      %parallel_loop3A_1404 = arith.addi %add3A_41, %parallel_loop3A_1403 : i32
      %parallel_loop3A_1405 = arith.constant 1 : i32
      %parallel_loop3A_1406 = arith.addi %parallel_loop3A_1404, %parallel_loop3A_1405 : i32
      %parallel_loop3A_1407 = vector.broadcast %parallel_loop3A_1406 : i32 to vector<16xi32>
      %parallel_loop3A_1408 = arith.cmpi eq, %parallel_loop3A_1392, %parallel_loop3A_1407 : vector<16xi32>
      %parallel_loop3A_1409 = arith.select %parallel_loop3A_1408, %broadcast_in_dim3A_35, %parallel_loop3A_1402 : vector<16xi1>, vector<16xf32>
      %parallel_loop3A_1410 = arith.minimumf %parallel_loop3A_1205, %parallel_loop3A_1409 : vector<16xf32>
      scf.yield %parallel_loop3A_1401, %parallel_loop3A_1410 : vector<16xf32>, vector<16xf32>
    } {sc.loop_unroll_factor = 4 : i64, sc.parallel_access}
    %xor3A_997 = arith.constant 1 : i32
    %xor3A_998 = vector.broadcast %xor3A_997 : i32 to vector<16xi32>
    %xor3A_999 = arith.xori %iota3A, %xor3A_998 : vector<16xi32>
    %broadcast_in_dim3A_1000 = vector.shape_cast %xor3A_999 : vector<16xi32> to vector<16x1xi32>
    %gather3A_1001 = vector.shape_cast %broadcast_in_dim3A_1000 : vector<16x1xi32> to vector<16xi32>
    %gather3A_1002 = tpu.dynamic_gather %parallel_loop3A_996#0[%gather3A_1001] in [0] : vector<16xf32>, vector<16xi32> -> vector<16xf32>
    %min3A_1003 = arith.minimumf %parallel_loop3A_996#0, %gather3A_1002 : vector<16xf32>
    %xor3A_1004 = arith.constant 2 : i32
    %xor3A_1005 = vector.broadcast %xor3A_1004 : i32 to vector<16xi32>
    %xor3A_1006 = arith.xori %iota3A, %xor3A_1005 : vector<16xi32>
    %broadcast_in_dim3A_1007 = vector.shape_cast %xor3A_1006 : vector<16xi32> to vector<16x1xi32>
    %gather3A_1008 = vector.shape_cast %broadcast_in_dim3A_1007 : vector<16x1xi32> to vector<16xi32>
    %gather3A_1009 = tpu.dynamic_gather %min3A_1003[%gather3A_1008] in [0] : vector<16xf32>, vector<16xi32> -> vector<16xf32>
    %min3A_1010 = arith.minimumf %min3A_1003, %gather3A_1009 : vector<16xf32>
    %xor3A_1011 = arith.constant 4 : i32
    %xor3A_1012 = vector.broadcast %xor3A_1011 : i32 to vector<16xi32>
    %xor3A_1013 = arith.xori %iota3A, %xor3A_1012 : vector<16xi32>
    %broadcast_in_dim3A_1014 = vector.shape_cast %xor3A_1013 : vector<16xi32> to vector<16x1xi32>
    %gather3A_1015 = vector.shape_cast %broadcast_in_dim3A_1014 : vector<16x1xi32> to vector<16xi32>
    %gather3A_1016 = tpu.dynamic_gather %min3A_1010[%gather3A_1015] in [0] : vector<16xf32>, vector<16xi32> -> vector<16xf32>
    %min3A_1017 = arith.minimumf %min3A_1010, %gather3A_1016 : vector<16xf32>
    %xor3A_1018 = arith.constant 8 : i32
    %xor3A_1019 = vector.broadcast %xor3A_1018 : i32 to vector<16xi32>
    %xor3A_1020 = arith.xori %iota3A, %xor3A_1019 : vector<16xi32>
    %broadcast_in_dim3A_1021 = vector.shape_cast %xor3A_1020 : vector<16xi32> to vector<16x1xi32>
    %gather3A_1022 = vector.shape_cast %broadcast_in_dim3A_1021 : vector<16x1xi32> to vector<16xi32>
    %gather3A_1023 = tpu.dynamic_gather %min3A_1017[%gather3A_1022] in [0] : vector<16xf32>, vector<16xi32> -> vector<16xf32>
    %min3A_1024 = arith.minimumf %min3A_1017, %gather3A_1023 : vector<16xf32>
    %eq3A_1025 = arith.constant 12 : i32
    %eq3A_1026 = vector.broadcast %eq3A_1025 : i32 to vector<16xi32>
    %eq3A_1027 = arith.cmpi eq, %iota3A, %eq3A_1026 : vector<16xi32>
    %select_n3A_1028 = arith.select %eq3A_1027, %min3A_1024, %select_n3A_928 : vector<16xi1>, vector<16xf32>
    %xor3A_1029 = arith.constant 1 : i32
    %xor3A_1030 = vector.broadcast %xor3A_1029 : i32 to vector<16xi32>
    %xor3A_1031 = arith.xori %iota3A, %xor3A_1030 : vector<16xi32>
    %broadcast_in_dim3A_1032 = vector.shape_cast %xor3A_1031 : vector<16xi32> to vector<16x1xi32>
    %gather3A_1033 = vector.shape_cast %broadcast_in_dim3A_1032 : vector<16x1xi32> to vector<16xi32>
    %gather3A_1034 = tpu.dynamic_gather %parallel_loop3A_996#1[%gather3A_1033] in [0] : vector<16xf32>, vector<16xi32> -> vector<16xf32>
    %min3A_1035 = arith.minimumf %parallel_loop3A_996#1, %gather3A_1034 : vector<16xf32>
    %xor3A_1036 = arith.constant 2 : i32
    %xor3A_1037 = vector.broadcast %xor3A_1036 : i32 to vector<16xi32>
    %xor3A_1038 = arith.xori %iota3A, %xor3A_1037 : vector<16xi32>
    %broadcast_in_dim3A_1039 = vector.shape_cast %xor3A_1038 : vector<16xi32> to vector<16x1xi32>
    %gather3A_1040 = vector.shape_cast %broadcast_in_dim3A_1039 : vector<16x1xi32> to vector<16xi32>
    %gather3A_1041 = tpu.dynamic_gather %min3A_1035[%gather3A_1040] in [0] : vector<16xf32>, vector<16xi32> -> vector<16xf32>
    %min3A_1042 = arith.minimumf %min3A_1035, %gather3A_1041 : vector<16xf32>
    %xor3A_1043 = arith.constant 4 : i32
    %xor3A_1044 = vector.broadcast %xor3A_1043 : i32 to vector<16xi32>
    %xor3A_1045 = arith.xori %iota3A, %xor3A_1044 : vector<16xi32>
    %broadcast_in_dim3A_1046 = vector.shape_cast %xor3A_1045 : vector<16xi32> to vector<16x1xi32>
    %gather3A_1047 = vector.shape_cast %broadcast_in_dim3A_1046 : vector<16x1xi32> to vector<16xi32>
    %gather3A_1048 = tpu.dynamic_gather %min3A_1042[%gather3A_1047] in [0] : vector<16xf32>, vector<16xi32> -> vector<16xf32>
    %min3A_1049 = arith.minimumf %min3A_1042, %gather3A_1048 : vector<16xf32>
    %xor3A_1050 = arith.constant 8 : i32
    %xor3A_1051 = vector.broadcast %xor3A_1050 : i32 to vector<16xi32>
    %xor3A_1052 = arith.xori %iota3A, %xor3A_1051 : vector<16xi32>
    %broadcast_in_dim3A_1053 = vector.shape_cast %xor3A_1052 : vector<16xi32> to vector<16x1xi32>
    %gather3A_1054 = vector.shape_cast %broadcast_in_dim3A_1053 : vector<16x1xi32> to vector<16xi32>
    %gather3A_1055 = tpu.dynamic_gather %min3A_1049[%gather3A_1054] in [0] : vector<16xf32>, vector<16xi32> -> vector<16xf32>
    %min3A_1056 = arith.minimumf %min3A_1049, %gather3A_1055 : vector<16xf32>
    %eq3A_1057 = arith.constant 13 : i32
    %eq3A_1058 = vector.broadcast %eq3A_1057 : i32 to vector<16xi32>
    %eq3A_1059 = arith.cmpi eq, %iota3A, %eq3A_1058 : vector<16xi32>
    %select_n3A_1060 = arith.select %eq3A_1059, %min3A_1056, %select_n3A_1028 : vector<16xi1>, vector<16xf32>
    %slice3A_1061 = vector.extract_strided_slice %add3A_121 {offsets = [14], sizes = [1], strides = [1]} : vector<16xf32> to vector<1xf32>
    %squeeze3A_1062 = vector.extract %slice3A_1061[0] : f32 from vector<1xf32>
    %slice3A_1063 = vector.extract_strided_slice %add3A_122 {offsets = [14], sizes = [1], strides = [1]} : vector<16xf32> to vector<1xf32>
    %squeeze3A_1064 = vector.extract %slice3A_1063[0] : f32 from vector<1xf32>
    %slice3A_1065 = vector.extract_strided_slice %add3A_123 {offsets = [14], sizes = [1], strides = [1]} : vector<16xf32> to vector<1xf32>
    %squeeze3A_1066 = vector.extract %slice3A_1065[0] : f32 from vector<1xf32>
    %slice3A_1067 = vector.extract_strided_slice %add3A_124 {offsets = [14], sizes = [1], strides = [1]} : vector<16xf32> to vector<1xf32>
    %squeeze3A_1068 = vector.extract %slice3A_1067[0] : f32 from vector<1xf32>
    %slice3A_1069 = vector.extract_strided_slice %add3A_125 {offsets = [14], sizes = [1], strides = [1]} : vector<16xf32> to vector<1xf32>
    %squeeze3A_1070 = vector.extract %slice3A_1069[0] : f32 from vector<1xf32>
    %slice3A_1071 = vector.extract_strided_slice %add3A_126 {offsets = [14], sizes = [1], strides = [1]} : vector<16xf32> to vector<1xf32>
    %squeeze3A_1072 = vector.extract %slice3A_1071[0] : f32 from vector<1xf32>
    %slice3A_1073 = vector.extract_strided_slice %add3A_127 {offsets = [14], sizes = [1], strides = [1]} : vector<16xf32> to vector<1xf32>
    %squeeze3A_1074 = vector.extract %slice3A_1073[0] : f32 from vector<1xf32>
    %slice3A_1075 = vector.extract_strided_slice %add3A_128 {offsets = [14], sizes = [1], strides = [1]} : vector<16xf32> to vector<1xf32>
    %squeeze3A_1076 = vector.extract %slice3A_1075[0] : f32 from vector<1xf32>
    %slice3A_1077 = vector.extract_strided_slice %add3A_129 {offsets = [14], sizes = [1], strides = [1]} : vector<16xf32> to vector<1xf32>
    %squeeze3A_1078 = vector.extract %slice3A_1077[0] : f32 from vector<1xf32>
    %slice3A_1079 = vector.extract_strided_slice %add3A_130 {offsets = [14], sizes = [1], strides = [1]} : vector<16xf32> to vector<1xf32>
    %squeeze3A_1080 = vector.extract %slice3A_1079[0] : f32 from vector<1xf32>
    %slice3A_1081 = vector.extract_strided_slice %add3A_131 {offsets = [14], sizes = [1], strides = [1]} : vector<16xf32> to vector<1xf32>
    %squeeze3A_1082 = vector.extract %slice3A_1081[0] : f32 from vector<1xf32>
    %slice3A_1083 = vector.extract_strided_slice %add3A_132 {offsets = [14], sizes = [1], strides = [1]} : vector<16xf32> to vector<1xf32>
    %squeeze3A_1084 = vector.extract %slice3A_1083[0] : f32 from vector<1xf32>
    %slice3A_1085 = vector.extract_strided_slice %add3A_133 {offsets = [14], sizes = [1], strides = [1]} : vector<16xf32> to vector<1xf32>
    %squeeze3A_1086 = vector.extract %slice3A_1085[0] : f32 from vector<1xf32>
    %slice3A_1087 = vector.extract_strided_slice %add3A_134 {offsets = [14], sizes = [1], strides = [1]} : vector<16xf32> to vector<1xf32>
    %squeeze3A_1088 = vector.extract %slice3A_1087[0] : f32 from vector<1xf32>
    %slice3A_1089 = vector.extract_strided_slice %add3A_135 {offsets = [14], sizes = [1], strides = [1]} : vector<16xf32> to vector<1xf32>
    %squeeze3A_1090 = vector.extract %slice3A_1089[0] : f32 from vector<1xf32>
    %slice3A_1091 = vector.extract_strided_slice %add3A_136 {offsets = [14], sizes = [1], strides = [1]} : vector<16xf32> to vector<1xf32>
    %squeeze3A_1092 = vector.extract %slice3A_1091[0] : f32 from vector<1xf32>
    %slice3A_1093 = vector.extract_strided_slice %add3A_121 {offsets = [15], sizes = [1], strides = [1]} : vector<16xf32> to vector<1xf32>
    %squeeze3A_1094 = vector.extract %slice3A_1093[0] : f32 from vector<1xf32>
    %slice3A_1095 = vector.extract_strided_slice %add3A_122 {offsets = [15], sizes = [1], strides = [1]} : vector<16xf32> to vector<1xf32>
    %squeeze3A_1096 = vector.extract %slice3A_1095[0] : f32 from vector<1xf32>
    %slice3A_1097 = vector.extract_strided_slice %add3A_123 {offsets = [15], sizes = [1], strides = [1]} : vector<16xf32> to vector<1xf32>
    %squeeze3A_1098 = vector.extract %slice3A_1097[0] : f32 from vector<1xf32>
    %slice3A_1099 = vector.extract_strided_slice %add3A_124 {offsets = [15], sizes = [1], strides = [1]} : vector<16xf32> to vector<1xf32>
    %squeeze3A_1100 = vector.extract %slice3A_1099[0] : f32 from vector<1xf32>
    %slice3A_1101 = vector.extract_strided_slice %add3A_125 {offsets = [15], sizes = [1], strides = [1]} : vector<16xf32> to vector<1xf32>
    %squeeze3A_1102 = vector.extract %slice3A_1101[0] : f32 from vector<1xf32>
    %slice3A_1103 = vector.extract_strided_slice %add3A_126 {offsets = [15], sizes = [1], strides = [1]} : vector<16xf32> to vector<1xf32>
    %squeeze3A_1104 = vector.extract %slice3A_1103[0] : f32 from vector<1xf32>
    %slice3A_1105 = vector.extract_strided_slice %add3A_127 {offsets = [15], sizes = [1], strides = [1]} : vector<16xf32> to vector<1xf32>
    %squeeze3A_1106 = vector.extract %slice3A_1105[0] : f32 from vector<1xf32>
    %slice3A_1107 = vector.extract_strided_slice %add3A_128 {offsets = [15], sizes = [1], strides = [1]} : vector<16xf32> to vector<1xf32>
    %squeeze3A_1108 = vector.extract %slice3A_1107[0] : f32 from vector<1xf32>
    %slice3A_1109 = vector.extract_strided_slice %add3A_129 {offsets = [15], sizes = [1], strides = [1]} : vector<16xf32> to vector<1xf32>
    %squeeze3A_1110 = vector.extract %slice3A_1109[0] : f32 from vector<1xf32>
    %slice3A_1111 = vector.extract_strided_slice %add3A_130 {offsets = [15], sizes = [1], strides = [1]} : vector<16xf32> to vector<1xf32>
    %squeeze3A_1112 = vector.extract %slice3A_1111[0] : f32 from vector<1xf32>
    %slice3A_1113 = vector.extract_strided_slice %add3A_131 {offsets = [15], sizes = [1], strides = [1]} : vector<16xf32> to vector<1xf32>
    %squeeze3A_1114 = vector.extract %slice3A_1113[0] : f32 from vector<1xf32>
    %slice3A_1115 = vector.extract_strided_slice %add3A_132 {offsets = [15], sizes = [1], strides = [1]} : vector<16xf32> to vector<1xf32>
    %squeeze3A_1116 = vector.extract %slice3A_1115[0] : f32 from vector<1xf32>
    %slice3A_1117 = vector.extract_strided_slice %add3A_133 {offsets = [15], sizes = [1], strides = [1]} : vector<16xf32> to vector<1xf32>
    %squeeze3A_1118 = vector.extract %slice3A_1117[0] : f32 from vector<1xf32>
    %slice3A_1119 = vector.extract_strided_slice %add3A_134 {offsets = [15], sizes = [1], strides = [1]} : vector<16xf32> to vector<1xf32>
    %squeeze3A_1120 = vector.extract %slice3A_1119[0] : f32 from vector<1xf32>
    %slice3A_1121 = vector.extract_strided_slice %add3A_135 {offsets = [15], sizes = [1], strides = [1]} : vector<16xf32> to vector<1xf32>
    %squeeze3A_1122 = vector.extract %slice3A_1121[0] : f32 from vector<1xf32>
    %slice3A_1123 = vector.extract_strided_slice %add3A_136 {offsets = [15], sizes = [1], strides = [1]} : vector<16xf32> to vector<1xf32>
    %squeeze3A_1124 = vector.extract %slice3A_1123[0] : f32 from vector<1xf32>
    %parallel_loop3A_1125 = arith.constant 0 : i32
    %parallel_loop3A_1126 = arith.constant 32 : i32
    %parallel_loop3A_1127 = arith.constant 1 : i32
    %parallel_loop3A_1128:2 = scf.for %parallel_loop3A_1203 = %parallel_loop3A_1125 to %parallel_loop3A_1126 step %parallel_loop3A_1127 iter_args(%parallel_loop3A_1204 = %broadcast_in_dim3A_35, %parallel_loop3A_1205 = %broadcast_in_dim3A_35) -> (vector<16xf32>, vector<16xf32>)  : i32 {
      %parallel_loop3A_1206 = arith.constant 16 : i32
      %parallel_loop3A_1207 = arith.muli %parallel_loop3A_1203, %parallel_loop3A_1206 : i32
      %parallel_loop3A_1208 = arith.constant 0.000000e+00 : f32
      %parallel_loop3A_1209 = vector.broadcast %parallel_loop3A_1208 : f32 to vector<16xf32>
      %parallel_loop3A_1210 = arith.constant 0.000000e+00 : f32
      %parallel_loop3A_1211 = vector.broadcast %parallel_loop3A_1210 : f32 to vector<16xf32>
      %parallel_loop3A_1212 = arith.constant 0 : i32
      %parallel_loop3A_1213 = arith.index_cast %parallel_loop3A_1212 : i32 to index
      %parallel_loop3A_1214 = arith.index_cast %parallel_loop3A_1207 : i32 to index
      %parallel_loop3A_1215 = tpu.vector_load %arg4[%parallel_loop3A_1213, %parallel_loop3A_1214] {strides = array<i32>} : memref<16x512xf32, #tpu.memory_space<vmem>>, vector<1x16xf32>,
      %parallel_loop3A_1216 = vector.shape_cast %parallel_loop3A_1215 : vector<1x16xf32> to vector<16xf32>
      %parallel_loop3A_1217 = vector.broadcast %squeeze3A_1062 : f32 to vector<16xf32>
      %parallel_loop3A_1218 = arith.mulf %parallel_loop3A_1217, %parallel_loop3A_1216 : vector<16xf32>
      %parallel_loop3A_1219 = arith.addf %parallel_loop3A_1209, %parallel_loop3A_1218 : vector<16xf32>
      %parallel_loop3A_1220 = vector.broadcast %squeeze3A_1094 : f32 to vector<16xf32>
      %parallel_loop3A_1221 = arith.mulf %parallel_loop3A_1220, %parallel_loop3A_1216 : vector<16xf32>
      %parallel_loop3A_1222 = arith.addf %parallel_loop3A_1211, %parallel_loop3A_1221 : vector<16xf32>
      %parallel_loop3A_1223 = arith.constant 1 : i32
      %parallel_loop3A_1224 = arith.index_cast %parallel_loop3A_1223 : i32 to index
      %parallel_loop3A_1225 = arith.index_cast %parallel_loop3A_1207 : i32 to index
      %parallel_loop3A_1226 = tpu.vector_load %arg4[%parallel_loop3A_1224, %parallel_loop3A_1225] {strides = array<i32>} : memref<16x512xf32, #tpu.memory_space<vmem>>, vector<1x16xf32>,
      %parallel_loop3A_1227 = vector.shape_cast %parallel_loop3A_1226 : vector<1x16xf32> to vector<16xf32>
      %parallel_loop3A_1228 = vector.broadcast %squeeze3A_1064 : f32 to vector<16xf32>
      %parallel_loop3A_1229 = arith.mulf %parallel_loop3A_1228, %parallel_loop3A_1227 : vector<16xf32>
      %parallel_loop3A_1230 = arith.addf %parallel_loop3A_1219, %parallel_loop3A_1229 : vector<16xf32>
      %parallel_loop3A_1231 = vector.broadcast %squeeze3A_1096 : f32 to vector<16xf32>
      %parallel_loop3A_1232 = arith.mulf %parallel_loop3A_1231, %parallel_loop3A_1227 : vector<16xf32>
      %parallel_loop3A_1233 = arith.addf %parallel_loop3A_1222, %parallel_loop3A_1232 : vector<16xf32>
      %parallel_loop3A_1234 = arith.constant 2 : i32
      %parallel_loop3A_1235 = arith.index_cast %parallel_loop3A_1234 : i32 to index
      %parallel_loop3A_1236 = arith.index_cast %parallel_loop3A_1207 : i32 to index
      %parallel_loop3A_1237 = tpu.vector_load %arg4[%parallel_loop3A_1235, %parallel_loop3A_1236] {strides = array<i32>} : memref<16x512xf32, #tpu.memory_space<vmem>>, vector<1x16xf32>,
      %parallel_loop3A_1238 = vector.shape_cast %parallel_loop3A_1237 : vector<1x16xf32> to vector<16xf32>
      %parallel_loop3A_1239 = vector.broadcast %squeeze3A_1066 : f32 to vector<16xf32>
      %parallel_loop3A_1240 = arith.mulf %parallel_loop3A_1239, %parallel_loop3A_1238 : vector<16xf32>
      %parallel_loop3A_1241 = arith.addf %parallel_loop3A_1230, %parallel_loop3A_1240 : vector<16xf32>
      %parallel_loop3A_1242 = vector.broadcast %squeeze3A_1098 : f32 to vector<16xf32>
      %parallel_loop3A_1243 = arith.mulf %parallel_loop3A_1242, %parallel_loop3A_1238 : vector<16xf32>
      %parallel_loop3A_1244 = arith.addf %parallel_loop3A_1233, %parallel_loop3A_1243 : vector<16xf32>
      %parallel_loop3A_1245 = arith.constant 3 : i32
      %parallel_loop3A_1246 = arith.index_cast %parallel_loop3A_1245 : i32 to index
      %parallel_loop3A_1247 = arith.index_cast %parallel_loop3A_1207 : i32 to index
      %parallel_loop3A_1248 = tpu.vector_load %arg4[%parallel_loop3A_1246, %parallel_loop3A_1247] {strides = array<i32>} : memref<16x512xf32, #tpu.memory_space<vmem>>, vector<1x16xf32>,
      %parallel_loop3A_1249 = vector.shape_cast %parallel_loop3A_1248 : vector<1x16xf32> to vector<16xf32>
      %parallel_loop3A_1250 = vector.broadcast %squeeze3A_1068 : f32 to vector<16xf32>
      %parallel_loop3A_1251 = arith.mulf %parallel_loop3A_1250, %parallel_loop3A_1249 : vector<16xf32>
      %parallel_loop3A_1252 = arith.addf %parallel_loop3A_1241, %parallel_loop3A_1251 : vector<16xf32>
      %parallel_loop3A_1253 = vector.broadcast %squeeze3A_1100 : f32 to vector<16xf32>
      %parallel_loop3A_1254 = arith.mulf %parallel_loop3A_1253, %parallel_loop3A_1249 : vector<16xf32>
      %parallel_loop3A_1255 = arith.addf %parallel_loop3A_1244, %parallel_loop3A_1254 : vector<16xf32>
      %parallel_loop3A_1256 = arith.constant 4 : i32
      %parallel_loop3A_1257 = arith.index_cast %parallel_loop3A_1256 : i32 to index
      %parallel_loop3A_1258 = arith.index_cast %parallel_loop3A_1207 : i32 to index
      %parallel_loop3A_1259 = tpu.vector_load %arg4[%parallel_loop3A_1257, %parallel_loop3A_1258] {strides = array<i32>} : memref<16x512xf32, #tpu.memory_space<vmem>>, vector<1x16xf32>,
      %parallel_loop3A_1260 = vector.shape_cast %parallel_loop3A_1259 : vector<1x16xf32> to vector<16xf32>
      %parallel_loop3A_1261 = vector.broadcast %squeeze3A_1070 : f32 to vector<16xf32>
      %parallel_loop3A_1262 = arith.mulf %parallel_loop3A_1261, %parallel_loop3A_1260 : vector<16xf32>
      %parallel_loop3A_1263 = arith.addf %parallel_loop3A_1252, %parallel_loop3A_1262 : vector<16xf32>
      %parallel_loop3A_1264 = vector.broadcast %squeeze3A_1102 : f32 to vector<16xf32>
      %parallel_loop3A_1265 = arith.mulf %parallel_loop3A_1264, %parallel_loop3A_1260 : vector<16xf32>
      %parallel_loop3A_1266 = arith.addf %parallel_loop3A_1255, %parallel_loop3A_1265 : vector<16xf32>
      %parallel_loop3A_1267 = arith.constant 5 : i32
      %parallel_loop3A_1268 = arith.index_cast %parallel_loop3A_1267 : i32 to index
      %parallel_loop3A_1269 = arith.index_cast %parallel_loop3A_1207 : i32 to index
      %parallel_loop3A_1270 = tpu.vector_load %arg4[%parallel_loop3A_1268, %parallel_loop3A_1269] {strides = array<i32>} : memref<16x512xf32, #tpu.memory_space<vmem>>, vector<1x16xf32>,
      %parallel_loop3A_1271 = vector.shape_cast %parallel_loop3A_1270 : vector<1x16xf32> to vector<16xf32>
      %parallel_loop3A_1272 = vector.broadcast %squeeze3A_1072 : f32 to vector<16xf32>
      %parallel_loop3A_1273 = arith.mulf %parallel_loop3A_1272, %parallel_loop3A_1271 : vector<16xf32>
      %parallel_loop3A_1274 = arith.addf %parallel_loop3A_1263, %parallel_loop3A_1273 : vector<16xf32>
      %parallel_loop3A_1275 = vector.broadcast %squeeze3A_1104 : f32 to vector<16xf32>
      %parallel_loop3A_1276 = arith.mulf %parallel_loop3A_1275, %parallel_loop3A_1271 : vector<16xf32>
      %parallel_loop3A_1277 = arith.addf %parallel_loop3A_1266, %parallel_loop3A_1276 : vector<16xf32>
      %parallel_loop3A_1278 = arith.constant 6 : i32
      %parallel_loop3A_1279 = arith.index_cast %parallel_loop3A_1278 : i32 to index
      %parallel_loop3A_1280 = arith.index_cast %parallel_loop3A_1207 : i32 to index
      %parallel_loop3A_1281 = tpu.vector_load %arg4[%parallel_loop3A_1279, %parallel_loop3A_1280] {strides = array<i32>} : memref<16x512xf32, #tpu.memory_space<vmem>>, vector<1x16xf32>,
      %parallel_loop3A_1282 = vector.shape_cast %parallel_loop3A_1281 : vector<1x16xf32> to vector<16xf32>
      %parallel_loop3A_1283 = vector.broadcast %squeeze3A_1074 : f32 to vector<16xf32>
      %parallel_loop3A_1284 = arith.mulf %parallel_loop3A_1283, %parallel_loop3A_1282 : vector<16xf32>
      %parallel_loop3A_1285 = arith.addf %parallel_loop3A_1274, %parallel_loop3A_1284 : vector<16xf32>
      %parallel_loop3A_1286 = vector.broadcast %squeeze3A_1106 : f32 to vector<16xf32>
      %parallel_loop3A_1287 = arith.mulf %parallel_loop3A_1286, %parallel_loop3A_1282 : vector<16xf32>
      %parallel_loop3A_1288 = arith.addf %parallel_loop3A_1277, %parallel_loop3A_1287 : vector<16xf32>
      %parallel_loop3A_1289 = arith.constant 7 : i32
      %parallel_loop3A_1290 = arith.index_cast %parallel_loop3A_1289 : i32 to index
      %parallel_loop3A_1291 = arith.index_cast %parallel_loop3A_1207 : i32 to index
      %parallel_loop3A_1292 = tpu.vector_load %arg4[%parallel_loop3A_1290, %parallel_loop3A_1291] {strides = array<i32>} : memref<16x512xf32, #tpu.memory_space<vmem>>, vector<1x16xf32>,
      %parallel_loop3A_1293 = vector.shape_cast %parallel_loop3A_1292 : vector<1x16xf32> to vector<16xf32>
      %parallel_loop3A_1294 = vector.broadcast %squeeze3A_1076 : f32 to vector<16xf32>
      %parallel_loop3A_1295 = arith.mulf %parallel_loop3A_1294, %parallel_loop3A_1293 : vector<16xf32>
      %parallel_loop3A_1296 = arith.addf %parallel_loop3A_1285, %parallel_loop3A_1295 : vector<16xf32>
      %parallel_loop3A_1297 = vector.broadcast %squeeze3A_1108 : f32 to vector<16xf32>
      %parallel_loop3A_1298 = arith.mulf %parallel_loop3A_1297, %parallel_loop3A_1293 : vector<16xf32>
      %parallel_loop3A_1299 = arith.addf %parallel_loop3A_1288, %parallel_loop3A_1298 : vector<16xf32>
      %parallel_loop3A_1300 = arith.constant 8 : i32
      %parallel_loop3A_1301 = arith.index_cast %parallel_loop3A_1300 : i32 to index
      %parallel_loop3A_1302 = arith.index_cast %parallel_loop3A_1207 : i32 to index
      %parallel_loop3A_1303 = tpu.vector_load %arg4[%parallel_loop3A_1301, %parallel_loop3A_1302] {strides = array<i32>} : memref<16x512xf32, #tpu.memory_space<vmem>>, vector<1x16xf32>,
      %parallel_loop3A_1304 = vector.shape_cast %parallel_loop3A_1303 : vector<1x16xf32> to vector<16xf32>
      %parallel_loop3A_1305 = vector.broadcast %squeeze3A_1078 : f32 to vector<16xf32>
      %parallel_loop3A_1306 = arith.mulf %parallel_loop3A_1305, %parallel_loop3A_1304 : vector<16xf32>
      %parallel_loop3A_1307 = arith.addf %parallel_loop3A_1296, %parallel_loop3A_1306 : vector<16xf32>
      %parallel_loop3A_1308 = vector.broadcast %squeeze3A_1110 : f32 to vector<16xf32>
      %parallel_loop3A_1309 = arith.mulf %parallel_loop3A_1308, %parallel_loop3A_1304 : vector<16xf32>
      %parallel_loop3A_1310 = arith.addf %parallel_loop3A_1299, %parallel_loop3A_1309 : vector<16xf32>
      %parallel_loop3A_1311 = arith.constant 9 : i32
      %parallel_loop3A_1312 = arith.index_cast %parallel_loop3A_1311 : i32 to index
      %parallel_loop3A_1313 = arith.index_cast %parallel_loop3A_1207 : i32 to index
      %parallel_loop3A_1314 = tpu.vector_load %arg4[%parallel_loop3A_1312, %parallel_loop3A_1313] {strides = array<i32>} : memref<16x512xf32, #tpu.memory_space<vmem>>, vector<1x16xf32>,
      %parallel_loop3A_1315 = vector.shape_cast %parallel_loop3A_1314 : vector<1x16xf32> to vector<16xf32>
      %parallel_loop3A_1316 = vector.broadcast %squeeze3A_1080 : f32 to vector<16xf32>
      %parallel_loop3A_1317 = arith.mulf %parallel_loop3A_1316, %parallel_loop3A_1315 : vector<16xf32>
      %parallel_loop3A_1318 = arith.addf %parallel_loop3A_1307, %parallel_loop3A_1317 : vector<16xf32>
      %parallel_loop3A_1319 = vector.broadcast %squeeze3A_1112 : f32 to vector<16xf32>
      %parallel_loop3A_1320 = arith.mulf %parallel_loop3A_1319, %parallel_loop3A_1315 : vector<16xf32>
      %parallel_loop3A_1321 = arith.addf %parallel_loop3A_1310, %parallel_loop3A_1320 : vector<16xf32>
      %parallel_loop3A_1322 = arith.constant 10 : i32
      %parallel_loop3A_1323 = arith.index_cast %parallel_loop3A_1322 : i32 to index
      %parallel_loop3A_1324 = arith.index_cast %parallel_loop3A_1207 : i32 to index
      %parallel_loop3A_1325 = tpu.vector_load %arg4[%parallel_loop3A_1323, %parallel_loop3A_1324] {strides = array<i32>} : memref<16x512xf32, #tpu.memory_space<vmem>>, vector<1x16xf32>,
      %parallel_loop3A_1326 = vector.shape_cast %parallel_loop3A_1325 : vector<1x16xf32> to vector<16xf32>
      %parallel_loop3A_1327 = vector.broadcast %squeeze3A_1082 : f32 to vector<16xf32>
      %parallel_loop3A_1328 = arith.mulf %parallel_loop3A_1327, %parallel_loop3A_1326 : vector<16xf32>
      %parallel_loop3A_1329 = arith.addf %parallel_loop3A_1318, %parallel_loop3A_1328 : vector<16xf32>
      %parallel_loop3A_1330 = vector.broadcast %squeeze3A_1114 : f32 to vector<16xf32>
      %parallel_loop3A_1331 = arith.mulf %parallel_loop3A_1330, %parallel_loop3A_1326 : vector<16xf32>
      %parallel_loop3A_1332 = arith.addf %parallel_loop3A_1321, %parallel_loop3A_1331 : vector<16xf32>
      %parallel_loop3A_1333 = arith.constant 11 : i32
      %parallel_loop3A_1334 = arith.index_cast %parallel_loop3A_1333 : i32 to index
      %parallel_loop3A_1335 = arith.index_cast %parallel_loop3A_1207 : i32 to index
      %parallel_loop3A_1336 = tpu.vector_load %arg4[%parallel_loop3A_1334, %parallel_loop3A_1335] {strides = array<i32>} : memref<16x512xf32, #tpu.memory_space<vmem>>, vector<1x16xf32>,
      %parallel_loop3A_1337 = vector.shape_cast %parallel_loop3A_1336 : vector<1x16xf32> to vector<16xf32>
      %parallel_loop3A_1338 = vector.broadcast %squeeze3A_1084 : f32 to vector<16xf32>
      %parallel_loop3A_1339 = arith.mulf %parallel_loop3A_1338, %parallel_loop3A_1337 : vector<16xf32>
      %parallel_loop3A_1340 = arith.addf %parallel_loop3A_1329, %parallel_loop3A_1339 : vector<16xf32>
      %parallel_loop3A_1341 = vector.broadcast %squeeze3A_1116 : f32 to vector<16xf32>
      %parallel_loop3A_1342 = arith.mulf %parallel_loop3A_1341, %parallel_loop3A_1337 : vector<16xf32>
      %parallel_loop3A_1343 = arith.addf %parallel_loop3A_1332, %parallel_loop3A_1342 : vector<16xf32>
      %parallel_loop3A_1344 = arith.constant 12 : i32
      %parallel_loop3A_1345 = arith.index_cast %parallel_loop3A_1344 : i32 to index
      %parallel_loop3A_1346 = arith.index_cast %parallel_loop3A_1207 : i32 to index
      %parallel_loop3A_1347 = tpu.vector_load %arg4[%parallel_loop3A_1345, %parallel_loop3A_1346] {strides = array<i32>} : memref<16x512xf32, #tpu.memory_space<vmem>>, vector<1x16xf32>,
      %parallel_loop3A_1348 = vector.shape_cast %parallel_loop3A_1347 : vector<1x16xf32> to vector<16xf32>
      %parallel_loop3A_1349 = vector.broadcast %squeeze3A_1086 : f32 to vector<16xf32>
      %parallel_loop3A_1350 = arith.mulf %parallel_loop3A_1349, %parallel_loop3A_1348 : vector<16xf32>
      %parallel_loop3A_1351 = arith.addf %parallel_loop3A_1340, %parallel_loop3A_1350 : vector<16xf32>
      %parallel_loop3A_1352 = vector.broadcast %squeeze3A_1118 : f32 to vector<16xf32>
      %parallel_loop3A_1353 = arith.mulf %parallel_loop3A_1352, %parallel_loop3A_1348 : vector<16xf32>
      %parallel_loop3A_1354 = arith.addf %parallel_loop3A_1343, %parallel_loop3A_1353 : vector<16xf32>
      %parallel_loop3A_1355 = arith.constant 13 : i32
      %parallel_loop3A_1356 = arith.index_cast %parallel_loop3A_1355 : i32 to index
      %parallel_loop3A_1357 = arith.index_cast %parallel_loop3A_1207 : i32 to index
      %parallel_loop3A_1358 = tpu.vector_load %arg4[%parallel_loop3A_1356, %parallel_loop3A_1357] {strides = array<i32>} : memref<16x512xf32, #tpu.memory_space<vmem>>, vector<1x16xf32>,
      %parallel_loop3A_1359 = vector.shape_cast %parallel_loop3A_1358 : vector<1x16xf32> to vector<16xf32>
      %parallel_loop3A_1360 = vector.broadcast %squeeze3A_1088 : f32 to vector<16xf32>
      %parallel_loop3A_1361 = arith.mulf %parallel_loop3A_1360, %parallel_loop3A_1359 : vector<16xf32>
      %parallel_loop3A_1362 = arith.addf %parallel_loop3A_1351, %parallel_loop3A_1361 : vector<16xf32>
      %parallel_loop3A_1363 = vector.broadcast %squeeze3A_1120 : f32 to vector<16xf32>
      %parallel_loop3A_1364 = arith.mulf %parallel_loop3A_1363, %parallel_loop3A_1359 : vector<16xf32>
      %parallel_loop3A_1365 = arith.addf %parallel_loop3A_1354, %parallel_loop3A_1364 : vector<16xf32>
      %parallel_loop3A_1366 = arith.constant 14 : i32
      %parallel_loop3A_1367 = arith.index_cast %parallel_loop3A_1366 : i32 to index
      %parallel_loop3A_1368 = arith.index_cast %parallel_loop3A_1207 : i32 to index
      %parallel_loop3A_1369 = tpu.vector_load %arg4[%parallel_loop3A_1367, %parallel_loop3A_1368] {strides = array<i32>} : memref<16x512xf32, #tpu.memory_space<vmem>>, vector<1x16xf32>,
      %parallel_loop3A_1370 = vector.shape_cast %parallel_loop3A_1369 : vector<1x16xf32> to vector<16xf32>
      %parallel_loop3A_1371 = vector.broadcast %squeeze3A_1090 : f32 to vector<16xf32>
      %parallel_loop3A_1372 = arith.mulf %parallel_loop3A_1371, %parallel_loop3A_1370 : vector<16xf32>
      %parallel_loop3A_1373 = arith.addf %parallel_loop3A_1362, %parallel_loop3A_1372 : vector<16xf32>
      %parallel_loop3A_1374 = vector.broadcast %squeeze3A_1122 : f32 to vector<16xf32>
      %parallel_loop3A_1375 = arith.mulf %parallel_loop3A_1374, %parallel_loop3A_1370 : vector<16xf32>
      %parallel_loop3A_1376 = arith.addf %parallel_loop3A_1365, %parallel_loop3A_1375 : vector<16xf32>
      %parallel_loop3A_1377 = arith.constant 15 : i32
      %parallel_loop3A_1378 = arith.index_cast %parallel_loop3A_1377 : i32 to index
      %parallel_loop3A_1379 = arith.index_cast %parallel_loop3A_1207 : i32 to index
      %parallel_loop3A_1380 = tpu.vector_load %arg4[%parallel_loop3A_1378, %parallel_loop3A_1379] {strides = array<i32>} : memref<16x512xf32, #tpu.memory_space<vmem>>, vector<1x16xf32>,
      %parallel_loop3A_1381 = vector.shape_cast %parallel_loop3A_1380 : vector<1x16xf32> to vector<16xf32>
      %parallel_loop3A_1382 = vector.broadcast %squeeze3A_1092 : f32 to vector<16xf32>
      %parallel_loop3A_1383 = arith.mulf %parallel_loop3A_1382, %parallel_loop3A_1381 : vector<16xf32>
      %parallel_loop3A_1384 = arith.addf %parallel_loop3A_1373, %parallel_loop3A_1383 : vector<16xf32>
      %parallel_loop3A_1385 = vector.broadcast %squeeze3A_1124 : f32 to vector<16xf32>
      %parallel_loop3A_1386 = arith.mulf %parallel_loop3A_1385, %parallel_loop3A_1381 : vector<16xf32>
      %parallel_loop3A_1387 = arith.addf %parallel_loop3A_1376, %parallel_loop3A_1386 : vector<16xf32>
      %parallel_loop3A_1388 = arith.index_cast %parallel_loop3A_1207 : i32 to index
      %parallel_loop3A_1389 = tpu.vector_load %arg5[%parallel_loop3A_1388] {strides = array<i32>} : memref<512xf32, #tpu.memory_space<vmem>>, vector<16xf32>,
      %parallel_loop3A_1390 = vector.shape_cast %parallel_loop3A_1389 : vector<16xf32> to vector<16xf32>
      %parallel_loop3A_1391 = vector.broadcast %parallel_loop3A_1207 : i32 to vector<16xi32>
      %parallel_loop3A_1392 = arith.addi %iota3A, %parallel_loop3A_1391 : vector<16xi32>
      %parallel_loop3A_1393 = arith.subf %parallel_loop3A_1390, %parallel_loop3A_1384 : vector<16xf32>
      %parallel_loop3A_1394 = arith.constant 14 : i32
      %parallel_loop3A_1395 = arith.addi %add3A_41, %parallel_loop3A_1394 : i32
      %parallel_loop3A_1396 = arith.constant 0 : i32
      %parallel_loop3A_1397 = arith.addi %parallel_loop3A_1395, %parallel_loop3A_1396 : i32
      %parallel_loop3A_1398 = vector.broadcast %parallel_loop3A_1397 : i32 to vector<16xi32>
      %parallel_loop3A_1399 = arith.cmpi eq, %parallel_loop3A_1392, %parallel_loop3A_1398 : vector<16xi32>
      %parallel_loop3A_1400 = arith.select %parallel_loop3A_1399, %broadcast_in_dim3A_35, %parallel_loop3A_1393 : vector<16xi1>, vector<16xf32>
      %parallel_loop3A_1401 = arith.minimumf %parallel_loop3A_1204, %parallel_loop3A_1400 : vector<16xf32>
      %parallel_loop3A_1402 = arith.subf %parallel_loop3A_1390, %parallel_loop3A_1387 : vector<16xf32>
      %parallel_loop3A_1403 = arith.constant 14 : i32
      %parallel_loop3A_1404 = arith.addi %add3A_41, %parallel_loop3A_1403 : i32
      %parallel_loop3A_1405 = arith.constant 1 : i32
      %parallel_loop3A_1406 = arith.addi %parallel_loop3A_1404, %parallel_loop3A_1405 : i32
      %parallel_loop3A_1407 = vector.broadcast %parallel_loop3A_1406 : i32 to vector<16xi32>
      %parallel_loop3A_1408 = arith.cmpi eq, %parallel_loop3A_1392, %parallel_loop3A_1407 : vector<16xi32>
      %parallel_loop3A_1409 = arith.select %parallel_loop3A_1408, %broadcast_in_dim3A_35, %parallel_loop3A_1402 : vector<16xi1>, vector<16xf32>
      %parallel_loop3A_1410 = arith.minimumf %parallel_loop3A_1205, %parallel_loop3A_1409 : vector<16xf32>
      scf.yield %parallel_loop3A_1401, %parallel_loop3A_1410 : vector<16xf32>, vector<16xf32>
    } {sc.loop_unroll_factor = 4 : i64, sc.parallel_access}
    %xor3A_1129 = arith.constant 1 : i32
    %xor3A_1130 = vector.broadcast %xor3A_1129 : i32 to vector<16xi32>
    %xor3A_1131 = arith.xori %iota3A, %xor3A_1130 : vector<16xi32>
    %broadcast_in_dim3A_1132 = vector.shape_cast %xor3A_1131 : vector<16xi32> to vector<16x1xi32>
    %gather3A_1133 = vector.shape_cast %broadcast_in_dim3A_1132 : vector<16x1xi32> to vector<16xi32>
    %gather3A_1134 = tpu.dynamic_gather %parallel_loop3A_1128#0[%gather3A_1133] in [0] : vector<16xf32>, vector<16xi32> -> vector<16xf32>
    %min3A_1135 = arith.minimumf %parallel_loop3A_1128#0, %gather3A_1134 : vector<16xf32>
    %xor3A_1136 = arith.constant 2 : i32
    %xor3A_1137 = vector.broadcast %xor3A_1136 : i32 to vector<16xi32>
    %xor3A_1138 = arith.xori %iota3A, %xor3A_1137 : vector<16xi32>
    %broadcast_in_dim3A_1139 = vector.shape_cast %xor3A_1138 : vector<16xi32> to vector<16x1xi32>
    %gather3A_1140 = vector.shape_cast %broadcast_in_dim3A_1139 : vector<16x1xi32> to vector<16xi32>
    %gather3A_1141 = tpu.dynamic_gather %min3A_1135[%gather3A_1140] in [0] : vector<16xf32>, vector<16xi32> -> vector<16xf32>
    %min3A_1142 = arith.minimumf %min3A_1135, %gather3A_1141 : vector<16xf32>
    %xor3A_1143 = arith.constant 4 : i32
    %xor3A_1144 = vector.broadcast %xor3A_1143 : i32 to vector<16xi32>
    %xor3A_1145 = arith.xori %iota3A, %xor3A_1144 : vector<16xi32>
    %broadcast_in_dim3A_1146 = vector.shape_cast %xor3A_1145 : vector<16xi32> to vector<16x1xi32>
    %gather3A_1147 = vector.shape_cast %broadcast_in_dim3A_1146 : vector<16x1xi32> to vector<16xi32>
    %gather3A_1148 = tpu.dynamic_gather %min3A_1142[%gather3A_1147] in [0] : vector<16xf32>, vector<16xi32> -> vector<16xf32>
    %min3A_1149 = arith.minimumf %min3A_1142, %gather3A_1148 : vector<16xf32>
    %xor3A_1150 = arith.constant 8 : i32
    %xor3A_1151 = vector.broadcast %xor3A_1150 : i32 to vector<16xi32>
    %xor3A_1152 = arith.xori %iota3A, %xor3A_1151 : vector<16xi32>
    %broadcast_in_dim3A_1153 = vector.shape_cast %xor3A_1152 : vector<16xi32> to vector<16x1xi32>
    %gather3A_1154 = vector.shape_cast %broadcast_in_dim3A_1153 : vector<16x1xi32> to vector<16xi32>
    %gather3A_1155 = tpu.dynamic_gather %min3A_1149[%gather3A_1154] in [0] : vector<16xf32>, vector<16xi32> -> vector<16xf32>
    %min3A_1156 = arith.minimumf %min3A_1149, %gather3A_1155 : vector<16xf32>
    %eq3A_1157 = arith.constant 14 : i32
    %eq3A_1158 = vector.broadcast %eq3A_1157 : i32 to vector<16xi32>
    %eq3A_1159 = arith.cmpi eq, %iota3A, %eq3A_1158 : vector<16xi32>
    %select_n3A_1160 = arith.select %eq3A_1159, %min3A_1156, %select_n3A_1060 : vector<16xi1>, vector<16xf32>
    %xor3A_1161 = arith.constant 1 : i32
    %xor3A_1162 = vector.broadcast %xor3A_1161 : i32 to vector<16xi32>
    %xor3A_1163 = arith.xori %iota3A, %xor3A_1162 : vector<16xi32>
    %broadcast_in_dim3A_1164 = vector.shape_cast %xor3A_1163 : vector<16xi32> to vector<16x1xi32>
    %gather3A_1165 = vector.shape_cast %broadcast_in_dim3A_1164 : vector<16x1xi32> to vector<16xi32>
    %gather3A_1166 = tpu.dynamic_gather %parallel_loop3A_1128#1[%gather3A_1165] in [0] : vector<16xf32>, vector<16xi32> -> vector<16xf32>
    %min3A_1167 = arith.minimumf %parallel_loop3A_1128#1, %gather3A_1166 : vector<16xf32>
    %xor3A_1168 = arith.constant 2 : i32
    %xor3A_1169 = vector.broadcast %xor3A_1168 : i32 to vector<16xi32>
    %xor3A_1170 = arith.xori %iota3A, %xor3A_1169 : vector<16xi32>
    %broadcast_in_dim3A_1171 = vector.shape_cast %xor3A_1170 : vector<16xi32> to vector<16x1xi32>
    %gather3A_1172 = vector.shape_cast %broadcast_in_dim3A_1171 : vector<16x1xi32> to vector<16xi32>
    %gather3A_1173 = tpu.dynamic_gather %min3A_1167[%gather3A_1172] in [0] : vector<16xf32>, vector<16xi32> -> vector<16xf32>
    %min3A_1174 = arith.minimumf %min3A_1167, %gather3A_1173 : vector<16xf32>
    %xor3A_1175 = arith.constant 4 : i32
    %xor3A_1176 = vector.broadcast %xor3A_1175 : i32 to vector<16xi32>
    %xor3A_1177 = arith.xori %iota3A, %xor3A_1176 : vector<16xi32>
    %broadcast_in_dim3A_1178 = vector.shape_cast %xor3A_1177 : vector<16xi32> to vector<16x1xi32>
    %gather3A_1179 = vector.shape_cast %broadcast_in_dim3A_1178 : vector<16x1xi32> to vector<16xi32>
    %gather3A_1180 = tpu.dynamic_gather %min3A_1174[%gather3A_1179] in [0] : vector<16xf32>, vector<16xi32> -> vector<16xf32>
    %min3A_1181 = arith.minimumf %min3A_1174, %gather3A_1180 : vector<16xf32>
    %xor3A_1182 = arith.constant 8 : i32
    %xor3A_1183 = vector.broadcast %xor3A_1182 : i32 to vector<16xi32>
    %xor3A_1184 = arith.xori %iota3A, %xor3A_1183 : vector<16xi32>
    %broadcast_in_dim3A_1185 = vector.shape_cast %xor3A_1184 : vector<16xi32> to vector<16x1xi32>
    %gather3A_1186 = vector.shape_cast %broadcast_in_dim3A_1185 : vector<16x1xi32> to vector<16xi32>
    %gather3A_1187 = tpu.dynamic_gather %min3A_1181[%gather3A_1186] in [0] : vector<16xf32>, vector<16xi32> -> vector<16xf32>
    %min3A_1188 = arith.minimumf %min3A_1181, %gather3A_1187 : vector<16xf32>
    %eq3A_1189 = arith.constant 15 : i32
    %eq3A_1190 = vector.broadcast %eq3A_1189 : i32 to vector<16xi32>
    %eq3A_1191 = arith.cmpi eq, %iota3A, %eq3A_1190 : vector<16xi32>
    %select_n3A_1192 = arith.select %eq3A_1191, %min3A_1188, %select_n3A_1160 : vector<16xi1>, vector<16xf32>
    %add3A_1193 = arith.addf %select_n3A_1192, %get3A_139 : vector<16xf32>
    %mul3A_1194 = arith.constant 16 : i32
    %mul3A_1195 = arith.muli %scan3A_36, %mul3A_1194 : i32
    %swap3A = arith.index_cast %mul3A_1195 : i32 to index
    %swap3A_1196 = tpu.vector_load %arg6[%swap3A] {strides = array<i32>} : memref<16xf32, #tpu.memory_space<vmem>>, vector<16xf32>,
    %swap3A_1197 = vector.shape_cast %swap3A_1196 : vector<16xf32> to vector<16xf32>
    %swap3A_1198 = vector.shape_cast %add3A_1193 : vector<16xf32> to vector<16xf32>
    tpu.vector_store %arg6[%swap3A], %swap3A_1198 {strides = array<i32>} : memref<16xf32, #tpu.memory_space<vmem>>, vector<16xf32>,
    %scan3A_1199 = arith.constant 0 : i32
    %scan3A_1200 = arith.constant 1 : i32
    %mul3A_1201 = arith.constant 16 : i32
    %mul3A_1202 = arith.muli %add3A, %mul3A_1201 : i32
    "tpu.region"() ({
      %run_scoped3A = tpu.sem_alloc : memref<!tpu.dma_semaphore, #tpu.memory_space<semaphore_mem>>
      %dma_start3A = tpu.memref_slice %arg3[%mul3A_1202] : memref<512xf32, #tpu.memory_space<hbm>> -> memref<16xf32, #tpu.memory_space<hbm>>
      %dma_start3A_1203 = tpu.memref_slice %arg3[%mul3A_1202] : memref<512xf32, #tpu.memory_space<hbm>> -> memref<16xf32, #tpu.memory_space<hbm>>
      tpu.enqueue_dma source(%arg6 : memref<16xf32, #tpu.memory_space<vmem>>) target(%dma_start3A_1203 : memref<16xf32, #tpu.memory_space<hbm>>) target_semaphore(%run_scoped3A : memref<!tpu.dma_semaphore, #tpu.memory_space<semaphore_mem>>)
      %dma_wait3A = tpu.memref_slice %arg3[%mul3A_1202] : memref<512xf32, #tpu.memory_space<hbm>> -> memref<16xf32, #tpu.memory_space<hbm>>
      %dma_wait3A_1204 = tpu.memref_slice %arg3[%mul3A_1202] : memref<512xf32, #tpu.memory_space<hbm>> -> memref<16xf32, #tpu.memory_space<hbm>>
      tpu.wait_dma2 semaphore(%run_scoped3A : memref<!tpu.dma_semaphore, #tpu.memory_space<semaphore_mem>>) src(%arg6 : memref<16xf32, #tpu.memory_space<vmem>>) dst(%dma_wait3A_1204 : memref<16xf32, #tpu.memory_space<hbm>>)
      tpu.yield
    }) : () -> ()
    return
  }
}

module attributes {stable_mosaic.version = 14 : i64} {
  func.func @_tc_min_d2_kernel(%arg0: memref<15x512x16xf32, #tpu.memory_space<vmem>>, %arg1: memref<15x512xf32, #tpu.memory_space<vmem>>) attributes {dimension_semantics = [], scalar_prefetch = 0 : i64, scratch_operands = 0 : i64, tpu.core_type = #tpu.core_type<tc>} {
    %scan3A = arith.constant 0 : i32
    %get3A = arith.index_cast %scan3A : i32 to index
    %get3A_0 = arith.constant 0 : index
    %get3A_1 = arith.constant 0 : index
    %get3A_2 = vector.load %arg0[%get3A, %get3A_0, %get3A_1] : memref<15x512x16xf32, #tpu.memory_space<vmem>>, vector<1x512x16xf32>
    %get3A_3 = vector.shape_cast %get3A_2 : vector<1x512x16xf32> to vector<512x16xf32>
    %transpose3A = tpu.transpose %get3A_3, [1, 0] : vector<512x16xf32> -> vector<16x512xf32>
    %dot_general3A = arith.constant dense<0.000000e+00> : vector<512x512xf32>
    %dot_general3A_4 = tpu.matmul %get3A_3, %transpose3A, %dot_general3A {dimension_numbers = #tpu.dot_dimension_numbers<[1], [0], [0], [1], [0, 0, 1, 1], [], []>, transpose_lhs_hint = false} : vector<512x16xf32>, vector<16x512xf32>, vector<512x512xf32> -> vector<512x512xf32>
    %iota3A = tpu.iota {dimensions = array<i32: 0>} : vector<512x512xi32>
    %iota3A_5 = tpu.iota {dimensions = array<i32: 1>} : vector<512x512xi32>
    %eq3A = arith.cmpi eq, %iota3A, %iota3A_5 : vector<512x512xi32>
    %jit3A = arith.constant 0.000000e+00 : f32
    %broadcast_in_dim3A = vector.broadcast %jit3A : f32 to vector<512x512xf32>
    %select_n3A = arith.select %eq3A, %dot_general3A_4, %broadcast_in_dim3A : vector<512x512xi1>, vector<512x512xf32>
    %reduce_sum3A = arith.constant dense<0.000000e+00> : vector<512xf32>
    %reduce_sum3A_6 = vector.multi_reduction <add>, %select_n3A, %reduce_sum3A [1] : vector<512x512xf32> to vector<512xf32>
    %broadcast_in_dim3A_7 = vector.shape_cast %reduce_sum3A_6 : vector<512xf32> to vector<512x1xf32>
    %reduce_sum3A_8 = arith.constant dense<0.000000e+00> : vector<512xf32>
    %reduce_sum3A_9 = vector.multi_reduction <add>, %select_n3A, %reduce_sum3A_8 [0] : vector<512x512xf32> to vector<512xf32>
    %broadcast_in_dim3A_10 = vector.shape_cast %reduce_sum3A_9 : vector<512xf32> to vector<1x512xf32>
    %add3A = vector.broadcast %broadcast_in_dim3A_7 : vector<512x1xf32> to vector<512x512xf32>
    %add3A_11 = vector.broadcast %broadcast_in_dim3A_10 : vector<1x512xf32> to vector<512x512xf32>
    %add3A_12 = arith.addf %add3A, %add3A_11 : vector<512x512xf32>
    %mul3A = arith.constant 2.000000e+00 : f32
    %mul3A_13 = vector.broadcast %mul3A : f32 to vector<512x512xf32>
    %mul3A_14 = arith.mulf %mul3A_13, %dot_general3A_4 : vector<512x512xf32>
    %sub3A = arith.subf %add3A_12, %mul3A_14 : vector<512x512xf32>
    %jit3A_15 = arith.constant 0x7F800000 : f32
    %broadcast_in_dim3A_16 = vector.broadcast %jit3A_15 : f32 to vector<512x512xf32>
    %select_n3A_17 = arith.select %eq3A, %broadcast_in_dim3A_16, %sub3A : vector<512x512xi1>, vector<512x512xf32>
    %reduce_min3A = arith.constant dense<0x7F800000> : vector<512xf32>
    %reduce_min3A_18 = vector.multi_reduction <minimumf>, %select_n3A_17, %reduce_min3A [0] : vector<512x512xf32> to vector<512xf32>
    %broadcast_in_dim3A_19 = vector.shape_cast %reduce_min3A_18 : vector<512xf32> to vector<1x512xf32>
    %swap3A = arith.index_cast %scan3A : i32 to index
    %swap3A_20 = arith.constant 0 : index
    %swap3A_21 = vector.load %arg1[%swap3A, %swap3A_20] : memref<15x512xf32, #tpu.memory_space<vmem>>, vector<1x512xf32>
    tpu.vector_store %arg1[%swap3A, %swap3A_20], %broadcast_in_dim3A_19 {strides = array<i32>} : memref<15x512xf32, #tpu.memory_space<vmem>>, vector<1x512xf32>,
    %scan3A_22 = arith.constant 1 : i32
    %get3A_23 = arith.index_cast %scan3A_22 : i32 to index
    %get3A_24 = arith.constant 0 : index
    %get3A_25 = arith.constant 0 : index
    %get3A_26 = vector.load %arg0[%get3A_23, %get3A_24, %get3A_25] : memref<15x512x16xf32, #tpu.memory_space<vmem>>, vector<1x512x16xf32>
    %get3A_27 = vector.shape_cast %get3A_26 : vector<1x512x16xf32> to vector<512x16xf32>
    %transpose3A_28 = tpu.transpose %get3A_27, [1, 0] : vector<512x16xf32> -> vector<16x512xf32>
    %dot_general3A_29 = arith.constant dense<0.000000e+00> : vector<512x512xf32>
    %dot_general3A_30 = tpu.matmul %get3A_27, %transpose3A_28, %dot_general3A_29 {dimension_numbers = #tpu.dot_dimension_numbers<[1], [0], [0], [1], [0, 0, 1, 1], [], []>, transpose_lhs_hint = false} : vector<512x16xf32>, vector<16x512xf32>, vector<512x512xf32> -> vector<512x512xf32>
    %iota3A_31 = tpu.iota {dimensions = array<i32: 0>} : vector<512x512xi32>
    %iota3A_32 = tpu.iota {dimensions = array<i32: 1>} : vector<512x512xi32>
    %eq3A_33 = arith.cmpi eq, %iota3A_31, %iota3A_32 : vector<512x512xi32>
    %jit3A_34 = arith.constant 0.000000e+00 : f32
    %broadcast_in_dim3A_35 = vector.broadcast %jit3A_34 : f32 to vector<512x512xf32>
    %select_n3A_36 = arith.select %eq3A_33, %dot_general3A_30, %broadcast_in_dim3A_35 : vector<512x512xi1>, vector<512x512xf32>
    %reduce_sum3A_37 = arith.constant dense<0.000000e+00> : vector<512xf32>
    %reduce_sum3A_38 = vector.multi_reduction <add>, %select_n3A_36, %reduce_sum3A_37 [1] : vector<512x512xf32> to vector<512xf32>
    %broadcast_in_dim3A_39 = vector.shape_cast %reduce_sum3A_38 : vector<512xf32> to vector<512x1xf32>
    %reduce_sum3A_40 = arith.constant dense<0.000000e+00> : vector<512xf32>
    %reduce_sum3A_41 = vector.multi_reduction <add>, %select_n3A_36, %reduce_sum3A_40 [0] : vector<512x512xf32> to vector<512xf32>
    %broadcast_in_dim3A_42 = vector.shape_cast %reduce_sum3A_41 : vector<512xf32> to vector<1x512xf32>
    %add3A_43 = vector.broadcast %broadcast_in_dim3A_39 : vector<512x1xf32> to vector<512x512xf32>
    %add3A_44 = vector.broadcast %broadcast_in_dim3A_42 : vector<1x512xf32> to vector<512x512xf32>
    %add3A_45 = arith.addf %add3A_43, %add3A_44 : vector<512x512xf32>
    %mul3A_46 = arith.constant 2.000000e+00 : f32
    %mul3A_47 = vector.broadcast %mul3A_46 : f32 to vector<512x512xf32>
    %mul3A_48 = arith.mulf %mul3A_47, %dot_general3A_30 : vector<512x512xf32>
    %sub3A_49 = arith.subf %add3A_45, %mul3A_48 : vector<512x512xf32>
    %jit3A_50 = arith.constant 0x7F800000 : f32
    %broadcast_in_dim3A_51 = vector.broadcast %jit3A_50 : f32 to vector<512x512xf32>
    %select_n3A_52 = arith.select %eq3A_33, %broadcast_in_dim3A_51, %sub3A_49 : vector<512x512xi1>, vector<512x512xf32>
    %reduce_min3A_53 = arith.constant dense<0x7F800000> : vector<512xf32>
    %reduce_min3A_54 = vector.multi_reduction <minimumf>, %select_n3A_52, %reduce_min3A_53 [0] : vector<512x512xf32> to vector<512xf32>
    %broadcast_in_dim3A_55 = vector.shape_cast %reduce_min3A_54 : vector<512xf32> to vector<1x512xf32>
    %swap3A_56 = arith.index_cast %scan3A_22 : i32 to index
    %swap3A_57 = arith.constant 0 : index
    %swap3A_58 = vector.load %arg1[%swap3A_56, %swap3A_57] : memref<15x512xf32, #tpu.memory_space<vmem>>, vector<1x512xf32>
    tpu.vector_store %arg1[%swap3A_56, %swap3A_57], %broadcast_in_dim3A_55 {strides = array<i32>} : memref<15x512xf32, #tpu.memory_space<vmem>>, vector<1x512xf32>,
    %scan3A_59 = arith.constant 2 : i32
    %get3A_60 = arith.index_cast %scan3A_59 : i32 to index
    %get3A_61 = arith.constant 0 : index
    %get3A_62 = arith.constant 0 : index
    %get3A_63 = vector.load %arg0[%get3A_60, %get3A_61, %get3A_62] : memref<15x512x16xf32, #tpu.memory_space<vmem>>, vector<1x512x16xf32>
    %get3A_64 = vector.shape_cast %get3A_63 : vector<1x512x16xf32> to vector<512x16xf32>
    %transpose3A_65 = tpu.transpose %get3A_64, [1, 0] : vector<512x16xf32> -> vector<16x512xf32>
    %dot_general3A_66 = arith.constant dense<0.000000e+00> : vector<512x512xf32>
    %dot_general3A_67 = tpu.matmul %get3A_64, %transpose3A_65, %dot_general3A_66 {dimension_numbers = #tpu.dot_dimension_numbers<[1], [0], [0], [1], [0, 0, 1, 1], [], []>, transpose_lhs_hint = false} : vector<512x16xf32>, vector<16x512xf32>, vector<512x512xf32> -> vector<512x512xf32>
    %iota3A_68 = tpu.iota {dimensions = array<i32: 0>} : vector<512x512xi32>
    %iota3A_69 = tpu.iota {dimensions = array<i32: 1>} : vector<512x512xi32>
    %eq3A_70 = arith.cmpi eq, %iota3A_68, %iota3A_69 : vector<512x512xi32>
    %jit3A_71 = arith.constant 0.000000e+00 : f32
    %broadcast_in_dim3A_72 = vector.broadcast %jit3A_71 : f32 to vector<512x512xf32>
    %select_n3A_73 = arith.select %eq3A_70, %dot_general3A_67, %broadcast_in_dim3A_72 : vector<512x512xi1>, vector<512x512xf32>
    %reduce_sum3A_74 = arith.constant dense<0.000000e+00> : vector<512xf32>
    %reduce_sum3A_75 = vector.multi_reduction <add>, %select_n3A_73, %reduce_sum3A_74 [1] : vector<512x512xf32> to vector<512xf32>
    %broadcast_in_dim3A_76 = vector.shape_cast %reduce_sum3A_75 : vector<512xf32> to vector<512x1xf32>
    %reduce_sum3A_77 = arith.constant dense<0.000000e+00> : vector<512xf32>
    %reduce_sum3A_78 = vector.multi_reduction <add>, %select_n3A_73, %reduce_sum3A_77 [0] : vector<512x512xf32> to vector<512xf32>
    %broadcast_in_dim3A_79 = vector.shape_cast %reduce_sum3A_78 : vector<512xf32> to vector<1x512xf32>
    %add3A_80 = vector.broadcast %broadcast_in_dim3A_76 : vector<512x1xf32> to vector<512x512xf32>
    %add3A_81 = vector.broadcast %broadcast_in_dim3A_79 : vector<1x512xf32> to vector<512x512xf32>
    %add3A_82 = arith.addf %add3A_80, %add3A_81 : vector<512x512xf32>
    %mul3A_83 = arith.constant 2.000000e+00 : f32
    %mul3A_84 = vector.broadcast %mul3A_83 : f32 to vector<512x512xf32>
    %mul3A_85 = arith.mulf %mul3A_84, %dot_general3A_67 : vector<512x512xf32>
    %sub3A_86 = arith.subf %add3A_82, %mul3A_85 : vector<512x512xf32>
    %jit3A_87 = arith.constant 0x7F800000 : f32
    %broadcast_in_dim3A_88 = vector.broadcast %jit3A_87 : f32 to vector<512x512xf32>
    %select_n3A_89 = arith.select %eq3A_70, %broadcast_in_dim3A_88, %sub3A_86 : vector<512x512xi1>, vector<512x512xf32>
    %reduce_min3A_90 = arith.constant dense<0x7F800000> : vector<512xf32>
    %reduce_min3A_91 = vector.multi_reduction <minimumf>, %select_n3A_89, %reduce_min3A_90 [0] : vector<512x512xf32> to vector<512xf32>
    %broadcast_in_dim3A_92 = vector.shape_cast %reduce_min3A_91 : vector<512xf32> to vector<1x512xf32>
    %swap3A_93 = arith.index_cast %scan3A_59 : i32 to index
    %swap3A_94 = arith.constant 0 : index
    %swap3A_95 = vector.load %arg1[%swap3A_93, %swap3A_94] : memref<15x512xf32, #tpu.memory_space<vmem>>, vector<1x512xf32>
    tpu.vector_store %arg1[%swap3A_93, %swap3A_94], %broadcast_in_dim3A_92 {strides = array<i32>} : memref<15x512xf32, #tpu.memory_space<vmem>>, vector<1x512xf32>,
    %scan3A_96 = arith.constant 3 : i32
    %get3A_97 = arith.index_cast %scan3A_96 : i32 to index
    %get3A_98 = arith.constant 0 : index
    %get3A_99 = arith.constant 0 : index
    %get3A_100 = vector.load %arg0[%get3A_97, %get3A_98, %get3A_99] : memref<15x512x16xf32, #tpu.memory_space<vmem>>, vector<1x512x16xf32>
    %get3A_101 = vector.shape_cast %get3A_100 : vector<1x512x16xf32> to vector<512x16xf32>
    %transpose3A_102 = tpu.transpose %get3A_101, [1, 0] : vector<512x16xf32> -> vector<16x512xf32>
    %dot_general3A_103 = arith.constant dense<0.000000e+00> : vector<512x512xf32>
    %dot_general3A_104 = tpu.matmul %get3A_101, %transpose3A_102, %dot_general3A_103 {dimension_numbers = #tpu.dot_dimension_numbers<[1], [0], [0], [1], [0, 0, 1, 1], [], []>, transpose_lhs_hint = false} : vector<512x16xf32>, vector<16x512xf32>, vector<512x512xf32> -> vector<512x512xf32>
    %iota3A_105 = tpu.iota {dimensions = array<i32: 0>} : vector<512x512xi32>
    %iota3A_106 = tpu.iota {dimensions = array<i32: 1>} : vector<512x512xi32>
    %eq3A_107 = arith.cmpi eq, %iota3A_105, %iota3A_106 : vector<512x512xi32>
    %jit3A_108 = arith.constant 0.000000e+00 : f32
    %broadcast_in_dim3A_109 = vector.broadcast %jit3A_108 : f32 to vector<512x512xf32>
    %select_n3A_110 = arith.select %eq3A_107, %dot_general3A_104, %broadcast_in_dim3A_109 : vector<512x512xi1>, vector<512x512xf32>
    %reduce_sum3A_111 = arith.constant dense<0.000000e+00> : vector<512xf32>
    %reduce_sum3A_112 = vector.multi_reduction <add>, %select_n3A_110, %reduce_sum3A_111 [1] : vector<512x512xf32> to vector<512xf32>
    %broadcast_in_dim3A_113 = vector.shape_cast %reduce_sum3A_112 : vector<512xf32> to vector<512x1xf32>
    %reduce_sum3A_114 = arith.constant dense<0.000000e+00> : vector<512xf32>
    %reduce_sum3A_115 = vector.multi_reduction <add>, %select_n3A_110, %reduce_sum3A_114 [0] : vector<512x512xf32> to vector<512xf32>
    %broadcast_in_dim3A_116 = vector.shape_cast %reduce_sum3A_115 : vector<512xf32> to vector<1x512xf32>
    %add3A_117 = vector.broadcast %broadcast_in_dim3A_113 : vector<512x1xf32> to vector<512x512xf32>
    %add3A_118 = vector.broadcast %broadcast_in_dim3A_116 : vector<1x512xf32> to vector<512x512xf32>
    %add3A_119 = arith.addf %add3A_117, %add3A_118 : vector<512x512xf32>
    %mul3A_120 = arith.constant 2.000000e+00 : f32
    %mul3A_121 = vector.broadcast %mul3A_120 : f32 to vector<512x512xf32>
    %mul3A_122 = arith.mulf %mul3A_121, %dot_general3A_104 : vector<512x512xf32>
    %sub3A_123 = arith.subf %add3A_119, %mul3A_122 : vector<512x512xf32>
    %jit3A_124 = arith.constant 0x7F800000 : f32
    %broadcast_in_dim3A_125 = vector.broadcast %jit3A_124 : f32 to vector<512x512xf32>
    %select_n3A_126 = arith.select %eq3A_107, %broadcast_in_dim3A_125, %sub3A_123 : vector<512x512xi1>, vector<512x512xf32>
    %reduce_min3A_127 = arith.constant dense<0x7F800000> : vector<512xf32>
    %reduce_min3A_128 = vector.multi_reduction <minimumf>, %select_n3A_126, %reduce_min3A_127 [0] : vector<512x512xf32> to vector<512xf32>
    %broadcast_in_dim3A_129 = vector.shape_cast %reduce_min3A_128 : vector<512xf32> to vector<1x512xf32>
    %swap3A_130 = arith.index_cast %scan3A_96 : i32 to index
    %swap3A_131 = arith.constant 0 : index
    %swap3A_132 = vector.load %arg1[%swap3A_130, %swap3A_131] : memref<15x512xf32, #tpu.memory_space<vmem>>, vector<1x512xf32>
    tpu.vector_store %arg1[%swap3A_130, %swap3A_131], %broadcast_in_dim3A_129 {strides = array<i32>} : memref<15x512xf32, #tpu.memory_space<vmem>>, vector<1x512xf32>,
    %scan3A_133 = arith.constant 4 : i32
    %get3A_134 = arith.index_cast %scan3A_133 : i32 to index
    %get3A_135 = arith.constant 0 : index
    %get3A_136 = arith.constant 0 : index
    %get3A_137 = vector.load %arg0[%get3A_134, %get3A_135, %get3A_136] : memref<15x512x16xf32, #tpu.memory_space<vmem>>, vector<1x512x16xf32>
    %get3A_138 = vector.shape_cast %get3A_137 : vector<1x512x16xf32> to vector<512x16xf32>
    %transpose3A_139 = tpu.transpose %get3A_138, [1, 0] : vector<512x16xf32> -> vector<16x512xf32>
    %dot_general3A_140 = arith.constant dense<0.000000e+00> : vector<512x512xf32>
    %dot_general3A_141 = tpu.matmul %get3A_138, %transpose3A_139, %dot_general3A_140 {dimension_numbers = #tpu.dot_dimension_numbers<[1], [0], [0], [1], [0, 0, 1, 1], [], []>, transpose_lhs_hint = false} : vector<512x16xf32>, vector<16x512xf32>, vector<512x512xf32> -> vector<512x512xf32>
    %iota3A_142 = tpu.iota {dimensions = array<i32: 0>} : vector<512x512xi32>
    %iota3A_143 = tpu.iota {dimensions = array<i32: 1>} : vector<512x512xi32>
    %eq3A_144 = arith.cmpi eq, %iota3A_142, %iota3A_143 : vector<512x512xi32>
    %jit3A_145 = arith.constant 0.000000e+00 : f32
    %broadcast_in_dim3A_146 = vector.broadcast %jit3A_145 : f32 to vector<512x512xf32>
    %select_n3A_147 = arith.select %eq3A_144, %dot_general3A_141, %broadcast_in_dim3A_146 : vector<512x512xi1>, vector<512x512xf32>
    %reduce_sum3A_148 = arith.constant dense<0.000000e+00> : vector<512xf32>
    %reduce_sum3A_149 = vector.multi_reduction <add>, %select_n3A_147, %reduce_sum3A_148 [1] : vector<512x512xf32> to vector<512xf32>
    %broadcast_in_dim3A_150 = vector.shape_cast %reduce_sum3A_149 : vector<512xf32> to vector<512x1xf32>
    %reduce_sum3A_151 = arith.constant dense<0.000000e+00> : vector<512xf32>
    %reduce_sum3A_152 = vector.multi_reduction <add>, %select_n3A_147, %reduce_sum3A_151 [0] : vector<512x512xf32> to vector<512xf32>
    %broadcast_in_dim3A_153 = vector.shape_cast %reduce_sum3A_152 : vector<512xf32> to vector<1x512xf32>
    %add3A_154 = vector.broadcast %broadcast_in_dim3A_150 : vector<512x1xf32> to vector<512x512xf32>
    %add3A_155 = vector.broadcast %broadcast_in_dim3A_153 : vector<1x512xf32> to vector<512x512xf32>
    %add3A_156 = arith.addf %add3A_154, %add3A_155 : vector<512x512xf32>
    %mul3A_157 = arith.constant 2.000000e+00 : f32
    %mul3A_158 = vector.broadcast %mul3A_157 : f32 to vector<512x512xf32>
    %mul3A_159 = arith.mulf %mul3A_158, %dot_general3A_141 : vector<512x512xf32>
    %sub3A_160 = arith.subf %add3A_156, %mul3A_159 : vector<512x512xf32>
    %jit3A_161 = arith.constant 0x7F800000 : f32
    %broadcast_in_dim3A_162 = vector.broadcast %jit3A_161 : f32 to vector<512x512xf32>
    %select_n3A_163 = arith.select %eq3A_144, %broadcast_in_dim3A_162, %sub3A_160 : vector<512x512xi1>, vector<512x512xf32>
    %reduce_min3A_164 = arith.constant dense<0x7F800000> : vector<512xf32>
    %reduce_min3A_165 = vector.multi_reduction <minimumf>, %select_n3A_163, %reduce_min3A_164 [0] : vector<512x512xf32> to vector<512xf32>
    %broadcast_in_dim3A_166 = vector.shape_cast %reduce_min3A_165 : vector<512xf32> to vector<1x512xf32>
    %swap3A_167 = arith.index_cast %scan3A_133 : i32 to index
    %swap3A_168 = arith.constant 0 : index
    %swap3A_169 = vector.load %arg1[%swap3A_167, %swap3A_168] : memref<15x512xf32, #tpu.memory_space<vmem>>, vector<1x512xf32>
    tpu.vector_store %arg1[%swap3A_167, %swap3A_168], %broadcast_in_dim3A_166 {strides = array<i32>} : memref<15x512xf32, #tpu.memory_space<vmem>>, vector<1x512xf32>,
    %scan3A_170 = arith.constant 5 : i32
    %get3A_171 = arith.index_cast %scan3A_170 : i32 to index
    %get3A_172 = arith.constant 0 : index
    %get3A_173 = arith.constant 0 : index
    %get3A_174 = vector.load %arg0[%get3A_171, %get3A_172, %get3A_173] : memref<15x512x16xf32, #tpu.memory_space<vmem>>, vector<1x512x16xf32>
    %get3A_175 = vector.shape_cast %get3A_174 : vector<1x512x16xf32> to vector<512x16xf32>
    %transpose3A_176 = tpu.transpose %get3A_175, [1, 0] : vector<512x16xf32> -> vector<16x512xf32>
    %dot_general3A_177 = arith.constant dense<0.000000e+00> : vector<512x512xf32>
    %dot_general3A_178 = tpu.matmul %get3A_175, %transpose3A_176, %dot_general3A_177 {dimension_numbers = #tpu.dot_dimension_numbers<[1], [0], [0], [1], [0, 0, 1, 1], [], []>, transpose_lhs_hint = false} : vector<512x16xf32>, vector<16x512xf32>, vector<512x512xf32> -> vector<512x512xf32>
    %iota3A_179 = tpu.iota {dimensions = array<i32: 0>} : vector<512x512xi32>
    %iota3A_180 = tpu.iota {dimensions = array<i32: 1>} : vector<512x512xi32>
    %eq3A_181 = arith.cmpi eq, %iota3A_179, %iota3A_180 : vector<512x512xi32>
    %jit3A_182 = arith.constant 0.000000e+00 : f32
    %broadcast_in_dim3A_183 = vector.broadcast %jit3A_182 : f32 to vector<512x512xf32>
    %select_n3A_184 = arith.select %eq3A_181, %dot_general3A_178, %broadcast_in_dim3A_183 : vector<512x512xi1>, vector<512x512xf32>
    %reduce_sum3A_185 = arith.constant dense<0.000000e+00> : vector<512xf32>
    %reduce_sum3A_186 = vector.multi_reduction <add>, %select_n3A_184, %reduce_sum3A_185 [1] : vector<512x512xf32> to vector<512xf32>
    %broadcast_in_dim3A_187 = vector.shape_cast %reduce_sum3A_186 : vector<512xf32> to vector<512x1xf32>
    %reduce_sum3A_188 = arith.constant dense<0.000000e+00> : vector<512xf32>
    %reduce_sum3A_189 = vector.multi_reduction <add>, %select_n3A_184, %reduce_sum3A_188 [0] : vector<512x512xf32> to vector<512xf32>
    %broadcast_in_dim3A_190 = vector.shape_cast %reduce_sum3A_189 : vector<512xf32> to vector<1x512xf32>
    %add3A_191 = vector.broadcast %broadcast_in_dim3A_187 : vector<512x1xf32> to vector<512x512xf32>
    %add3A_192 = vector.broadcast %broadcast_in_dim3A_190 : vector<1x512xf32> to vector<512x512xf32>
    %add3A_193 = arith.addf %add3A_191, %add3A_192 : vector<512x512xf32>
    %mul3A_194 = arith.constant 2.000000e+00 : f32
    %mul3A_195 = vector.broadcast %mul3A_194 : f32 to vector<512x512xf32>
    %mul3A_196 = arith.mulf %mul3A_195, %dot_general3A_178 : vector<512x512xf32>
    %sub3A_197 = arith.subf %add3A_193, %mul3A_196 : vector<512x512xf32>
    %jit3A_198 = arith.constant 0x7F800000 : f32
    %broadcast_in_dim3A_199 = vector.broadcast %jit3A_198 : f32 to vector<512x512xf32>
    %select_n3A_200 = arith.select %eq3A_181, %broadcast_in_dim3A_199, %sub3A_197 : vector<512x512xi1>, vector<512x512xf32>
    %reduce_min3A_201 = arith.constant dense<0x7F800000> : vector<512xf32>
    %reduce_min3A_202 = vector.multi_reduction <minimumf>, %select_n3A_200, %reduce_min3A_201 [0] : vector<512x512xf32> to vector<512xf32>
    %broadcast_in_dim3A_203 = vector.shape_cast %reduce_min3A_202 : vector<512xf32> to vector<1x512xf32>
    %swap3A_204 = arith.index_cast %scan3A_170 : i32 to index
    %swap3A_205 = arith.constant 0 : index
    %swap3A_206 = vector.load %arg1[%swap3A_204, %swap3A_205] : memref<15x512xf32, #tpu.memory_space<vmem>>, vector<1x512xf32>
    tpu.vector_store %arg1[%swap3A_204, %swap3A_205], %broadcast_in_dim3A_203 {strides = array<i32>} : memref<15x512xf32, #tpu.memory_space<vmem>>, vector<1x512xf32>,
    %scan3A_207 = arith.constant 6 : i32
    %get3A_208 = arith.index_cast %scan3A_207 : i32 to index
    %get3A_209 = arith.constant 0 : index
    %get3A_210 = arith.constant 0 : index
    %get3A_211 = vector.load %arg0[%get3A_208, %get3A_209, %get3A_210] : memref<15x512x16xf32, #tpu.memory_space<vmem>>, vector<1x512x16xf32>
    %get3A_212 = vector.shape_cast %get3A_211 : vector<1x512x16xf32> to vector<512x16xf32>
    %transpose3A_213 = tpu.transpose %get3A_212, [1, 0] : vector<512x16xf32> -> vector<16x512xf32>
    %dot_general3A_214 = arith.constant dense<0.000000e+00> : vector<512x512xf32>
    %dot_general3A_215 = tpu.matmul %get3A_212, %transpose3A_213, %dot_general3A_214 {dimension_numbers = #tpu.dot_dimension_numbers<[1], [0], [0], [1], [0, 0, 1, 1], [], []>, transpose_lhs_hint = false} : vector<512x16xf32>, vector<16x512xf32>, vector<512x512xf32> -> vector<512x512xf32>
    %iota3A_216 = tpu.iota {dimensions = array<i32: 0>} : vector<512x512xi32>
    %iota3A_217 = tpu.iota {dimensions = array<i32: 1>} : vector<512x512xi32>
    %eq3A_218 = arith.cmpi eq, %iota3A_216, %iota3A_217 : vector<512x512xi32>
    %jit3A_219 = arith.constant 0.000000e+00 : f32
    %broadcast_in_dim3A_220 = vector.broadcast %jit3A_219 : f32 to vector<512x512xf32>
    %select_n3A_221 = arith.select %eq3A_218, %dot_general3A_215, %broadcast_in_dim3A_220 : vector<512x512xi1>, vector<512x512xf32>
    %reduce_sum3A_222 = arith.constant dense<0.000000e+00> : vector<512xf32>
    %reduce_sum3A_223 = vector.multi_reduction <add>, %select_n3A_221, %reduce_sum3A_222 [1] : vector<512x512xf32> to vector<512xf32>
    %broadcast_in_dim3A_224 = vector.shape_cast %reduce_sum3A_223 : vector<512xf32> to vector<512x1xf32>
    %reduce_sum3A_225 = arith.constant dense<0.000000e+00> : vector<512xf32>
    %reduce_sum3A_226 = vector.multi_reduction <add>, %select_n3A_221, %reduce_sum3A_225 [0] : vector<512x512xf32> to vector<512xf32>
    %broadcast_in_dim3A_227 = vector.shape_cast %reduce_sum3A_226 : vector<512xf32> to vector<1x512xf32>
    %add3A_228 = vector.broadcast %broadcast_in_dim3A_224 : vector<512x1xf32> to vector<512x512xf32>
    %add3A_229 = vector.broadcast %broadcast_in_dim3A_227 : vector<1x512xf32> to vector<512x512xf32>
    %add3A_230 = arith.addf %add3A_228, %add3A_229 : vector<512x512xf32>
    %mul3A_231 = arith.constant 2.000000e+00 : f32
    %mul3A_232 = vector.broadcast %mul3A_231 : f32 to vector<512x512xf32>
    %mul3A_233 = arith.mulf %mul3A_232, %dot_general3A_215 : vector<512x512xf32>
    %sub3A_234 = arith.subf %add3A_230, %mul3A_233 : vector<512x512xf32>
    %jit3A_235 = arith.constant 0x7F800000 : f32
    %broadcast_in_dim3A_236 = vector.broadcast %jit3A_235 : f32 to vector<512x512xf32>
    %select_n3A_237 = arith.select %eq3A_218, %broadcast_in_dim3A_236, %sub3A_234 : vector<512x512xi1>, vector<512x512xf32>
    %reduce_min3A_238 = arith.constant dense<0x7F800000> : vector<512xf32>
    %reduce_min3A_239 = vector.multi_reduction <minimumf>, %select_n3A_237, %reduce_min3A_238 [0] : vector<512x512xf32> to vector<512xf32>
    %broadcast_in_dim3A_240 = vector.shape_cast %reduce_min3A_239 : vector<512xf32> to vector<1x512xf32>
    %swap3A_241 = arith.index_cast %scan3A_207 : i32 to index
    %swap3A_242 = arith.constant 0 : index
    %swap3A_243 = vector.load %arg1[%swap3A_241, %swap3A_242] : memref<15x512xf32, #tpu.memory_space<vmem>>, vector<1x512xf32>
    tpu.vector_store %arg1[%swap3A_241, %swap3A_242], %broadcast_in_dim3A_240 {strides = array<i32>} : memref<15x512xf32, #tpu.memory_space<vmem>>, vector<1x512xf32>,
    %scan3A_244 = arith.constant 7 : i32
    %get3A_245 = arith.index_cast %scan3A_244 : i32 to index
    %get3A_246 = arith.constant 0 : index
    %get3A_247 = arith.constant 0 : index
    %get3A_248 = vector.load %arg0[%get3A_245, %get3A_246, %get3A_247] : memref<15x512x16xf32, #tpu.memory_space<vmem>>, vector<1x512x16xf32>
    %get3A_249 = vector.shape_cast %get3A_248 : vector<1x512x16xf32> to vector<512x16xf32>
    %transpose3A_250 = tpu.transpose %get3A_249, [1, 0] : vector<512x16xf32> -> vector<16x512xf32>
    %dot_general3A_251 = arith.constant dense<0.000000e+00> : vector<512x512xf32>
    %dot_general3A_252 = tpu.matmul %get3A_249, %transpose3A_250, %dot_general3A_251 {dimension_numbers = #tpu.dot_dimension_numbers<[1], [0], [0], [1], [0, 0, 1, 1], [], []>, transpose_lhs_hint = false} : vector<512x16xf32>, vector<16x512xf32>, vector<512x512xf32> -> vector<512x512xf32>
    %iota3A_253 = tpu.iota {dimensions = array<i32: 0>} : vector<512x512xi32>
    %iota3A_254 = tpu.iota {dimensions = array<i32: 1>} : vector<512x512xi32>
    %eq3A_255 = arith.cmpi eq, %iota3A_253, %iota3A_254 : vector<512x512xi32>
    %jit3A_256 = arith.constant 0.000000e+00 : f32
    %broadcast_in_dim3A_257 = vector.broadcast %jit3A_256 : f32 to vector<512x512xf32>
    %select_n3A_258 = arith.select %eq3A_255, %dot_general3A_252, %broadcast_in_dim3A_257 : vector<512x512xi1>, vector<512x512xf32>
    %reduce_sum3A_259 = arith.constant dense<0.000000e+00> : vector<512xf32>
    %reduce_sum3A_260 = vector.multi_reduction <add>, %select_n3A_258, %reduce_sum3A_259 [1] : vector<512x512xf32> to vector<512xf32>
    %broadcast_in_dim3A_261 = vector.shape_cast %reduce_sum3A_260 : vector<512xf32> to vector<512x1xf32>
    %reduce_sum3A_262 = arith.constant dense<0.000000e+00> : vector<512xf32>
    %reduce_sum3A_263 = vector.multi_reduction <add>, %select_n3A_258, %reduce_sum3A_262 [0] : vector<512x512xf32> to vector<512xf32>
    %broadcast_in_dim3A_264 = vector.shape_cast %reduce_sum3A_263 : vector<512xf32> to vector<1x512xf32>
    %add3A_265 = vector.broadcast %broadcast_in_dim3A_261 : vector<512x1xf32> to vector<512x512xf32>
    %add3A_266 = vector.broadcast %broadcast_in_dim3A_264 : vector<1x512xf32> to vector<512x512xf32>
    %add3A_267 = arith.addf %add3A_265, %add3A_266 : vector<512x512xf32>
    %mul3A_268 = arith.constant 2.000000e+00 : f32
    %mul3A_269 = vector.broadcast %mul3A_268 : f32 to vector<512x512xf32>
    %mul3A_270 = arith.mulf %mul3A_269, %dot_general3A_252 : vector<512x512xf32>
    %sub3A_271 = arith.subf %add3A_267, %mul3A_270 : vector<512x512xf32>
    %jit3A_272 = arith.constant 0x7F800000 : f32
    %broadcast_in_dim3A_273 = vector.broadcast %jit3A_272 : f32 to vector<512x512xf32>
    %select_n3A_274 = arith.select %eq3A_255, %broadcast_in_dim3A_273, %sub3A_271 : vector<512x512xi1>, vector<512x512xf32>
    %reduce_min3A_275 = arith.constant dense<0x7F800000> : vector<512xf32>
    %reduce_min3A_276 = vector.multi_reduction <minimumf>, %select_n3A_274, %reduce_min3A_275 [0] : vector<512x512xf32> to vector<512xf32>
    %broadcast_in_dim3A_277 = vector.shape_cast %reduce_min3A_276 : vector<512xf32> to vector<1x512xf32>
    %swap3A_278 = arith.index_cast %scan3A_244 : i32 to index
    %swap3A_279 = arith.constant 0 : index
    %swap3A_280 = vector.load %arg1[%swap3A_278, %swap3A_279] : memref<15x512xf32, #tpu.memory_space<vmem>>, vector<1x512xf32>
    tpu.vector_store %arg1[%swap3A_278, %swap3A_279], %broadcast_in_dim3A_277 {strides = array<i32>} : memref<15x512xf32, #tpu.memory_space<vmem>>, vector<1x512xf32>,
    %scan3A_281 = arith.constant 8 : i32
    %get3A_282 = arith.index_cast %scan3A_281 : i32 to index
    %get3A_283 = arith.constant 0 : index
    %get3A_284 = arith.constant 0 : index
    %get3A_285 = vector.load %arg0[%get3A_282, %get3A_283, %get3A_284] : memref<15x512x16xf32, #tpu.memory_space<vmem>>, vector<1x512x16xf32>
    %get3A_286 = vector.shape_cast %get3A_285 : vector<1x512x16xf32> to vector<512x16xf32>
    %transpose3A_287 = tpu.transpose %get3A_286, [1, 0] : vector<512x16xf32> -> vector<16x512xf32>
    %dot_general3A_288 = arith.constant dense<0.000000e+00> : vector<512x512xf32>
    %dot_general3A_289 = tpu.matmul %get3A_286, %transpose3A_287, %dot_general3A_288 {dimension_numbers = #tpu.dot_dimension_numbers<[1], [0], [0], [1], [0, 0, 1, 1], [], []>, transpose_lhs_hint = false} : vector<512x16xf32>, vector<16x512xf32>, vector<512x512xf32> -> vector<512x512xf32>
    %iota3A_290 = tpu.iota {dimensions = array<i32: 0>} : vector<512x512xi32>
    %iota3A_291 = tpu.iota {dimensions = array<i32: 1>} : vector<512x512xi32>
    %eq3A_292 = arith.cmpi eq, %iota3A_290, %iota3A_291 : vector<512x512xi32>
    %jit3A_293 = arith.constant 0.000000e+00 : f32
    %broadcast_in_dim3A_294 = vector.broadcast %jit3A_293 : f32 to vector<512x512xf32>
    %select_n3A_295 = arith.select %eq3A_292, %dot_general3A_289, %broadcast_in_dim3A_294 : vector<512x512xi1>, vector<512x512xf32>
    %reduce_sum3A_296 = arith.constant dense<0.000000e+00> : vector<512xf32>
    %reduce_sum3A_297 = vector.multi_reduction <add>, %select_n3A_295, %reduce_sum3A_296 [1] : vector<512x512xf32> to vector<512xf32>
    %broadcast_in_dim3A_298 = vector.shape_cast %reduce_sum3A_297 : vector<512xf32> to vector<512x1xf32>
    %reduce_sum3A_299 = arith.constant dense<0.000000e+00> : vector<512xf32>
    %reduce_sum3A_300 = vector.multi_reduction <add>, %select_n3A_295, %reduce_sum3A_299 [0] : vector<512x512xf32> to vector<512xf32>
    %broadcast_in_dim3A_301 = vector.shape_cast %reduce_sum3A_300 : vector<512xf32> to vector<1x512xf32>
    %add3A_302 = vector.broadcast %broadcast_in_dim3A_298 : vector<512x1xf32> to vector<512x512xf32>
    %add3A_303 = vector.broadcast %broadcast_in_dim3A_301 : vector<1x512xf32> to vector<512x512xf32>
    %add3A_304 = arith.addf %add3A_302, %add3A_303 : vector<512x512xf32>
    %mul3A_305 = arith.constant 2.000000e+00 : f32
    %mul3A_306 = vector.broadcast %mul3A_305 : f32 to vector<512x512xf32>
    %mul3A_307 = arith.mulf %mul3A_306, %dot_general3A_289 : vector<512x512xf32>
    %sub3A_308 = arith.subf %add3A_304, %mul3A_307 : vector<512x512xf32>
    %jit3A_309 = arith.constant 0x7F800000 : f32
    %broadcast_in_dim3A_310 = vector.broadcast %jit3A_309 : f32 to vector<512x512xf32>
    %select_n3A_311 = arith.select %eq3A_292, %broadcast_in_dim3A_310, %sub3A_308 : vector<512x512xi1>, vector<512x512xf32>
    %reduce_min3A_312 = arith.constant dense<0x7F800000> : vector<512xf32>
    %reduce_min3A_313 = vector.multi_reduction <minimumf>, %select_n3A_311, %reduce_min3A_312 [0] : vector<512x512xf32> to vector<512xf32>
    %broadcast_in_dim3A_314 = vector.shape_cast %reduce_min3A_313 : vector<512xf32> to vector<1x512xf32>
    %swap3A_315 = arith.index_cast %scan3A_281 : i32 to index
    %swap3A_316 = arith.constant 0 : index
    %swap3A_317 = vector.load %arg1[%swap3A_315, %swap3A_316] : memref<15x512xf32, #tpu.memory_space<vmem>>, vector<1x512xf32>
    tpu.vector_store %arg1[%swap3A_315, %swap3A_316], %broadcast_in_dim3A_314 {strides = array<i32>} : memref<15x512xf32, #tpu.memory_space<vmem>>, vector<1x512xf32>,
    %scan3A_318 = arith.constant 9 : i32
    %get3A_319 = arith.index_cast %scan3A_318 : i32 to index
    %get3A_320 = arith.constant 0 : index
    %get3A_321 = arith.constant 0 : index
    %get3A_322 = vector.load %arg0[%get3A_319, %get3A_320, %get3A_321] : memref<15x512x16xf32, #tpu.memory_space<vmem>>, vector<1x512x16xf32>
    %get3A_323 = vector.shape_cast %get3A_322 : vector<1x512x16xf32> to vector<512x16xf32>
    %transpose3A_324 = tpu.transpose %get3A_323, [1, 0] : vector<512x16xf32> -> vector<16x512xf32>
    %dot_general3A_325 = arith.constant dense<0.000000e+00> : vector<512x512xf32>
    %dot_general3A_326 = tpu.matmul %get3A_323, %transpose3A_324, %dot_general3A_325 {dimension_numbers = #tpu.dot_dimension_numbers<[1], [0], [0], [1], [0, 0, 1, 1], [], []>, transpose_lhs_hint = false} : vector<512x16xf32>, vector<16x512xf32>, vector<512x512xf32> -> vector<512x512xf32>
    %iota3A_327 = tpu.iota {dimensions = array<i32: 0>} : vector<512x512xi32>
    %iota3A_328 = tpu.iota {dimensions = array<i32: 1>} : vector<512x512xi32>
    %eq3A_329 = arith.cmpi eq, %iota3A_327, %iota3A_328 : vector<512x512xi32>
    %jit3A_330 = arith.constant 0.000000e+00 : f32
    %broadcast_in_dim3A_331 = vector.broadcast %jit3A_330 : f32 to vector<512x512xf32>
    %select_n3A_332 = arith.select %eq3A_329, %dot_general3A_326, %broadcast_in_dim3A_331 : vector<512x512xi1>, vector<512x512xf32>
    %reduce_sum3A_333 = arith.constant dense<0.000000e+00> : vector<512xf32>
    %reduce_sum3A_334 = vector.multi_reduction <add>, %select_n3A_332, %reduce_sum3A_333 [1] : vector<512x512xf32> to vector<512xf32>
    %broadcast_in_dim3A_335 = vector.shape_cast %reduce_sum3A_334 : vector<512xf32> to vector<512x1xf32>
    %reduce_sum3A_336 = arith.constant dense<0.000000e+00> : vector<512xf32>
    %reduce_sum3A_337 = vector.multi_reduction <add>, %select_n3A_332, %reduce_sum3A_336 [0] : vector<512x512xf32> to vector<512xf32>
    %broadcast_in_dim3A_338 = vector.shape_cast %reduce_sum3A_337 : vector<512xf32> to vector<1x512xf32>
    %add3A_339 = vector.broadcast %broadcast_in_dim3A_335 : vector<512x1xf32> to vector<512x512xf32>
    %add3A_340 = vector.broadcast %broadcast_in_dim3A_338 : vector<1x512xf32> to vector<512x512xf32>
    %add3A_341 = arith.addf %add3A_339, %add3A_340 : vector<512x512xf32>
    %mul3A_342 = arith.constant 2.000000e+00 : f32
    %mul3A_343 = vector.broadcast %mul3A_342 : f32 to vector<512x512xf32>
    %mul3A_344 = arith.mulf %mul3A_343, %dot_general3A_326 : vector<512x512xf32>
    %sub3A_345 = arith.subf %add3A_341, %mul3A_344 : vector<512x512xf32>
    %jit3A_346 = arith.constant 0x7F800000 : f32
    %broadcast_in_dim3A_347 = vector.broadcast %jit3A_346 : f32 to vector<512x512xf32>
    %select_n3A_348 = arith.select %eq3A_329, %broadcast_in_dim3A_347, %sub3A_345 : vector<512x512xi1>, vector<512x512xf32>
    %reduce_min3A_349 = arith.constant dense<0x7F800000> : vector<512xf32>
    %reduce_min3A_350 = vector.multi_reduction <minimumf>, %select_n3A_348, %reduce_min3A_349 [0] : vector<512x512xf32> to vector<512xf32>
    %broadcast_in_dim3A_351 = vector.shape_cast %reduce_min3A_350 : vector<512xf32> to vector<1x512xf32>
    %swap3A_352 = arith.index_cast %scan3A_318 : i32 to index
    %swap3A_353 = arith.constant 0 : index
    %swap3A_354 = vector.load %arg1[%swap3A_352, %swap3A_353] : memref<15x512xf32, #tpu.memory_space<vmem>>, vector<1x512xf32>
    tpu.vector_store %arg1[%swap3A_352, %swap3A_353], %broadcast_in_dim3A_351 {strides = array<i32>} : memref<15x512xf32, #tpu.memory_space<vmem>>, vector<1x512xf32>,
    %scan3A_355 = arith.constant 10 : i32
    %get3A_356 = arith.index_cast %scan3A_355 : i32 to index
    %get3A_357 = arith.constant 0 : index
    %get3A_358 = arith.constant 0 : index
    %get3A_359 = vector.load %arg0[%get3A_356, %get3A_357, %get3A_358] : memref<15x512x16xf32, #tpu.memory_space<vmem>>, vector<1x512x16xf32>
    %get3A_360 = vector.shape_cast %get3A_359 : vector<1x512x16xf32> to vector<512x16xf32>
    %transpose3A_361 = tpu.transpose %get3A_360, [1, 0] : vector<512x16xf32> -> vector<16x512xf32>
    %dot_general3A_362 = arith.constant dense<0.000000e+00> : vector<512x512xf32>
    %dot_general3A_363 = tpu.matmul %get3A_360, %transpose3A_361, %dot_general3A_362 {dimension_numbers = #tpu.dot_dimension_numbers<[1], [0], [0], [1], [0, 0, 1, 1], [], []>, transpose_lhs_hint = false} : vector<512x16xf32>, vector<16x512xf32>, vector<512x512xf32> -> vector<512x512xf32>
    %iota3A_364 = tpu.iota {dimensions = array<i32: 0>} : vector<512x512xi32>
    %iota3A_365 = tpu.iota {dimensions = array<i32: 1>} : vector<512x512xi32>
    %eq3A_366 = arith.cmpi eq, %iota3A_364, %iota3A_365 : vector<512x512xi32>
    %jit3A_367 = arith.constant 0.000000e+00 : f32
    %broadcast_in_dim3A_368 = vector.broadcast %jit3A_367 : f32 to vector<512x512xf32>
    %select_n3A_369 = arith.select %eq3A_366, %dot_general3A_363, %broadcast_in_dim3A_368 : vector<512x512xi1>, vector<512x512xf32>
    %reduce_sum3A_370 = arith.constant dense<0.000000e+00> : vector<512xf32>
    %reduce_sum3A_371 = vector.multi_reduction <add>, %select_n3A_369, %reduce_sum3A_370 [1] : vector<512x512xf32> to vector<512xf32>
    %broadcast_in_dim3A_372 = vector.shape_cast %reduce_sum3A_371 : vector<512xf32> to vector<512x1xf32>
    %reduce_sum3A_373 = arith.constant dense<0.000000e+00> : vector<512xf32>
    %reduce_sum3A_374 = vector.multi_reduction <add>, %select_n3A_369, %reduce_sum3A_373 [0] : vector<512x512xf32> to vector<512xf32>
    %broadcast_in_dim3A_375 = vector.shape_cast %reduce_sum3A_374 : vector<512xf32> to vector<1x512xf32>
    %add3A_376 = vector.broadcast %broadcast_in_dim3A_372 : vector<512x1xf32> to vector<512x512xf32>
    %add3A_377 = vector.broadcast %broadcast_in_dim3A_375 : vector<1x512xf32> to vector<512x512xf32>
    %add3A_378 = arith.addf %add3A_376, %add3A_377 : vector<512x512xf32>
    %mul3A_379 = arith.constant 2.000000e+00 : f32
    %mul3A_380 = vector.broadcast %mul3A_379 : f32 to vector<512x512xf32>
    %mul3A_381 = arith.mulf %mul3A_380, %dot_general3A_363 : vector<512x512xf32>
    %sub3A_382 = arith.subf %add3A_378, %mul3A_381 : vector<512x512xf32>
    %jit3A_383 = arith.constant 0x7F800000 : f32
    %broadcast_in_dim3A_384 = vector.broadcast %jit3A_383 : f32 to vector<512x512xf32>
    %select_n3A_385 = arith.select %eq3A_366, %broadcast_in_dim3A_384, %sub3A_382 : vector<512x512xi1>, vector<512x512xf32>
    %reduce_min3A_386 = arith.constant dense<0x7F800000> : vector<512xf32>
    %reduce_min3A_387 = vector.multi_reduction <minimumf>, %select_n3A_385, %reduce_min3A_386 [0] : vector<512x512xf32> to vector<512xf32>
    %broadcast_in_dim3A_388 = vector.shape_cast %reduce_min3A_387 : vector<512xf32> to vector<1x512xf32>
    %swap3A_389 = arith.index_cast %scan3A_355 : i32 to index
    %swap3A_390 = arith.constant 0 : index
    %swap3A_391 = vector.load %arg1[%swap3A_389, %swap3A_390] : memref<15x512xf32, #tpu.memory_space<vmem>>, vector<1x512xf32>
    tpu.vector_store %arg1[%swap3A_389, %swap3A_390], %broadcast_in_dim3A_388 {strides = array<i32>} : memref<15x512xf32, #tpu.memory_space<vmem>>, vector<1x512xf32>,
    %scan3A_392 = arith.constant 11 : i32
    %get3A_393 = arith.index_cast %scan3A_392 : i32 to index
    %get3A_394 = arith.constant 0 : index
    %get3A_395 = arith.constant 0 : index
    %get3A_396 = vector.load %arg0[%get3A_393, %get3A_394, %get3A_395] : memref<15x512x16xf32, #tpu.memory_space<vmem>>, vector<1x512x16xf32>
    %get3A_397 = vector.shape_cast %get3A_396 : vector<1x512x16xf32> to vector<512x16xf32>
    %transpose3A_398 = tpu.transpose %get3A_397, [1, 0] : vector<512x16xf32> -> vector<16x512xf32>
    %dot_general3A_399 = arith.constant dense<0.000000e+00> : vector<512x512xf32>
    %dot_general3A_400 = tpu.matmul %get3A_397, %transpose3A_398, %dot_general3A_399 {dimension_numbers = #tpu.dot_dimension_numbers<[1], [0], [0], [1], [0, 0, 1, 1], [], []>, transpose_lhs_hint = false} : vector<512x16xf32>, vector<16x512xf32>, vector<512x512xf32> -> vector<512x512xf32>
    %iota3A_401 = tpu.iota {dimensions = array<i32: 0>} : vector<512x512xi32>
    %iota3A_402 = tpu.iota {dimensions = array<i32: 1>} : vector<512x512xi32>
    %eq3A_403 = arith.cmpi eq, %iota3A_401, %iota3A_402 : vector<512x512xi32>
    %jit3A_404 = arith.constant 0.000000e+00 : f32
    %broadcast_in_dim3A_405 = vector.broadcast %jit3A_404 : f32 to vector<512x512xf32>
    %select_n3A_406 = arith.select %eq3A_403, %dot_general3A_400, %broadcast_in_dim3A_405 : vector<512x512xi1>, vector<512x512xf32>
    %reduce_sum3A_407 = arith.constant dense<0.000000e+00> : vector<512xf32>
    %reduce_sum3A_408 = vector.multi_reduction <add>, %select_n3A_406, %reduce_sum3A_407 [1] : vector<512x512xf32> to vector<512xf32>
    %broadcast_in_dim3A_409 = vector.shape_cast %reduce_sum3A_408 : vector<512xf32> to vector<512x1xf32>
    %reduce_sum3A_410 = arith.constant dense<0.000000e+00> : vector<512xf32>
    %reduce_sum3A_411 = vector.multi_reduction <add>, %select_n3A_406, %reduce_sum3A_410 [0] : vector<512x512xf32> to vector<512xf32>
    %broadcast_in_dim3A_412 = vector.shape_cast %reduce_sum3A_411 : vector<512xf32> to vector<1x512xf32>
    %add3A_413 = vector.broadcast %broadcast_in_dim3A_409 : vector<512x1xf32> to vector<512x512xf32>
    %add3A_414 = vector.broadcast %broadcast_in_dim3A_412 : vector<1x512xf32> to vector<512x512xf32>
    %add3A_415 = arith.addf %add3A_413, %add3A_414 : vector<512x512xf32>
    %mul3A_416 = arith.constant 2.000000e+00 : f32
    %mul3A_417 = vector.broadcast %mul3A_416 : f32 to vector<512x512xf32>
    %mul3A_418 = arith.mulf %mul3A_417, %dot_general3A_400 : vector<512x512xf32>
    %sub3A_419 = arith.subf %add3A_415, %mul3A_418 : vector<512x512xf32>
    %jit3A_420 = arith.constant 0x7F800000 : f32
    %broadcast_in_dim3A_421 = vector.broadcast %jit3A_420 : f32 to vector<512x512xf32>
    %select_n3A_422 = arith.select %eq3A_403, %broadcast_in_dim3A_421, %sub3A_419 : vector<512x512xi1>, vector<512x512xf32>
    %reduce_min3A_423 = arith.constant dense<0x7F800000> : vector<512xf32>
    %reduce_min3A_424 = vector.multi_reduction <minimumf>, %select_n3A_422, %reduce_min3A_423 [0] : vector<512x512xf32> to vector<512xf32>
    %broadcast_in_dim3A_425 = vector.shape_cast %reduce_min3A_424 : vector<512xf32> to vector<1x512xf32>
    %swap3A_426 = arith.index_cast %scan3A_392 : i32 to index
    %swap3A_427 = arith.constant 0 : index
    %swap3A_428 = vector.load %arg1[%swap3A_426, %swap3A_427] : memref<15x512xf32, #tpu.memory_space<vmem>>, vector<1x512xf32>
    tpu.vector_store %arg1[%swap3A_426, %swap3A_427], %broadcast_in_dim3A_425 {strides = array<i32>} : memref<15x512xf32, #tpu.memory_space<vmem>>, vector<1x512xf32>,
    %scan3A_429 = arith.constant 12 : i32
    %get3A_430 = arith.index_cast %scan3A_429 : i32 to index
    %get3A_431 = arith.constant 0 : index
    %get3A_432 = arith.constant 0 : index
    %get3A_433 = vector.load %arg0[%get3A_430, %get3A_431, %get3A_432] : memref<15x512x16xf32, #tpu.memory_space<vmem>>, vector<1x512x16xf32>
    %get3A_434 = vector.shape_cast %get3A_433 : vector<1x512x16xf32> to vector<512x16xf32>
    %transpose3A_435 = tpu.transpose %get3A_434, [1, 0] : vector<512x16xf32> -> vector<16x512xf32>
    %dot_general3A_436 = arith.constant dense<0.000000e+00> : vector<512x512xf32>
    %dot_general3A_437 = tpu.matmul %get3A_434, %transpose3A_435, %dot_general3A_436 {dimension_numbers = #tpu.dot_dimension_numbers<[1], [0], [0], [1], [0, 0, 1, 1], [], []>, transpose_lhs_hint = false} : vector<512x16xf32>, vector<16x512xf32>, vector<512x512xf32> -> vector<512x512xf32>
    %iota3A_438 = tpu.iota {dimensions = array<i32: 0>} : vector<512x512xi32>
    %iota3A_439 = tpu.iota {dimensions = array<i32: 1>} : vector<512x512xi32>
    %eq3A_440 = arith.cmpi eq, %iota3A_438, %iota3A_439 : vector<512x512xi32>
    %jit3A_441 = arith.constant 0.000000e+00 : f32
    %broadcast_in_dim3A_442 = vector.broadcast %jit3A_441 : f32 to vector<512x512xf32>
    %select_n3A_443 = arith.select %eq3A_440, %dot_general3A_437, %broadcast_in_dim3A_442 : vector<512x512xi1>, vector<512x512xf32>
    %reduce_sum3A_444 = arith.constant dense<0.000000e+00> : vector<512xf32>
    %reduce_sum3A_445 = vector.multi_reduction <add>, %select_n3A_443, %reduce_sum3A_444 [1] : vector<512x512xf32> to vector<512xf32>
    %broadcast_in_dim3A_446 = vector.shape_cast %reduce_sum3A_445 : vector<512xf32> to vector<512x1xf32>
    %reduce_sum3A_447 = arith.constant dense<0.000000e+00> : vector<512xf32>
    %reduce_sum3A_448 = vector.multi_reduction <add>, %select_n3A_443, %reduce_sum3A_447 [0] : vector<512x512xf32> to vector<512xf32>
    %broadcast_in_dim3A_449 = vector.shape_cast %reduce_sum3A_448 : vector<512xf32> to vector<1x512xf32>
    %add3A_450 = vector.broadcast %broadcast_in_dim3A_446 : vector<512x1xf32> to vector<512x512xf32>
    %add3A_451 = vector.broadcast %broadcast_in_dim3A_449 : vector<1x512xf32> to vector<512x512xf32>
    %add3A_452 = arith.addf %add3A_450, %add3A_451 : vector<512x512xf32>
    %mul3A_453 = arith.constant 2.000000e+00 : f32
    %mul3A_454 = vector.broadcast %mul3A_453 : f32 to vector<512x512xf32>
    %mul3A_455 = arith.mulf %mul3A_454, %dot_general3A_437 : vector<512x512xf32>
    %sub3A_456 = arith.subf %add3A_452, %mul3A_455 : vector<512x512xf32>
    %jit3A_457 = arith.constant 0x7F800000 : f32
    %broadcast_in_dim3A_458 = vector.broadcast %jit3A_457 : f32 to vector<512x512xf32>
    %select_n3A_459 = arith.select %eq3A_440, %broadcast_in_dim3A_458, %sub3A_456 : vector<512x512xi1>, vector<512x512xf32>
    %reduce_min3A_460 = arith.constant dense<0x7F800000> : vector<512xf32>
    %reduce_min3A_461 = vector.multi_reduction <minimumf>, %select_n3A_459, %reduce_min3A_460 [0] : vector<512x512xf32> to vector<512xf32>
    %broadcast_in_dim3A_462 = vector.shape_cast %reduce_min3A_461 : vector<512xf32> to vector<1x512xf32>
    %swap3A_463 = arith.index_cast %scan3A_429 : i32 to index
    %swap3A_464 = arith.constant 0 : index
    %swap3A_465 = vector.load %arg1[%swap3A_463, %swap3A_464] : memref<15x512xf32, #tpu.memory_space<vmem>>, vector<1x512xf32>
    tpu.vector_store %arg1[%swap3A_463, %swap3A_464], %broadcast_in_dim3A_462 {strides = array<i32>} : memref<15x512xf32, #tpu.memory_space<vmem>>, vector<1x512xf32>,
    %scan3A_466 = arith.constant 13 : i32
    %get3A_467 = arith.index_cast %scan3A_466 : i32 to index
    %get3A_468 = arith.constant 0 : index
    %get3A_469 = arith.constant 0 : index
    %get3A_470 = vector.load %arg0[%get3A_467, %get3A_468, %get3A_469] : memref<15x512x16xf32, #tpu.memory_space<vmem>>, vector<1x512x16xf32>
    %get3A_471 = vector.shape_cast %get3A_470 : vector<1x512x16xf32> to vector<512x16xf32>
    %transpose3A_472 = tpu.transpose %get3A_471, [1, 0] : vector<512x16xf32> -> vector<16x512xf32>
    %dot_general3A_473 = arith.constant dense<0.000000e+00> : vector<512x512xf32>
    %dot_general3A_474 = tpu.matmul %get3A_471, %transpose3A_472, %dot_general3A_473 {dimension_numbers = #tpu.dot_dimension_numbers<[1], [0], [0], [1], [0, 0, 1, 1], [], []>, transpose_lhs_hint = false} : vector<512x16xf32>, vector<16x512xf32>, vector<512x512xf32> -> vector<512x512xf32>
    %iota3A_475 = tpu.iota {dimensions = array<i32: 0>} : vector<512x512xi32>
    %iota3A_476 = tpu.iota {dimensions = array<i32: 1>} : vector<512x512xi32>
    %eq3A_477 = arith.cmpi eq, %iota3A_475, %iota3A_476 : vector<512x512xi32>
    %jit3A_478 = arith.constant 0.000000e+00 : f32
    %broadcast_in_dim3A_479 = vector.broadcast %jit3A_478 : f32 to vector<512x512xf32>
    %select_n3A_480 = arith.select %eq3A_477, %dot_general3A_474, %broadcast_in_dim3A_479 : vector<512x512xi1>, vector<512x512xf32>
    %reduce_sum3A_481 = arith.constant dense<0.000000e+00> : vector<512xf32>
    %reduce_sum3A_482 = vector.multi_reduction <add>, %select_n3A_480, %reduce_sum3A_481 [1] : vector<512x512xf32> to vector<512xf32>
    %broadcast_in_dim3A_483 = vector.shape_cast %reduce_sum3A_482 : vector<512xf32> to vector<512x1xf32>
    %reduce_sum3A_484 = arith.constant dense<0.000000e+00> : vector<512xf32>
    %reduce_sum3A_485 = vector.multi_reduction <add>, %select_n3A_480, %reduce_sum3A_484 [0] : vector<512x512xf32> to vector<512xf32>
    %broadcast_in_dim3A_486 = vector.shape_cast %reduce_sum3A_485 : vector<512xf32> to vector<1x512xf32>
    %add3A_487 = vector.broadcast %broadcast_in_dim3A_483 : vector<512x1xf32> to vector<512x512xf32>
    %add3A_488 = vector.broadcast %broadcast_in_dim3A_486 : vector<1x512xf32> to vector<512x512xf32>
    %add3A_489 = arith.addf %add3A_487, %add3A_488 : vector<512x512xf32>
    %mul3A_490 = arith.constant 2.000000e+00 : f32
    %mul3A_491 = vector.broadcast %mul3A_490 : f32 to vector<512x512xf32>
    %mul3A_492 = arith.mulf %mul3A_491, %dot_general3A_474 : vector<512x512xf32>
    %sub3A_493 = arith.subf %add3A_489, %mul3A_492 : vector<512x512xf32>
    %jit3A_494 = arith.constant 0x7F800000 : f32
    %broadcast_in_dim3A_495 = vector.broadcast %jit3A_494 : f32 to vector<512x512xf32>
    %select_n3A_496 = arith.select %eq3A_477, %broadcast_in_dim3A_495, %sub3A_493 : vector<512x512xi1>, vector<512x512xf32>
    %reduce_min3A_497 = arith.constant dense<0x7F800000> : vector<512xf32>
    %reduce_min3A_498 = vector.multi_reduction <minimumf>, %select_n3A_496, %reduce_min3A_497 [0] : vector<512x512xf32> to vector<512xf32>
    %broadcast_in_dim3A_499 = vector.shape_cast %reduce_min3A_498 : vector<512xf32> to vector<1x512xf32>
    %swap3A_500 = arith.index_cast %scan3A_466 : i32 to index
    %swap3A_501 = arith.constant 0 : index
    %swap3A_502 = vector.load %arg1[%swap3A_500, %swap3A_501] : memref<15x512xf32, #tpu.memory_space<vmem>>, vector<1x512xf32>
    tpu.vector_store %arg1[%swap3A_500, %swap3A_501], %broadcast_in_dim3A_499 {strides = array<i32>} : memref<15x512xf32, #tpu.memory_space<vmem>>, vector<1x512xf32>,
    %scan3A_503 = arith.constant 14 : i32
    %get3A_504 = arith.index_cast %scan3A_503 : i32 to index
    %get3A_505 = arith.constant 0 : index
    %get3A_506 = arith.constant 0 : index
    %get3A_507 = vector.load %arg0[%get3A_504, %get3A_505, %get3A_506] : memref<15x512x16xf32, #tpu.memory_space<vmem>>, vector<1x512x16xf32>
    %get3A_508 = vector.shape_cast %get3A_507 : vector<1x512x16xf32> to vector<512x16xf32>
    %transpose3A_509 = tpu.transpose %get3A_508, [1, 0] : vector<512x16xf32> -> vector<16x512xf32>
    %dot_general3A_510 = arith.constant dense<0.000000e+00> : vector<512x512xf32>
    %dot_general3A_511 = tpu.matmul %get3A_508, %transpose3A_509, %dot_general3A_510 {dimension_numbers = #tpu.dot_dimension_numbers<[1], [0], [0], [1], [0, 0, 1, 1], [], []>, transpose_lhs_hint = false} : vector<512x16xf32>, vector<16x512xf32>, vector<512x512xf32> -> vector<512x512xf32>
    %iota3A_512 = tpu.iota {dimensions = array<i32: 0>} : vector<512x512xi32>
    %iota3A_513 = tpu.iota {dimensions = array<i32: 1>} : vector<512x512xi32>
    %eq3A_514 = arith.cmpi eq, %iota3A_512, %iota3A_513 : vector<512x512xi32>
    %jit3A_515 = arith.constant 0.000000e+00 : f32
    %broadcast_in_dim3A_516 = vector.broadcast %jit3A_515 : f32 to vector<512x512xf32>
    %select_n3A_517 = arith.select %eq3A_514, %dot_general3A_511, %broadcast_in_dim3A_516 : vector<512x512xi1>, vector<512x512xf32>
    %reduce_sum3A_518 = arith.constant dense<0.000000e+00> : vector<512xf32>
    %reduce_sum3A_519 = vector.multi_reduction <add>, %select_n3A_517, %reduce_sum3A_518 [1] : vector<512x512xf32> to vector<512xf32>
    %broadcast_in_dim3A_520 = vector.shape_cast %reduce_sum3A_519 : vector<512xf32> to vector<512x1xf32>
    %reduce_sum3A_521 = arith.constant dense<0.000000e+00> : vector<512xf32>
    %reduce_sum3A_522 = vector.multi_reduction <add>, %select_n3A_517, %reduce_sum3A_521 [0] : vector<512x512xf32> to vector<512xf32>
    %broadcast_in_dim3A_523 = vector.shape_cast %reduce_sum3A_522 : vector<512xf32> to vector<1x512xf32>
    %add3A_524 = vector.broadcast %broadcast_in_dim3A_520 : vector<512x1xf32> to vector<512x512xf32>
    %add3A_525 = vector.broadcast %broadcast_in_dim3A_523 : vector<1x512xf32> to vector<512x512xf32>
    %add3A_526 = arith.addf %add3A_524, %add3A_525 : vector<512x512xf32>
    %mul3A_527 = arith.constant 2.000000e+00 : f32
    %mul3A_528 = vector.broadcast %mul3A_527 : f32 to vector<512x512xf32>
    %mul3A_529 = arith.mulf %mul3A_528, %dot_general3A_511 : vector<512x512xf32>
    %sub3A_530 = arith.subf %add3A_526, %mul3A_529 : vector<512x512xf32>
    %jit3A_531 = arith.constant 0x7F800000 : f32
    %broadcast_in_dim3A_532 = vector.broadcast %jit3A_531 : f32 to vector<512x512xf32>
    %select_n3A_533 = arith.select %eq3A_514, %broadcast_in_dim3A_532, %sub3A_530 : vector<512x512xi1>, vector<512x512xf32>
    %reduce_min3A_534 = arith.constant dense<0x7F800000> : vector<512xf32>
    %reduce_min3A_535 = vector.multi_reduction <minimumf>, %select_n3A_533, %reduce_min3A_534 [0] : vector<512x512xf32> to vector<512xf32>
    %broadcast_in_dim3A_536 = vector.shape_cast %reduce_min3A_535 : vector<512xf32> to vector<1x512xf32>
    %swap3A_537 = arith.index_cast %scan3A_503 : i32 to index
    %swap3A_538 = arith.constant 0 : index
    %swap3A_539 = vector.load %arg1[%swap3A_537, %swap3A_538] : memref<15x512xf32, #tpu.memory_space<vmem>>, vector<1x512xf32>
    tpu.vector_store %arg1[%swap3A_537, %swap3A_538], %broadcast_in_dim3A_536 {strides = array<i32>} : memref<15x512xf32, #tpu.memory_space<vmem>>, vector<1x512xf32>,
    %scan3A_540 = arith.constant 15 : i32
    return
  }
}

module attributes {stable_mosaic.version = 14 : i64} {
  func.func @_stats_kernel(%arg0: memref<4x128xf32, #tpu.memory_space<vmem>>, %arg1: memref<15x512xf32, #tpu.memory_space<vmem>>, %arg2: memref<1x1xf32, #tpu.memory_space<smem>>, %arg3: memref<1x1xf32, #tpu.memory_space<smem>>, %arg4: memref<1x1xf32, #tpu.memory_space<smem>>) attributes {dimension_semantics = [], scalar_prefetch = 0 : i64, scratch_operands = 0 : i64, tpu.core_type = #tpu.core_type<tc>} {
    %get3A = arith.constant 0 : index
    %get3A_0 = arith.constant 0 : index
    %get3A_1 = vector.load %arg0[%get3A, %get3A_0] : memref<4x128xf32, #tpu.memory_space<vmem>>, vector<4x128xf32>
    %max3A = arith.constant 0.000000e+00 : f32
    %max3A_2 = vector.broadcast %max3A : f32 to vector<4x128xf32>
    %max3A_3 = arith.maximumf %get3A_1, %max3A_2 : vector<4x128xf32>
    %sqrt3A = math.sqrt %max3A_3 : vector<4x128xf32>
    %get3A_4 = arith.constant 0 : index
    %get3A_5 = arith.constant 0 : index
    %get3A_6 = vector.load %arg1[%get3A_4, %get3A_5] : memref<15x512xf32, #tpu.memory_space<vmem>>, vector<15x512xf32>
    %max3A_7 = arith.constant 0.000000e+00 : f32
    %max3A_8 = vector.broadcast %max3A_7 : f32 to vector<15x512xf32>
    %max3A_9 = arith.maximumf %get3A_6, %max3A_8 : vector<15x512xf32>
    %sqrt3A_10 = math.sqrt %max3A_9 : vector<15x512xf32>
    %reduce_sum3A = vector.shape_cast %sqrt3A : vector<4x128xf32> to vector<1x4x128xf32>
    %reduce_sum3A_11 = arith.constant dense<0.000000e+00> : vector<1xf32>
    %reduce_sum3A_12 = vector.multi_reduction <add>, %reduce_sum3A, %reduce_sum3A_11 [1, 2] : vector<1x4x128xf32> to vector<1xf32>
    %reduce_sum3A_13 = vector.shape_cast %reduce_sum3A_12 : vector<1xf32> to vector<1x1x1xf32>
    %reduce_sum3A_14 = vector.extract %reduce_sum3A_13[0, 0, 0] : f32 from vector<1x1x1xf32>
    %reduce_sum3A_15 = vector.shape_cast %sqrt3A_10 : vector<15x512xf32> to vector<1x15x512xf32>
    %reduce_sum3A_16 = arith.constant dense<0.000000e+00> : vector<1xf32>
    %reduce_sum3A_17 = vector.multi_reduction <add>, %reduce_sum3A_15, %reduce_sum3A_16 [1, 2] : vector<1x15x512xf32> to vector<1xf32>
    %reduce_sum3A_18 = vector.shape_cast %reduce_sum3A_17 : vector<1xf32> to vector<1x1x1xf32>
    %reduce_sum3A_19 = vector.extract %reduce_sum3A_18[0, 0, 0] : f32 from vector<1x1x1xf32>
    %add3A = arith.addf %reduce_sum3A_14, %reduce_sum3A_19 : f32
    %div3A = arith.constant 8.192000e+03 : f32
    %div3A_20 = arith.divf %add3A, %div3A : f32
    %sub3A = vector.broadcast %div3A_20 : f32 to vector<4x128xf32>
    %sub3A_21 = arith.subf %sqrt3A, %sub3A : vector<4x128xf32>
    %integer_pow3A = arith.mulf %sub3A_21, %sub3A_21 : vector<4x128xf32>
    %reduce_sum3A_22 = vector.shape_cast %integer_pow3A : vector<4x128xf32> to vector<1x4x128xf32>
    %reduce_sum3A_23 = arith.constant dense<0.000000e+00> : vector<1xf32>
    %reduce_sum3A_24 = vector.multi_reduction <add>, %reduce_sum3A_22, %reduce_sum3A_23 [1, 2] : vector<1x4x128xf32> to vector<1xf32>
    %reduce_sum3A_25 = vector.shape_cast %reduce_sum3A_24 : vector<1xf32> to vector<1x1x1xf32>
    %reduce_sum3A_26 = vector.extract %reduce_sum3A_25[0, 0, 0] : f32 from vector<1x1x1xf32>
    %sub3A_27 = vector.broadcast %div3A_20 : f32 to vector<15x512xf32>
    %sub3A_28 = arith.subf %sqrt3A_10, %sub3A_27 : vector<15x512xf32>
    %integer_pow3A_29 = arith.mulf %sub3A_28, %sub3A_28 : vector<15x512xf32>
    %reduce_sum3A_30 = vector.shape_cast %integer_pow3A_29 : vector<15x512xf32> to vector<1x15x512xf32>
    %reduce_sum3A_31 = arith.constant dense<0.000000e+00> : vector<1xf32>
    %reduce_sum3A_32 = vector.multi_reduction <add>, %reduce_sum3A_30, %reduce_sum3A_31 [1, 2] : vector<1x15x512xf32> to vector<1xf32>
    %reduce_sum3A_33 = vector.shape_cast %reduce_sum3A_32 : vector<1xf32> to vector<1x1x1xf32>
    %reduce_sum3A_34 = vector.extract %reduce_sum3A_33[0, 0, 0] : f32 from vector<1x1x1xf32>
    %add3A_35 = arith.addf %reduce_sum3A_26, %reduce_sum3A_34 : f32
    %div3A_36 = arith.constant 8.191000e+03 : f32
    %div3A_37 = arith.divf %add3A_35, %div3A_36 : f32
    %sqrt3A_38 = math.sqrt %div3A_37 : f32
    %gt3A = arith.constant 9.99999993E-9 : f32
    %gt3A_39 = arith.cmpf ogt, %div3A_20, %gt3A : f32
    %max3A_40 = arith.constant 9.99999993E-9 : f32
    %max3A_41 = arith.maximumf %div3A_20, %max3A_40 : f32
    %div3A_42 = arith.divf %sqrt3A_38, %max3A_41 : f32
    %jit3A = arith.constant 0.000000e+00 : f32
    %select_n3A = arith.select %gt3A_39, %div3A_42, %jit3A : f32
    %swap3A = arith.constant 0 : index
    %swap3A_43 = arith.constant 0 : index
    %swap3A_44 = memref.load %arg2[%swap3A, %swap3A_43] : memref<1x1xf32, #tpu.memory_space<smem>>
    memref.store %div3A_20, %arg2[%swap3A, %swap3A_43] : memref<1x1xf32, #tpu.memory_space<smem>>
    %swap3A_45 = arith.constant 0 : index
    %swap3A_46 = arith.constant 0 : index
    %swap3A_47 = memref.load %arg3[%swap3A_45, %swap3A_46] : memref<1x1xf32, #tpu.memory_space<smem>>
    memref.store %sqrt3A_38, %arg3[%swap3A_45, %swap3A_46] : memref<1x1xf32, #tpu.memory_space<smem>>
    %swap3A_48 = arith.constant 0 : index
    %swap3A_49 = arith.constant 0 : index
    %swap3A_50 = memref.load %arg4[%swap3A_48, %swap3A_49] : memref<1x1xf32, #tpu.memory_space<smem>>
    memref.store %select_n3A, %arg4[%swap3A_48, %swap3A_49] : memref<1x1xf32, #tpu.memory_space<smem>>
    return
  }
}

</mosaic_0001>

<sc_bundles>
// kernel: kernel.5.cloned.1.call-start
scs
__scs_entry_jumppad:
0x0: {  	(pc) =	sbr.rel $0x88, $3  }
0x1: {  	(tag) =	ssettag $0x0;
	lr =	simm.s32 $0x1  }
0x2: {  	[smem:$0x3FA0] =	sst lr;
	_ =	strace $0xD0000000  }
0x3: {  	_ = 	snop  }
0x4: {  	_ = 	snop  }
0x5: {  	_ = 	snop  }
0x6: {  	_ = 	snop  }
0x7: {  	_ = 	snop  }
__scs_overlays_trampoline_lowered:
0x8: {  	[smem:$0x3FAF] =	sst s0  }
0x9: {  	[smem:$0x3FB0] =	sst s1  }
0xa: {  	[smem:$0x3FB1] =	sst s2  }
0xb: {  	[smem:$0x3FB2] =	sst s3  }
0xc: {  	[smem:$0x3FB3] =	sst s4  }
0xd: {  	[smem:$0x3FB4] =	sst s5  }
0xe: {  	[smem:$0x3FB5] =	sst s6  }
0xf: {  	[smem:$0x3FB6] =	sst s7  }
0x10: {  	[smem:$0x3FB7] =	sst s8  }
0x11: {  	[smem:$0x3FB8] =	sst s9;
	s0 =	simm.s32 @!p0 $0x0  }
0x12: {  	s1 =	sld [smem:$0x3F9E];
	s0 =	simm.s32 @p0 $0x1  }
0x13: {  	[smem:$0x3FB9] =	sst s0;
	s0 =	simm.s32 @!p1 $0x0  }
0x14: {  	s2 =	sld [smem:$0x3F9D];
	s0 =	simm.s32 @p1 $0x1  }
0x15: {  	[smem:$0x3FBA] =	sst s0;
	s0 =	simm.s32 @!p2 $0x0  }
0x16: {  	s3 =	sld [smem:$0x3FDB];
	s0 =	simm.s32 @p2 $0x1  }
0x17: {  	s4 =	simm.s32 $0x1BF5;
	[smem:$0x3FBC] =	sst s0  }
0x18: {  	s0 =	sld [smem:$0x3F9F];
	_ =	swait.ge [sflag:s4], $0x0  }
0x19: {  	s7 =	sld [smem:$0x3FA0]  }
0x1a: {  	s8 =	sadd.s32 $0xFFFFE003, lr  }
0x1b: {  	s9 =	sadd.s32 $0xFFFFFEF7, lr;
	s5 =	simm.s32 $0xFFFFFFFF;
	p2 =	slt.u32 s8, $0xFFFFF086  }
0x1c: {  	p1 =	slt.u32 s9, $0xF7A;
	s5 =	simm.s32 @!p2 $0x0  }
0x1d: {  	s5 =	simm.s32 @p1 $0x1;
	p0 =	seq.s32 s7, s2  }
0x1e: {  	s7 =	smul.u32 @!p0 $0xF7A, s2;
	p2 =	seq.s32 @!p0 s5, $0x0  }
0x1f: {  	s9 =	smul.u32 $0xF7A, s1;
	s8 =	simm.s32 @!p0 $0x1BF5;
	p2 =	por !p2, p0  }
0x20: {  	[sflag:s8] =	ssyncset.s32 @!p0 $0xFFFFF086;
	s6 =	sadd.s32 @!p0 s3, s7;
	s7 =	simm.s32 @!p0 $0x108  }
0x21: {  	s3 =	sadd.s32 s3, s9;
	s6 =	sadd.s32 @!p0 $0x88, s6;
	s7 =	simm.s32 @p2 $0x1082  }
0x22: {  	[simem:s7], [sflag:s8] =	dma.local @!p0 [hbm:s6], $0xF7A  }
0x23: {  	s9 =	sor.u32 $0xD0000000, s2;
	s6 =	simm.s32 $0x108;
	_ =	swait.ge @!p0 [sflag:s8], $0x0  }
0x24: {  	s3 =	sadd.s32 $0x88, s3;
	s6 =	simm.s32 @!p1 $0x1082;
	[sflag:s4] =	ssyncset.s32 $0xFFFFF086  }
0x25: {  	[simem:s6], [sflag:s4] =	dma.local [hbm:s3], $0xF7A  }
0x26: {  	[smem:$0x3FA0] =	sst s1;
	(tag) =	ssettag s2;
	_ =	strace s9  }
0x27: {  	s1 =	sld [smem:$0x3FB0]  }
0x28: {  	s2 =	sld [smem:$0x3FB1]  }
0x29: {  	s4 =	sld [smem:$0x3FB3]  }
0x2a: {  	p0 =	seq.s32 s5, $0x0;
	s5 =	sld [smem:$0x3FB4]  }
0x2b: {  	s6 =	sld [smem:$0x3FB5]  }
0x2c: {  	s7 =	sld [smem:$0x3FB6]  }
0x2d: {  	s3 =	simm.s32 $0x108;
	s8 =	sld [smem:$0x3FB7]  }
0x2e: {  	s3 =	simm.s32 @!p0 $0x1082;
	s9 =	sld [smem:$0x3FB8]  }
0x2f: {  	lr =	sadd.s32 s0, s3;
	s0 =	sld [smem:$0x3FAF]  }
0x30: {  	s3 =	sld [smem:$0x3FB2]  }
0x31: {  	[smem:$0x3FBB] =	sst s10  }
0x32: {  	s10 =	sld [smem:$0x3FB9];
	_ =	sdelay $0x3  }
0x33: {  	p0 =	seq.s32 s10, $0x1;
	s10 =	sld [smem:$0x3FBB];
	_ =	sdelay $0x3  }
0x34: {  	[smem:$0x3FBB] =	sst s10  }
0x35: {  	s10 =	sld [smem:$0x3FBA];
	_ =	sdelay $0x3  }
0x36: {  	p1 =	seq.s32 s10, $0x1;
	s10 =	sld [smem:$0x3FBB];
	_ =	sdelay $0x3  }
0x37: {  	[smem:$0x3FBB] =	sst s10  }
0x38: {  	s10 =	sld [smem:$0x3FBC]  }
0x39: {  	_ = 	snop;
	(pc) =	sbr.ind lr, $3  }
0x3a: {  	_ = 	snop  }
0x3b: {  	_ = 	snop  }
0x3c: {  	p2 =	seq.s32 s10, $0x1;
	s10 =	sld [smem:$0x3FBB]  }
0x3d: {  	_ =	shalt  }
0x3e: {  	_ =	shalt  }
0x3f: {  	_ =	shalt  }
0x40: {  	_ =	shalt  }
0x41: {  	_ =	shalt  }
0x42: {  	_ =	shalt  }
0x43: {  	_ =	shalt  }
0x44: {  	_ =	shalt  }
0x45: {  	_ =	shalt  }
0x46: {  	_ =	shalt  }
0x47: {  	_ =	shalt  }
0x48: {  	_ =	shalt  }
0x49: {  	_ =	shalt  }
0x4a: {  	_ =	shalt  }
0x4b: {  	_ =	shalt  }
0x4c: {  	_ =	shalt  }
0x4d: {  	_ =	shalt  }
0x4e: {  	_ =	shalt  }
0x4f: {  	_ =	shalt  }
0x50: {  	_ =	shalt  }
0x51: {  	_ =	shalt  }
0x52: {  	_ =	shalt  }
0x53: {  	_ =	shalt  }
0x54: {  	_ =	shalt  }
0x55: {  	_ =	shalt  }
0x56: {  	_ =	shalt  }
0x57: {  	_ =	shalt  }
0x58: {  	_ =	shalt  }
0x59: {  	_ =	shalt  }
0x5a: {  	_ =	shalt  }
0x5b: {  	_ =	shalt  }
0x5c: {  	_ =	shalt  }
0x5d: {  	_ =	shalt  }
0x5e: {  	_ =	shalt  }
0x5f: {  	_ =	shalt  }
0x60: {  	_ =	shalt  }
0x61: {  	_ =	shalt  }
0x62: {  	_ =	shalt  }
0x63: {  	_ =	shalt  }
0x64: {  	_ =	shalt  }
0x65: {  	_ =	shalt  }
0x66: {  	_ =	shalt  }
0x67: {  	_ =	shalt  }
0x68: {  	_ =	shalt  }
0x69: {  	_ =	shalt  }
0x6a: {  	_ =	shalt  }
0x6b: {  	_ =	shalt  }
0x6c: {  	_ =	shalt  }
0x6d: {  	_ =	shalt  }
0x6e: {  	_ =	shalt  }
0x6f: {  	_ =	shalt  }
0x70: {  	_ =	shalt  }
0x71: {  	_ =	shalt  }
0x72: {  	_ =	shalt  }
0x73: {  	_ =	shalt  }
0x74: {  	_ =	shalt  }
0x75: {  	_ =	shalt  }
0x76: {  	_ =	shalt  }
0x77: {  	_ =	shalt  }
0x78: {  	_ =	shalt  }
0x79: {  	_ =	shalt  }
0x7a: {  	_ =	shalt  }
0x7b: {  	_ =	shalt  }
0x7c: {  	_ =	shalt  }
0x7d: {  	_ =	shalt  }
0x7e: {  	_ =	shalt  }
0x7f: {  	_ =	shalt  }
0x80: {  	_ =	shalt  }
0x81: {  	_ =	shalt  }
0x82: {  	_ =	shalt  }
0x83: {  	_ =	shalt  }
0x84: {  	_ =	shalt  }
0x85: {  	_ =	shalt  }
0x86: {  	_ =	shalt  }
0x87: {  	_ =	shalt  }
.Lfunc_end0:
.L_simem_size_0:
called_computation_lowered:
.L_overlay_start_0:
0x88: {  	s2 =	sld [smem:$0x3FD9]  }
0x89: {  	s3 =	sld [smem:$0x3FFE];
	_ =	sdelay $0x1  }
0x8a: {  	s1 =	srdreg.scid  }
0x8b: {  	s0 =	sand.u32 $0x1, s1  }
0x8c: {  	s16 =	sshll.u32 s0, $0xA;
	s2 =	sadd.s32 s3, s2  }
0x8d: {  	s2 =	sadd.s32 s2, s16  }
0x8e: {  	[smem:$0x3FC7] =	sst s2  }
0x8f: {  	_ = 	snop  }
0x90: {  	(tm) =	ssettm $0x1  }
0x91: {  	s17 =	sld [smem:$0x3FFB];
	_ =	sdelay $0x3  }
0x92: {  	_ =	strace s17  }
0x93: {  	s2 =	sld [smem:$0x3FFC];
	_ =	sdelay $0x3  }
0x94: {  	_ =	strace s2  }
0x95: {  	s2 =	sld [smem:$0x3FFD];
	_ =	sdelay $0x3  }
0x96: {  	_ =	strace s2  }
0x97: {  	_ =	strace $0x8FFFFFFF  }
0x98: {  	s18 =	sld [smem:$0x3FDB];
	_ =	sdelay $0x1  }
0x99: {  	s19 =	simm.s32 $_scs_section_size  }
0x9a: {  	s4 =	simm.s32 $_size__tile_overlayer_lowered;
	s5 =	simm.s32 $_tile_overlayer_lowered  }
0x9b: {  	s22 =	simm.s32 $0x1BFF;
	s21 =	sshll.u32 s5, $0x1;
	s2 =	sadd.s32 s19, s18  }
0x9c: {  	s6 =	simm.s32 $0x0;
	s20 =	sshll.u32 s4, $0x1;
	s4 =	sadd.s32 s21, s2  }
0x9d: {  	[timem:s6], [sflag:s22] =	dma.local [hbm:s4], s20  }
0x9e: {  	_ =	swait.ge [sflag:s22], s20  }
0x9f: {  	s3 =	ssub.s32 $0x0, s20;
	[sflag:s22] =	ssyncset.done $0x0  }
0xa0: {  	[sflag:s22] =	ssyncadd.s32 s3;
	_ =	sdelay $0x1  }
0xa1: {  	s23 =	simm.s32 $0x1B8B  }
0xa2: {  	_ =	swait.ge [sflag:s23], $0x1  }
0xa3: {  	[sflag:s23] =	ssyncset.done $0x0  }
0xa4: {  	s25 =	simm.s32 $0x1B8E;
	s24 =	sld [smem:$0x3FFE];
	[sflag:s23] =	ssyncadd.s32 $0xFFFFFFFF  }
0xa5: {  	s26 =	simm.s32 $execute0_lowered;
	[smem:$0x3FD2] =	sst s25  }
0xa6: {  	s4 =	sshll.u32 s26, $0x1;
	_ =	strace $0x80000046;
	[dreg:$0x1] =	wrdreg $0xFFFFFFFF  }
0xa7: {  	s28 =	simm.s32 $_size_execute0_lowered;
	s2 =	sadd.s32 s2, s4;
	[dreg:$0x0] =	wrdreg $0x0  }
0xa8: {  	s4 =	sshll.u32 s28, $0x1;
	[dreg:$0x2] =	wrdreg s2  }
0xa9: {  	[dreg:$0x3] =	wrdreg s4  }
0xaa: {  	[dreg:$0x4] =	wrdreg $0xC0  }
0xab: {  	_ =	task [dreg:s6], $0x5FFFF  }
0xac: {  	[dreg:$0x1] =	wrdreg $0xFFFFFFFF  }
0xad: {  	[dreg:$0x0] =	wrdreg $0x60  }
0xae: {  	[dreg:$0x2] =	wrdreg s24  }
0xaf: {  	[dreg:$0x3] =	wrdreg $0x9  }
0xb0: {  	_ =	task.clear_ibuf [dreg:s6], $0x4FFFF;
	_ =	strace $0x90000046  }
0xb1: {  	s29 =	simm.s32 $0x9;
	_ =	strace $0x80000048  }
0xb2: {  	_ =	swait.ge [sflag:s29], $0x1  }
0xb3: {  	[sflag:s29] =	ssyncadd.s32 $0xFFFFFFFF  }
0xb4: {  	_ =	strace $0x90000048  }
0xb5: {  	_ =	sfence  }
0xb6: {  	s30 =	sld [smem:$0x0];
	_ =	sdelay $0x2  }
0xb7: {  	s31 =	sshll.u32 s1, $0xD;
	s1 =	sshrl.u32 s1, $0x2  }
0xb8: {  	s3 =	sand.u32 $0x4000, s31;
	s1 =	sadd.s32 s1, s30  }
0xb9: {  	s0 =	sor.u32 s3, s0;
	s1 =	sshll.u32 s1, $0x11  }
0xba: {  	s0 =	sor.u32 s1, s0  }
0xbb: {  	s0 =	sadd.s32 $0x8F2B, s0  }
0xbc: {  	[sflag:s0] =	ssyncadd.remote.s32 $0x1  }
0xbd: {  	_ =	sfence.sel $0xFFFF  }
0xbe: {  	[dreg:$0x0] =	wrdreg $0xFFFFFFFF;
	(pc) =	sbr.abs _section_cstart, $3  }
0xbf: {  	[dreg:$0x1] =	wrdreg $0xFFFFFFFF  }
0xc0: {  	_ =	task.clear_ibuf [dreg:s6], $0x2FFFF;
	_ =	strace $0x9FFFFFFF  }
0xc1: {  	(tm) =	ssettm $0x7FFFFFFF  }
tec
execute0_lowered:
.L_overlay_start_1:
0x0: {  	(tag) =	ssettag $0x1  }
0x1: {  	s0 =	srdreg.scid  }
0x2: {  	s6 =	sand.u32 $0x1, s0  }
0x3: {  	s0 =	stileid.u32;
	s1 =	sshll.u32 s6, $0x4  }
0x4: {  	s5 =	sor.u32 s0, s1  }
0x5: {  	s1 =	sshll.u32 s5, $0x4  }
0x6: {  	s4 =	sor.u32 $0x3, s1  }
0x7: {  	s20 =	sor.u32 $0x5, s1;
	v0 =	vmov s4  }
0x8: {  	v56 =	vimm.s32 $0xEFCDAB89;
	v1 =	vimm.s32 $0x67452301;
	s21 =	sor.u32 $0x6, s1;
	v53 =	vmov s20;
	[tilespmem:$0x1FED0] =	vst v0  }
0x9: {  	v14 =	vimm.s32 $0xBA98FEDC;
	v15 =	vimm.s32 $0x32107654;
	s22 =	sor.u32 $0x7, s1;
	v54 =	vmov s21;
	[tilespmem:$0x1FEE0] =	vst v53  }
0xa: {  	v14 =	vunpack.c.l.s4.s8 v14;
	v15 =	vunpack.c.l.s4.s8 v15;
	s24 =	sor.u32 $0x9, s1;
	v55 =	vmov s22;
	[tilespmem:$0x1FEF0] =	vst v54  }
0xb: {  	v58 =	vimm.s32 $0xDCFE98BA;
	s25 =	sor.u32 $0xA, s1;
	v2 =	vmov s24;
	[tilespmem:$0x1FF00] =	vst v55  }
0xc: {  	v18 =	vunpack.c.0.s8.s32 v14;
	v19 =	vunpack.c.0.s8.s32 v15;
	s26 =	sor.u32 $0xB, s1;
	v57 =	vmov s25;
	[tilespmem:$0x1FF10] =	vst v2  }
0xd: {  	v60 =	vimm.s32 $0x54761032;
	s28 =	sor.u32 $0xC, s1;
	v5 =	vmov s26;
	[tilespmem:$0x1FF20] =	vst v57  }
0xe: {  	v16 =	vimm.s32 $0xFEDCBA98;
	s3 =	sor.u32 $0x2, s1;
	s29 =	sor.u32 $0xD, s1;
	v18 =	vcombine.low v19, v18;
	[tilespmem:$0x1FF30] =	vst v5;
	v5 =	vmov s28  }
0xf: {  	s7 =	rddreg [dreg:$0x0];
	v17 =	vimm.s32 $0x76543210;
	v3 =	vmov s3;
	s3 =	simm.s32 $0x0;
	[tilespmem:$0x1FF40] =	vst v5;
	v5 =	vmov s29  }
0x10: {  	v1 =	vunpack.c.l.s4.s8 v1;
	s2 =	sor.u32 $0x1, s1;
	v2 =	vunpack.c.l.s4.s8 v58;
	[smem:$0x7FF] =	sst s3;
	v63 =	vand.u32 $0xF, v18;
	[tilespmem:$0x1FF50] =	vst v5  }
0x11: {  	v11 =	vmov s1;
	v6 =	vmov s2;
	s2 =	rddreg [dreg:$0x1];
	v0 =	vunpack.c.l.s4.s8 v56;
	_ =	strace $0x80000047;
	[tilespmem:$0x1FF80] =	vst v63  }
0x12: {  	v16 =	vunpack.c.l.s4.s8 v16;
	s19 =	sor.u32 $0x4, s1;
	v59 =	vunpack.c.0.s8.s32 v2;
	v2 =	vunpack.c.l.s4.s8 v60;
	[tilespmem:$0x1FFA0] =	vst v11  }
0x13: {  	v1 =	vunpack.c.0.s8.s32 v1;
	s23 =	sor.u32 $0x8, s1;
	v13 =	vmov s19;
	v0 =	vunpack.c.0.s8.s32 v0;
	[tilespmem:$0x1FFB0] =	vst v3  }
0x14: {  	v17 =	vunpack.c.l.s4.s8 v17;
	s10 =	sor.u32 $0xE, s1;
	v4 =	vmov s23;
	[tilespmem:$0x1FFC0] =	vst v13;
	v2 =	vunpack.c.0.s8.s32 v2  }
0x15: {  	s6 =	ssub.s32 $0x2, s6;
	v61 =	vunpack.c.0.s8.s32 v16;
	s30 =	sshllo.u32 s5, $0x4;
	v15 =	vmov s10;
	[tilespmem:$0x1FFD0] =	vst v4;
	v0 =	vcombine.low v1, v0  }
0x16: {  	s11 =	sshrl.u32 s6, $0x1;
	v17 =	vunpack.c.0.s8.s32 v17;
	s8 =	sshll.u32 s5, $0x1;
	v8 =	vmov s30;
	[tilespmem:$0x1FFE0] =	vst v15;
	v1 =	vcombine.low v2, v59  }
0x17: {  	s9 =	sshll.u32 s5, $0x7;
	s31 =	ssub.s32 s6, s11;
	s11 =	simm.s32 $0x0;
	v62 =	vand.u32 $0xF, v61;
	[tilespmem:$0x1FFF0] =	vst v8;
	v0 =	vand.u32 $0xF, v0  }
0x18: {  	s9 =	sor.u32 s1, s9;
	s4 =	sadd.s32 $0x800, s7;
	s7 =	sadd.s32 s8, s7;
	[tilespmem:$0x1FF60] =	vst v0;
	v0 =	vcombine.low v62, v17;
	v1 =	vand.u32 $0xF, v1  }
0x19: {  	s5 =	sand.u32 $0xC70, s9;
	s8 =	smax.u32 s31, $0x1;
	s9 =	simm.s32 $0x1;
	[tilespmem:$0x1FF70] =	vst v1  }
0x1a: {  	v16 =	vlaneseq.u32;
	s10 =	simm.s32 $0x2200;
	s6 =	sor.u32 $0x1000, s5;
	s7 =	sadd.s32 $0xC00, s7;
	[tilespmem:$0x1FF90] =	vst v0  }
.LBB2_1:
0x1b: {  	[tilespmem:s3], [sflag:$0x1] =	stream.linear.gather [hbm4b:s4+s3], $0x2000, $0x38;
	[tilespmem:$0x2280] =	vst v63  }
0x1c: {  	_ =	swait.ge [sflag:s9], $0x2000  }
0x1d: {  	s12 =	sand.u32 $0x70, s3;
	s13 =	sand.u32 $0xC00, s3;
	[sflag:s9] =	ssyncset.done $0x0  }
0x1e: {  	s12 =	sor.u32 s12, s13;
	[sflag:s9] =	ssyncadd.s32 $0xFFFFE000  }
0x1f: {  	v0 =	vld [tilespmem:s12+$0x0]  }
0x20: {  	v1 =	vld [tilespmem:s12+$0x80]  }
0x21: {  	v2 =	vld [tilespmem:s12+$0x100]  }
0x22: {  	v17 =	vld [tilespmem:s12+$0x180]  }
0x23: {  	v18 =	vld [tilespmem:s12+$0x200]  }
0x24: {  	v19 =	vld [tilespmem:s12+$0x280]  }
0x25: {  	s28 =	simm.s32 $0x10;
	s14 =	simm.s32 $0x80;
	v20 =	vld [tilespmem:s12+$0x300];
	v0 =	vmul.f32 v0, v0;
	v1 =	vmul.f32 v1, v1  }
0x26: {  	s13 =	sand.u32 $0x70, s28;
	s14 =	sand.u32 $0xC00, s14;
	v21 =	vld [tilespmem:s12+$0x380]  }
0x27: {  	s13 =	sor.u32 s13, s14;
	v22 =	vld [tilespmem:s12+$0x1000];
	v0 =	vadd.f32 v1, v0;
	v1 =	vmul.f32 v2, v2  }
0x28: {  	v23 =	vld [tilespmem:s13+$0x80]  }
0x29: {  	v0 =	vadd.f32 v1, v0;
	v1 =	vmul.f32 v17, v17;
	v17 =	vld [tilespmem:s13+$0x0]  }
0x2a: {  	v24 =	vld [tilespmem:s13+$0x100]  }
0x2b: {  	v25 =	vld [tilespmem:s13+$0x180];
	v0 =	vadd.f32 v1, v0;
	v1 =	vmul.f32 v18, v18  }
0x2c: {  	v26 =	vld [tilespmem:s13+$0x200]  }
0x2d: {  	v27 =	vld [tilespmem:s12+$0x1380];
	v0 =	vadd.f32 v1, v0;
	v1 =	vmul.f32 v19, v19  }
0x2e: {  	v23 =	vmul.f32 v23, v23;
	v2 =	vld [tilespmem:s12+$0x1080];
	v17 =	vmul.f32 v17, v17  }
0x2f: {  	v18 =	vld [tilespmem:s12+$0x1100];
	v0 =	vadd.f32 v1, v0;
	v1 =	vmul.f32 v20, v20  }
0x30: {  	v19 =	vld [tilespmem:s12+$0x1180];
	v17 =	vadd.f32 v23, v17  }
0x31: {  	v20 =	vld [tilespmem:s12+$0x1200];
	v23 =	vmul.f32 v24, v24;
	v0 =	vadd.f32 v1, v0;
	v1 =	vmul.f32 v21, v21  }
0x32: {  	v22 =	vmul.f32 v22, v22;
	v24 =	vld [tilespmem:s13+$0x280]  }
0x33: {  	v21 =	vld [tilespmem:s12+$0x1280];
	v17 =	vadd.f32 v23, v17;
	v23 =	vmul.f32 v25, v25;
	v0 =	vadd.f32 v1, v0  }
0x34: {  	v2 =	vmul.f32 v2, v2;
	v25 =	vld [tilespmem:s13+$0x300]  }
0x35: {  	s29 =	simm.s32 $0x20;
	s30 =	simm.s32 $0x100;
	v1 =	vld [tilespmem:s12+$0x1300];
	v17 =	vadd.f32 v23, v17;
	v0 =	vadd.f32 v22, v0;
	v22 =	vmul.f32 v26, v26  }
0x36: {  	s14 =	sand.u32 $0xC00, s30;
	v18 =	vmul.f32 v18, v18;
	s12 =	sand.u32 $0x70, s29;
	v23 =	vld [tilespmem:s13+$0x380]  }
0x37: {  	s12 =	sor.u32 s12, s14;
	v0 =	vadd.f32 v2, v0;
	v2 =	vadd.f32 v22, v17;
	v17 =	vmul.f32 v24, v24;
	v22 =	vld [tilespmem:s13+$0x1000]  }
0x38: {  	v19 =	vmul.f32 v19, v19;
	v24 =	vld [tilespmem:s12+$0x0]  }
0x39: {  	v0 =	vadd.f32 v18, v0;
	v2 =	vadd.f32 v17, v2;
	v17 =	vmul.f32 v25, v25;
	v18 =	vld [tilespmem:s12+$0x80]  }
0x3a: {  	v20 =	vmul.f32 v20, v20;
	v26 =	vld [tilespmem:s13+$0x1080]  }
0x3b: {  	v0 =	vadd.f32 v19, v0;
	v2 =	vadd.f32 v17, v2;
	v17 =	vmul.f32 v23, v23;
	v19 =	vld [tilespmem:s12+$0x100]  }
0x3c: {  	v21 =	vmul.f32 v21, v21;
	v25 =	vld [tilespmem:s13+$0x1100]  }
0x3d: {  	v0 =	vadd.f32 v20, v0;
	v2 =	vadd.f32 v17, v2;
	v17 =	vmul.f32 v22, v22;
	v20 =	vld [tilespmem:s12+$0x180]  }
0x3e: {  	v23 =	vld [tilespmem:s13+$0x1180];
	v22 =	vmul.f32 v24, v24;
	v18 =	vmul.f32 v18, v18  }
0x3f: {  	v24 =	vld [tilespmem:s13+$0x1200];
	v0 =	vadd.f32 v21, v0;
	v21 =	vmul.f32 v26, v26;
	v2 =	vadd.f32 v17, v2  }
0x40: {  	v1 =	vmul.f32 v1, v1;
	v17 =	vld [tilespmem:s12+$0x200];
	v18 =	vadd.f32 v18, v22;
	v19 =	vmul.f32 v19, v19  }
0x41: {  	v26 =	vld [tilespmem:s13+$0x1280];
	v22 =	vmul.f32 v25, v25;
	v2 =	vadd.f32 v21, v2  }
0x42: {  	v25 =	vld [tilespmem:s12+$0x280];
	v0 =	vadd.f32 v1, v0;
	v1 =	vadd.f32 v19, v18;
	v18 =	vmul.f32 v20, v20  }
0x43: {  	v21 =	vmul.f32 v23, v23;
	v19 =	vld [tilespmem:s13+$0x1300];
	v20 =	vmul.f32 v27, v27;
	v2 =	vadd.f32 v22, v2  }
0x44: {  	v24 =	vmul.f32 v24, v24;
	v22 =	vld [tilespmem:s12+$0x300];
	v1 =	vadd.f32 v18, v1  }
0x45: {  	v27 =	vmul.f32 v17, v17;
	v17 =	vld [tilespmem:s13+$0x1380];
	v20 =	vadd.f32 v20, v0;
	v2 =	vadd.f32 v21, v2  }
0x46: {  	s31 =	simm.s32 $0x30;
	s15 =	simm.s32 $0x180;
	v23 =	vld [tilespmem:s12+$0x380];
	s13 =	simm.s32 $0x2000;
	v18 =	vmul.f32 v26, v26  }
0x47: {  	s16 =	sand.u32 $0xC00, s15;
	s14 =	sand.u32 $0x70, s31;
	v21 =	vld [tilespmem:s12+$0x1080];
	v25 =	vmul.f32 v25, v25;
	v0 =	vadd.f32 v27, v1;
	[tilespmem:s13+$0x0] =	vst v20;
	v20 =	vadd.f32 v24, v2  }
0x48: {  	s14 =	sor.u32 s14, s16;
	s16 =	simm.s32 $0x40;
	v24 =	vld [tilespmem:s12+$0x1000];
	v19 =	vmul.f32 v19, v19  }
.LBB2_2:
0x49: {  	p0 =	sne.s32 s16, $0x1F0;
	v1 =	vld [tilespmem:s14+$0x0];
	v0 =	vadd.f32 v25, v0;
	v2 =	vmul.f32 v22, v22;
	v18 =	vadd.f32 v18, v20  }
0x4a: {  	v20 =	vld [tilespmem:s14+$0x80];
	v17 =	vmul.f32 v17, v17  }
0x4b: {  	v0 =	vadd.f32 v2, v0;
	v2 =	vmul.f32 v23, v23;
	v22 =	vld [tilespmem:s12+$0x1100];
	v18 =	vadd.f32 v19, v18  }
0x4c: {  	v19 =	vld [tilespmem:s14+$0x100]  }
0x4d: {  	v0 =	vadd.f32 v2, v0;
	v2 =	vmul.f32 v24, v24;
	v23 =	vld [tilespmem:s12+$0x1180];
	v17 =	vadd.f32 v17, v18  }
0x4e: {  	s13 =	sadd.s32 $0x10, s13;
	v21 =	vmul.f32 v21, v21;
	v18 =	vld [tilespmem:s14+$0x180]  }
0x4f: {  	v1 =	vmul.f32 v1, v1;
	v20 =	vmul.f32 v20, v20;
	v0 =	vadd.f32 v2, v0;
	v2 =	vld [tilespmem:s12+$0x1200];
	[tilespmem:s13+$0x0] =	vst v17  }
0x50: {  	v17 =	vld [tilespmem:s14+$0x200];
	v22 =	vmul.f32 v22, v22  }
0x51: {  	v1 =	vadd.f32 v20, v1;
	v19 =	vmul.f32 v19, v19;
	v0 =	vadd.f32 v21, v0;
	v20 =	vld [tilespmem:s12+$0x1280]  }
0x52: {  	v21 =	vld [tilespmem:s14+$0x280];
	v23 =	vmul.f32 v23, v23  }
0x53: {  	v1 =	vadd.f32 v19, v1;
	v18 =	vmul.f32 v18, v18;
	v0 =	vadd.f32 v22, v0;
	v19 =	vld [tilespmem:s12+$0x1300]  }
.Ltmp0:
0x54: {  	v22 =	vld [tilespmem:s14+$0x300];
	v2 =	vmul.f32 v2, v2;
	(pc) =	sbr.rel @p0 .LBB2_2-.Ltmp0, $4  }
0x55: {  	v1 =	vadd.f32 v18, v1;
	v24 =	vmul.f32 v17, v17;
	v26 =	vadd.f32 v23, v0;
	v17 =	vld [tilespmem:s12+$0x1380];
	s12 =	smov.u32 s14  }
0x56: {  	s15 =	sadd.s32 $0x80, s15;
	v23 =	vld [tilespmem:s12+$0x380];
	v18 =	vmul.f32 v20, v20  }
0x57: {  	s17 =	sand.u32 $0xC00, s15;
	s14 =	sand.u32 $0x70, s16;
	v0 =	vadd.f32 v24, v1;
	v25 =	vmul.f32 v21, v21;
	v21 =	vld [tilespmem:s12+$0x1080];
	v20 =	vadd.f32 v2, v26  }
0x58: {  	s16 =	sadd.s32 $0x10, s16;
	s14 =	sor.u32 s14, s17;
	v24 =	vld [tilespmem:s12+$0x1000];
	v19 =	vmul.f32 v19, v19  }
0x59: {  	v1 =	vld [tilespmem:s14+$0x0]  }
0x5a: {  	v2 =	vld [tilespmem:s14+$0x80];
	_ =	sdelay $0x1  }
0x5b: {  	v26 =	vld [tilespmem:s14+$0x100];
	_ =	sdelay $0x1  }
0x5c: {  	v27 =	vld [tilespmem:s14+$0x180]  }
0x5d: {  	v1 =	vmul.f32 v1, v1;
	v2 =	vmul.f32 v2, v2  }
0x5e: {  	v28 =	vld [tilespmem:s14+$0x200]  }
0x5f: {  	v1 =	vadd.f32 v2, v1;
	v2 =	vmul.f32 v26, v26  }
0x60: {  	v26 =	vld [tilespmem:s14+$0x280]  }
0x61: {  	v1 =	vadd.f32 v2, v1;
	v2 =	vmul.f32 v27, v27  }
0x62: {  	v27 =	vld [tilespmem:s14+$0x300]  }
0x63: {  	v1 =	vadd.f32 v2, v1;
	v2 =	vmul.f32 v28, v28  }
0x64: {  	v28 =	vld [tilespmem:s14+$0x380]  }
0x65: {  	v1 =	vadd.f32 v2, v1;
	v2 =	vmul.f32 v26, v26  }
0x66: {  	v0 =	vadd.f32 v25, v0;
	v22 =	vmul.f32 v22, v22;
	v25 =	vld [tilespmem:s14+$0x1000]  }
0x67: {  	v1 =	vadd.f32 v2, v1;
	v2 =	vmul.f32 v27, v27  }
0x68: {  	v0 =	vadd.f32 v22, v0;
	v22 =	vmul.f32 v23, v23;
	v23 =	vld [tilespmem:s14+$0x1080]  }
0x69: {  	v26 =	vld [tilespmem:s12+$0x1100];
	v1 =	vadd.f32 v2, v1;
	v2 =	vmul.f32 v28, v28  }
0x6a: {  	v0 =	vadd.f32 v22, v0;
	v22 =	vmul.f32 v24, v24;
	v24 =	vld [tilespmem:s14+$0x1100]  }
0x6b: {  	v27 =	vld [tilespmem:s12+$0x1180];
	v1 =	vadd.f32 v2, v1;
	v2 =	vmul.f32 v25, v25  }
0x6c: {  	v21 =	vmul.f32 v21, v21;
	v0 =	vadd.f32 v22, v0;
	v22 =	vld [tilespmem:s14+$0x1180]  }
0x6d: {  	v23 =	vmul.f32 v23, v23;
	v25 =	vld [tilespmem:s12+$0x1200];
	v1 =	vadd.f32 v2, v1  }
0x6e: {  	v0 =	vadd.f32 v21, v0;
	v21 =	vld [tilespmem:s14+$0x1200];
	v2 =	vmul.f32 v26, v26  }
0x6f: {  	v24 =	vmul.f32 v24, v24;
	v26 =	vld [tilespmem:s12+$0x1280];
	v1 =	vadd.f32 v23, v1  }
0x70: {  	v23 =	vmul.f32 v27, v27;
	v0 =	vadd.f32 v2, v0;
	v2 =	vld [tilespmem:s14+$0x1280]  }
0x71: {  	v22 =	vmul.f32 v22, v22;
	v27 =	vld [tilespmem:s12+$0x1300];
	v1 =	vadd.f32 v24, v1  }
0x72: {  	v24 =	vmul.f32 v25, v25;
	v0 =	vadd.f32 v23, v0;
	v23 =	vld [tilespmem:s14+$0x1300]  }
0x73: {  	v21 =	vmul.f32 v21, v21;
	v25 =	vld [tilespmem:s12+$0x1380];
	v1 =	vadd.f32 v22, v1  }
0x74: {  	v22 =	vmul.f32 v26, v26;
	v0 =	vadd.f32 v24, v0;
	v24 =	vld [tilespmem:s14+$0x1380]  }
0x75: {  	v18 =	vadd.f32 v18, v20;
	v2 =	vmul.f32 v2, v2;
	v1 =	vadd.f32 v21, v1  }
0x76: {  	v17 =	vmul.f32 v17, v17;
	v20 =	vmul.f32 v27, v27;
	v0 =	vadd.f32 v22, v0  }
0x77: {  	v18 =	vadd.f32 v19, v18;
	v19 =	vmul.f32 v23, v23;
	v1 =	vadd.f32 v2, v1  }
0x78: {  	v2 =	vmul.f32 v25, v25;
	v0 =	vadd.f32 v20, v0  }
0x79: {  	v17 =	vadd.f32 v17, v18;
	v18 =	vmul.f32 v24, v24;
	v1 =	vadd.f32 v19, v1  }
0x7a: {  	s25 =	sadd.s32 $0x10, s13;
	v0 =	vadd.f32 v2, v0  }
0x7b: {  	[tilespmem:s25+$0x0] =	vst v17;
	s12 =	sadd.s32 $0x10, s25;
	v1 =	vadd.f32 v18, v1  }
0x7c: {  	[tilespmem:s12+$0x0] =	vst v0;
	s12 =	sadd.s32 $0x10, s12  }
0x7d: {  	[tilespmem:s12+$0x0] =	vst v1  }
0x7e: {  	v0 =	vld [tilespmem:s5+$0x0]  }
0x7f: {  	v1 =	vld [tilespmem:s5+$0x80]  }
0x80: {  	v2 =	vld [tilespmem:s5+$0x100]  }
0x81: {  	v17 =	vld [tilespmem:s5+$0x180]  }
0x82: {  	v18 =	vld [tilespmem:s5+$0x200]  }
0x83: {  	v19 =	vld [tilespmem:s5+$0x280]  }
0x84: {  	v20 =	vld [tilespmem:s5+$0x300]  }
0x85: {  	v22 =	vld [tilespmem:s5+$0x380]  }
0x86: {  	v23 =	vld [tilespmem:s6+$0x0];
	v9 =	vadd.f32 v0, v0  }
0x87: {  	v24 =	vld [tilespmem:s5+$0x1080];
	v10 =	vadd.f32 v1, v1;
	v8 =	vadd.f32 v2, v2  }
0x88: {  	v0 =	vld [tilespmem:s5+$0x1100];
	v7 =	vadd.f32 v17, v17;
	v21 =	vbroadcast v9, $0x0;
	v38 =	vbroadcast v9, $0x1  }
0x89: {  	v1 =	vld [tilespmem:s5+$0x1180];
	v5 =	vadd.f32 v18, v18;
	v39 =	vbroadcast v10, $0x0;
	v40 =	vbroadcast v10, $0x1  }
0x8a: {  	s26 =	simm.s32 $0x0;
	v3 =	vadd.f32 v19, v19;
	v2 =	vld [tilespmem:s5+$0x1200];
	v41 =	vbroadcast v8, $0x0;
	v42 =	vbroadcast v8, $0x1  }
0x8b: {  	s28 =	sand.u32 $0x70, s26;
	s29 =	sand.u32 $0xC00, s26;
	v4 =	vadd.f32 v20, v20;
	v17 =	vld [tilespmem:s5+$0x1280];
	v43 =	vbroadcast v7, $0x0;
	v44 =	vbroadcast v7, $0x1  }
0x8c: {  	s15 =	sor.u32 s28, s29;
	v18 =	vld [tilespmem:s5+$0x1300];
	v12 =	vadd.f32 v23, v23;
	v45 =	vbroadcast v5, $0x0;
	v46 =	vbroadcast v5, $0x1  }
0x8d: {  	v13 =	vadd.f32 v24, v24;
	v19 =	vld [tilespmem:s15+$0x0];
	[tilespmem:$0x1FDC0] =	vst v9;
	v47 =	vbroadcast v3, $0x0;
	v48 =	vbroadcast v3, $0x1  }
0x8e: {  	v20 =	vld [tilespmem:s5+$0x1380];
	v9 =	vadd.f32 v22, v22;
	[tilespmem:$0x1FDD0] =	vst v10;
	v49 =	vbroadcast v4, $0x0;
	v50 =	vbroadcast v4, $0x1  }
0x8f: {  	[tilespmem:$0x1FDE0] =	vst v8;
	v52 =	vbroadcast v12, $0x0;
	v54 =	vbroadcast v12, $0x1;
	v10 =	vadd.f32 v0, v0;
	v0 =	vld [tilespmem:s15+$0x80]  }
0x90: {  	[tilespmem:$0x1FDF0] =	vst v7;
	v55 =	vbroadcast v13, $0x0;
	v56 =	vbroadcast v13, $0x1  }
0x91: {  	[tilespmem:$0x1FE00] =	vst v5;
	v51 =	vbroadcast v9, $0x0;
	v53 =	vbroadcast v9, $0x1;
	v8 =	vadd.f32 v1, v1;
	v1 =	vld [tilespmem:s15+$0x100]  }
0x92: {  	[tilespmem:$0x1FE10] =	vst v3;
	v7 =	vadd.f32 v2, v2;
	v5 =	vadd.f32 v17, v17;
	v2 =	vmul.f32 v19, v21  }
0x93: {  	[tilespmem:$0x1FE20] =	vst v4;
	v4 =	vadd.f32 v18, v18;
	v3 =	vadd.f32 v20, v20;
	v17 =	vld [tilespmem:s15+$0x180];
	v18 =	vmul.f32 v19, v38  }
0x94: {  	v2 =	vadd.f32 $0.0e+00, v2;
	v57 =	vbroadcast v10, $0x0;
	v19 =	vmul.f32 v0, v39  }
0x95: {  	v20 =	vld [tilespmem:s15+$0x200];
	v18 =	vadd.f32 $0.0e+00, v18;
	v58 =	vbroadcast v10, $0x1;
	v0 =	vmul.f32 v0, v40  }
0x96: {  	v28 =	vld [tilespmem:s15+$0x1280];
	v59 =	vbroadcast v8, $0x0;
	v22 =	vmul.f32 v1, v41;
	v2 =	vadd.f32 v19, v2  }
0x97: {  	v60 =	vbroadcast v8, $0x1;
	v1 =	vmul.f32 v1, v42;
	v19 =	vld [tilespmem:s15+$0x280];
	v0 =	vadd.f32 v0, v18  }
0x98: {  	v29 =	vld [tilespmem:s15+$0x1200];
	v61 =	vbroadcast v7, $0x0;
	v18 =	vmul.f32 v17, v43;
	v2 =	vadd.f32 v22, v2  }
0x99: {  	v23 =	vld [tilespmem:s15+$0x300];
	v63 =	vbroadcast v5, $0x1;
	v22 =	vmul.f32 v17, v44;
	v0 =	vadd.f32 v1, v0  }
0x9a: {  	v62 =	vbroadcast v5, $0x0;
	v1 =	vmul.f32 v20, v45;
	v2 =	vadd.f32 v18, v2  }
0x9b: {  	v24 =	vld [tilespmem:s15+$0x380];
	v32 =	vmul.f32 v28, v63;
	v18 =	vmul.f32 v20, v46;
	v0 =	vadd.f32 v22, v0  }
0x9c: {  	v17 =	vbroadcast v7, $0x1;
	v22 =	vmul.f32 v19, v47;
	v1 =	vadd.f32 v1, v2  }
0x9d: {  	v26 =	vld [tilespmem:s15+$0x1000];
	v20 =	vbroadcast v4, $0x0;
	v2 =	vmul.f32 v19, v48;
	v0 =	vadd.f32 v18, v0  }
0x9e: {  	s30 =	simm.s32 $0x80;
	s12 =	simm.s32 $0x10;
	v25 =	vld [tilespmem:s15+$0x1300];
	v33 =	vmul.f32 v29, v17;
	v19 =	vmul.f32 v23, v49;
	v1 =	vadd.f32 v22, v1  }
0x9f: {  	s13 =	sand.u32 $0xC00, s30;
	v27 =	vld [tilespmem:s15+$0x1080];
	s16 =	sand.u32 $0x70, s12;
	v29 =	vmul.f32 v29, v61;
	v23 =	vmul.f32 v23, v50;
	v0 =	vadd.f32 v2, v0  }
0xa0: {  	v30 =	vld [tilespmem:s15+$0x1100];
	s13 =	sor.u32 s16, s13;
	v18 =	vbroadcast v3, $0x0;
	v2 =	vmul.f32 v24, v51;
	v1 =	vadd.f32 v19, v1  }
0xa1: {  	v37 =	vld [tilespmem:s13+$0x280];
	v22 =	vbroadcast v4, $0x1;
	v24 =	vmul.f32 v24, v53;
	v0 =	vadd.f32 v23, v0  }
0xa2: {  	v19 =	vbroadcast v3, $0x1;
	v23 =	vld [tilespmem:s15+$0x1180];
	v1 =	vadd.f32 v2, v1;
	v2 =	vmul.f32 v26, v52  }
0xa3: {  	[tilespmem:$0x1FEB0] =	vst v3;
	v31 =	vmul.f32 v25, v22;
	v3 =	vld [tilespmem:s1+$0x2000];
	v0 =	vadd.f32 v24, v0;
	v26 =	vmul.f32 v26, v54  }
0xa4: {  	v25 =	vmul.f32 v25, v20;
	v24 =	vld [tilespmem:s13+$0x0];
	v1 =	vadd.f32 v2, v1;
	v2 =	vmul.f32 v27, v55  }
0xa5: {  	v27 =	vmul.f32 v27, v56;
	v0 =	vadd.f32 v26, v0;
	v26 =	vmul.f32 v28, v62  }
0xa6: {  	v34 =	vld [tilespmem:s13+$0x80];
	v28 =	vmul.f32 v30, v57;
	v30 =	vmul.f32 v30, v58;
	v1 =	vadd.f32 v2, v1  }
0xa7: {  	v35 =	vmul.f32 v23, v60;
	v23 =	vmul.f32 v23, v59;
	v2 =	vld [tilespmem:s15+$0x1380]  }
0xa8: {  	[tilespmem:$0x1FEC0] =	vst v3;
	v3 =	vmul.f32 v37, v48;
	v0 =	vadd.f32 v27, v0;
	v27 =	vld [tilespmem:s13+$0x100];
	v1 =	vadd.f32 v28, v1  }
0xa9: {  	v37 =	vmul.f32 v37, v47;
	v28 =	vmul.f32 v24, v21  }
0xaa: {  	v0 =	vadd.f32 v30, v0;
	v24 =	vmul.f32 v24, v38;
	v30 =	vld [tilespmem:s13+$0x180];
	v1 =	vadd.f32 v23, v1  }
0xab: {  	v23 =	vmul.f32 v34, v39;
	v28 =	vadd.f32 $0.0e+00, v28;
	v34 =	vmul.f32 v34, v40  }
0xac: {  	v36 =	vld [tilespmem:s13+$0x200];
	v0 =	vadd.f32 v35, v0;
	v24 =	vadd.f32 $0.0e+00, v24;
	v35 =	vmul.f32 v2, v18  }
0xad: {  	v28 =	vadd.f32 v23, v28;
	v1 =	vadd.f32 v29, v1;
	v29 =	vmul.f32 v27, v41  }
0xae: {  	v2 =	vmul.f32 v2, v19;
	v0 =	vadd.f32 v33, v0;
	v24 =	vadd.f32 v34, v24  }
0xaf: {  	v15 =	vld [tilespmem:$0x1FF60];
	v27 =	vmul.f32 v27, v42;
	v28 =	vadd.f32 v29, v28;
	v29 =	vmul.f32 v30, v43  }
0xb0: {  	v1 =	vadd.f32 v26, v1;
	v26 =	vld [tilespmem:s13+$0x300];
	v30 =	vmul.f32 v30, v44;
	v0 =	vadd.f32 v32, v0  }
0xb1: {  	s31 =	simm.s32 $0x2000;
	v32 =	vld [tilespmem:s13+$0x380];
	v24 =	vadd.f32 v27, v24;
	v27 =	vmul.f32 v36, v45;
	v28 =	vadd.f32 v29, v28  }
0xb2: {  	[tilespmem:$0x1FE40] =	vst v12;
	v23 =	vimm.f32 $+Inf;
	v34 =	vld [tilespmem:s31+$0x0];
	v1 =	vadd.f32 v25, v1;
	v0 =	vadd.f32 v31, v0  }
0xb3: {  	[tilespmem:$0x1FE50] =	vst v13;
	v29 =	vmul.f32 v36, v46;
	v24 =	vadd.f32 v30, v24;
	v36 =	vld [tilespmem:s13+$0x1300];
	v27 =	vadd.f32 v27, v28  }
0xb4: {  	[tilespmem:$0x1FE30] =	vst v9;
	v25 =	vld [tilespmem:s13+$0x1080];
	v30 =	vor.u32 s26, v16;
	v1 =	vadd.f32 v35, v1;
	v0 =	vadd.f32 v2, v0  }
0xb5: {  	[tilespmem:$0x1FE60] =	vst v10;
	v2 =	vadd.f32 v29, v24;
	v29 =	vld [tilespmem:s13+$0x1280];
	v35 =	vmul.f32 v26, v50;
	v26 =	vmul.f32 v26, v49  }
0xb6: {  	[tilespmem:$0x1FE70] =	vst v8;
	v33 =	vmul.f32 v32, v53;
	v24 =	vadd.f32 v37, v27;
	v37 =	vmul.f32 v32, v51;
	v32 =	vld [tilespmem:s13+$0x1200]  }
0xb7: {  	[tilespmem:$0x1FE80] =	vst v7;
	vm0 =	veq.s32 v30, v6;
	v31 =	vsub.f32 v34, v1;
	v28 =	vsub.f32 v34, v0;
	v34 =	vld [tilespmem:s13+$0x1180]  }
0xb8: {  	[tilespmem:$0x1FE90] =	vst v5;
	v1 =	vadd.f32 v3, v2;
	v0 =	vld [tilespmem:s13+$0x1000];
	v27 =	vmul.f32 v36, v20;
	v2 =	vadd.f32 v26, v24  }
0xb9: {  	s18 =	simm.s32 $0x20;
	s14 =	simm.s32 $0x2010;
	[tilespmem:$0x1FEA0] =	vst v4;
	s15 =	simm.s32 $0x100;
	v26 =	vmul.f32 v36, v22;
	v36 =	vld [tilespmem:s13+$0x1100];
	v31 =	vmin.f32 v23, v31;
	v24 =	vimm.f32 $+Inf  }
.LBB2_4:
0xba: {  	s19 =	sand.u32 $0x70, s18  }
0xbb: {  	s20 =	sand.u32 $0xC00, s15;
	v1 =	vadd.f32 v35, v1;
	v2 =	vadd.f32 v37, v2;
	v35 =	vmul.f32 v29, v63;
	s17 =	smov.u32 s18;
	s16 =	sadd.s32 $0x10, s18  }
0xbc: {  	p0 =	sne.s32 s18, $0x1F0;
	v29 =	vmul.f32 v29, v62;
	vm1 =	veq.s32 v30, v11;
	v37 =	vmul.f32 v32, v17;
	v3 =	vld [tilespmem:s13+$0x1380];
	s13 =	sor.u32 s19, s20  }
0xbd: {  	v32 =	vmul.f32 v32, v61;
	v30 =	vld [tilespmem:s13+$0x80];
	v1 =	vadd.f32 v33, v1;
	v33 =	vmul.f32 v34, v60  }
0xbe: {  	v28 =	vmin.f32 v23, v28;
	v34 =	vmul.f32 v34, v59;
	v4 =	vld [tilespmem:s13+$0x0];
	v5 =	vmul.f32 v36, v58  }
0xbf: {  	v12 =	vmovc v6;
	v24 =	vsel vm1, v24, v31;
	v6 =	vld [tilespmem:s13+$0x1080];
	v7 =	vmul.f32 v0, v52;
	v0 =	vmul.f32 v0, v54  }
0xc0: {  	v8 =	vmul.f32 v25, v56;
	v23 =	vsel vm0, v23, v28;
	v36 =	vmul.f32 v36, v57;
	v31 =	vld [tilespmem:s13+$0x100]  }
0xc1: {  	v2 =	vadd.f32 v7, v2;
	v0 =	vadd.f32 v0, v1;
	v1 =	vmul.f32 v25, v55  }
0xc2: {  	v28 =	vmul.f32 v3, v18;
	v3 =	vmul.f32 v3, v19;
	v7 =	vld [tilespmem:s13+$0x180]  }
0xc3: {  	v9 =	vmul.f32 v30, v40;
	v1 =	vadd.f32 v1, v2;
	v0 =	vadd.f32 v8, v0  }
0xc4: {  	v2 =	vmul.f32 v4, v21;
	v8 =	vmul.f32 v30, v39;
	v30 =	vld [tilespmem:s13+$0x200];
	v25 =	vmov v6  }
0xc5: {  	v6 =	vmul.f32 v31, v41;
	v1 =	vadd.f32 v36, v1;
	v0 =	vadd.f32 v5, v0  }
0xc6: {  	v4 =	vmul.f32 v4, v38;
	v2 =	vadd.f32 $0.0e+00, v2;
	v5 =	vmul.f32 v31, v42;
	v31 =	vld [tilespmem:s13+$0x280]  }
0xc7: {  	v36 =	vmul.f32 v7, v44;
	v1 =	vadd.f32 v34, v1;
	v0 =	vadd.f32 v33, v0  }
0xc8: {  	v4 =	vadd.f32 $0.0e+00, v4;
	v2 =	vadd.f32 v8, v2;
	v7 =	vmul.f32 v7, v43;
	v8 =	vld [tilespmem:s13+$0x300]  }
0xc9: {  	v34 =	vmul.f32 v30, v46;
	v1 =	vadd.f32 v32, v1;
	v0 =	vadd.f32 v37, v0  }
0xca: {  	v4 =	vadd.f32 v9, v4;
	v2 =	vadd.f32 v6, v2;
	v6 =	vmul.f32 v30, v45;
	v9 =	vld [tilespmem:s13+$0x380]  }
0xcb: {  	v10 =	vmul.f32 v31, v48;
	v1 =	vadd.f32 v29, v1;
	v0 =	vadd.f32 v35, v0  }
0xcc: {  	v4 =	vadd.f32 v5, v4;
	v2 =	vadd.f32 v7, v2;
	v5 =	vmul.f32 v31, v47;
	v7 =	vld [tilespmem:s14+$0x0]  }
0xcd: {  	v35 =	vmul.f32 v8, v50;
	v31 =	vld [tilespmem:s13+$0x1300];
	v1 =	vadd.f32 v27, v1;
	v0 =	vadd.f32 v26, v0  }
0xce: {  	v4 =	vadd.f32 v36, v4;
	v2 =	vadd.f32 v6, v2;
	v6 =	vmul.f32 v8, v49  }
.Ltmp1:
0xcf: {  	v33 =	vmul.f32 v9, v53;
	v29 =	vld [tilespmem:s13+$0x1280];
	v1 =	vadd.f32 v28, v1;
	v0 =	vadd.f32 v3, v0;
	(pc) =	sbr.rel @p0 .LBB2_4-.Ltmp1, $4  }
0xd0: {  	v3 =	vadd.f32 v34, v4;
	v2 =	vadd.f32 v5, v2;
	v37 =	vmul.f32 v9, v51;
	v32 =	vld [tilespmem:s13+$0x1200]  }
0xd1: {  	v30 =	vor.u32 s12, v16;
	s12 =	smov.u32 s17;
	v34 =	vld [tilespmem:s13+$0x1180];
	v4 =	vsub.f32 v7, v1;
	v28 =	vsub.f32 v7, v0  }
0xd2: {  	v1 =	vadd.f32 v10, v3;
	v2 =	vadd.f32 v6, v2;
	v6 =	vmovc v12;
	v36 =	vld [tilespmem:s13+$0x1100];
	v26 =	vmul.f32 v31, v22  }
0xd3: {  	s15 =	sadd.s32 $0x80, s15;
	s18 =	smov.u32 s16;
	vm0 =	veq.s32 v30, v12;
	s14 =	sadd.s32 $0x10, s14;
	v27 =	vmul.f32 v31, v20;
	v0 =	vld [tilespmem:s13+$0x1000];
	v31 =	vmin.f32 v24, v4  }
0xd4: {  	_ =	sdelay $0x1  }
0xd5: {  	v1 =	vadd.f32 v35, v1  }
0xd6: {  	v2 =	vadd.f32 v37, v2  }
0xd7: {  	v1 =	vadd.f32 v33, v1;
	v3 =	vmul.f32 v0, v52;
	v0 =	vmul.f32 v0, v54  }
0xd8: {  	v4 =	vmul.f32 v25, v56  }
0xd9: {  	v2 =	vadd.f32 v3, v2;
	v3 =	vmul.f32 v25, v55;
	v0 =	vadd.f32 v0, v1  }
0xda: {  	v1 =	vmul.f32 v36, v57  }
0xdb: {  	v2 =	vadd.f32 v3, v2;
	v3 =	vmul.f32 v36, v58;
	v0 =	vadd.f32 v4, v0  }
0xdc: {  	v8 =	vmul.f32 v34, v59  }
0xdd: {  	v1 =	vadd.f32 v1, v2;
	v2 =	vmul.f32 v34, v60;
	v0 =	vadd.f32 v3, v0  }
0xde: {  	v9 =	vmul.f32 v32, v17  }
0xdf: {  	v3 =	vmul.f32 v32, v61;
	v1 =	vadd.f32 v8, v1;
	v0 =	vadd.f32 v2, v0  }
0xe0: {  	v5 =	vld [tilespmem:s13+$0x1380]  }
0xe1: {  	v1 =	vadd.f32 v3, v1;
	v3 =	vmul.f32 v29, v63;
	v0 =	vadd.f32 v9, v0  }
0xe2: {  	v2 =	vmul.f32 v29, v62  }
0xe3: {  	v0 =	vadd.f32 v3, v0  }
0xe4: {  	v1 =	vadd.f32 v2, v1;
	v2 =	vld [tilespmem:s14+$0x0]  }
0xe5: {  	v10 =	vmul.f32 v5, v19;
	v0 =	vadd.f32 v26, v0  }
0xe6: {  	v3 =	vmul.f32 v5, v18;
	v1 =	vadd.f32 v27, v1  }
0xe7: {  	v0 =	vadd.f32 v10, v0  }
0xe8: {  	v1 =	vadd.f32 v3, v1  }
0xe9: {  	v3 =	vmin.f32 v23, v28;
	v0 =	vsub.f32 v2, v0  }
0xea: {  	v1 =	vsub.f32 v2, v1;
	v2 =	vsel vm0, v23, v3;
	v3 =	vor.u32 s12, v16  }
0xeb: {  	vm0 =	veq.s32 v3, v6;
	v0 =	vmin.f32 v2, v0  }
0xec: {  	vm1 =	veq.s32 v30, v11;
	v0 =	vsel vm0, v2, v0  }
0xed: {  	v32 =	vsel vm1, v24, v31;
	vm1 =	veq.s32 v3, v11;
	v3 =	vperm.xlane v0, v15;
	_ =	sdelay $0x1  }
0xee: {  	v1 =	vmin.f32 v32, v1;
	v0 =	vmin.f32 v0, v3;
	v3 =	vld [tilespmem:$0x1FF70]  }
0xef: {  	v1 =	vsel vm1, v32, v1  }
0xf0: {  	v2 =	vperm.xlane v1, v15;
	_ =	sdelay $0x1  }
0xf1: {  	v1 =	vmin.f32 v1, v2  }
0xf2: {  	v2 =	vperm.xlane v1, v3;
	v3 =	vperm.xlane v0, v3;
	_ =	sdelay $0x1  }
0xf3: {  	v0 =	vmin.f32 v0, v3;
	v3 =	vld [tilespmem:$0x1FF80];
	_ =	sdelay $0x3  }
0xf4: {  	v1 =	vmin.f32 v1, v2  }
0xf5: {  	v2 =	vperm.xlane v1, v3;
	v3 =	vperm.xlane v0, v3;
	_ =	sdelay $0x1  }
0xf6: {  	v1 =	vmin.f32 v1, v2;
	v2 =	vmin.f32 v0, v3;
	v0 =	vld [tilespmem:$0x1FF90];
	_ =	sdelay $0x4  }
0xf7: {  	[tilespmem:$0x1FD80] =	vst v1;
	v1 =	vperm.xlane v1, v0;
	v0 =	vperm.xlane v2, v0;
	_ =	sdelay $0x1  }
0xf8: {  	[tilespmem:$0x1FDB0] =	vst v0;
	v0 =	vld [tilespmem:$0x1FDC0];
	_ =	sdelay $0x4  }
0xf9: {  	v21 =	vbroadcast v0, $0x2;
	v40 =	vbroadcast v0, $0x3;
	v0 =	vld [tilespmem:$0x1FDD0];
	_ =	sdelay $0x4  }
0xfa: {  	v41 =	vbroadcast v0, $0x2;
	v42 =	vbroadcast v0, $0x3;
	v0 =	vld [tilespmem:$0x1FDE0];
	_ =	sdelay $0x4  }
0xfb: {  	v43 =	vbroadcast v0, $0x2;
	v44 =	vbroadcast v0, $0x3;
	v0 =	vld [tilespmem:$0x1FDF0];
	_ =	sdelay $0x1  }
0xfc: {  	[tilespmem:$0x1FD90] =	vst v1;
	v1 =	vld [tilespmem:$0x1FE10];
	_ =	sdelay $0x1  }
0xfd: {  	[tilespmem:$0x1FDA0] =	vst v2;
	v2 =	vld [tilespmem:$0x1FE30]  }
0xfe: {  	v45 =	vbroadcast v0, $0x2;
	v46 =	vbroadcast v0, $0x3;
	v0 =	vld [tilespmem:$0x1FE00];
	_ =	sdelay $0x1  }
0xff: {  	s26 =	simm.s32 $0x0;
	v38 =	vbroadcast v1, $0x2;
	v39 =	vbroadcast v1, $0x3;
	v1 =	vld [tilespmem:$0x1FE20]  }
0x100: {  	v35 =	vld [tilespmem:$0x1FE60];
	s28 =	sand.u32 $0x70, s26;
	s29 =	sand.u32 $0xC00, s26  }
0x101: {  	s15 =	sor.u32 s28, s29;
	v56 =	vbroadcast v2, $0x2;
	v58 =	vbroadcast v2, $0x3;
	v2 =	vld [tilespmem:$0x1FE40]  }
0x102: {  	v47 =	vbroadcast v0, $0x2;
	v48 =	vbroadcast v0, $0x3;
	v0 =	vld [tilespmem:s15+$0x0]  }
0x103: {  	v33 =	vld [tilespmem:$0x1FE50]  }
0x104: {  	v49 =	vbroadcast v1, $0x2;
	v52 =	vbroadcast v1, $0x3;
	v1 =	vld [tilespmem:s15+$0x80]  }
0x105: {  	v37 =	vld [tilespmem:s15+$0x200];
	v55 =	vbroadcast v35, $0x2  }
0x106: {  	v53 =	vbroadcast v2, $0x2;
	v50 =	vbroadcast v2, $0x3;
	v2 =	vld [tilespmem:s15+$0x100]  }
0x107: {  	v57 =	vbroadcast v35, $0x3;
	v35 =	vld [tilespmem:$0x1FEA0];
	v3 =	vmul.f32 v0, v21  }
0x108: {  	v51 =	vbroadcast v33, $0x2;
	v34 =	vld [tilespmem:s15+$0x180];
	v0 =	vmul.f32 v0, v40  }
0x109: {  	v54 =	vbroadcast v33, $0x3;
	v33 =	vld [tilespmem:$0x1FE80];
	v36 =	vmul.f32 v1, v41;
	v3 =	vadd.f32 $0.0e+00, v3  }
0x10a: {  	v8 =	vld [tilespmem:$0x1FE70];
	v1 =	vmul.f32 v1, v42;
	v0 =	vadd.f32 $0.0e+00, v0  }
0x10b: {  	v7 =	vmul.f32 v2, v43;
	v3 =	vadd.f32 v36, v3  }
0x10c: {  	v20 =	vbroadcast v35, $0x2;
	v32 =	vld [tilespmem:s15+$0x280];
	v2 =	vmul.f32 v2, v44;
	v0 =	vadd.f32 v1, v0  }
0x10d: {  	v22 =	vbroadcast v35, $0x3;
	v1 =	vmul.f32 v34, v45;
	v3 =	vadd.f32 v7, v3  }
0x10e: {  	v61 =	vbroadcast v33, $0x2;
	v4 =	vmul.f32 v34, v46;
	v34 =	vld [tilespmem:s15+$0x300];
	v0 =	vadd.f32 v2, v0  }
0x10f: {  	v35 =	vld [tilespmem:s15+$0x1100];
	v59 =	vbroadcast v8, $0x2;
	v2 =	vmul.f32 v37, v47;
	v1 =	vadd.f32 v1, v3  }
0x110: {  	v60 =	vbroadcast v8, $0x3;
	v8 =	vld [tilespmem:s15+$0x380];
	v3 =	vmul.f32 v37, v48;
	v0 =	vadd.f32 v4, v0  }
0x111: {  	v62 =	vbroadcast v33, $0x3;
	v33 =	vld [tilespmem:s15+$0x1080];
	v36 =	vmul.f32 v32, v38;
	v1 =	vadd.f32 v2, v1  }
0x112: {  	v5 =	vmul.f32 v32, v39;
	v32 =	vld [tilespmem:s15+$0x1000];
	v0 =	vadd.f32 v3, v0  }
0x113: {  	v9 =	vld [tilespmem:$0x1FE90];
	v37 =	vmul.f32 v34, v49;
	v1 =	vadd.f32 v36, v1  }
0x114: {  	v7 =	vmul.f32 v34, v52;
	v0 =	vadd.f32 v5, v0  }
0x115: {  	s30 =	simm.s32 $0x80;
	v24 =	vld [tilespmem:s15+$0x1180];
	s12 =	simm.s32 $0x10;
	v34 =	vmul.f32 v8, v58;
	v8 =	vmul.f32 v8, v56;
	v1 =	vadd.f32 v37, v1  }
0x116: {  	s13 =	sand.u32 $0xC00, s30;
	v29 =	vmul.f32 v35, v57;
	v10 =	vld [tilespmem:$0x1FEB0];
	s16 =	sand.u32 $0x70, s12;
	v0 =	vadd.f32 v7, v0  }
0x117: {  	v26 =	vmul.f32 v33, v54;
	v6 =	vld [tilespmem:s15+$0x1300];
	s13 =	sor.u32 s16, s13;
	v23 =	vmul.f32 v32, v53;
	v1 =	vadd.f32 v8, v1  }
0x118: {  	v63 =	vbroadcast v9, $0x2;
	v4 =	vmul.f32 v32, v50;
	v37 =	vld [tilespmem:s13+$0x0];
	v0 =	vadd.f32 v34, v0  }
0x119: {  	v17 =	vbroadcast v9, $0x3;
	v32 =	vmul.f32 v33, v51;
	v3 =	vld [tilespmem:s15+$0x1200];
	v1 =	vadd.f32 v23, v1  }
0x11a: {  	v9 =	vmul.f32 v35, v55;
	v28 =	vmul.f32 v24, v60;
	v27 =	vld [tilespmem:s13+$0x80];
	v0 =	vadd.f32 v4, v0  }
0x11b: {  	v24 =	vmul.f32 v24, v59;
	v18 =	vbroadcast v10, $0x2;
	v33 =	vld [tilespmem:s15+$0x1380];
	v1 =	vadd.f32 v32, v1  }
0x11c: {  	v19 =	vbroadcast v10, $0x3;
	v25 =	vmul.f32 v6, v22;
	v34 =	vld [tilespmem:s13+$0x100];
	v0 =	vadd.f32 v26, v0  }
0x11d: {  	v6 =	vmul.f32 v6, v20;
	v2 =	vld [tilespmem:s15+$0x1280];
	v26 =	vmul.f32 v37, v21;
	v1 =	vadd.f32 v9, v1  }
0x11e: {  	v35 =	vld [tilespmem:s13+$0x180];
	v36 =	vmul.f32 v3, v62;
	v3 =	vmul.f32 v3, v61;
	v0 =	vadd.f32 v29, v0  }
0x11f: {  	v29 =	vmul.f32 v27, v41;
	v26 =	vadd.f32 $0.0e+00, v26;
	v1 =	vadd.f32 v24, v1  }
0x120: {  	v10 =	vmul.f32 v33, v19;
	v5 =	vmul.f32 v37, v40;
	v0 =	vadd.f32 v28, v0;
	v28 =	vld [tilespmem:s13+$0x200]  }
0x121: {  	v26 =	vadd.f32 v29, v26;
	v1 =	vadd.f32 v3, v1;
	v3 =	vmul.f32 v34, v43  }
0x122: {  	v7 =	vmul.f32 v2, v17;
	v5 =	vadd.f32 $0.0e+00, v5;
	v27 =	vmul.f32 v27, v42;
	v29 =	vld [tilespmem:s13+$0x280]  }
0x123: {  	v2 =	vmul.f32 v2, v63;
	v8 =	vld [tilespmem:s13+$0x300];
	v9 =	vmul.f32 v35, v45;
	v3 =	vadd.f32 v3, v26  }
0x124: {  	v4 =	vmul.f32 v34, v44;
	v5 =	vadd.f32 v27, v5;
	v0 =	vadd.f32 v36, v0  }
0x125: {  	v26 =	vmul.f32 v28, v48;
	v28 =	vmul.f32 v28, v47;
	v3 =	vadd.f32 v9, v3  }
0x126: {  	v27 =	vmul.f32 v35, v46;
	v1 =	vadd.f32 v2, v1;
	v2 =	vld [tilespmem:s13+$0x380];
	v0 =	vadd.f32 v7, v0  }
0x127: {  	v13 =	vld [tilespmem:$0x1FFB0];
	v4 =	vadd.f32 v4, v5;
	v37 =	vmul.f32 v29, v38;
	v3 =	vadd.f32 v28, v3  }
0x128: {  	s31 =	simm.s32 $0x2000;
	v31 =	vld [tilespmem:s13+$0x1200];
	v24 =	vmul.f32 v33, v18;
	v33 =	vmul.f32 v8, v52;
	v0 =	vadd.f32 v25, v0  }
0x129: {  	v8 =	vmul.f32 v8, v49;
	v36 =	vld [tilespmem:s31+$0x0];
	v4 =	vadd.f32 v27, v4;
	v3 =	vadd.f32 v37, v3  }
0x12a: {  	v1 =	vadd.f32 v6, v1;
	v6 =	vld [tilespmem:s13+$0x1300];
	v10 =	vadd.f32 v10, v0  }
0x12b: {  	v34 =	vmul.f32 v2, v58;
	v0 =	vmul.f32 v2, v56;
	v2 =	vadd.f32 v8, v3;
	v3 =	vld [tilespmem:$0x1FED0]  }
0x12c: {  	v35 =	vld [tilespmem:s13+$0x1180];
	v1 =	vadd.f32 v24, v1  }
0x12d: {  	v30 =	vor.u32 s26, v16;
	v7 =	vmul.f32 v29, v39;
	v29 =	vld [tilespmem:s13+$0x1280];
	v4 =	vadd.f32 v26, v4  }
0x12e: {  	v23 =	vimm.f32 $+Inf;
	v25 =	vld [tilespmem:s13+$0x1080];
	v24 =	vimm.f32 $+Inf;
	v9 =	vsub.f32 v36, v1  }
0x12f: {  	v28 =	vsub.f32 v36, v10;
	v1 =	vadd.f32 v7, v4;
	v36 =	vld [tilespmem:s13+$0x1100];
	v26 =	vmul.f32 v6, v22  }
0x130: {  	s18 =	simm.s32 $0x20;
	s14 =	simm.s32 $0x2010;
	s15 =	simm.s32 $0x100;
	v37 =	vld [tilespmem:s13+$0x1000];
	v27 =	vmul.f32 v6, v20;
	v32 =	vmin.f32 v23, v9;
	vm0 =	veq.s32 v30, v3  }
.LBB2_6:
0x131: {  	_ = 	snop  }
0x132: {  	v1 =	vadd.f32 v33, v1  }
0x133: {  	s19 =	sand.u32 $0x70, s18;
	s20 =	sand.u32 $0xC00, s15;
	v0 =	vadd.f32 v0, v2;
	v2 =	vmul.f32 v29, v17;
	v3 =	vmul.f32 v31, v62  }
0x134: {  	v5 =	vld [tilespmem:s13+$0x1380];
	vm1 =	veq.s32 v30, v13;
	s13 =	sor.u32 s19, s20;
	v4 =	vmul.f32 v29, v63;
	v8 =	vmul.f32 v31, v61  }
0x135: {  	v9 =	vld [tilespmem:s13+$0x0];
	v1 =	vadd.f32 v34, v1;
	v31 =	vmul.f32 v37, v53;
	v11 =	vmul.f32 v37, v50  }
0x136: {  	v28 =	vmin.f32 v23, v28;
	v6 =	vld [tilespmem:s13+$0x80];
	v7 =	vmul.f32 v35, v60;
	v37 =	vmul.f32 v25, v54  }
0x137: {  	v0 =	vadd.f32 v31, v0;
	v1 =	vadd.f32 v11, v1;
	v11 =	vmul.f32 v25, v51  }
0x138: {  	v24 =	vsel vm1, v24, v32;
	v30 =	vld [tilespmem:s13+$0x1080];
	v10 =	vmul.f32 v36, v57;
	v29 =	vmul.f32 v35, v59  }
0x139: {  	v32 =	vld [tilespmem:s13+$0x100];
	v35 =	vmul.f32 v36, v55;
	v0 =	vadd.f32 v11, v0;
	v1 =	vadd.f32 v37, v1  }
0x13a: {  	v23 =	vsel vm0, v23, v28;
	v31 =	vmul.f32 v5, v18;
	v11 =	vmul.f32 v9, v21  }
0x13b: {  	v28 =	vld [tilespmem:s13+$0x180];
	v33 =	vmul.f32 v6, v42;
	v0 =	vadd.f32 v35, v0;
	v1 =	vadd.f32 v10, v1  }
0x13c: {  	v6 =	vmul.f32 v6, v41;
	v9 =	vmul.f32 v9, v40;
	v37 =	vadd.f32 $0.0e+00, v11  }
0x13d: {  	v36 =	vld [tilespmem:s13+$0x200];
	v5 =	vmul.f32 v5, v19;
	v0 =	vadd.f32 v29, v0;
	v1 =	vadd.f32 v7, v1  }
0x13e: {  	v25 =	vmovc v30;
	v30 =	vmul.f32 v32, v43;
	v7 =	vadd.f32 $0.0e+00, v9;
	v6 =	vadd.f32 v6, v37  }
0x13f: {  	v34 =	vld [tilespmem:s13+$0x280];
	v32 =	vmul.f32 v32, v44;
	v0 =	vadd.f32 v8, v0;
	v1 =	vadd.f32 v3, v1  }
0x140: {  	v9 =	vmul.f32 v28, v45;
	v3 =	vadd.f32 v33, v7;
	v6 =	vadd.f32 v30, v6  }
0x141: {  	v35 =	vmul.f32 v28, v46;
	v0 =	vadd.f32 v4, v0;
	v1 =	vadd.f32 v2, v1  }
0x142: {  	v7 =	vmul.f32 v36, v47;
	v2 =	vadd.f32 v32, v3;
	v3 =	vadd.f32 v9, v6;
	v6 =	vld [tilespmem:s14+$0x0]  }
0x143: {  	v28 =	vmul.f32 v36, v48;
	v0 =	vadd.f32 v27, v0;
	v1 =	vadd.f32 v26, v1  }
0x144: {  	v10 =	vld [tilespmem:s13+$0x300];
	v4 =	vmul.f32 v34, v38;
	v2 =	vadd.f32 v35, v2;
	v3 =	vadd.f32 v7, v3  }
0x145: {  	v8 =	vld [tilespmem:s13+$0x380];
	v37 =	vadd.f32 v31, v0;
	v1 =	vadd.f32 v5, v1  }
0x146: {  	v9 =	vld [tilespmem:s13+$0x1300];
	v2 =	vadd.f32 v28, v2;
	v3 =	vadd.f32 v4, v3  }
0x147: {  	p0 =	sne.s32 s18, $0x1F0;
	v4 =	vsub.f32 v6, v37;
	v28 =	vsub.f32 v6, v1;
	v6 =	vld [tilespmem:$0x1FED0]  }
.Ltmp2:
0x148: {  	v29 =	vld [tilespmem:s13+$0x1280];
	v36 =	vmul.f32 v34, v39;
	(pc) =	sbr.rel @p0 .LBB2_6-.Ltmp2, $4  }
0x149: {  	v33 =	vmul.f32 v10, v52;
	v7 =	vmul.f32 v10, v49;
	v35 =	vld [tilespmem:s13+$0x1180]  }
0x14a: {  	v30 =	vor.u32 s12, v16;
	v34 =	vmul.f32 v8, v58;
	v0 =	vmul.f32 v8, v56;
	v31 =	vld [tilespmem:s13+$0x1200]  }
0x14b: {  	s17 =	smov.u32 s18;
	s16 =	sadd.s32 $0x10, s18;
	s15 =	sadd.s32 $0x80, s15;
	v26 =	vmul.f32 v9, v22;
	v27 =	vmul.f32 v9, v20;
	v1 =	vadd.f32 v36, v2;
	v36 =	vld [tilespmem:s13+$0x1100]  }
0x14c: {  	s18 =	smov.u32 s16;
	s12 =	smov.u32 s17;
	s14 =	sadd.s32 $0x10, s14;
	v2 =	vadd.f32 v7, v3;
	v37 =	vld [tilespmem:s13+$0x1000];
	v32 =	vmin.f32 v24, v4;
	vm0 =	veq.s32 v30, v6  }
0x14d: {  	_ =	sdelay $0x1  }
0x14e: {  	v1 =	vadd.f32 v33, v1  }
0x14f: {  	v0 =	vadd.f32 v0, v2  }
0x150: {  	v1 =	vadd.f32 v34, v1;
	v2 =	vmul.f32 v37, v53;
	v3 =	vmul.f32 v37, v50  }
0x151: {  	v4 =	vmul.f32 v25, v54  }
0x152: {  	v0 =	vadd.f32 v2, v0;
	v2 =	vmul.f32 v25, v51;
	v1 =	vadd.f32 v3, v1  }
0x153: {  	v3 =	vmul.f32 v36, v55  }
0x154: {  	v0 =	vadd.f32 v2, v0;
	v2 =	vmul.f32 v36, v57;
	v1 =	vadd.f32 v4, v1  }
0x155: {  	v9 =	vmul.f32 v35, v59  }
0x156: {  	v0 =	vadd.f32 v3, v0;
	v3 =	vmul.f32 v35, v60;
	v1 =	vadd.f32 v2, v1  }
0x157: {  	v10 =	vmul.f32 v31, v62  }
0x158: {  	v2 =	vmul.f32 v31, v61;
	v0 =	vadd.f32 v9, v0;
	v1 =	vadd.f32 v3, v1  }
0x159: {  	v5 =	vld [tilespmem:s13+$0x1380]  }
0x15a: {  	v0 =	vadd.f32 v2, v0;
	v2 =	vmul.f32 v29, v17;
	v1 =	vadd.f32 v10, v1  }
0x15b: {  	v3 =	vmul.f32 v29, v63  }
0x15c: {  	v1 =	vadd.f32 v2, v1  }
0x15d: {  	v0 =	vadd.f32 v3, v0;
	v2 =	vld [tilespmem:s14+$0x0]  }
0x15e: {  	v11 =	vmul.f32 v5, v19;
	v1 =	vadd.f32 v26, v1  }
0x15f: {  	v3 =	vmul.f32 v5, v18;
	v0 =	vadd.f32 v27, v0  }
0x160: {  	v1 =	vadd.f32 v11, v1  }
0x161: {  	v0 =	vadd.f32 v3, v0  }
0x162: {  	v3 =	vmin.f32 v23, v28;
	v1 =	vsub.f32 v2, v1  }
0x163: {  	v0 =	vsub.f32 v2, v0;
	v2 =	vsel vm0, v23, v3;
	v3 =	vor.u32 s12, v16  }
0x164: {  	vm0 =	veq.s32 v3, v6;
	v1 =	vmin.f32 v2, v1  }
0x165: {  	vm1 =	veq.s32 v30, v13;
	v1 =	vsel vm0, v2, v1  }
0x166: {  	v32 =	vsel vm1, v24, v32;
	vm1 =	veq.s32 v3, v13;
	v3 =	vperm.xlane v1, v15;
	_ =	sdelay $0x1  }
0x167: {  	v0 =	vmin.f32 v32, v0;
	v1 =	vmin.f32 v1, v3;
	v3 =	vld [tilespmem:$0x1FF70]  }
0x168: {  	v0 =	vsel vm1, v32, v0  }
0x169: {  	v2 =	vperm.xlane v0, v15;
	_ =	sdelay $0x1  }
0x16a: {  	v0 =	vmin.f32 v0, v2  }
0x16b: {  	v2 =	vperm.xlane v0, v3;
	v3 =	vperm.xlane v1, v3;
	_ =	sdelay $0x1  }
0x16c: {  	v1 =	vmin.f32 v1, v3;
	v3 =	vld [tilespmem:$0x1FF80];
	_ =	sdelay $0x3  }
0x16d: {  	v0 =	vmin.f32 v0, v2  }
0x16e: {  	v2 =	vperm.xlane v0, v3;
	_ =	sdelay $0x1  }
0x16f: {  	v2 =	vmin.f32 v0, v2;
	v0 =	vld [tilespmem:$0x1FF90];
	_ =	sdelay $0x1  }
0x170: {  	v3 =	vperm.xlane v1, v3;
	_ =	sdelay $0x1  }
0x171: {  	v1 =	vmin.f32 v1, v3  }
0x172: {  	[tilespmem:$0x1FD40] =	vst v2;
	v2 =	vperm.xlane v2, v0;
	v0 =	vperm.xlane v1, v0;
	_ =	sdelay $0x1  }
0x173: {  	[tilespmem:$0x1FD70] =	vst v0;
	v0 =	vld [tilespmem:$0x1FDC0];
	_ =	sdelay $0x4  }
0x174: {  	v21 =	vbroadcast v0, $0x4;
	v40 =	vbroadcast v0, $0x5;
	v0 =	vld [tilespmem:$0x1FDD0];
	_ =	sdelay $0x4  }
0x175: {  	v41 =	vbroadcast v0, $0x4;
	v43 =	vbroadcast v0, $0x5;
	v0 =	vld [tilespmem:$0x1FDE0];
	_ =	sdelay $0x4  }
0x176: {  	v46 =	vbroadcast v0, $0x4;
	v45 =	vbroadcast v0, $0x5;
	v0 =	vld [tilespmem:$0x1FDF0];
	_ =	sdelay $0x1  }
0x177: {  	[tilespmem:$0x1FD60] =	vst v1;
	v1 =	vld [tilespmem:$0x1FE10];
	_ =	sdelay $0x1  }
0x178: {  	[tilespmem:$0x1FD50] =	vst v2;
	v2 =	vld [tilespmem:$0x1FE30]  }
0x179: {  	v47 =	vbroadcast v0, $0x4;
	v48 =	vbroadcast v0, $0x5;
	v0 =	vld [tilespmem:$0x1FE00];
	_ =	sdelay $0x1  }
0x17a: {  	s26 =	simm.s32 $0x0;
	v38 =	vbroadcast v1, $0x4;
	v39 =	vbroadcast v1, $0x5;
	v1 =	vld [tilespmem:$0x1FE20]  }
0x17b: {  	s28 =	sand.u32 $0x70, s26;
	s29 =	sand.u32 $0xC00, s26  }
0x17c: {  	s15 =	sor.u32 s28, s29;
	v56 =	vbroadcast v2, $0x4;
	v58 =	vbroadcast v2, $0x5;
	v2 =	vld [tilespmem:$0x1FE40]  }
0x17d: {  	v49 =	vbroadcast v0, $0x4;
	v50 =	vbroadcast v0, $0x5;
	v0 =	vld [tilespmem:s15+$0x0];
	_ =	sdelay $0x1  }
0x17e: {  	v51 =	vbroadcast v1, $0x4;
	v42 =	vbroadcast v1, $0x5;
	v1 =	vld [tilespmem:s15+$0x80];
	_ =	sdelay $0x1  }
0x17f: {  	v44 =	vbroadcast v2, $0x4;
	v52 =	vbroadcast v2, $0x5;
	v2 =	vld [tilespmem:s15+$0x100]  }
0x180: {  	v33 =	vld [tilespmem:$0x1FE50];
	v3 =	vmul.f32 v0, v21  }
0x181: {  	v34 =	vld [tilespmem:s15+$0x180];
	v0 =	vmul.f32 v0, v40  }
0x182: {  	v8 =	vld [tilespmem:$0x1FE70];
	v36 =	vmul.f32 v1, v41;
	v3 =	vadd.f32 $0.0e+00, v3  }
0x183: {  	v37 =	vld [tilespmem:s15+$0x200];
	v1 =	vmul.f32 v1, v43;
	v0 =	vadd.f32 $0.0e+00, v0  }
0x184: {  	v35 =	vld [tilespmem:$0x1FE60];
	v7 =	vmul.f32 v2, v46;
	v3 =	vadd.f32 v36, v3  }
0x185: {  	v53 =	vbroadcast v33, $0x4;
	v32 =	vld [tilespmem:s15+$0x280];
	v2 =	vmul.f32 v2, v45;
	v0 =	vadd.f32 v1, v0  }
0x186: {  	v54 =	vbroadcast v33, $0x5;
	v33 =	vld [tilespmem:$0x1FE80];
	v1 =	vmul.f32 v34, v47;
	v3 =	vadd.f32 v7, v3  }
0x187: {  	v59 =	vbroadcast v8, $0x4;
	v4 =	vmul.f32 v34, v48;
	v34 =	vld [tilespmem:s15+$0x300];
	v0 =	vadd.f32 v2, v0  }
0x188: {  	v60 =	vbroadcast v8, $0x5;
	v9 =	vld [tilespmem:$0x1FE90];
	v2 =	vmul.f32 v37, v49;
	v1 =	vadd.f32 v1, v3  }
0x189: {  	v8 =	vld [tilespmem:s15+$0x380];
	v55 =	vbroadcast v35, $0x4;
	v3 =	vmul.f32 v37, v50;
	v0 =	vadd.f32 v4, v0  }
0x18a: {  	v57 =	vbroadcast v35, $0x5;
	v35 =	vld [tilespmem:$0x1FEA0];
	v36 =	vmul.f32 v32, v38;
	v1 =	vadd.f32 v2, v1  }
0x18b: {  	v61 =	vbroadcast v33, $0x4;
	v5 =	vmul.f32 v32, v39;
	v32 =	vld [tilespmem:s15+$0x1000];
	v0 =	vadd.f32 v3, v0  }
0x18c: {  	v62 =	vbroadcast v33, $0x5;
	v33 =	vld [tilespmem:s15+$0x1080];
	v37 =	vmul.f32 v34, v51;
	v1 =	vadd.f32 v36, v1  }
0x18d: {  	v10 =	vld [tilespmem:$0x1FEB0];
	v63 =	vbroadcast v9, $0x4;
	v7 =	vmul.f32 v34, v42;
	v0 =	vadd.f32 v5, v0  }
0x18e: {  	s30 =	simm.s32 $0x80;
	v24 =	vld [tilespmem:s15+$0x1180];
	s12 =	simm.s32 $0x10;
	v34 =	vmul.f32 v8, v58;
	v8 =	vmul.f32 v8, v56;
	v1 =	vadd.f32 v37, v1  }
0x18f: {  	s13 =	sand.u32 $0xC00, s30;
	v20 =	vbroadcast v35, $0x4;
	v22 =	vbroadcast v35, $0x5;
	v35 =	vld [tilespmem:s15+$0x1100];
	s16 =	sand.u32 $0x70, s12;
	v0 =	vadd.f32 v7, v0  }
0x190: {  	v17 =	vbroadcast v9, $0x5;
	v6 =	vld [tilespmem:s15+$0x1300];
	s13 =	sor.u32 s16, s13;
	v23 =	vmul.f32 v32, v44;
	v1 =	vadd.f32 v8, v1  }
0x191: {  	v26 =	vmul.f32 v33, v54;
	v4 =	vmul.f32 v32, v52;
	v37 =	vld [tilespmem:s13+$0x0];
	v0 =	vadd.f32 v34, v0  }
0x192: {  	v18 =	vbroadcast v10, $0x4;
	v32 =	vmul.f32 v33, v53;
	v3 =	vld [tilespmem:s15+$0x1200];
	v1 =	vadd.f32 v23, v1  }
0x193: {  	v19 =	vbroadcast v10, $0x5;
	v28 =	vmul.f32 v24, v60;
	v27 =	vld [tilespmem:s13+$0x80];
	v0 =	vadd.f32 v4, v0  }
0x194: {  	v24 =	vmul.f32 v24, v59;
	v9 =	vmul.f32 v35, v55;
	v33 =	vld [tilespmem:s15+$0x1380];
	v1 =	vadd.f32 v32, v1  }
0x195: {  	v29 =	vmul.f32 v35, v57;
	v25 =	vmul.f32 v6, v22;
	v34 =	vld [tilespmem:s13+$0x100];
	v0 =	vadd.f32 v26, v0  }
0x196: {  	v6 =	vmul.f32 v6, v20;
	v2 =	vld [tilespmem:s15+$0x1280];
	v26 =	vmul.f32 v37, v21;
	v1 =	vadd.f32 v9, v1  }
0x197: {  	v35 =	vld [tilespmem:s13+$0x180];
	v36 =	vmul.f32 v3, v62;
	v3 =	vmul.f32 v3, v61;
	v0 =	vadd.f32 v29, v0  }
0x198: {  	v29 =	vmul.f32 v27, v41;
	v26 =	vadd.f32 $0.0e+00, v26;
	v1 =	vadd.f32 v24, v1  }
0x199: {  	v10 =	vmul.f32 v33, v19;
	v5 =	vmul.f32 v37, v40;
	v0 =	vadd.f32 v28, v0;
	v28 =	vld [tilespmem:s13+$0x200]  }
0x19a: {  	v26 =	vadd.f32 v29, v26;
	v1 =	vadd.f32 v3, v1;
	v3 =	vmul.f32 v34, v46  }
0x19b: {  	v7 =	vmul.f32 v2, v17;
	v5 =	vadd.f32 $0.0e+00, v5;
	v27 =	vmul.f32 v27, v43;
	v29 =	vld [tilespmem:s13+$0x280]  }
0x19c: {  	v2 =	vmul.f32 v2, v63;
	v8 =	vld [tilespmem:s13+$0x300];
	v9 =	vmul.f32 v35, v47;
	v3 =	vadd.f32 v3, v26  }
0x19d: {  	v4 =	vmul.f32 v34, v45;
	v5 =	vadd.f32 v27, v5;
	v0 =	vadd.f32 v36, v0  }
0x19e: {  	v26 =	vmul.f32 v28, v50;
	v28 =	vmul.f32 v28, v49;
	v3 =	vadd.f32 v9, v3  }
0x19f: {  	v27 =	vmul.f32 v35, v48;
	v1 =	vadd.f32 v2, v1;
	v2 =	vld [tilespmem:s13+$0x380];
	v0 =	vadd.f32 v7, v0  }
0x1a0: {  	v13 =	vld [tilespmem:$0x1FFC0];
	v4 =	vadd.f32 v4, v5;
	v37 =	vmul.f32 v29, v38;
	v3 =	vadd.f32 v28, v3  }
0x1a1: {  	s31 =	simm.s32 $0x2000;
	v31 =	vld [tilespmem:s13+$0x1200];
	v24 =	vmul.f32 v33, v18;
	v33 =	vmul.f32 v8, v42;
	v0 =	vadd.f32 v25, v0  }
0x1a2: {  	v8 =	vmul.f32 v8, v51;
	v36 =	vld [tilespmem:s31+$0x0];
	v4 =	vadd.f32 v27, v4;
	v3 =	vadd.f32 v37, v3  }
0x1a3: {  	v1 =	vadd.f32 v6, v1;
	v6 =	vld [tilespmem:s13+$0x1300];
	v10 =	vadd.f32 v10, v0  }
0x1a4: {  	v34 =	vmul.f32 v2, v58;
	v0 =	vmul.f32 v2, v56;
	v2 =	vadd.f32 v8, v3;
	v3 =	vld [tilespmem:$0x1FEE0]  }
0x1a5: {  	v35 =	vld [tilespmem:s13+$0x1180];
	v1 =	vadd.f32 v24, v1  }
0x1a6: {  	v30 =	vor.u32 s26, v16;
	v7 =	vmul.f32 v29, v39;
	v29 =	vld [tilespmem:s13+$0x1280];
	v4 =	vadd.f32 v26, v4  }
0x1a7: {  	v23 =	vimm.f32 $+Inf;
	v25 =	vld [tilespmem:s13+$0x1080];
	v24 =	vimm.f32 $+Inf;
	v9 =	vsub.f32 v36, v1  }
0x1a8: {  	v28 =	vsub.f32 v36, v10;
	v1 =	vadd.f32 v7, v4;
	v36 =	vld [tilespmem:s13+$0x1100];
	v26 =	vmul.f32 v6, v22  }
0x1a9: {  	s18 =	simm.s32 $0x20;
	s14 =	simm.s32 $0x2010;
	s15 =	simm.s32 $0x100;
	v37 =	vld [tilespmem:s13+$0x1000];
	v27 =	vmul.f32 v6, v20;
	v32 =	vmin.f32 v23, v9;
	vm0 =	veq.s32 v30, v3  }
.LBB2_8:
0x1aa: {  	_ = 	snop  }
0x1ab: {  	v1 =	vadd.f32 v33, v1  }
0x1ac: {  	s19 =	sand.u32 $0x70, s18;
	s20 =	sand.u32 $0xC00, s15;
	v0 =	vadd.f32 v0, v2;
	v2 =	vmul.f32 v29, v17;
	v3 =	vmul.f32 v31, v62  }
0x1ad: {  	v5 =	vld [tilespmem:s13+$0x1380];
	vm1 =	veq.s32 v30, v13;
	s13 =	sor.u32 s19, s20;
	v4 =	vmul.f32 v29, v63;
	v8 =	vmul.f32 v31, v61  }
0x1ae: {  	v9 =	vld [tilespmem:s13+$0x0];
	v1 =	vadd.f32 v34, v1;
	v31 =	vmul.f32 v37, v44;
	v11 =	vmul.f32 v37, v52  }
0x1af: {  	v28 =	vmin.f32 v23, v28;
	v6 =	vld [tilespmem:s13+$0x80];
	v7 =	vmul.f32 v35, v60;
	v37 =	vmul.f32 v25, v54  }
0x1b0: {  	v0 =	vadd.f32 v31, v0;
	v1 =	vadd.f32 v11, v1;
	v11 =	vmul.f32 v25, v53  }
0x1b1: {  	v24 =	vsel vm1, v24, v32;
	v30 =	vld [tilespmem:s13+$0x1080];
	v10 =	vmul.f32 v36, v57;
	v29 =	vmul.f32 v35, v59  }
0x1b2: {  	v32 =	vld [tilespmem:s13+$0x100];
	v35 =	vmul.f32 v36, v55;
	v0 =	vadd.f32 v11, v0;
	v1 =	vadd.f32 v37, v1  }
0x1b3: {  	v23 =	vsel vm0, v23, v28;
	v31 =	vmul.f32 v5, v18;
	v11 =	vmul.f32 v9, v21  }
0x1b4: {  	v28 =	vld [tilespmem:s13+$0x180];
	v33 =	vmul.f32 v6, v43;
	v0 =	vadd.f32 v35, v0;
	v1 =	vadd.f32 v10, v1  }
0x1b5: {  	v6 =	vmul.f32 v6, v41;
	v9 =	vmul.f32 v9, v40;
	v37 =	vadd.f32 $0.0e+00, v11  }
0x1b6: {  	v36 =	vld [tilespmem:s13+$0x200];
	v5 =	vmul.f32 v5, v19;
	v0 =	vadd.f32 v29, v0;
	v1 =	vadd.f32 v7, v1  }
0x1b7: {  	v25 =	vmovc v30;
	v30 =	vmul.f32 v32, v46;
	v7 =	vadd.f32 $0.0e+00, v9;
	v6 =	vadd.f32 v6, v37  }
0x1b8: {  	v34 =	vld [tilespmem:s13+$0x280];
	v32 =	vmul.f32 v32, v45;
	v0 =	vadd.f32 v8, v0;
	v1 =	vadd.f32 v3, v1  }
0x1b9: {  	v9 =	vmul.f32 v28, v47;
	v3 =	vadd.f32 v33, v7;
	v6 =	vadd.f32 v30, v6  }
0x1ba: {  	v35 =	vmul.f32 v28, v48;
	v0 =	vadd.f32 v4, v0;
	v1 =	vadd.f32 v2, v1  }
0x1bb: {  	v7 =	vmul.f32 v36, v49;
	v2 =	vadd.f32 v32, v3;
	v3 =	vadd.f32 v9, v6;
	v6 =	vld [tilespmem:s14+$0x0]  }
0x1bc: {  	v28 =	vmul.f32 v36, v50;
	v0 =	vadd.f32 v27, v0;
	v1 =	vadd.f32 v26, v1  }
0x1bd: {  	v10 =	vld [tilespmem:s13+$0x300];
	v4 =	vmul.f32 v34, v38;
	v2 =	vadd.f32 v35, v2;
	v3 =	vadd.f32 v7, v3  }
0x1be: {  	v8 =	vld [tilespmem:s13+$0x380];
	v37 =	vadd.f32 v31, v0;
	v1 =	vadd.f32 v5, v1  }
0x1bf: {  	v9 =	vld [tilespmem:s13+$0x1300];
	v2 =	vadd.f32 v28, v2;
	v3 =	vadd.f32 v4, v3  }
0x1c0: {  	p0 =	sne.s32 s18, $0x1F0;
	v4 =	vsub.f32 v6, v37;
	v28 =	vsub.f32 v6, v1;
	v6 =	vld [tilespmem:$0x1FEE0]  }
.Ltmp3:
0x1c1: {  	v29 =	vld [tilespmem:s13+$0x1280];
	v36 =	vmul.f32 v34, v39;
	(pc) =	sbr.rel @p0 .LBB2_8-.Ltmp3, $4  }
0x1c2: {  	v33 =	vmul.f32 v10, v42;
	v7 =	vmul.f32 v10, v51;
	v35 =	vld [tilespmem:s13+$0x1180]  }
0x1c3: {  	v30 =	vor.u32 s12, v16;
	v34 =	vmul.f32 v8, v58;
	v0 =	vmul.f32 v8, v56;
	v31 =	vld [tilespmem:s13+$0x1200]  }
0x1c4: {  	s17 =	smov.u32 s18;
	s16 =	sadd.s32 $0x10, s18;
	s15 =	sadd.s32 $0x80, s15;
	v26 =	vmul.f32 v9, v22;
	v27 =	vmul.f32 v9, v20;
	v1 =	vadd.f32 v36, v2;
	v36 =	vld [tilespmem:s13+$0x1100]  }
0x1c5: {  	s18 =	smov.u32 s16;
	s12 =	smov.u32 s17;
	s14 =	sadd.s32 $0x10, s14;
	v2 =	vadd.f32 v7, v3;
	v37 =	vld [tilespmem:s13+$0x1000];
	v32 =	vmin.f32 v24, v4;
	vm0 =	veq.s32 v30, v6  }
0x1c6: {  	_ =	sdelay $0x1  }
0x1c7: {  	v1 =	vadd.f32 v33, v1  }
0x1c8: {  	v0 =	vadd.f32 v0, v2  }
0x1c9: {  	v1 =	vadd.f32 v34, v1;
	v2 =	vmul.f32 v37, v44;
	v3 =	vmul.f32 v37, v52  }
0x1ca: {  	v4 =	vmul.f32 v25, v54  }
0x1cb: {  	v0 =	vadd.f32 v2, v0;
	v2 =	vmul.f32 v25, v53;
	v1 =	vadd.f32 v3, v1  }
0x1cc: {  	v3 =	vmul.f32 v36, v55  }
0x1cd: {  	v0 =	vadd.f32 v2, v0;
	v2 =	vmul.f32 v36, v57;
	v1 =	vadd.f32 v4, v1  }
0x1ce: {  	v9 =	vmul.f32 v35, v59  }
0x1cf: {  	v0 =	vadd.f32 v3, v0;
	v3 =	vmul.f32 v35, v60;
	v1 =	vadd.f32 v2, v1  }
0x1d0: {  	v10 =	vmul.f32 v31, v62  }
0x1d1: {  	v2 =	vmul.f32 v31, v61;
	v0 =	vadd.f32 v9, v0;
	v1 =	vadd.f32 v3, v1  }
0x1d2: {  	v5 =	vld [tilespmem:s13+$0x1380]  }
0x1d3: {  	v0 =	vadd.f32 v2, v0;
	v2 =	vmul.f32 v29, v17;
	v1 =	vadd.f32 v10, v1  }
0x1d4: {  	v3 =	vmul.f32 v29, v63  }
0x1d5: {  	v1 =	vadd.f32 v2, v1  }
0x1d6: {  	v0 =	vadd.f32 v3, v0;
	v2 =	vld [tilespmem:s14+$0x0]  }
0x1d7: {  	v11 =	vmul.f32 v5, v19;
	v1 =	vadd.f32 v26, v1  }
0x1d8: {  	v3 =	vmul.f32 v5, v18;
	v0 =	vadd.f32 v27, v0  }
0x1d9: {  	v1 =	vadd.f32 v11, v1  }
0x1da: {  	v0 =	vadd.f32 v3, v0  }
0x1db: {  	v3 =	vmin.f32 v23, v28;
	v1 =	vsub.f32 v2, v1  }
0x1dc: {  	v0 =	vsub.f32 v2, v0;
	v2 =	vsel vm0, v23, v3;
	v3 =	vor.u32 s12, v16  }
0x1dd: {  	vm0 =	veq.s32 v3, v6;
	v1 =	vmin.f32 v2, v1  }
0x1de: {  	vm1 =	veq.s32 v30, v13;
	v1 =	vsel vm0, v2, v1  }
0x1df: {  	v32 =	vsel vm1, v24, v32;
	vm1 =	veq.s32 v3, v13;
	v3 =	vperm.xlane v1, v15;
	_ =	sdelay $0x1  }
0x1e0: {  	v0 =	vmin.f32 v32, v0;
	v1 =	vmin.f32 v1, v3;
	v3 =	vld [tilespmem:$0x1FF70]  }
0x1e1: {  	v0 =	vsel vm1, v32, v0  }
0x1e2: {  	v2 =	vperm.xlane v0, v15;
	_ =	sdelay $0x1  }
0x1e3: {  	v0 =	vmin.f32 v0, v2  }
0x1e4: {  	v2 =	vperm.xlane v0, v3;
	v3 =	vperm.xlane v1, v3;
	_ =	sdelay $0x1  }
0x1e5: {  	v1 =	vmin.f32 v1, v3;
	v3 =	vld [tilespmem:$0x1FF80];
	_ =	sdelay $0x3  }
0x1e6: {  	v0 =	vmin.f32 v0, v2  }
0x1e7: {  	v2 =	vperm.xlane v0, v3;
	_ =	sdelay $0x1  }
0x1e8: {  	v2 =	vmin.f32 v0, v2;
	v0 =	vld [tilespmem:$0x1FF90];
	_ =	sdelay $0x1  }
0x1e9: {  	v3 =	vperm.xlane v1, v3;
	_ =	sdelay $0x1  }
0x1ea: {  	v1 =	vmin.f32 v1, v3  }
0x1eb: {  	[tilespmem:$0x1FD00] =	vst v2;
	v2 =	vperm.xlane v2, v0;
	v0 =	vperm.xlane v1, v0;
	_ =	sdelay $0x1  }
0x1ec: {  	[tilespmem:$0x1FD30] =	vst v0;
	v0 =	vld [tilespmem:$0x1FDC0];
	_ =	sdelay $0x4  }
0x1ed: {  	v21 =	vbroadcast v0, $0x6;
	v40 =	vbroadcast v0, $0x7;
	v0 =	vld [tilespmem:$0x1FDD0];
	_ =	sdelay $0x4  }
0x1ee: {  	v41 =	vbroadcast v0, $0x6;
	v43 =	vbroadcast v0, $0x7;
	v0 =	vld [tilespmem:$0x1FDE0];
	_ =	sdelay $0x4  }
0x1ef: {  	v50 =	vbroadcast v0, $0x6;
	v45 =	vbroadcast v0, $0x7;
	v0 =	vld [tilespmem:$0x1FDF0];
	_ =	sdelay $0x1  }
0x1f0: {  	[tilespmem:$0x1FD20] =	vst v1;
	v1 =	vld [tilespmem:$0x1FE10];
	_ =	sdelay $0x1  }
0x1f1: {  	[tilespmem:$0x1FD10] =	vst v2;
	v2 =	vld [tilespmem:$0x1FE30]  }
0x1f2: {  	v51 =	vbroadcast v0, $0x6;
	v47 =	vbroadcast v0, $0x7;
	v0 =	vld [tilespmem:$0x1FE00];
	_ =	sdelay $0x1  }
0x1f3: {  	s26 =	simm.s32 $0x0;
	v38 =	vbroadcast v1, $0x6;
	v39 =	vbroadcast v1, $0x7;
	v1 =	vld [tilespmem:$0x1FE20]  }
0x1f4: {  	s28 =	sand.u32 $0x70, s26;
	s29 =	sand.u32 $0xC00, s26  }
0x1f5: {  	s15 =	sor.u32 s28, s29;
	v56 =	vbroadcast v2, $0x6;
	v58 =	vbroadcast v2, $0x7;
	v2 =	vld [tilespmem:$0x1FE40]  }
0x1f6: {  	v52 =	vbroadcast v0, $0x6;
	v49 =	vbroadcast v0, $0x7;
	v0 =	vld [tilespmem:s15+$0x0];
	_ =	sdelay $0x1  }
0x1f7: {  	v53 =	vbroadcast v1, $0x6;
	v42 =	vbroadcast v1, $0x7;
	v1 =	vld [tilespmem:s15+$0x80];
	_ =	sdelay $0x1  }
0x1f8: {  	v44 =	vbroadcast v2, $0x6;
	v54 =	vbroadcast v2, $0x7;
	v2 =	vld [tilespmem:s15+$0x100]  }
0x1f9: {  	v33 =	vld [tilespmem:$0x1FE50];
	v3 =	vmul.f32 v0, v21  }
0x1fa: {  	v34 =	vld [tilespmem:s15+$0x180];
	v0 =	vmul.f32 v0, v40  }
0x1fb: {  	v8 =	vld [tilespmem:$0x1FE70];
	v36 =	vmul.f32 v1, v41;
	v3 =	vadd.f32 $0.0e+00, v3  }
0x1fc: {  	v37 =	vld [tilespmem:s15+$0x200];
	v1 =	vmul.f32 v1, v43;
	v0 =	vadd.f32 $0.0e+00, v0  }
0x1fd: {  	v35 =	vld [tilespmem:$0x1FE60];
	v7 =	vmul.f32 v2, v50;
	v3 =	vadd.f32 v36, v3  }
0x1fe: {  	v46 =	vbroadcast v33, $0x7;
	v32 =	vld [tilespmem:s15+$0x280];
	v2 =	vmul.f32 v2, v45;
	v0 =	vadd.f32 v1, v0  }
0x1ff: {  	v55 =	vbroadcast v33, $0x6;
	v33 =	vld [tilespmem:$0x1FE80];
	v1 =	vmul.f32 v34, v51;
	v3 =	vadd.f32 v7, v3  }
0x200: {  	v59 =	vbroadcast v8, $0x6;
	v4 =	vmul.f32 v34, v47;
	v34 =	vld [tilespmem:s15+$0x300];
	v0 =	vadd.f32 v2, v0  }
0x201: {  	v60 =	vbroadcast v8, $0x7;
	v9 =	vld [tilespmem:$0x1FE90];
	v2 =	vmul.f32 v37, v52;
	v1 =	vadd.f32 v1, v3  }
0x202: {  	v8 =	vld [tilespmem:s15+$0x380];
	v48 =	vbroadcast v35, $0x6;
	v3 =	vmul.f32 v37, v49;
	v0 =	vadd.f32 v4, v0  }
0x203: {  	v57 =	vbroadcast v35, $0x7;
	v35 =	vld [tilespmem:$0x1FEA0];
	v36 =	vmul.f32 v32, v38;
	v1 =	vadd.f32 v2, v1  }
0x204: {  	v61 =	vbroadcast v33, $0x6;
	v5 =	vmul.f32 v32, v39;
	v32 =	vld [tilespmem:s15+$0x1000];
	v0 =	vadd.f32 v3, v0  }
0x205: {  	v62 =	vbroadcast v33, $0x7;
	v33 =	vld [tilespmem:s15+$0x1080];
	v37 =	vmul.f32 v34, v53;
	v1 =	vadd.f32 v36, v1  }
0x206: {  	v10 =	vld [tilespmem:$0x1FEB0];
	v63 =	vbroadcast v9, $0x6;
	v7 =	vmul.f32 v34, v42;
	v0 =	vadd.f32 v5, v0  }
0x207: {  	s30 =	simm.s32 $0x80;
	v24 =	vld [tilespmem:s15+$0x1180];
	s12 =	simm.s32 $0x10;
	v34 =	vmul.f32 v8, v58;
	v8 =	vmul.f32 v8, v56;
	v1 =	vadd.f32 v37, v1  }
0x208: {  	s13 =	sand.u32 $0xC00, s30;
	v20 =	vbroadcast v35, $0x6;
	v22 =	vbroadcast v35, $0x7;
	v35 =	vld [tilespmem:s15+$0x1100];
	s16 =	sand.u32 $0x70, s12;
	v0 =	vadd.f32 v7, v0  }
0x209: {  	v17 =	vbroadcast v9, $0x7;
	v6 =	vld [tilespmem:s15+$0x1300];
	s13 =	sor.u32 s16, s13;
	v23 =	vmul.f32 v32, v44;
	v1 =	vadd.f32 v8, v1  }
0x20a: {  	v26 =	vmul.f32 v33, v46;
	v4 =	vmul.f32 v32, v54;
	v37 =	vld [tilespmem:s13+$0x0];
	v0 =	vadd.f32 v34, v0  }
0x20b: {  	v18 =	vbroadcast v10, $0x6;
	v32 =	vmul.f32 v33, v55;
	v3 =	vld [tilespmem:s15+$0x1200];
	v1 =	vadd.f32 v23, v1  }
0x20c: {  	v19 =	vbroadcast v10, $0x7;
	v28 =	vmul.f32 v24, v60;
	v27 =	vld [tilespmem:s13+$0x80];
	v0 =	vadd.f32 v4, v0  }
0x20d: {  	v24 =	vmul.f32 v24, v59;
	v9 =	vmul.f32 v35, v48;
	v33 =	vld [tilespmem:s15+$0x1380];
	v1 =	vadd.f32 v32, v1  }
0x20e: {  	v29 =	vmul.f32 v35, v57;
	v25 =	vmul.f32 v6, v22;
	v34 =	vld [tilespmem:s13+$0x100];
	v0 =	vadd.f32 v26, v0  }
0x20f: {  	v6 =	vmul.f32 v6, v20;
	v2 =	vld [tilespmem:s15+$0x1280];
	v26 =	vmul.f32 v37, v21;
	v1 =	vadd.f32 v9, v1  }
0x210: {  	v35 =	vld [tilespmem:s13+$0x180];
	v36 =	vmul.f32 v3, v62;
	v3 =	vmul.f32 v3, v61;
	v0 =	vadd.f32 v29, v0  }
0x211: {  	v29 =	vmul.f32 v27, v41;
	v26 =	vadd.f32 $0.0e+00, v26;
	v1 =	vadd.f32 v24, v1  }
0x212: {  	v10 =	vmul.f32 v33, v19;
	v5 =	vmul.f32 v37, v40;
	v0 =	vadd.f32 v28, v0;
	v28 =	vld [tilespmem:s13+$0x200]  }
0x213: {  	v26 =	vadd.f32 v29, v26;
	v1 =	vadd.f32 v3, v1;
	v3 =	vmul.f32 v34, v50  }
0x214: {  	v7 =	vmul.f32 v2, v17;
	v5 =	vadd.f32 $0.0e+00, v5;
	v27 =	vmul.f32 v27, v43;
	v29 =	vld [tilespmem:s13+$0x280]  }
0x215: {  	v2 =	vmul.f32 v2, v63;
	v8 =	vld [tilespmem:s13+$0x300];
	v9 =	vmul.f32 v35, v51;
	v3 =	vadd.f32 v3, v26  }
0x216: {  	v4 =	vmul.f32 v34, v45;
	v5 =	vadd.f32 v27, v5;
	v0 =	vadd.f32 v36, v0  }
0x217: {  	v26 =	vmul.f32 v28, v49;
	v28 =	vmul.f32 v28, v52;
	v3 =	vadd.f32 v9, v3  }
0x218: {  	v27 =	vmul.f32 v35, v47;
	v1 =	vadd.f32 v2, v1;
	v2 =	vld [tilespmem:s13+$0x380];
	v0 =	vadd.f32 v7, v0  }
0x219: {  	v14 =	vld [tilespmem:$0x1FEF0];
	v4 =	vadd.f32 v4, v5;
	v37 =	vmul.f32 v29, v38;
	v3 =	vadd.f32 v28, v3  }
0x21a: {  	s31 =	simm.s32 $0x2000;
	v31 =	vld [tilespmem:s13+$0x1200];
	v24 =	vmul.f32 v33, v18;
	v33 =	vmul.f32 v8, v42;
	v0 =	vadd.f32 v25, v0  }
0x21b: {  	v8 =	vmul.f32 v8, v53;
	v36 =	vld [tilespmem:s31+$0x0];
	v4 =	vadd.f32 v27, v4;
	v3 =	vadd.f32 v37, v3  }
0x21c: {  	v1 =	vadd.f32 v6, v1;
	v6 =	vld [tilespmem:s13+$0x1300];
	v10 =	vadd.f32 v10, v0  }
0x21d: {  	v34 =	vmul.f32 v2, v58;
	v0 =	vmul.f32 v2, v56;
	v2 =	vadd.f32 v8, v3;
	v3 =	vld [tilespmem:$0x1FF00]  }
0x21e: {  	v35 =	vld [tilespmem:s13+$0x1180];
	v1 =	vadd.f32 v24, v1  }
0x21f: {  	v30 =	vor.u32 s26, v16;
	v7 =	vmul.f32 v29, v39;
	v29 =	vld [tilespmem:s13+$0x1280];
	v4 =	vadd.f32 v26, v4  }
0x220: {  	v23 =	vimm.f32 $+Inf;
	v25 =	vld [tilespmem:s13+$0x1080];
	v24 =	vimm.f32 $+Inf;
	v9 =	vsub.f32 v36, v1  }
0x221: {  	v28 =	vsub.f32 v36, v10;
	v1 =	vadd.f32 v7, v4;
	v36 =	vld [tilespmem:s13+$0x1100];
	v26 =	vmul.f32 v6, v22  }
0x222: {  	s18 =	simm.s32 $0x20;
	s14 =	simm.s32 $0x2010;
	s15 =	simm.s32 $0x100;
	v37 =	vld [tilespmem:s13+$0x1000];
	v27 =	vmul.f32 v6, v20;
	v32 =	vmin.f32 v23, v9;
	vm0 =	veq.s32 v30, v3  }
.LBB2_10:
0x223: {  	_ = 	snop  }
0x224: {  	v1 =	vadd.f32 v33, v1  }
0x225: {  	s19 =	sand.u32 $0x70, s18;
	s20 =	sand.u32 $0xC00, s15;
	v0 =	vadd.f32 v0, v2;
	v2 =	vmul.f32 v29, v17;
	v3 =	vmul.f32 v31, v62  }
0x226: {  	v5 =	vld [tilespmem:s13+$0x1380];
	vm1 =	veq.s32 v30, v14;
	s13 =	sor.u32 s19, s20;
	v4 =	vmul.f32 v29, v63;
	v8 =	vmul.f32 v31, v61  }
0x227: {  	v9 =	vld [tilespmem:s13+$0x0];
	v1 =	vadd.f32 v34, v1;
	v31 =	vmul.f32 v37, v44;
	v11 =	vmul.f32 v37, v54  }
0x228: {  	v28 =	vmin.f32 v23, v28;
	v6 =	vld [tilespmem:s13+$0x80];
	v7 =	vmul.f32 v35, v60;
	v37 =	vmul.f32 v25, v46  }
0x229: {  	v0 =	vadd.f32 v31, v0;
	v1 =	vadd.f32 v11, v1;
	v11 =	vmul.f32 v25, v55  }
0x22a: {  	v24 =	vsel vm1, v24, v32;
	v30 =	vld [tilespmem:s13+$0x1080];
	v10 =	vmul.f32 v36, v57;
	v29 =	vmul.f32 v35, v59  }
0x22b: {  	v32 =	vld [tilespmem:s13+$0x100];
	v35 =	vmul.f32 v36, v48;
	v0 =	vadd.f32 v11, v0;
	v1 =	vadd.f32 v37, v1  }
0x22c: {  	v23 =	vsel vm0, v23, v28;
	v31 =	vmul.f32 v5, v18;
	v11 =	vmul.f32 v9, v21  }
0x22d: {  	v28 =	vld [tilespmem:s13+$0x180];
	v33 =	vmul.f32 v6, v43;
	v0 =	vadd.f32 v35, v0;
	v1 =	vadd.f32 v10, v1  }
0x22e: {  	v6 =	vmul.f32 v6, v41;
	v9 =	vmul.f32 v9, v40;
	v37 =	vadd.f32 $0.0e+00, v11  }
0x22f: {  	v36 =	vld [tilespmem:s13+$0x200];
	v5 =	vmul.f32 v5, v19;
	v0 =	vadd.f32 v29, v0;
	v1 =	vadd.f32 v7, v1  }
0x230: {  	v25 =	vmovc v30;
	v30 =	vmul.f32 v32, v50;
	v7 =	vadd.f32 $0.0e+00, v9;
	v6 =	vadd.f32 v6, v37  }
0x231: {  	v34 =	vld [tilespmem:s13+$0x280];
	v32 =	vmul.f32 v32, v45;
	v0 =	vadd.f32 v8, v0;
	v1 =	vadd.f32 v3, v1  }
0x232: {  	v9 =	vmul.f32 v28, v51;
	v3 =	vadd.f32 v33, v7;
	v6 =	vadd.f32 v30, v6  }
0x233: {  	v35 =	vmul.f32 v28, v47;
	v0 =	vadd.f32 v4, v0;
	v1 =	vadd.f32 v2, v1  }
0x234: {  	v7 =	vmul.f32 v36, v52;
	v2 =	vadd.f32 v32, v3;
	v3 =	vadd.f32 v9, v6;
	v6 =	vld [tilespmem:s14+$0x0]  }
0x235: {  	v28 =	vmul.f32 v36, v49;
	v0 =	vadd.f32 v27, v0;
	v1 =	vadd.f32 v26, v1  }
0x236: {  	v10 =	vld [tilespmem:s13+$0x300];
	v4 =	vmul.f32 v34, v38;
	v2 =	vadd.f32 v35, v2;
	v3 =	vadd.f32 v7, v3  }
0x237: {  	v8 =	vld [tilespmem:s13+$0x380];
	v37 =	vadd.f32 v31, v0;
	v1 =	vadd.f32 v5, v1  }
0x238: {  	v9 =	vld [tilespmem:s13+$0x1300];
	v2 =	vadd.f32 v28, v2;
	v3 =	vadd.f32 v4, v3  }
0x239: {  	p0 =	sne.s32 s18, $0x1F0;
	v4 =	vsub.f32 v6, v37;
	v28 =	vsub.f32 v6, v1;
	v6 =	vld [tilespmem:$0x1FF00]  }
.Ltmp4:
0x23a: {  	v29 =	vld [tilespmem:s13+$0x1280];
	v36 =	vmul.f32 v34, v39;
	(pc) =	sbr.rel @p0 .LBB2_10-.Ltmp4, $4  }
0x23b: {  	v33 =	vmul.f32 v10, v42;
	v7 =	vmul.f32 v10, v53;
	v35 =	vld [tilespmem:s13+$0x1180]  }
0x23c: {  	v30 =	vor.u32 s12, v16;
	v34 =	vmul.f32 v8, v58;
	v0 =	vmul.f32 v8, v56;
	v31 =	vld [tilespmem:s13+$0x1200]  }
0x23d: {  	s17 =	smov.u32 s18;
	s16 =	sadd.s32 $0x10, s18;
	s15 =	sadd.s32 $0x80, s15;
	v26 =	vmul.f32 v9, v22;
	v27 =	vmul.f32 v9, v20;
	v1 =	vadd.f32 v36, v2;
	v36 =	vld [tilespmem:s13+$0x1100]  }
0x23e: {  	s18 =	smov.u32 s16;
	s12 =	smov.u32 s17;
	s14 =	sadd.s32 $0x10, s14;
	v2 =	vadd.f32 v7, v3;
	v37 =	vld [tilespmem:s13+$0x1000];
	v32 =	vmin.f32 v24, v4;
	vm0 =	veq.s32 v30, v6  }
0x23f: {  	_ =	sdelay $0x1  }
0x240: {  	v1 =	vadd.f32 v33, v1  }
0x241: {  	v0 =	vadd.f32 v0, v2  }
0x242: {  	v1 =	vadd.f32 v34, v1;
	v2 =	vmul.f32 v37, v44;
	v3 =	vmul.f32 v37, v54  }
0x243: {  	v4 =	vmul.f32 v25, v46  }
0x244: {  	v0 =	vadd.f32 v2, v0;
	v2 =	vmul.f32 v25, v55;
	v1 =	vadd.f32 v3, v1  }
0x245: {  	v3 =	vmul.f32 v36, v48  }
0x246: {  	v0 =	vadd.f32 v2, v0;
	v2 =	vmul.f32 v36, v57;
	v1 =	vadd.f32 v4, v1  }
0x247: {  	v9 =	vmul.f32 v35, v59  }
0x248: {  	v0 =	vadd.f32 v3, v0;
	v3 =	vmul.f32 v35, v60;
	v1 =	vadd.f32 v2, v1  }
0x249: {  	v10 =	vmul.f32 v31, v62  }
0x24a: {  	v2 =	vmul.f32 v31, v61;
	v0 =	vadd.f32 v9, v0;
	v1 =	vadd.f32 v3, v1  }
0x24b: {  	v5 =	vld [tilespmem:s13+$0x1380]  }
0x24c: {  	v0 =	vadd.f32 v2, v0;
	v2 =	vmul.f32 v29, v17;
	v1 =	vadd.f32 v10, v1  }
0x24d: {  	v3 =	vmul.f32 v29, v63  }
0x24e: {  	v1 =	vadd.f32 v2, v1  }
0x24f: {  	v0 =	vadd.f32 v3, v0;
	v2 =	vld [tilespmem:s14+$0x0]  }
0x250: {  	v11 =	vmul.f32 v5, v19;
	v1 =	vadd.f32 v26, v1  }
0x251: {  	v3 =	vmul.f32 v5, v18;
	v0 =	vadd.f32 v27, v0  }
0x252: {  	v1 =	vadd.f32 v11, v1  }
0x253: {  	v0 =	vadd.f32 v3, v0  }
0x254: {  	v3 =	vmin.f32 v23, v28;
	v1 =	vsub.f32 v2, v1  }
0x255: {  	v0 =	vsub.f32 v2, v0;
	v2 =	vsel vm0, v23, v3;
	v3 =	vor.u32 s12, v16  }
0x256: {  	vm0 =	veq.s32 v3, v6;
	v1 =	vmin.f32 v2, v1  }
0x257: {  	vm1 =	veq.s32 v30, v14;
	v1 =	vsel vm0, v2, v1  }
0x258: {  	v32 =	vsel vm1, v24, v32;
	vm1 =	veq.s32 v3, v14;
	v3 =	vperm.xlane v1, v15;
	_ =	sdelay $0x1  }
0x259: {  	v0 =	vmin.f32 v32, v0;
	v1 =	vmin.f32 v1, v3;
	v3 =	vld [tilespmem:$0x1FF70]  }
0x25a: {  	v0 =	vsel vm1, v32, v0  }
0x25b: {  	v2 =	vperm.xlane v0, v15;
	_ =	sdelay $0x1  }
0x25c: {  	v0 =	vmin.f32 v0, v2  }
0x25d: {  	v2 =	vperm.xlane v0, v3;
	v3 =	vperm.xlane v1, v3;
	_ =	sdelay $0x1  }
0x25e: {  	v1 =	vmin.f32 v1, v3;
	v3 =	vld [tilespmem:$0x1FF80];
	_ =	sdelay $0x3  }
0x25f: {  	v0 =	vmin.f32 v0, v2  }
0x260: {  	v2 =	vperm.xlane v0, v3;
	_ =	sdelay $0x1  }
0x261: {  	v2 =	vmin.f32 v0, v2;
	v0 =	vld [tilespmem:$0x1FF90];
	_ =	sdelay $0x1  }
0x262: {  	v3 =	vperm.xlane v1, v3;
	_ =	sdelay $0x1  }
0x263: {  	v1 =	vmin.f32 v1, v3  }
0x264: {  	[tilespmem:$0x1FCC0] =	vst v2;
	v2 =	vperm.xlane v2, v0;
	v0 =	vperm.xlane v1, v0;
	_ =	sdelay $0x1  }
0x265: {  	[tilespmem:$0x1FCF0] =	vst v0;
	v0 =	vld [tilespmem:$0x1FDC0];
	_ =	sdelay $0x4  }
0x266: {  	v21 =	vbroadcast v0, $0x8;
	v40 =	vbroadcast v0, $0x9;
	v0 =	vld [tilespmem:$0x1FDD0];
	_ =	sdelay $0x4  }
0x267: {  	v41 =	vbroadcast v0, $0x8;
	v43 =	vbroadcast v0, $0x9;
	v0 =	vld [tilespmem:$0x1FDE0];
	_ =	sdelay $0x4  }
0x268: {  	v54 =	vbroadcast v0, $0x8;
	v45 =	vbroadcast v0, $0x9;
	v0 =	vld [tilespmem:$0x1FDF0];
	_ =	sdelay $0x1  }
0x269: {  	[tilespmem:$0x1FCE0] =	vst v1;
	v1 =	vld [tilespmem:$0x1FE10];
	_ =	sdelay $0x1  }
0x26a: {  	[tilespmem:$0x1FCD0] =	vst v2;
	v2 =	vld [tilespmem:$0x1FE30]  }
0x26b: {  	v55 =	vbroadcast v0, $0x8;
	v47 =	vbroadcast v0, $0x9;
	v0 =	vld [tilespmem:$0x1FE00];
	_ =	sdelay $0x1  }
0x26c: {  	s26 =	simm.s32 $0x0;
	v38 =	vbroadcast v1, $0x8;
	v39 =	vbroadcast v1, $0x9;
	v1 =	vld [tilespmem:$0x1FE20]  }
0x26d: {  	s28 =	sand.u32 $0x70, s26;
	s29 =	sand.u32 $0xC00, s26  }
0x26e: {  	s15 =	sor.u32 s28, s29;
	v58 =	vbroadcast v2, $0x8;
	v52 =	vbroadcast v2, $0x9;
	v2 =	vld [tilespmem:$0x1FE40]  }
0x26f: {  	v56 =	vbroadcast v0, $0x8;
	v49 =	vbroadcast v0, $0x9;
	v0 =	vld [tilespmem:s15+$0x0];
	_ =	sdelay $0x1  }
0x270: {  	v51 =	vbroadcast v1, $0x8;
	v42 =	vbroadcast v1, $0x9;
	v1 =	vld [tilespmem:s15+$0x80];
	_ =	sdelay $0x1  }
0x271: {  	v44 =	vbroadcast v2, $0x8;
	v53 =	vbroadcast v2, $0x9;
	v2 =	vld [tilespmem:s15+$0x100]  }
0x272: {  	v33 =	vld [tilespmem:$0x1FE50];
	v3 =	vmul.f32 v0, v21  }
0x273: {  	v34 =	vld [tilespmem:s15+$0x180];
	v0 =	vmul.f32 v0, v40  }
0x274: {  	v8 =	vld [tilespmem:$0x1FE70];
	v36 =	vmul.f32 v1, v41;
	v3 =	vadd.f32 $0.0e+00, v3  }
0x275: {  	v37 =	vld [tilespmem:s15+$0x200];
	v1 =	vmul.f32 v1, v43;
	v0 =	vadd.f32 $0.0e+00, v0  }
0x276: {  	v35 =	vld [tilespmem:$0x1FE60];
	v7 =	vmul.f32 v2, v54;
	v3 =	vadd.f32 v36, v3  }
0x277: {  	v46 =	vbroadcast v33, $0x9;
	v32 =	vld [tilespmem:s15+$0x280];
	v2 =	vmul.f32 v2, v45;
	v0 =	vadd.f32 v1, v0  }
0x278: {  	v57 =	vbroadcast v33, $0x8;
	v33 =	vld [tilespmem:$0x1FE80];
	v1 =	vmul.f32 v34, v55;
	v3 =	vadd.f32 v7, v3  }
0x279: {  	v59 =	vbroadcast v8, $0x8;
	v4 =	vmul.f32 v34, v47;
	v34 =	vld [tilespmem:s15+$0x300];
	v0 =	vadd.f32 v2, v0  }
0x27a: {  	v60 =	vbroadcast v8, $0x9;
	v9 =	vld [tilespmem:$0x1FE90];
	v2 =	vmul.f32 v37, v56;
	v1 =	vadd.f32 v1, v3  }
0x27b: {  	v8 =	vld [tilespmem:s15+$0x380];
	v48 =	vbroadcast v35, $0x8;
	v3 =	vmul.f32 v37, v49;
	v0 =	vadd.f32 v4, v0  }
0x27c: {  	v50 =	vbroadcast v35, $0x9;
	v35 =	vld [tilespmem:$0x1FEA0];
	v36 =	vmul.f32 v32, v38;
	v1 =	vadd.f32 v2, v1  }
0x27d: {  	v61 =	vbroadcast v33, $0x8;
	v5 =	vmul.f32 v32, v39;
	v32 =	vld [tilespmem:s15+$0x1000];
	v0 =	vadd.f32 v3, v0  }
0x27e: {  	v62 =	vbroadcast v33, $0x9;
	v33 =	vld [tilespmem:s15+$0x1080];
	v37 =	vmul.f32 v34, v51;
	v1 =	vadd.f32 v36, v1  }
0x27f: {  	v10 =	vld [tilespmem:$0x1FEB0];
	v63 =	vbroadcast v9, $0x8;
	v7 =	vmul.f32 v34, v42;
	v0 =	vadd.f32 v5, v0  }
0x280: {  	s30 =	simm.s32 $0x80;
	v24 =	vld [tilespmem:s15+$0x1180];
	s12 =	simm.s32 $0x10;
	v34 =	vmul.f32 v8, v52;
	v8 =	vmul.f32 v8, v58;
	v1 =	vadd.f32 v37, v1  }
0x281: {  	s13 =	sand.u32 $0xC00, s30;
	v20 =	vbroadcast v35, $0x8;
	v22 =	vbroadcast v35, $0x9;
	v35 =	vld [tilespmem:s15+$0x1100];
	s16 =	sand.u32 $0x70, s12;
	v0 =	vadd.f32 v7, v0  }
0x282: {  	v17 =	vbroadcast v9, $0x9;
	v6 =	vld [tilespmem:s15+$0x1300];
	s13 =	sor.u32 s16, s13;
	v23 =	vmul.f32 v32, v44;
	v1 =	vadd.f32 v8, v1  }
0x283: {  	v26 =	vmul.f32 v33, v46;
	v4 =	vmul.f32 v32, v53;
	v37 =	vld [tilespmem:s13+$0x0];
	v0 =	vadd.f32 v34, v0  }
0x284: {  	v18 =	vbroadcast v10, $0x8;
	v32 =	vmul.f32 v33, v57;
	v3 =	vld [tilespmem:s15+$0x1200];
	v1 =	vadd.f32 v23, v1  }
0x285: {  	v19 =	vbroadcast v10, $0x9;
	v28 =	vmul.f32 v24, v60;
	v27 =	vld [tilespmem:s13+$0x80];
	v0 =	vadd.f32 v4, v0  }
0x286: {  	v24 =	vmul.f32 v24, v59;
	v9 =	vmul.f32 v35, v48;
	v33 =	vld [tilespmem:s15+$0x1380];
	v1 =	vadd.f32 v32, v1  }
0x287: {  	v29 =	vmul.f32 v35, v50;
	v25 =	vmul.f32 v6, v22;
	v34 =	vld [tilespmem:s13+$0x100];
	v0 =	vadd.f32 v26, v0  }
0x288: {  	v6 =	vmul.f32 v6, v20;
	v2 =	vld [tilespmem:s15+$0x1280];
	v26 =	vmul.f32 v37, v21;
	v1 =	vadd.f32 v9, v1  }
0x289: {  	v35 =	vld [tilespmem:s13+$0x180];
	v36 =	vmul.f32 v3, v62;
	v3 =	vmul.f32 v3, v61;
	v0 =	vadd.f32 v29, v0  }
0x28a: {  	v29 =	vmul.f32 v27, v41;
	v26 =	vadd.f32 $0.0e+00, v26;
	v1 =	vadd.f32 v24, v1  }
0x28b: {  	v10 =	vmul.f32 v33, v19;
	v5 =	vmul.f32 v37, v40;
	v0 =	vadd.f32 v28, v0;
	v28 =	vld [tilespmem:s13+$0x200]  }
0x28c: {  	v26 =	vadd.f32 v29, v26;
	v1 =	vadd.f32 v3, v1;
	v3 =	vmul.f32 v34, v54  }
0x28d: {  	v7 =	vmul.f32 v2, v17;
	v5 =	vadd.f32 $0.0e+00, v5;
	v27 =	vmul.f32 v27, v43;
	v29 =	vld [tilespmem:s13+$0x280]  }
0x28e: {  	v2 =	vmul.f32 v2, v63;
	v8 =	vld [tilespmem:s13+$0x300];
	v9 =	vmul.f32 v35, v55;
	v3 =	vadd.f32 v3, v26  }
0x28f: {  	v4 =	vmul.f32 v34, v45;
	v5 =	vadd.f32 v27, v5;
	v0 =	vadd.f32 v36, v0  }
0x290: {  	v26 =	vmul.f32 v28, v49;
	v28 =	vmul.f32 v28, v56;
	v3 =	vadd.f32 v9, v3  }
0x291: {  	v27 =	vmul.f32 v35, v47;
	v1 =	vadd.f32 v2, v1;
	v2 =	vld [tilespmem:s13+$0x380];
	v0 =	vadd.f32 v7, v0  }
0x292: {  	v14 =	vld [tilespmem:$0x1FFD0];
	v4 =	vadd.f32 v4, v5;
	v37 =	vmul.f32 v29, v38;
	v3 =	vadd.f32 v28, v3  }
0x293: {  	s31 =	simm.s32 $0x2000;
	v31 =	vld [tilespmem:s13+$0x1200];
	v24 =	vmul.f32 v33, v18;
	v33 =	vmul.f32 v8, v42;
	v0 =	vadd.f32 v25, v0  }
0x294: {  	v8 =	vmul.f32 v8, v51;
	v36 =	vld [tilespmem:s31+$0x0];
	v4 =	vadd.f32 v27, v4;
	v3 =	vadd.f32 v37, v3  }
0x295: {  	v1 =	vadd.f32 v6, v1;
	v6 =	vld [tilespmem:s13+$0x1300];
	v10 =	vadd.f32 v10, v0  }
0x296: {  	v34 =	vmul.f32 v2, v52;
	v0 =	vmul.f32 v2, v58;
	v2 =	vadd.f32 v8, v3;
	v3 =	vld [tilespmem:$0x1FF10]  }
0x297: {  	v35 =	vld [tilespmem:s13+$0x1180];
	v1 =	vadd.f32 v24, v1  }
0x298: {  	v30 =	vor.u32 s26, v16;
	v7 =	vmul.f32 v29, v39;
	v29 =	vld [tilespmem:s13+$0x1280];
	v4 =	vadd.f32 v26, v4  }
0x299: {  	v23 =	vimm.f32 $+Inf;
	v25 =	vld [tilespmem:s13+$0x1080];
	v24 =	vimm.f32 $+Inf;
	v9 =	vsub.f32 v36, v1  }
0x29a: {  	v28 =	vsub.f32 v36, v10;
	v1 =	vadd.f32 v7, v4;
	v36 =	vld [tilespmem:s13+$0x1100];
	v26 =	vmul.f32 v6, v22  }
0x29b: {  	s18 =	simm.s32 $0x20;
	s14 =	simm.s32 $0x2010;
	s15 =	simm.s32 $0x100;
	v37 =	vld [tilespmem:s13+$0x1000];
	v27 =	vmul.f32 v6, v20;
	v32 =	vmin.f32 v23, v9;
	vm0 =	veq.s32 v30, v3  }
.LBB2_12:
0x29c: {  	_ = 	snop  }
0x29d: {  	v1 =	vadd.f32 v33, v1  }
0x29e: {  	s19 =	sand.u32 $0x70, s18;
	s20 =	sand.u32 $0xC00, s15;
	v0 =	vadd.f32 v0, v2;
	v2 =	vmul.f32 v29, v17;
	v3 =	vmul.f32 v31, v62  }
0x29f: {  	v5 =	vld [tilespmem:s13+$0x1380];
	vm1 =	veq.s32 v30, v14;
	s13 =	sor.u32 s19, s20;
	v4 =	vmul.f32 v29, v63;
	v8 =	vmul.f32 v31, v61  }
0x2a0: {  	v9 =	vld [tilespmem:s13+$0x0];
	v1 =	vadd.f32 v34, v1;
	v31 =	vmul.f32 v37, v44;
	v11 =	vmul.f32 v37, v53  }
0x2a1: {  	v28 =	vmin.f32 v23, v28;
	v6 =	vld [tilespmem:s13+$0x80];
	v7 =	vmul.f32 v35, v60;
	v37 =	vmul.f32 v25, v46  }
0x2a2: {  	v0 =	vadd.f32 v31, v0;
	v1 =	vadd.f32 v11, v1;
	v11 =	vmul.f32 v25, v57  }
0x2a3: {  	v24 =	vsel vm1, v24, v32;
	v30 =	vld [tilespmem:s13+$0x1080];
	v10 =	vmul.f32 v36, v50;
	v29 =	vmul.f32 v35, v59  }
0x2a4: {  	v32 =	vld [tilespmem:s13+$0x100];
	v35 =	vmul.f32 v36, v48;
	v0 =	vadd.f32 v11, v0;
	v1 =	vadd.f32 v37, v1  }
0x2a5: {  	v23 =	vsel vm0, v23, v28;
	v31 =	vmul.f32 v5, v18;
	v11 =	vmul.f32 v9, v21  }
0x2a6: {  	v28 =	vld [tilespmem:s13+$0x180];
	v33 =	vmul.f32 v6, v43;
	v0 =	vadd.f32 v35, v0;
	v1 =	vadd.f32 v10, v1  }
0x2a7: {  	v6 =	vmul.f32 v6, v41;
	v9 =	vmul.f32 v9, v40;
	v37 =	vadd.f32 $0.0e+00, v11  }
0x2a8: {  	v36 =	vld [tilespmem:s13+$0x200];
	v5 =	vmul.f32 v5, v19;
	v0 =	vadd.f32 v29, v0;
	v1 =	vadd.f32 v7, v1  }
0x2a9: {  	v25 =	vmovc v30;
	v30 =	vmul.f32 v32, v54;
	v7 =	vadd.f32 $0.0e+00, v9;
	v6 =	vadd.f32 v6, v37  }
0x2aa: {  	v34 =	vld [tilespmem:s13+$0x280];
	v32 =	vmul.f32 v32, v45;
	v0 =	vadd.f32 v8, v0;
	v1 =	vadd.f32 v3, v1  }
0x2ab: {  	v9 =	vmul.f32 v28, v55;
	v3 =	vadd.f32 v33, v7;
	v6 =	vadd.f32 v30, v6  }
0x2ac: {  	v35 =	vmul.f32 v28, v47;
	v0 =	vadd.f32 v4, v0;
	v1 =	vadd.f32 v2, v1  }
0x2ad: {  	v7 =	vmul.f32 v36, v56;
	v2 =	vadd.f32 v32, v3;
	v3 =	vadd.f32 v9, v6;
	v6 =	vld [tilespmem:s14+$0x0]  }
0x2ae: {  	v28 =	vmul.f32 v36, v49;
	v0 =	vadd.f32 v27, v0;
	v1 =	vadd.f32 v26, v1  }
0x2af: {  	v10 =	vld [tilespmem:s13+$0x300];
	v4 =	vmul.f32 v34, v38;
	v2 =	vadd.f32 v35, v2;
	v3 =	vadd.f32 v7, v3  }
0x2b0: {  	v8 =	vld [tilespmem:s13+$0x380];
	v37 =	vadd.f32 v31, v0;
	v1 =	vadd.f32 v5, v1  }
0x2b1: {  	v9 =	vld [tilespmem:s13+$0x1300];
	v2 =	vadd.f32 v28, v2;
	v3 =	vadd.f32 v4, v3  }
0x2b2: {  	p0 =	sne.s32 s18, $0x1F0;
	v4 =	vsub.f32 v6, v37;
	v28 =	vsub.f32 v6, v1;
	v6 =	vld [tilespmem:$0x1FF10]  }
.Ltmp5:
0x2b3: {  	v29 =	vld [tilespmem:s13+$0x1280];
	v36 =	vmul.f32 v34, v39;
	(pc) =	sbr.rel @p0 .LBB2_12-.Ltmp5, $4  }
0x2b4: {  	v33 =	vmul.f32 v10, v42;
	v7 =	vmul.f32 v10, v51;
	v35 =	vld [tilespmem:s13+$0x1180]  }
0x2b5: {  	v30 =	vor.u32 s12, v16;
	v34 =	vmul.f32 v8, v52;
	v0 =	vmul.f32 v8, v58;
	v31 =	vld [tilespmem:s13+$0x1200]  }
0x2b6: {  	s17 =	smov.u32 s18;
	s16 =	sadd.s32 $0x10, s18;
	s15 =	sadd.s32 $0x80, s15;
	v26 =	vmul.f32 v9, v22;
	v27 =	vmul.f32 v9, v20;
	v1 =	vadd.f32 v36, v2;
	v36 =	vld [tilespmem:s13+$0x1100]  }
0x2b7: {  	s18 =	smov.u32 s16;
	s12 =	smov.u32 s17;
	s14 =	sadd.s32 $0x10, s14;
	v2 =	vadd.f32 v7, v3;
	v37 =	vld [tilespmem:s13+$0x1000];
	v32 =	vmin.f32 v24, v4;
	vm0 =	veq.s32 v30, v6  }
0x2b8: {  	_ =	sdelay $0x1  }
0x2b9: {  	v1 =	vadd.f32 v33, v1  }
0x2ba: {  	v0 =	vadd.f32 v0, v2  }
0x2bb: {  	v1 =	vadd.f32 v34, v1;
	v2 =	vmul.f32 v37, v44;
	v3 =	vmul.f32 v37, v53  }
0x2bc: {  	v4 =	vmul.f32 v25, v46  }
0x2bd: {  	v0 =	vadd.f32 v2, v0;
	v2 =	vmul.f32 v25, v57;
	v1 =	vadd.f32 v3, v1  }
0x2be: {  	v3 =	vmul.f32 v36, v48  }
0x2bf: {  	v0 =	vadd.f32 v2, v0;
	v2 =	vmul.f32 v36, v50;
	v1 =	vadd.f32 v4, v1  }
0x2c0: {  	v59 =	vmul.f32 v35, v59  }
0x2c1: {  	v0 =	vadd.f32 v3, v0;
	v3 =	vmul.f32 v35, v60;
	v1 =	vadd.f32 v2, v1  }
0x2c2: {  	v62 =	vmul.f32 v31, v62  }
0x2c3: {  	v2 =	vmul.f32 v31, v61;
	v0 =	vadd.f32 v59, v0;
	v1 =	vadd.f32 v3, v1  }
0x2c4: {  	v5 =	vld [tilespmem:s13+$0x1380]  }
0x2c5: {  	v0 =	vadd.f32 v2, v0;
	v2 =	vmul.f32 v29, v17;
	v1 =	vadd.f32 v62, v1  }
0x2c6: {  	v3 =	vmul.f32 v29, v63  }
0x2c7: {  	v1 =	vadd.f32 v2, v1  }
0x2c8: {  	v0 =	vadd.f32 v3, v0;
	v2 =	vld [tilespmem:s14+$0x0]  }
0x2c9: {  	v63 =	vmul.f32 v5, v19;
	v1 =	vadd.f32 v26, v1  }
0x2ca: {  	v3 =	vmul.f32 v5, v18;
	v0 =	vadd.f32 v27, v0  }
0x2cb: {  	v1 =	vadd.f32 v63, v1  }
0x2cc: {  	v0 =	vadd.f32 v3, v0  }
0x2cd: {  	v3 =	vmin.f32 v23, v28;
	v1 =	vsub.f32 v2, v1  }
0x2ce: {  	v0 =	vsub.f32 v2, v0;
	v2 =	vsel vm0, v23, v3;
	v3 =	vor.u32 s12, v16  }
0x2cf: {  	vm0 =	veq.s32 v3, v6;
	v1 =	vmin.f32 v2, v1  }
0x2d0: {  	vm1 =	veq.s32 v30, v14;
	v1 =	vsel vm0, v2, v1  }
0x2d1: {  	v32 =	vsel vm1, v24, v32;
	vm1 =	veq.s32 v3, v14;
	v3 =	vperm.xlane v1, v15;
	_ =	sdelay $0x1  }
0x2d2: {  	v0 =	vmin.f32 v32, v0;
	v1 =	vmin.f32 v1, v3;
	v3 =	vld [tilespmem:$0x1FF70]  }
0x2d3: {  	v0 =	vsel vm1, v32, v0  }
0x2d4: {  	v2 =	vperm.xlane v0, v15;
	_ =	sdelay $0x1  }
0x2d5: {  	v0 =	vmin.f32 v0, v2  }
0x2d6: {  	v2 =	vperm.xlane v0, v3;
	v3 =	vperm.xlane v1, v3;
	_ =	sdelay $0x1  }
0x2d7: {  	v1 =	vmin.f32 v1, v3;
	v3 =	vld [tilespmem:$0x1FF80];
	_ =	sdelay $0x3  }
0x2d8: {  	v0 =	vmin.f32 v0, v2  }
0x2d9: {  	v2 =	vperm.xlane v0, v3;
	_ =	sdelay $0x1  }
0x2da: {  	v2 =	vmin.f32 v0, v2;
	v0 =	vld [tilespmem:$0x1FF90];
	_ =	sdelay $0x1  }
0x2db: {  	v3 =	vperm.xlane v1, v3;
	_ =	sdelay $0x1  }
0x2dc: {  	v1 =	vmin.f32 v1, v3  }
0x2dd: {  	[tilespmem:$0x1FC80] =	vst v2;
	v2 =	vperm.xlane v2, v0;
	v0 =	vperm.xlane v1, v0;
	_ =	sdelay $0x1  }
0x2de: {  	[tilespmem:$0x1FCB0] =	vst v0;
	v0 =	vld [tilespmem:$0x1FDC0];
	_ =	sdelay $0x4  }
0x2df: {  	v21 =	vbroadcast v0, $0xA;
	v40 =	vbroadcast v0, $0xB;
	v0 =	vld [tilespmem:$0x1FDD0];
	_ =	sdelay $0x4  }
0x2e0: {  	v41 =	vbroadcast v0, $0xA;
	v43 =	vbroadcast v0, $0xB;
	v0 =	vld [tilespmem:$0x1FDE0];
	_ =	sdelay $0x4  }
0x2e1: {  	v58 =	vbroadcast v0, $0xA;
	v45 =	vbroadcast v0, $0xB;
	v0 =	vld [tilespmem:$0x1FDF0];
	_ =	sdelay $0x1  }
0x2e2: {  	[tilespmem:$0x1FCA0] =	vst v1;
	v1 =	vld [tilespmem:$0x1FE10];
	_ =	sdelay $0x1  }
0x2e3: {  	[tilespmem:$0x1FC90] =	vst v2;
	v2 =	vld [tilespmem:$0x1FE30]  }
0x2e4: {  	v59 =	vbroadcast v0, $0xA;
	v47 =	vbroadcast v0, $0xB;
	v0 =	vld [tilespmem:$0x1FE00]  }
0x2e5: {  	v33 =	vld [tilespmem:$0x1FE50]  }
0x2e6: {  	s26 =	simm.s32 $0x0;
	v38 =	vbroadcast v1, $0xA;
	v39 =	vbroadcast v1, $0xB;
	v1 =	vld [tilespmem:$0x1FE20]  }
0x2e7: {  	v8 =	vld [tilespmem:$0x1FE70];
	s28 =	sand.u32 $0x70, s26;
	s29 =	sand.u32 $0xC00, s26  }
0x2e8: {  	s15 =	sor.u32 s28, s29;
	v55 =	vbroadcast v2, $0xA;
	v52 =	vbroadcast v2, $0xB;
	v2 =	vld [tilespmem:$0x1FE40]  }
0x2e9: {  	v60 =	vbroadcast v0, $0xA;
	v49 =	vbroadcast v0, $0xB;
	v0 =	vld [tilespmem:s15+$0x0]  }
0x2ea: {  	v9 =	vld [tilespmem:$0x1FE90]  }
0x2eb: {  	v51 =	vbroadcast v1, $0xA;
	v42 =	vbroadcast v1, $0xB;
	v1 =	vld [tilespmem:s15+$0x80]  }
0x2ec: {  	v10 =	vld [tilespmem:$0x1FEB0]  }
0x2ed: {  	v44 =	vbroadcast v2, $0xA;
	v53 =	vbroadcast v2, $0xB;
	v2 =	vld [tilespmem:s15+$0x100]  }
0x2ee: {  	v34 =	vld [tilespmem:s15+$0x180];
	v46 =	vbroadcast v33, $0xB;
	v3 =	vmul.f32 v0, v21  }
0x2ef: {  	v37 =	vld [tilespmem:s15+$0x200];
	v57 =	vbroadcast v8, $0xA;
	v0 =	vmul.f32 v0, v40  }
0x2f0: {  	v61 =	vbroadcast v33, $0xA;
	v35 =	vld [tilespmem:$0x1FE60];
	v36 =	vmul.f32 v1, v41;
	v3 =	vadd.f32 $0.0e+00, v3  }
0x2f1: {  	v62 =	vbroadcast v8, $0xB;
	v8 =	vld [tilespmem:$0x1FE80];
	v1 =	vmul.f32 v1, v43;
	v0 =	vadd.f32 $0.0e+00, v0  }
0x2f2: {  	v19 =	vbroadcast v10, $0xB;
	v7 =	vmul.f32 v2, v58;
	v3 =	vadd.f32 v36, v3  }
0x2f3: {  	v17 =	vbroadcast v9, $0xB;
	v32 =	vld [tilespmem:s15+$0x280];
	v2 =	vmul.f32 v2, v45;
	v0 =	vadd.f32 v1, v0  }
0x2f4: {  	v63 =	vbroadcast v9, $0xA;
	v9 =	vld [tilespmem:$0x1FEA0];
	v1 =	vmul.f32 v34, v59;
	v3 =	vadd.f32 v7, v3  }
0x2f5: {  	v33 =	vld [tilespmem:s15+$0x300];
	v48 =	vbroadcast v35, $0xA;
	v4 =	vmul.f32 v34, v47;
	v0 =	vadd.f32 v2, v0  }
0x2f6: {  	v54 =	vbroadcast v8, $0xA;
	v2 =	vmul.f32 v37, v60;
	v1 =	vadd.f32 v1, v3  }
0x2f7: {  	v56 =	vbroadcast v8, $0xB;
	v8 =	vld [tilespmem:s15+$0x380];
	v3 =	vmul.f32 v37, v49;
	v0 =	vadd.f32 v4, v0  }
0x2f8: {  	v50 =	vbroadcast v35, $0xB;
	v35 =	vmul.f32 v32, v38;
	v1 =	vadd.f32 v2, v1  }
0x2f9: {  	v20 =	vbroadcast v9, $0xA;
	v5 =	vmul.f32 v32, v39;
	v36 =	vld [tilespmem:s15+$0x1000];
	v0 =	vadd.f32 v3, v0  }
0x2fa: {  	v22 =	vbroadcast v9, $0xB;
	v9 =	vmul.f32 v33, v51;
	v34 =	vld [tilespmem:s15+$0x1300];
	v1 =	vadd.f32 v35, v1  }
0x2fb: {  	v18 =	vbroadcast v10, $0xA;
	v10 =	vld [tilespmem:s15+$0x1080];
	v7 =	vmul.f32 v33, v42;
	v0 =	vadd.f32 v5, v0  }
0x2fc: {  	s30 =	simm.s32 $0x80;
	s12 =	simm.s32 $0x10;
	v37 =	vmul.f32 v8, v52;
	v8 =	vmul.f32 v8, v55;
	v1 =	vadd.f32 v9, v1  }
0x2fd: {  	s13 =	sand.u32 $0xC00, s30;
	s16 =	sand.u32 $0x70, s12;
	v9 =	vld [tilespmem:s15+$0x1100];
	v0 =	vadd.f32 v7, v0  }
0x2fe: {  	v24 =	vld [tilespmem:s15+$0x1180];
	s13 =	sor.u32 s16, s13;
	v23 =	vmul.f32 v36, v44;
	v1 =	vadd.f32 v8, v1  }
0x2ff: {  	v33 =	vld [tilespmem:s13+$0x0];
	v25 =	vmul.f32 v34, v22;
	v4 =	vmul.f32 v36, v53;
	v0 =	vadd.f32 v37, v0  }
0x300: {  	v6 =	vmul.f32 v34, v20;
	v34 =	vmul.f32 v10, v61;
	v3 =	vld [tilespmem:s15+$0x1200];
	v1 =	vadd.f32 v23, v1  }
0x301: {  	v26 =	vmul.f32 v10, v46;
	v27 =	vld [tilespmem:s13+$0x80];
	v0 =	vadd.f32 v4, v0  }
0x302: {  	v29 =	vmul.f32 v9, v50;
	v9 =	vmul.f32 v9, v48;
	v1 =	vadd.f32 v34, v1  }
0x303: {  	v28 =	vmul.f32 v24, v62;
	v24 =	vmul.f32 v24, v57;
	v35 =	vld [tilespmem:s13+$0x100];
	v0 =	vadd.f32 v26, v0  }
0x304: {  	v2 =	vld [tilespmem:s15+$0x1280];
	v5 =	vmul.f32 v33, v40;
	v26 =	vmul.f32 v33, v21;
	v1 =	vadd.f32 v9, v1  }
0x305: {  	v8 =	vmul.f32 v3, v56;
	v3 =	vmul.f32 v3, v54;
	v0 =	vadd.f32 v29, v0;
	v9 =	vld [tilespmem:s13+$0x180]  }
0x306: {  	v29 =	vmul.f32 v27, v41;
	v26 =	vadd.f32 $0.0e+00, v26;
	v1 =	vadd.f32 v24, v1  }
0x307: {  	v5 =	vadd.f32 $0.0e+00, v5;
	v27 =	vmul.f32 v27, v43;
	v0 =	vadd.f32 v28, v0;
	v28 =	vld [tilespmem:s13+$0x200]  }
0x308: {  	v10 =	vld [tilespmem:s15+$0x1380];
	v26 =	vadd.f32 v29, v26;
	v1 =	vadd.f32 v3, v1;
	v3 =	vmul.f32 v35, v58  }
0x309: {  	v32 =	vmul.f32 v2, v17;
	v4 =	vmul.f32 v35, v45;
	v29 =	vld [tilespmem:s13+$0x280];
	v5 =	vadd.f32 v27, v5  }
0x30a: {  	v27 =	vmul.f32 v9, v47;
	v9 =	vmul.f32 v9, v59;
	v3 =	vadd.f32 v3, v26  }
0x30b: {  	v2 =	vmul.f32 v2, v63;
	v0 =	vadd.f32 v8, v0;
	v8 =	vld [tilespmem:s13+$0x300];
	v4 =	vadd.f32 v4, v5  }
0x30c: {  	v26 =	vmul.f32 v28, v49;
	v28 =	vmul.f32 v28, v60;
	v3 =	vadd.f32 v9, v3  }
0x30d: {  	v1 =	vadd.f32 v2, v1;
	v2 =	vld [tilespmem:s13+$0x380];
	v0 =	vadd.f32 v32, v0  }
0x30e: {  	v11 =	vld [tilespmem:$0x1FF20];
	v24 =	vmul.f32 v10, v18;
	v9 =	vmul.f32 v29, v38;
	v3 =	vadd.f32 v28, v3  }
0x30f: {  	s31 =	simm.s32 $0x2000;
	v31 =	vld [tilespmem:s13+$0x1200];
	v10 =	vmul.f32 v10, v19;
	v4 =	vadd.f32 v27, v4;
	v0 =	vadd.f32 v25, v0  }
0x310: {  	v37 =	vld [tilespmem:s31+$0x0];
	v33 =	vmul.f32 v8, v42;
	v8 =	vmul.f32 v8, v51;
	v3 =	vadd.f32 v9, v3  }
0x311: {  	v1 =	vadd.f32 v6, v1;
	v6 =	vld [tilespmem:s13+$0x1300];
	v10 =	vadd.f32 v10, v0  }
0x312: {  	v34 =	vmul.f32 v2, v52;
	v0 =	vmul.f32 v2, v55;
	v2 =	vadd.f32 v8, v3;
	v3 =	vld [tilespmem:$0x1FF30]  }
0x313: {  	v35 =	vld [tilespmem:s13+$0x1180];
	v1 =	vadd.f32 v24, v1  }
0x314: {  	v30 =	vor.u32 s26, v16;
	v36 =	vmul.f32 v29, v39;
	v25 =	vld [tilespmem:s13+$0x1080];
	v4 =	vadd.f32 v26, v4  }
0x315: {  	v23 =	vimm.f32 $+Inf;
	v29 =	vld [tilespmem:s13+$0x1280];
	v24 =	vimm.f32 $+Inf;
	v9 =	vsub.f32 v37, v1  }
0x316: {  	v28 =	vsub.f32 v37, v10;
	v1 =	vadd.f32 v36, v4;
	v36 =	vld [tilespmem:s13+$0x1100];
	v26 =	vmul.f32 v6, v22  }
0x317: {  	s18 =	simm.s32 $0x20;
	s14 =	simm.s32 $0x2010;
	s15 =	simm.s32 $0x100;
	v37 =	vld [tilespmem:s13+$0x1000];
	v27 =	vmul.f32 v6, v20;
	v32 =	vmin.f32 v23, v9;
	vm0 =	veq.s32 v30, v3  }
.LBB2_14:
0x318: {  	_ =	sdelay $0x1  }
0x319: {  	v13 =	vmul.f32 v25, v61;
	v1 =	vadd.f32 v33, v1  }
0x31a: {  	s19 =	sand.u32 $0x70, s18;
	s20 =	sand.u32 $0xC00, s15;
	v0 =	vadd.f32 v0, v2;
	v2 =	vmul.f32 v29, v17;
	v3 =	vmul.f32 v31, v56  }
0x31b: {  	v5 =	vld [tilespmem:s13+$0x1380];
	vm1 =	veq.s32 v30, v11;
	s13 =	sor.u32 s19, s20;
	v4 =	vmul.f32 v29, v63;
	v8 =	vmul.f32 v31, v54  }
0x31c: {  	v9 =	vld [tilespmem:s13+$0x0];
	v1 =	vadd.f32 v34, v1;
	v31 =	vmul.f32 v37, v44;
	v33 =	vmul.f32 v37, v53  }
0x31d: {  	v28 =	vmin.f32 v23, v28;
	v6 =	vld [tilespmem:s13+$0x80];
	v7 =	vmul.f32 v35, v62;
	v10 =	vmul.f32 v36, v50  }
0x31e: {  	v30 =	vld [tilespmem:s13+$0x1080];
	v37 =	vmul.f32 v25, v46;
	v0 =	vadd.f32 v31, v0;
	v1 =	vadd.f32 v33, v1  }
0x31f: {  	v24 =	vsel vm1, v24, v32;
	v32 =	vld [tilespmem:s13+$0x100];
	v29 =	vmul.f32 v35, v57;
	v35 =	vmul.f32 v36, v48  }
0x320: {  	v31 =	vmul.f32 v5, v18;
	v0 =	vadd.f32 v13, v0;
	v1 =	vadd.f32 v37, v1  }
0x321: {  	v23 =	vsel vm0, v23, v28;
	v28 =	vld [tilespmem:s13+$0x180];
	v5 =	vmul.f32 v5, v19;
	v34 =	vmul.f32 v9, v21  }
0x322: {  	v33 =	vmul.f32 v6, v43;
	v0 =	vadd.f32 v35, v0;
	v1 =	vadd.f32 v10, v1  }
0x323: {  	v36 =	vld [tilespmem:s13+$0x200];
	v6 =	vmul.f32 v6, v41;
	v9 =	vmul.f32 v9, v40;
	v10 =	vadd.f32 $0.0e+00, v34  }
0x324: {  	v25 =	vmovc v30;
	v30 =	vmul.f32 v32, v58;
	v0 =	vadd.f32 v29, v0;
	v1 =	vadd.f32 v7, v1  }
0x325: {  	v32 =	vmul.f32 v32, v45;
	v34 =	vld [tilespmem:s13+$0x280];
	v7 =	vadd.f32 $0.0e+00, v9;
	v6 =	vadd.f32 v6, v10  }
0x326: {  	v35 =	vmul.f32 v28, v47;
	v10 =	vld [tilespmem:s13+$0x300];
	v0 =	vadd.f32 v8, v0;
	v1 =	vadd.f32 v3, v1  }
0x327: {  	v9 =	vmul.f32 v28, v59;
	v3 =	vadd.f32 v33, v7;
	v6 =	vadd.f32 v30, v6  }
0x328: {  	v28 =	vmul.f32 v36, v49;
	v0 =	vadd.f32 v4, v0;
	v1 =	vadd.f32 v2, v1  }
0x329: {  	v7 =	vmul.f32 v36, v60;
	v2 =	vadd.f32 v32, v3;
	v3 =	vadd.f32 v9, v6;
	v6 =	vld [tilespmem:s14+$0x0]  }
0x32a: {  	v4 =	vmul.f32 v34, v38;
	v0 =	vadd.f32 v27, v0;
	v1 =	vadd.f32 v26, v1  }
0x32b: {  	v33 =	vmul.f32 v10, v42;
	v2 =	vadd.f32 v35, v2;
	v3 =	vadd.f32 v7, v3  }
0x32c: {  	v8 =	vld [tilespmem:s13+$0x380];
	v7 =	vmul.f32 v10, v51;
	v10 =	vadd.f32 v31, v0;
	v1 =	vadd.f32 v5, v1  }
0x32d: {  	v9 =	vld [tilespmem:s13+$0x1300];
	v2 =	vadd.f32 v28, v2;
	v3 =	vadd.f32 v4, v3  }
0x32e: {  	p0 =	sne.s32 s18, $0x1F0;
	v4 =	vsub.f32 v6, v10;
	v28 =	vsub.f32 v6, v1;
	v6 =	vld [tilespmem:$0x1FF30]  }
.Ltmp6:
0x32f: {  	v37 =	vld [tilespmem:s13+$0x1000];
	(pc) =	sbr.rel @p0 .LBB2_14-.Ltmp6, $4  }
0x330: {  	v29 =	vld [tilespmem:s13+$0x1280];
	v36 =	vmul.f32 v34, v39  }
0x331: {  	v30 =	vor.u32 s12, v16;
	v35 =	vld [tilespmem:s13+$0x1180];
	v34 =	vmul.f32 v8, v52;
	v0 =	vmul.f32 v8, v55  }
0x332: {  	s17 =	smov.u32 s18;
	s16 =	sadd.s32 $0x10, s18;
	s15 =	sadd.s32 $0x80, s15;
	v31 =	vld [tilespmem:s13+$0x1200];
	v26 =	vmul.f32 v9, v22;
	v27 =	vmul.f32 v9, v20;
	v1 =	vadd.f32 v36, v2  }
0x333: {  	s18 =	smov.u32 s16;
	s12 =	smov.u32 s17;
	s14 =	sadd.s32 $0x10, s14;
	v2 =	vadd.f32 v7, v3;
	v36 =	vld [tilespmem:s13+$0x1100];
	v32 =	vmin.f32 v24, v4;
	vm0 =	veq.s32 v30, v6  }
0x334: {  	v1 =	vadd.f32 v33, v1  }
0x335: {  	v3 =	vmul.f32 v37, v53  }
0x336: {  	v0 =	vadd.f32 v0, v2;
	v2 =	vmul.f32 v37, v44;
	v1 =	vadd.f32 v34, v1  }
0x337: {  	v4 =	vmul.f32 v25, v46  }
0x338: {  	v0 =	vadd.f32 v2, v0;
	v2 =	vmul.f32 v25, v61;
	v1 =	vadd.f32 v3, v1  }
0x339: {  	v3 =	vmul.f32 v36, v48  }
0x33a: {  	v0 =	vadd.f32 v2, v0;
	v2 =	vmul.f32 v36, v50;
	v1 =	vadd.f32 v4, v1  }
0x33b: {  	v61 =	vmul.f32 v35, v57  }
0x33c: {  	v0 =	vadd.f32 v3, v0;
	v3 =	vmul.f32 v35, v62;
	v1 =	vadd.f32 v2, v1  }
0x33d: {  	v62 =	vmul.f32 v31, v56  }
0x33e: {  	v2 =	vmul.f32 v31, v54;
	v0 =	vadd.f32 v61, v0;
	v1 =	vadd.f32 v3, v1  }
0x33f: {  	v5 =	vld [tilespmem:s13+$0x1380]  }
0x340: {  	v0 =	vadd.f32 v2, v0;
	v2 =	vmul.f32 v29, v17;
	v1 =	vadd.f32 v62, v1  }
0x341: {  	v3 =	vmul.f32 v29, v63  }
0x342: {  	v1 =	vadd.f32 v2, v1  }
0x343: {  	v0 =	vadd.f32 v3, v0;
	v2 =	vld [tilespmem:s14+$0x0]  }
0x344: {  	v63 =	vmul.f32 v5, v19;
	v1 =	vadd.f32 v26, v1  }
0x345: {  	v3 =	vmul.f32 v5, v18;
	v0 =	vadd.f32 v27, v0  }
0x346: {  	v1 =	vadd.f32 v63, v1  }
0x347: {  	v0 =	vadd.f32 v3, v0  }
0x348: {  	v3 =	vmin.f32 v23, v28;
	v1 =	vsub.f32 v2, v1  }
0x349: {  	v0 =	vsub.f32 v2, v0;
	v2 =	vsel vm0, v23, v3;
	v3 =	vor.u32 s12, v16  }
0x34a: {  	vm0 =	veq.s32 v3, v6;
	v1 =	vmin.f32 v2, v1  }
0x34b: {  	vm1 =	veq.s32 v30, v11;
	v1 =	vsel vm0, v2, v1  }
0x34c: {  	v32 =	vsel vm1, v24, v32;
	vm1 =	veq.s32 v3, v11;
	v3 =	vperm.xlane v1, v15;
	_ =	sdelay $0x1  }
0x34d: {  	v0 =	vmin.f32 v32, v0;
	v1 =	vmin.f32 v1, v3;
	v3 =	vld [tilespmem:$0x1FF70]  }
0x34e: {  	v0 =	vsel vm1, v32, v0  }
0x34f: {  	v2 =	vperm.xlane v0, v15;
	_ =	sdelay $0x1  }
0x350: {  	v0 =	vmin.f32 v0, v2  }
0x351: {  	v2 =	vperm.xlane v0, v3;
	v3 =	vperm.xlane v1, v3;
	_ =	sdelay $0x1  }
0x352: {  	v1 =	vmin.f32 v1, v3;
	v3 =	vld [tilespmem:$0x1FF80];
	_ =	sdelay $0x3  }
0x353: {  	v0 =	vmin.f32 v0, v2  }
0x354: {  	v2 =	vperm.xlane v0, v3;
	_ =	sdelay $0x1  }
0x355: {  	v2 =	vmin.f32 v0, v2;
	v0 =	vld [tilespmem:$0x1FF90];
	_ =	sdelay $0x1  }
0x356: {  	v3 =	vperm.xlane v1, v3;
	_ =	sdelay $0x1  }
0x357: {  	v1 =	vmin.f32 v1, v3  }
0x358: {  	[tilespmem:$0x1FC40] =	vst v2;
	v2 =	vperm.xlane v2, v0;
	v0 =	vperm.xlane v1, v0;
	_ =	sdelay $0x1  }
0x359: {  	[tilespmem:$0x1FC70] =	vst v0;
	v0 =	vld [tilespmem:$0x1FDC0];
	_ =	sdelay $0x4  }
0x35a: {  	v21 =	vbroadcast v0, $0xC;
	v40 =	vbroadcast v0, $0xD;
	v0 =	vld [tilespmem:$0x1FDD0];
	_ =	sdelay $0x4  }
0x35b: {  	v41 =	vbroadcast v0, $0xC;
	v43 =	vbroadcast v0, $0xD;
	v0 =	vld [tilespmem:$0x1FDE0];
	_ =	sdelay $0x4  }
0x35c: {  	v62 =	vbroadcast v0, $0xC;
	v45 =	vbroadcast v0, $0xD;
	v0 =	vld [tilespmem:$0x1FDF0];
	_ =	sdelay $0x1  }
0x35d: {  	[tilespmem:$0x1FC60] =	vst v1;
	v1 =	vld [tilespmem:$0x1FE10];
	_ =	sdelay $0x1  }
0x35e: {  	[tilespmem:$0x1FC50] =	vst v2;
	v2 =	vld [tilespmem:$0x1FE30]  }
0x35f: {  	v63 =	vbroadcast v0, $0xC;
	v47 =	vbroadcast v0, $0xD;
	v0 =	vld [tilespmem:$0x1FE00]  }
0x360: {  	v33 =	vld [tilespmem:$0x1FE50]  }
0x361: {  	s26 =	simm.s32 $0x0;
	v39 =	vbroadcast v1, $0xC;
	v51 =	vbroadcast v1, $0xD;
	v1 =	vld [tilespmem:$0x1FE20]  }
0x362: {  	v8 =	vld [tilespmem:$0x1FE70];
	s28 =	sand.u32 $0x70, s26;
	s29 =	sand.u32 $0xC00, s26  }
0x363: {  	s15 =	sor.u32 s28, s29;
	v50 =	vbroadcast v2, $0xC;
	v59 =	vbroadcast v2, $0xD;
	v2 =	vld [tilespmem:$0x1FE40]  }
0x364: {  	v49 =	vbroadcast v0, $0xC;
	v38 =	vbroadcast v0, $0xD;
	v0 =	vld [tilespmem:s15+$0x0]  }
0x365: {  	v9 =	vld [tilespmem:$0x1FE90]  }
0x366: {  	v53 =	vbroadcast v1, $0xC;
	v46 =	vbroadcast v1, $0xD;
	v1 =	vld [tilespmem:s15+$0x80]  }
0x367: {  	v10 =	vld [tilespmem:$0x1FEB0]  }
0x368: {  	v48 =	vbroadcast v2, $0xC;
	v42 =	vbroadcast v2, $0xD;
	v2 =	vld [tilespmem:s15+$0x100]  }
0x369: {  	v34 =	vld [tilespmem:s15+$0x180];
	v44 =	vbroadcast v33, $0xC;
	v3 =	vmul.f32 v0, v21  }
0x36a: {  	v37 =	vld [tilespmem:s15+$0x200];
	v55 =	vbroadcast v33, $0xD;
	v0 =	vmul.f32 v0, v40  }
0x36b: {  	v35 =	vld [tilespmem:$0x1FE60];
	v54 =	vbroadcast v8, $0xD;
	v36 =	vmul.f32 v1, v41;
	v3 =	vadd.f32 $0.0e+00, v3  }
0x36c: {  	v61 =	vbroadcast v8, $0xC;
	v8 =	vld [tilespmem:$0x1FE80];
	v1 =	vmul.f32 v1, v43;
	v0 =	vadd.f32 $0.0e+00, v0  }
0x36d: {  	v60 =	vbroadcast v9, $0xC;
	v7 =	vmul.f32 v2, v62;
	v3 =	vadd.f32 v36, v3  }
0x36e: {  	v19 =	vbroadcast v10, $0xD;
	v32 =	vld [tilespmem:s15+$0x280];
	v2 =	vmul.f32 v2, v45;
	v0 =	vadd.f32 v1, v0  }
0x36f: {  	v17 =	vbroadcast v9, $0xD;
	v9 =	vld [tilespmem:$0x1FEA0];
	v1 =	vmul.f32 v34, v63;
	v3 =	vadd.f32 v7, v3  }
0x370: {  	v33 =	vld [tilespmem:s15+$0x300];
	v57 =	vbroadcast v35, $0xC;
	v4 =	vmul.f32 v34, v47;
	v0 =	vadd.f32 v2, v0  }
0x371: {  	v56 =	vbroadcast v8, $0xC;
	v2 =	vmul.f32 v37, v49;
	v1 =	vadd.f32 v1, v3  }
0x372: {  	v58 =	vbroadcast v8, $0xD;
	v8 =	vld [tilespmem:s15+$0x380];
	v3 =	vmul.f32 v37, v38;
	v0 =	vadd.f32 v4, v0  }
0x373: {  	v52 =	vbroadcast v35, $0xD;
	v35 =	vmul.f32 v32, v39;
	v1 =	vadd.f32 v2, v1  }
0x374: {  	v20 =	vbroadcast v9, $0xC;
	v5 =	vmul.f32 v32, v51;
	v36 =	vld [tilespmem:s15+$0x1000];
	v0 =	vadd.f32 v3, v0  }
0x375: {  	v22 =	vbroadcast v9, $0xD;
	v9 =	vmul.f32 v33, v53;
	v34 =	vld [tilespmem:s15+$0x1300];
	v1 =	vadd.f32 v35, v1  }
0x376: {  	v18 =	vbroadcast v10, $0xC;
	v10 =	vld [tilespmem:s15+$0x1080];
	v7 =	vmul.f32 v33, v46;
	v0 =	vadd.f32 v5, v0  }
0x377: {  	s30 =	simm.s32 $0x80;
	s12 =	simm.s32 $0x10;
	v37 =	vmul.f32 v8, v59;
	v8 =	vmul.f32 v8, v50;
	v1 =	vadd.f32 v9, v1  }
0x378: {  	s13 =	sand.u32 $0xC00, s30;
	s16 =	sand.u32 $0x70, s12;
	v9 =	vld [tilespmem:s15+$0x1100];
	v0 =	vadd.f32 v7, v0  }
0x379: {  	v24 =	vld [tilespmem:s15+$0x1180];
	s13 =	sor.u32 s16, s13;
	v23 =	vmul.f32 v36, v48;
	v1 =	vadd.f32 v8, v1  }
0x37a: {  	v33 =	vld [tilespmem:s13+$0x0];
	v25 =	vmul.f32 v34, v22;
	v4 =	vmul.f32 v36, v42;
	v0 =	vadd.f32 v37, v0  }
0x37b: {  	v6 =	vmul.f32 v34, v20;
	v34 =	vmul.f32 v10, v44;
	v3 =	vld [tilespmem:s15+$0x1200];
	v1 =	vadd.f32 v23, v1  }
0x37c: {  	v26 =	vmul.f32 v10, v55;
	v27 =	vld [tilespmem:s13+$0x80];
	v0 =	vadd.f32 v4, v0  }
0x37d: {  	v29 =	vmul.f32 v9, v52;
	v9 =	vmul.f32 v9, v57;
	v1 =	vadd.f32 v34, v1  }
0x37e: {  	v28 =	vmul.f32 v24, v54;
	v24 =	vmul.f32 v24, v61;
	v35 =	vld [tilespmem:s13+$0x100];
	v0 =	vadd.f32 v26, v0  }
0x37f: {  	v2 =	vld [tilespmem:s15+$0x1280];
	v5 =	vmul.f32 v33, v40;
	v26 =	vmul.f32 v33, v21;
	v1 =	vadd.f32 v9, v1  }
0x380: {  	v8 =	vmul.f32 v3, v58;
	v3 =	vmul.f32 v3, v56;
	v0 =	vadd.f32 v29, v0;
	v9 =	vld [tilespmem:s13+$0x180]  }
0x381: {  	v29 =	vmul.f32 v27, v41;
	v26 =	vadd.f32 $0.0e+00, v26;
	v1 =	vadd.f32 v24, v1  }
0x382: {  	v5 =	vadd.f32 $0.0e+00, v5;
	v27 =	vmul.f32 v27, v43;
	v0 =	vadd.f32 v28, v0;
	v28 =	vld [tilespmem:s13+$0x200]  }
0x383: {  	v10 =	vld [tilespmem:s15+$0x1380];
	v26 =	vadd.f32 v29, v26;
	v1 =	vadd.f32 v3, v1;
	v3 =	vmul.f32 v35, v62  }
0x384: {  	v32 =	vmul.f32 v2, v17;
	v4 =	vmul.f32 v35, v45;
	v29 =	vld [tilespmem:s13+$0x280];
	v5 =	vadd.f32 v27, v5  }
0x385: {  	v27 =	vmul.f32 v9, v47;
	v9 =	vmul.f32 v9, v63;
	v3 =	vadd.f32 v3, v26  }
0x386: {  	v2 =	vmul.f32 v2, v60;
	v0 =	vadd.f32 v8, v0;
	v8 =	vld [tilespmem:s13+$0x300];
	v4 =	vadd.f32 v4, v5  }
0x387: {  	v26 =	vmul.f32 v28, v38;
	v28 =	vmul.f32 v28, v49;
	v3 =	vadd.f32 v9, v3  }
0x388: {  	v1 =	vadd.f32 v2, v1;
	v2 =	vld [tilespmem:s13+$0x380];
	v0 =	vadd.f32 v32, v0  }
0x389: {  	v11 =	vld [tilespmem:$0x1FF40];
	v24 =	vmul.f32 v10, v18;
	v9 =	vmul.f32 v29, v39;
	v3 =	vadd.f32 v28, v3  }
0x38a: {  	s31 =	simm.s32 $0x2000;
	v31 =	vld [tilespmem:s13+$0x1200];
	v10 =	vmul.f32 v10, v19;
	v4 =	vadd.f32 v27, v4;
	v0 =	vadd.f32 v25, v0  }
0x38b: {  	v37 =	vld [tilespmem:s31+$0x0];
	v33 =	vmul.f32 v8, v46;
	v8 =	vmul.f32 v8, v53;
	v3 =	vadd.f32 v9, v3  }
0x38c: {  	v1 =	vadd.f32 v6, v1;
	v6 =	vld [tilespmem:s13+$0x1300];
	v10 =	vadd.f32 v10, v0  }
0x38d: {  	v34 =	vmul.f32 v2, v59;
	v0 =	vmul.f32 v2, v50;
	v2 =	vadd.f32 v8, v3;
	v3 =	vld [tilespmem:$0x1FF50]  }
0x38e: {  	v35 =	vld [tilespmem:s13+$0x1180];
	v1 =	vadd.f32 v24, v1  }
0x38f: {  	v30 =	vor.u32 s26, v16;
	v36 =	vmul.f32 v29, v51;
	v25 =	vld [tilespmem:s13+$0x1080];
	v4 =	vadd.f32 v26, v4  }
0x390: {  	v23 =	vimm.f32 $+Inf;
	v29 =	vld [tilespmem:s13+$0x1280];
	v24 =	vimm.f32 $+Inf;
	v9 =	vsub.f32 v37, v1  }
0x391: {  	v28 =	vsub.f32 v37, v10;
	v1 =	vadd.f32 v36, v4;
	v36 =	vld [tilespmem:s13+$0x1100];
	v26 =	vmul.f32 v6, v22  }
0x392: {  	s18 =	simm.s32 $0x20;
	s14 =	simm.s32 $0x2010;
	s15 =	simm.s32 $0x100;
	v37 =	vld [tilespmem:s13+$0x1000];
	v27 =	vmul.f32 v6, v20;
	v32 =	vmin.f32 v23, v9;
	vm0 =	veq.s32 v30, v3  }
.LBB2_16:
0x393: {  	_ =	sdelay $0x1  }
0x394: {  	v13 =	vmul.f32 v25, v44;
	v1 =	vadd.f32 v33, v1  }
0x395: {  	s19 =	sand.u32 $0x70, s18;
	s20 =	sand.u32 $0xC00, s15;
	v0 =	vadd.f32 v0, v2;
	v2 =	vmul.f32 v29, v17;
	v3 =	vmul.f32 v31, v58  }
0x396: {  	v5 =	vld [tilespmem:s13+$0x1380];
	vm1 =	veq.s32 v30, v11;
	s13 =	sor.u32 s19, s20;
	v4 =	vmul.f32 v29, v60;
	v8 =	vmul.f32 v31, v56  }
0x397: {  	v9 =	vld [tilespmem:s13+$0x0];
	v1 =	vadd.f32 v34, v1;
	v31 =	vmul.f32 v37, v48;
	v33 =	vmul.f32 v37, v42  }
0x398: {  	v28 =	vmin.f32 v23, v28;
	v6 =	vld [tilespmem:s13+$0x80];
	v7 =	vmul.f32 v35, v54;
	v10 =	vmul.f32 v36, v52  }
0x399: {  	v30 =	vld [tilespmem:s13+$0x1080];
	v37 =	vmul.f32 v25, v55;
	v0 =	vadd.f32 v31, v0;
	v1 =	vadd.f32 v33, v1  }
0x39a: {  	v24 =	vsel vm1, v24, v32;
	v32 =	vld [tilespmem:s13+$0x100];
	v29 =	vmul.f32 v35, v61;
	v35 =	vmul.f32 v36, v57  }
0x39b: {  	v31 =	vmul.f32 v5, v18;
	v0 =	vadd.f32 v13, v0;
	v1 =	vadd.f32 v37, v1  }
0x39c: {  	v23 =	vsel vm0, v23, v28;
	v28 =	vld [tilespmem:s13+$0x180];
	v5 =	vmul.f32 v5, v19;
	v34 =	vmul.f32 v9, v21  }
0x39d: {  	v33 =	vmul.f32 v6, v43;
	v0 =	vadd.f32 v35, v0;
	v1 =	vadd.f32 v10, v1  }
0x39e: {  	v36 =	vld [tilespmem:s13+$0x200];
	v6 =	vmul.f32 v6, v41;
	v9 =	vmul.f32 v9, v40;
	v10 =	vadd.f32 $0.0e+00, v34  }
0x39f: {  	v25 =	vmovc v30;
	v30 =	vmul.f32 v32, v62;
	v0 =	vadd.f32 v29, v0;
	v1 =	vadd.f32 v7, v1  }
0x3a0: {  	v32 =	vmul.f32 v32, v45;
	v34 =	vld [tilespmem:s13+$0x280];
	v7 =	vadd.f32 $0.0e+00, v9;
	v6 =	vadd.f32 v6, v10  }
0x3a1: {  	v35 =	vmul.f32 v28, v47;
	v10 =	vld [tilespmem:s13+$0x300];
	v0 =	vadd.f32 v8, v0;
	v1 =	vadd.f32 v3, v1  }
0x3a2: {  	v9 =	vmul.f32 v28, v63;
	v3 =	vadd.f32 v33, v7;
	v6 =	vadd.f32 v30, v6  }
0x3a3: {  	v28 =	vmul.f32 v36, v38;
	v0 =	vadd.f32 v4, v0;
	v1 =	vadd.f32 v2, v1  }
0x3a4: {  	v7 =	vmul.f32 v36, v49;
	v2 =	vadd.f32 v32, v3;
	v3 =	vadd.f32 v9, v6;
	v6 =	vld [tilespmem:s14+$0x0]  }
0x3a5: {  	v4 =	vmul.f32 v34, v39;
	v0 =	vadd.f32 v27, v0;
	v1 =	vadd.f32 v26, v1  }
0x3a6: {  	v33 =	vmul.f32 v10, v46;
	v2 =	vadd.f32 v35, v2;
	v3 =	vadd.f32 v7, v3  }
0x3a7: {  	v8 =	vld [tilespmem:s13+$0x380];
	v7 =	vmul.f32 v10, v53;
	v10 =	vadd.f32 v31, v0;
	v1 =	vadd.f32 v5, v1  }
0x3a8: {  	v9 =	vld [tilespmem:s13+$0x1300];
	v2 =	vadd.f32 v28, v2;
	v3 =	vadd.f32 v4, v3  }
0x3a9: {  	p0 =	sne.s32 s18, $0x1F0;
	v4 =	vsub.f32 v6, v10;
	v28 =	vsub.f32 v6, v1;
	v6 =	vld [tilespmem:$0x1FF50]  }
.Ltmp7:
0x3aa: {  	v37 =	vld [tilespmem:s13+$0x1000];
	(pc) =	sbr.rel @p0 .LBB2_16-.Ltmp7, $4  }
0x3ab: {  	v29 =	vld [tilespmem:s13+$0x1280];
	v36 =	vmul.f32 v34, v51  }
0x3ac: {  	v30 =	vor.u32 s12, v16;
	v35 =	vld [tilespmem:s13+$0x1180];
	v34 =	vmul.f32 v8, v59;
	v0 =	vmul.f32 v8, v50  }
0x3ad: {  	s17 =	smov.u32 s18;
	s16 =	sadd.s32 $0x10, s18;
	s15 =	sadd.s32 $0x80, s15;
	v31 =	vld [tilespmem:s13+$0x1200];
	v26 =	vmul.f32 v9, v22;
	v27 =	vmul.f32 v9, v20;
	v1 =	vadd.f32 v36, v2  }
0x3ae: {  	s18 =	smov.u32 s16;
	s12 =	smov.u32 s17;
	s14 =	sadd.s32 $0x10, s14;
	v2 =	vadd.f32 v7, v3;
	v36 =	vld [tilespmem:s13+$0x1100];
	v32 =	vmin.f32 v24, v4;
	vm0 =	veq.s32 v30, v6  }
0x3af: {  	v1 =	vadd.f32 v33, v1  }
0x3b0: {  	v3 =	vmul.f32 v37, v42  }
0x3b1: {  	v0 =	vadd.f32 v0, v2;
	v2 =	vmul.f32 v37, v48;
	v1 =	vadd.f32 v34, v1  }
0x3b2: {  	v4 =	vmul.f32 v25, v55  }
0x3b3: {  	v0 =	vadd.f32 v2, v0;
	v2 =	vmul.f32 v25, v44;
	v1 =	vadd.f32 v3, v1  }
0x3b4: {  	v3 =	vmul.f32 v36, v57  }
0x3b5: {  	v0 =	vadd.f32 v2, v0;
	v2 =	vmul.f32 v36, v52;
	v1 =	vadd.f32 v4, v1  }
0x3b6: {  	v50 =	vmul.f32 v35, v61  }
0x3b7: {  	v0 =	vadd.f32 v3, v0;
	v3 =	vmul.f32 v35, v54;
	v1 =	vadd.f32 v2, v1  }
0x3b8: {  	v51 =	vmul.f32 v31, v58  }
0x3b9: {  	v2 =	vmul.f32 v31, v56;
	v0 =	vadd.f32 v50, v0;
	v1 =	vadd.f32 v3, v1  }
0x3ba: {  	v5 =	vld [tilespmem:s13+$0x1380]  }
0x3bb: {  	v0 =	vadd.f32 v2, v0;
	v2 =	vmul.f32 v29, v17;
	v1 =	vadd.f32 v51, v1  }
0x3bc: {  	v3 =	vmul.f32 v29, v60  }
0x3bd: {  	v1 =	vadd.f32 v2, v1  }
0x3be: {  	v0 =	vadd.f32 v3, v0;
	v2 =	vld [tilespmem:s14+$0x0]  }
0x3bf: {  	v52 =	vmul.f32 v5, v19;
	v1 =	vadd.f32 v26, v1  }
0x3c0: {  	v3 =	vmul.f32 v5, v18;
	v0 =	vadd.f32 v27, v0  }
0x3c1: {  	v1 =	vadd.f32 v52, v1  }
0x3c2: {  	v0 =	vadd.f32 v3, v0  }
0x3c3: {  	v3 =	vmin.f32 v23, v28;
	v1 =	vsub.f32 v2, v1  }
0x3c4: {  	v0 =	vsub.f32 v2, v0;
	v2 =	vsel vm0, v23, v3;
	v3 =	vor.u32 s12, v16  }
0x3c5: {  	vm0 =	veq.s32 v3, v6;
	v1 =	vmin.f32 v2, v1  }
0x3c6: {  	vm1 =	veq.s32 v30, v11;
	v1 =	vsel vm0, v2, v1  }
0x3c7: {  	v53 =	vsel vm1, v24, v32;
	vm1 =	veq.s32 v3, v11;
	v3 =	vperm.xlane v1, v15;
	_ =	sdelay $0x1  }
0x3c8: {  	v0 =	vmin.f32 v53, v0;
	v1 =	vmin.f32 v1, v3;
	v3 =	vld [tilespmem:$0x1FF70]  }
0x3c9: {  	v0 =	vsel vm1, v53, v0  }
0x3ca: {  	v2 =	vperm.xlane v0, v15;
	_ =	sdelay $0x1  }
0x3cb: {  	v0 =	vmin.f32 v0, v2  }
0x3cc: {  	v2 =	vperm.xlane v0, v3;
	v3 =	vperm.xlane v1, v3;
	_ =	sdelay $0x1  }
0x3cd: {  	v1 =	vmin.f32 v1, v3;
	v3 =	vld [tilespmem:$0x1FF80];
	_ =	sdelay $0x3  }
0x3ce: {  	v0 =	vmin.f32 v0, v2  }
0x3cf: {  	v2 =	vperm.xlane v0, v3;
	_ =	sdelay $0x1  }
0x3d0: {  	v2 =	vmin.f32 v0, v2;
	v0 =	vld [tilespmem:$0x1FF90];
	_ =	sdelay $0x1  }
0x3d1: {  	v3 =	vperm.xlane v1, v3;
	_ =	sdelay $0x1  }
0x3d2: {  	v1 =	vmin.f32 v1, v3  }
0x3d3: {  	[tilespmem:$0x1FC00] =	vst v2;
	v2 =	vperm.xlane v2, v0;
	v0 =	vperm.xlane v1, v0;
	_ =	sdelay $0x1  }
0x3d4: {  	[tilespmem:$0x1FC30] =	vst v0;
	v0 =	vld [tilespmem:$0x1FDC0];
	_ =	sdelay $0x4  }
0x3d5: {  	v41 =	vbroadcast v0, $0xE;
	v37 =	vbroadcast v0, $0xF;
	v0 =	vld [tilespmem:$0x1FDD0];
	_ =	sdelay $0x4  }
0x3d6: {  	v43 =	vbroadcast v0, $0xE;
	v36 =	vbroadcast v0, $0xF;
	v0 =	vld [tilespmem:$0x1FDE0];
	_ =	sdelay $0x4  }
0x3d7: {  	v45 =	vbroadcast v0, $0xE;
	v33 =	vbroadcast v0, $0xF;
	v0 =	vld [tilespmem:$0x1FDF0];
	_ =	sdelay $0x1  }
0x3d8: {  	[tilespmem:$0x1FC20] =	vst v1;
	v1 =	vld [tilespmem:$0x1FE10];
	_ =	sdelay $0x1  }
0x3d9: {  	[tilespmem:$0x1FC10] =	vst v2;
	v2 =	vld [tilespmem:$0x1FE30]  }
0x3da: {  	v47 =	vbroadcast v0, $0xE;
	v31 =	vbroadcast v0, $0xF;
	v0 =	vld [tilespmem:$0x1FE00];
	_ =	sdelay $0x1  }
0x3db: {  	s26 =	simm.s32 $0x0;
	v38 =	vbroadcast v1, $0xE;
	v26 =	vbroadcast v1, $0xF;
	v1 =	vld [tilespmem:$0x1FE20]  }
0x3dc: {  	v40 =	vld [tilespmem:$0x1FEA0];
	s28 =	sand.u32 $0x70, s26;
	s29 =	sand.u32 $0xC00, s26  }
0x3dd: {  	s15 =	sor.u32 s28, s29;
	v46 =	vbroadcast v2, $0xE;
	v48 =	vbroadcast v2, $0xF;
	v2 =	vld [tilespmem:$0x1FE40]  }
0x3de: {  	v49 =	vbroadcast v0, $0xE;
	v29 =	vbroadcast v0, $0xF;
	v0 =	vld [tilespmem:s15+$0x0]  }
0x3df: {  	v10 =	vld [tilespmem:$0x1FEB0]  }
0x3e0: {  	v39 =	vbroadcast v1, $0xE;
	v42 =	vbroadcast v1, $0xF;
	v1 =	vld [tilespmem:s15+$0x80]  }
0x3e1: {  	v8 =	vld [tilespmem:$0x1FE70]  }
0x3e2: {  	v44 =	vbroadcast v2, $0xE;
	v27 =	vbroadcast v2, $0xF;
	v2 =	vld [tilespmem:s15+$0x100]  }
0x3e3: {  	v9 =	vld [tilespmem:$0x1FE90];
	v3 =	vmul.f32 v0, v41  }
0x3e4: {  	v55 =	vld [tilespmem:s15+$0x180];
	v20 =	vbroadcast v40, $0xE;
	v19 =	vbroadcast v10, $0xF  }
0x3e5: {  	v54 =	vld [tilespmem:$0x1FE50];
	v57 =	vmul.f32 v1, v43;
	v0 =	vmul.f32 v0, v37;
	v3 =	vadd.f32 $0.0e+00, v3  }
0x3e6: {  	v58 =	vld [tilespmem:s15+$0x200];
	v50 =	vbroadcast v8, $0xE;
	v1 =	vmul.f32 v1, v36  }
0x3e7: {  	v56 =	vld [tilespmem:$0x1FE60];
	v7 =	vmul.f32 v2, v45;
	v0 =	vadd.f32 $0.0e+00, v0;
	v3 =	vadd.f32 v57, v3  }
0x3e8: {  	v59 =	vld [tilespmem:s15+$0x280];
	v17 =	vbroadcast v9, $0xF;
	v2 =	vmul.f32 v2, v33  }
0x3e9: {  	v61 =	vld [tilespmem:s15+$0x300];
	v0 =	vadd.f32 v1, v0;
	v1 =	vmul.f32 v55, v47;
	v3 =	vadd.f32 v7, v3  }
0x3ea: {  	v60 =	vld [tilespmem:$0x1FE80];
	v30 =	vbroadcast v54, $0xE;
	v34 =	vbroadcast v54, $0xF  }
0x3eb: {  	v0 =	vadd.f32 v2, v0;
	v2 =	vmul.f32 v58, v49;
	v1 =	vadd.f32 v1, v3  }
0x3ec: {  	v62 =	vld [tilespmem:s15+$0x380];
	v35 =	vbroadcast v56, $0xE;
	v4 =	vmul.f32 v55, v31  }
0x3ed: {  	v21 =	vld [tilespmem:s15+$0x1180];
	v32 =	vbroadcast v56, $0xF;
	v53 =	vmul.f32 v59, v38;
	v1 =	vadd.f32 v2, v1  }
0x3ee: {  	v18 =	vbroadcast v10, $0xE;
	v55 =	vld [tilespmem:s15+$0x1000];
	v3 =	vmul.f32 v58, v29;
	v0 =	vadd.f32 v4, v0  }
0x3ef: {  	v51 =	vbroadcast v60, $0xE;
	v54 =	vmul.f32 v61, v39;
	v1 =	vadd.f32 v53, v1  }
0x3f0: {  	v56 =	vld [tilespmem:s15+$0x1080];
	v25 =	vbroadcast v60, $0xF;
	v5 =	vmul.f32 v59, v26;
	v0 =	vadd.f32 v3, v0  }
0x3f1: {  	s30 =	simm.s32 $0x80;
	v63 =	vld [tilespmem:s15+$0x1300];
	v28 =	vbroadcast v8, $0xF;
	s12 =	simm.s32 $0x10;
	v8 =	vmul.f32 v62, v46;
	v1 =	vadd.f32 v54, v1  }
0x3f2: {  	s13 =	sand.u32 $0xC00, s30;
	v52 =	vbroadcast v9, $0xE;
	s16 =	sand.u32 $0x70, s12;
	v7 =	vmul.f32 v61, v42;
	v58 =	vld [tilespmem:s15+$0x1100];
	v0 =	vadd.f32 v5, v0  }
0x3f3: {  	v60 =	vmul.f32 v21, v28;
	s13 =	sor.u32 s16, s13;
	v22 =	vmul.f32 v55, v44;
	v3 =	vld [tilespmem:s15+$0x1200];
	v1 =	vadd.f32 v8, v1  }
0x3f4: {  	v21 =	vmul.f32 v21, v50;
	v57 =	vmul.f32 v62, v48;
	v5 =	vld [tilespmem:s13+$0x0];
	v0 =	vadd.f32 v7, v0  }
0x3f5: {  	v23 =	vbroadcast v40, $0xF;
	v59 =	vmul.f32 v56, v30;
	v1 =	vadd.f32 v22, v1  }
0x3f6: {  	v40 =	vmul.f32 v56, v34;
	v4 =	vmul.f32 v55, v27;
	v53 =	vld [tilespmem:s13+$0x80];
	v0 =	vadd.f32 v57, v0  }
0x3f7: {  	v6 =	vmul.f32 v63, v20;
	v9 =	vmul.f32 v58, v35;
	v1 =	vadd.f32 v59, v1  }
0x3f8: {  	v24 =	vmul.f32 v63, v23;
	v62 =	vld [tilespmem:s13+$0x100];
	v61 =	vmul.f32 v58, v32;
	v0 =	vadd.f32 v4, v0  }
0x3f9: {  	v8 =	vmul.f32 v3, v25;
	v63 =	vmul.f32 v5, v41;
	v1 =	vadd.f32 v9, v1  }
0x3fa: {  	v3 =	vmul.f32 v3, v51;
	v57 =	vld [tilespmem:s13+$0x180];
	v5 =	vmul.f32 v5, v37;
	v0 =	vadd.f32 v40, v0  }
0x3fb: {  	v2 =	vld [tilespmem:s15+$0x1280];
	v58 =	vmul.f32 v53, v43;
	v40 =	vadd.f32 $0.0e+00, v63;
	v1 =	vadd.f32 v21, v1  }
0x3fc: {  	v53 =	vmul.f32 v53, v36;
	v5 =	vadd.f32 $0.0e+00, v5;
	v59 =	vld [tilespmem:s13+$0x200];
	v0 =	vadd.f32 v61, v0  }
0x3fd: {  	v10 =	vld [tilespmem:s15+$0x1380];
	v40 =	vadd.f32 v58, v40;
	v1 =	vadd.f32 v3, v1;
	v3 =	vmul.f32 v62, v45  }
0x3fe: {  	v4 =	vmul.f32 v62, v33;
	v0 =	vadd.f32 v60, v0;
	v60 =	vld [tilespmem:s13+$0x280]  }
0x3ff: {  	v5 =	vadd.f32 v53, v5;
	v61 =	vld [tilespmem:s13+$0x300];
	v9 =	vmul.f32 v57, v47;
	v3 =	vadd.f32 v3, v40  }
0x400: {  	v7 =	vmul.f32 v2, v17;
	v2 =	vmul.f32 v2, v52;
	v0 =	vadd.f32 v8, v0  }
0x401: {  	v4 =	vadd.f32 v4, v5;
	v63 =	vmul.f32 v59, v49;
	v3 =	vadd.f32 v9, v3  }
0x402: {  	v21 =	vmul.f32 v10, v18;
	v1 =	vadd.f32 v2, v1;
	v2 =	vld [tilespmem:s13+$0x380];
	v0 =	vadd.f32 v7, v0  }
0x403: {  	v15 =	vld [tilespmem:$0x1FFE0];
	v62 =	vmul.f32 v57, v31;
	v9 =	vmul.f32 v60, v38;
	v3 =	vadd.f32 v63, v3  }
0x404: {  	s31 =	simm.s32 $0x2000;
	v54 =	vld [tilespmem:s13+$0x1080];
	v10 =	vmul.f32 v10, v19;
	v8 =	vmul.f32 v61, v39;
	v0 =	vadd.f32 v24, v0  }
0x405: {  	v5 =	vld [tilespmem:s31+$0x0];
	v40 =	vmul.f32 v59, v29;
	v4 =	vadd.f32 v62, v4;
	v3 =	vadd.f32 v9, v3  }
0x406: {  	v7 =	vmul.f32 v60, v26;
	v1 =	vadd.f32 v6, v1;
	v6 =	vld [tilespmem:s13+$0x1300];
	v10 =	vadd.f32 v10, v0  }
0x407: {  	v60 =	vmul.f32 v2, v48;
	v0 =	vmul.f32 v2, v46;
	v2 =	vadd.f32 v8, v3;
	v3 =	vld [tilespmem:$0x1FFF0]  }
0x408: {  	v58 =	vld [tilespmem:s13+$0x1200];
	v1 =	vadd.f32 v21, v1  }
0x409: {  	v22 =	vimm.f32 $+Inf;
	v57 =	vld [tilespmem:s13+$0x1280];
	v59 =	vmul.f32 v61, v42;
	v4 =	vadd.f32 v40, v4  }
0x40a: {  	v61 =	vld [tilespmem:s13+$0x1180];
	v24 =	vimm.f32 $+Inf;
	v63 =	vor.u32 s26, v16;
	v40 =	vsub.f32 v5, v1  }
0x40b: {  	v62 =	vld [tilespmem:s13+$0x1100];
	v56 =	vsub.f32 v5, v10;
	v1 =	vadd.f32 v7, v4;
	v53 =	vmul.f32 v6, v23  }
0x40c: {  	s18 =	simm.s32 $0x20;
	s14 =	simm.s32 $0x2010;
	s15 =	simm.s32 $0x100;
	v21 =	vld [tilespmem:s13+$0x1000];
	v55 =	vmul.f32 v6, v20;
	v40 =	vmin.f32 v22, v40;
	vm0 =	veq.s32 v63, v3  }
.LBB2_18:
0x40d: {  	v1 =	vadd.f32 v59, v1;
	_ =	sdelay $0x1  }
0x40e: {  	v1 =	vadd.f32 v60, v1;
	v60 =	vmul.f32 v54, v34  }
0x40f: {  	s19 =	sand.u32 $0x70, s18;
	s20 =	sand.u32 $0xC00, s15;
	v0 =	vadd.f32 v0, v2;
	v2 =	vmul.f32 v57, v17;
	v3 =	vmul.f32 v58, v25  }
0x410: {  	v5 =	vld [tilespmem:s13+$0x1380];
	s13 =	sor.u32 s19, s20;
	v4 =	vmul.f32 v57, v52;
	v7 =	vmul.f32 v61, v28  }
0x411: {  	vm1 =	veq.s32 v63, v15;
	v9 =	vld [tilespmem:s13+$0x0];
	v59 =	vmul.f32 v21, v44;
	v21 =	vmul.f32 v21, v27  }
0x412: {  	v24 =	vsel vm1, v24, v40;
	v6 =	vld [tilespmem:s13+$0x80];
	v8 =	vmul.f32 v58, v51;
	v10 =	vmul.f32 v62, v32  }
0x413: {  	v40 =	vld [tilespmem:s13+$0x100];
	v0 =	vadd.f32 v59, v0;
	v1 =	vadd.f32 v21, v1;
	v21 =	vmul.f32 v54, v30  }
0x414: {  	v56 =	vmin.f32 v22, v56;
	v57 =	vmul.f32 v61, v50;
	v58 =	vld [tilespmem:s13+$0x1080];
	v61 =	vmul.f32 v62, v35  }
0x415: {  	v62 =	vmul.f32 v5, v18;
	v0 =	vadd.f32 v21, v0;
	v1 =	vadd.f32 v60, v1  }
0x416: {  	v22 =	vsel vm0, v22, v56;
	v56 =	vld [tilespmem:s13+$0x180];
	v5 =	vmul.f32 v5, v19;
	v21 =	vmul.f32 v9, v41  }
0x417: {  	v59 =	vmul.f32 v6, v36;
	v0 =	vadd.f32 v61, v0;
	v1 =	vadd.f32 v10, v1  }
0x418: {  	v6 =	vmul.f32 v6, v43;
	v60 =	vld [tilespmem:s13+$0x200];
	v9 =	vmul.f32 v9, v37;
	v10 =	vadd.f32 $0.0e+00, v21  }
0x419: {  	v54 =	vmovc v58;
	v58 =	vmul.f32 v40, v45;
	v0 =	vadd.f32 v57, v0;
	v1 =	vadd.f32 v7, v1  }
0x41a: {  	v21 =	vmul.f32 v40, v33;
	v7 =	vadd.f32 $0.0e+00, v9;
	v6 =	vadd.f32 v6, v10;
	v10 =	vld [tilespmem:s13+$0x300]  }
0x41b: {  	v61 =	vmul.f32 v56, v31;
	v0 =	vadd.f32 v8, v0;
	v1 =	vadd.f32 v3, v1  }
0x41c: {  	v9 =	vmul.f32 v56, v47;
	v3 =	vadd.f32 v59, v7;
	v6 =	vadd.f32 v58, v6;
	v8 =	vld [tilespmem:s13+$0x380]  }
0x41d: {  	v40 =	vld [tilespmem:s13+$0x280];
	v56 =	vmul.f32 v60, v29;
	v0 =	vadd.f32 v4, v0;
	v1 =	vadd.f32 v2, v1  }
0x41e: {  	v7 =	vmul.f32 v60, v49;
	v2 =	vadd.f32 v21, v3;
	v3 =	vadd.f32 v9, v6;
	v6 =	vld [tilespmem:s14+$0x0]  }
0x41f: {  	v9 =	vld [tilespmem:s13+$0x1300];
	v59 =	vmul.f32 v10, v42;
	v0 =	vadd.f32 v55, v0;
	v1 =	vadd.f32 v53, v1  }
0x420: {  	v2 =	vadd.f32 v61, v2;
	v3 =	vadd.f32 v7, v3;
	v7 =	vmul.f32 v10, v39  }
0x421: {  	p0 =	sne.s32 s18, $0x1F0;
	v60 =	vmul.f32 v8, v48;
	v10 =	vadd.f32 v62, v0;
	v0 =	vmul.f32 v8, v46;
	v8 =	vld [tilespmem:$0x1FFF0]  }
.Ltmp8:
0x422: {  	v57 =	vld [tilespmem:s13+$0x1280];
	v11 =	vmul.f32 v40, v26;
	v40 =	vmul.f32 v40, v38;
	(pc) =	sbr.rel @p0 .LBB2_18-.Ltmp8, $4  }
0x423: {  	v63 =	vor.u32 s12, v16;
	v58 =	vld [tilespmem:s13+$0x1200];
	v1 =	vadd.f32 v5, v1;
	v2 =	vadd.f32 v56, v2  }
0x424: {  	v21 =	vld [tilespmem:s13+$0x1000];
	v3 =	vadd.f32 v40, v3;
	v53 =	vmul.f32 v9, v23;
	v40 =	vsub.f32 v6, v10  }
0x425: {  	s17 =	smov.u32 s18;
	s16 =	sadd.s32 $0x10, s18;
	s15 =	sadd.s32 $0x80, s15;
	v61 =	vld [tilespmem:s13+$0x1180];
	v55 =	vmul.f32 v9, v20;
	v56 =	vsub.f32 v6, v1;
	v1 =	vadd.f32 v11, v2  }
0x426: {  	s12 =	smov.u32 s17;
	s18 =	smov.u32 s16;
	s14 =	sadd.s32 $0x10, s14;
	v62 =	vld [tilespmem:s13+$0x1100];
	v2 =	vadd.f32 v7, v3;
	v40 =	vmin.f32 v24, v40;
	vm0 =	veq.s32 v63, v8  }
0x427: {  	v1 =	vadd.f32 v59, v1;
	_ =	sdelay $0x1  }
0x428: {  	v1 =	vadd.f32 v60, v1;
	v3 =	vmul.f32 v21, v27;
	_ =	sdelay $0x1  }
0x429: {  	v4 =	vmul.f32 v54, v34;
	v1 =	vadd.f32 v3, v1;
	_ =	sdelay $0x1  }
0x42a: {  	v48 =	vmul.f32 v62, v32;
	v1 =	vadd.f32 v4, v1;
	_ =	sdelay $0x1  }
0x42b: {  	v4 =	vmul.f32 v61, v28;
	v1 =	vadd.f32 v48, v1;
	_ =	sdelay $0x1  }
0x42c: {  	v5 =	vmul.f32 v58, v25;
	v1 =	vadd.f32 v4, v1;
	_ =	sdelay $0x1  }
0x42d: {  	v4 =	vmul.f32 v57, v17;
	v1 =	vadd.f32 v5, v1  }
0x42e: {  	v6 =	vld [tilespmem:$0x1FD90]  }
0x42f: {  	v1 =	vadd.f32 v4, v1;
	v4 =	vld [tilespmem:$0x1FD80];
	_ =	sdelay $0x3  }
0x430: {  	v7 =	vld [tilespmem:$0x1FDB0]  }
0x431: {  	v4 =	vmin.f32 v4, v6;
	v6 =	vld [tilespmem:$0x1FDA0]  }
0x432: {  	v0 =	vadd.f32 v0, v2;
	v45 =	vmul.f32 v21, v44;
	_ =	sdelay $0x1  }
0x433: {  	v46 =	vmul.f32 v54, v30;
	v0 =	vadd.f32 v45, v0  }
0x434: {  	vm12 =	vmmov $0x1  }
0x435: {  	v47 =	vmul.f32 v62, v35;
	v0 =	vadd.f32 v46, v0;
	v6 =	vmin.f32 v6, v7;
	v7 =	vld [tilespmem:$0x1FD50]  }
0x436: {  	v4 =	vsel vm12, v4, v6;
	v6 =	vld [tilespmem:$0x1FD40]  }
0x437: {  	v49 =	vmul.f32 v61, v50;
	v0 =	vadd.f32 v47, v0;
	_ =	sdelay $0x1  }
0x438: {  	v51 =	vmul.f32 v58, v51;
	v0 =	vadd.f32 v49, v0  }
0x439: {  	v54 =	vmul.f32 v57, v52;
	v50 =	vld [tilespmem:s13+$0x1380]  }
0x43a: {  	vm13 =	vmmov $0x3;
	v9 =	vld [tilespmem:$0x1FD70];
	v0 =	vadd.f32 v51, v0;
	v6 =	vmin.f32 v6, v7  }
0x43b: {  	v4 =	vsel vm13, v4, v6;
	v6 =	vld [tilespmem:$0x1FD60]  }
0x43c: {  	v0 =	vadd.f32 v54, v0;
	_ =	sdelay $0x1  }
0x43d: {  	v5 =	vmul.f32 v50, v18;
	v0 =	vadd.f32 v55, v0;
	_ =	sdelay $0x1  }
0x43e: {  	vm14 =	vmmov $0x7;
	v0 =	vadd.f32 v5, v0;
	v5 =	vld [tilespmem:$0x1FD00];
	v6 =	vmin.f32 v6, v9  }
0x43f: {  	v4 =	vsel vm14, v4, v6;
	v6 =	vld [tilespmem:$0x1FD10];
	_ =	sdelay $0x4  }
0x440: {  	vm15 =	vmmov $0xf;
	v7 =	vld [tilespmem:s14+$0x0];
	v5 =	vmin.f32 v5, v6  }
0x441: {  	v59 =	vsel vm15, v4, v5;
	v4 =	vld [tilespmem:$0x1FD20]  }
0x442: {  	v2 =	vmul.f32 v50, v19;
	v1 =	vadd.f32 v53, v1;
	v5 =	vld [tilespmem:$0x1FD30];
	_ =	sdelay $0x1  }
0x443: {  	v1 =	vadd.f32 v2, v1;
	_ =	sdelay $0x1  }
0x444: {  	v0 =	vsub.f32 v7, v0;
	v1 =	vsub.f32 v7, v1;
	v7 =	vld [tilespmem:$0x1FCD0]  }
0x445: {  	v4 =	vmin.f32 v4, v5;
	v5 =	vld [tilespmem:$0x1FCC0];
	_ =	sdelay $0x2  }
0x446: {  	vm4 =	vmmov $0x1f  }
0x447: {  	vm6 =	vmmov $0x3f;
	v2 =	vsel vm4, v59, v4;
	v4 =	vor.u32 s12, v16  }
0x448: {  	vm5 =	veq.s32 v4, v8;
	vm2 =	veq.s32 v4, v15;
	v4 =	vld [tilespmem:$0x1FCE0];
	v5 =	vmin.f32 v5, v7  }
0x449: {  	v2 =	vsel vm6, v2, v5;
	v5 =	vld [tilespmem:$0x1FCF0];
	_ =	sdelay $0x3  }
0x44a: {  	v60 =	vld [tilespmem:$0x1FC80]  }
0x44b: {  	vm7 =	vmmov $0x7f;
	v4 =	vmin.f32 v4, v5;
	v5 =	vld [tilespmem:$0x1FF60]  }
0x44c: {  	v2 =	vsel vm7, v2, v4;
	v4 =	vld [tilespmem:$0x1FC90]  }
0x44d: {  	vm1 =	veq.s32 v63, v15;
	v6 =	vmin.f32 v22, v56  }
0x44e: {  	v58 =	vsel vm1, v24, v40;
	v6 =	vsel vm0, v22, v6  }
0x44f: {  	v0 =	vmin.f32 v58, v0;
	v1 =	vmin.f32 v6, v1  }
0x450: {  	v0 =	vsel vm2, v58, v0;
	v1 =	vsel vm5, v6, v1;
	v6 =	vld [tilespmem:$0x1FCB0]  }
0x451: {  	v61 =	vperm.xlane v1, v5;
	v3 =	vmin.f32 v60, v4;
	v4 =	vperm.xlane v0, v5;
	v5 =	vld [tilespmem:$0x1FCA0];
	_ =	sdelay $0x3  }
0x452: {  	vm8 =	vmmov $0xff;
	v0 =	vmin.f32 v0, v4;
	v4 =	vld [tilespmem:$0x1FC40]  }
0x453: {  	vm9 =	vmmov $0x1ff;
	v2 =	vsel vm8, v2, v3;
	v5 =	vmin.f32 v5, v6;
	v6 =	vld [tilespmem:$0x1FC50]  }
0x454: {  	v2 =	vsel vm9, v2, v5;
	v5 =	vld [tilespmem:$0x1FF70];
	_ =	sdelay $0x3  }
0x455: {  	vm10 =	vmmov $0x3ff;
	v1 =	vmin.f32 v1, v61  }
0x456: {  	v4 =	vmin.f32 v4, v6;
	v6 =	vld [tilespmem:$0x1FC70];
	v62 =	vperm.xlane v0, v5;
	v5 =	vperm.xlane v1, v5  }
0x457: {  	v2 =	vsel vm10, v2, v4;
	v4 =	vld [tilespmem:$0x1FC60]  }
0x458: {  	v1 =	vmin.f32 v1, v5;
	v5 =	vld [tilespmem:$0x1FF80];
	_ =	sdelay $0x3  }
0x459: {  	vm11 =	vmmov $0x7ff;
	v0 =	vmin.f32 v0, v62;
	v4 =	vmin.f32 v4, v6;
	v6 =	vld [tilespmem:$0x1FC10]  }
0x45a: {  	v2 =	vsel vm11, v2, v4;
	v3 =	vperm.xlane v0, v5;
	v4 =	vperm.xlane v1, v5;
	v5 =	vld [tilespmem:$0x1FC00];
	_ =	sdelay $0x4  }
0x45b: {  	vm12 =	vmmov $0xfff;
	v1 =	vmin.f32 v1, v4;
	v4 =	vld [tilespmem:$0x1FC20];
	v5 =	vmin.f32 v5, v6  }
0x45c: {  	v2 =	vsel vm12, v2, v5;
	v5 =	vld [tilespmem:$0x1FF90]  }
0x45d: {  	v6 =	vld [tilespmem:$0x1FC30];
	_ =	sdelay $0x2  }
0x45e: {  	v0 =	vmin.f32 v0, v3  }
0x45f: {  	v63 =	vld [tilespmem:$0x1FEC0];
	v3 =	vperm.xlane v0, v5  }
0x460: {  	vm13 =	vmmov $0x1fff;
	v4 =	vmin.f32 v4, v6;
	v5 =	vperm.xlane v1, v5  }
0x461: {  	vm14 =	vmmov $0x3fff;
	v2 =	vsel vm13, v2, v4;
	v0 =	vmin.f32 v0, v3  }
0x462: {  	vm15 =	vmmov $0x7fff;
	v1 =	vmin.f32 v1, v5;
	v0 =	vsel vm14, v2, v0  }
0x463: {  	v0 =	vsel vm15, v0, v1  }
0x464: {  	v0 =	vadd.f32 v0, v63  }
0x465: {  	s11 =	sadd.s32 $0x1, s11  }
0x466: {  	p0 =	sne.s32 s11, s8;
	[tilespmem:$0x2200] =	vst v0  }
0x467: {  	[hbm4b:s7+s3] =	stream.linear.scatter [tilespmem:s10], [sflag:$0x1], $0x10, $0x38;
	[tilespmem:$0x2280] =	vst v63  }
.Ltmp9:
0x468: {  	_ = 	snop;
	(pc) =	sbr.rel @p0 .LBB2_1-.Ltmp9, $4  }
0x469: {  	_ =	swait.ge [sflag:s9], $0x10  }
0x46a: {  	v11 =	vld [tilespmem:$0x1FFA0]  }
0x46b: {  	[sflag:s9] =	ssyncset.done $0x0  }
0x46c: {  	v6 =	vmov v12;
	[sflag:s9] =	ssyncadd.s32 $0xFFFFFFF0  }
0x46d: {  	_ =	sfence.sel $0x180000  }
0x46e: {  	[bflag:$0x0] =	sbarrier.arrive $0xFFFF  }
0x46f: {  	p0 =	sne.s32 s0, $0x0;
	_ =	strace $0x90000047  }
0x470: {  	s0 =	sadd.s32 @!p0 $0x100000, s2;
	[bflag:$0x2] =	sbarrier.arrive $0xFFFF  }
0x471: {  	[sflag:s0] =	ssyncadd.tile.s32 @!p0 $0x1;
	_ =	shalt  }
.Lfunc_end2:
_tile_overlayer_lowered:
.L_overlay_start_2:
0x472: {  	(tag) =	ssettag $0x2  }
0x473: {  	s0 =	rddreg [dreg:$0x0];
	s2 =	stileid.u32  }
0x474: {  	s1 =	rddreg [dreg:$0x1];
	p0 =	sne.s32 s2, $0x0  }
0x475: {  	s3 =	rddreg [dreg:$0x2];
	[bflag:$0x3] =	sbarrier.arrive $0xFFFF;
	s2 =	simm.s32 @!p0 $0x1C01  }
0x476: {  	[timem:s3], [sflag:s2] =	dma.local @!p0 [hbm:s0], s1  }
0x477: {  	s0 =	simm.s32 @!p0 $0x1  }
0x478: {  	_ =	swait.ge @!p0 [sflag:s0], s1  }
0x479: {  	s1 =	ssub.s32 @!p0 $0x0, s1;
	[sflag:s0] =	ssyncset.done @!p0 $0x0  }
0x47a: {  	[sflag:s0] =	ssyncadd.s32 @!p0 s1  }
0x47b: {  	[bflag:$0x3] =	sbarrier.arrive $0xFFFF  }
0x47c: {  	_ =	shalt  }

</sc_bundles>
